<compile_context>
chip_gen: v7x
topology: tpu7x:2x2x1
jax: 0.10.2.dev20260603
libtpu: 0.0.44.dev20260713+nightly
codegen_flags: <defaults>
</compile_context>

<pallas_src>
import jax
import jax.numpy as jnp
import numpy as np
from jax.experimental import pallas as pl
from jax.experimental.pallas import tpu as pltpu

N_ITEMS = 100000
N_INTENTS = 512
H = 64
B = 64
L = 50
NU = 50
ALPHA = 0.5

RB1 = 2000
NBLK1 = N_ITEMS // RB1
RB3 = 16384
NBLK3 = (N_ITEMS + RB3 - 1) // RB3

_F32 = jnp.float32
_NEG = -3e38


def _dot(a, b, ca, cb):
    return jax.lax.dot_general(
        a, b, (((ca,), (cb,)), ((), ())), preferred_element_type=_F32)


def _leaky(x):
    return jnp.where(x >= 0, x, 0.2 * x)


def _graph_kernel(item_ref, iw_ref, k_ref, lq_ref, la_ref,
                  topi_ref, inew_ref, m_ref, s_ref, v_ref):
    i = pl.program_id(0)

    @pl.when(i == 0)
    def _init():
        m_ref[...] = jnp.full((1, N_INTENTS), _NEG, _F32)
        s_ref[...] = jnp.zeros((1, N_INTENTS), _F32)
        v_ref[...] = jnp.zeros((H, N_INTENTS), _F32)

    blk = item_ref[...]
    w = blk / jnp.sqrt(jnp.sum(blk * blk, axis=1, keepdims=True))
    iw = iw_ref[...]
    kmat = k_ref[...]

    q = _dot(w, lq_ref[...], 1, 1)
    logits = _dot(q, kmat, 1, 1)

    ic = jax.lax.broadcasted_iota(
        jnp.int32, (N_INTENTS, 1), 0).astype(_F32)
    l = logits
    m1 = jnp.max(l, axis=1, keepdims=True)
    m2 = jnp.max(jnp.where(l >= m1, _NEG, l), axis=1, keepdims=True)
    m3 = jnp.max(jnp.where(l >= m2, _NEG, l), axis=1, keepdims=True)
    sel_any = l >= m3
    i1 = _dot(jnp.where(l == m1, 1.0, 0.0), ic, 1, 0)
    i2 = _dot(jnp.where(l == m2, 1.0, 0.0), ic, 1, 0)
    i3 = _dot(jnp.where(l == m3, 1.0, 0.0), ic, 1, 0)
    topi_ref[...] = jnp.concatenate([i1, i2, i3], axis=1).astype(jnp.int32)

    p = _dot(w * la_ref[...], iw, 1, 1)
    em = jnp.where(sel_any, _leaky(p), _NEG)
    bm = jnp.max(em, axis=0, keepdims=True)
    m_old = m_ref[...]
    m_new = jnp.maximum(m_old, bm)
    eexp = jnp.exp(em - m_new)
    scale = jnp.exp(m_old - m_new)
    s_ref[...] = s_ref[...] * scale + jnp.sum(eexp, axis=0, keepdims=True)
    v_ref[...] = v_ref[...] * scale + _dot(w, eexp, 0, 0)
    m_ref[...] = m_new

    @pl.when(i == NBLK1 - 1)
    def _fin():
        s = s_ref[...]
        inew_ref[...] = jnp.where(s > 0, v_ref[...] / s, 0.0)


def _run_graph(item_emb_w, iw, kmat, lq_w, la_w):
    topi, inew = pl.pallas_call(
        _graph_kernel,
        grid=(NBLK1,),
        in_specs=[
            pl.BlockSpec((RB1, H), lambda i: (i, 0)),
            pl.BlockSpec((N_INTENTS, H), lambda i: (0, 0)),
            pl.BlockSpec((N_INTENTS, H), lambda i: (0, 0)),
            pl.BlockSpec((H, H), lambda i: (0, 0)),
            pl.BlockSpec((1, H), lambda i: (0, 0)),
        ],
        out_specs=[
            pl.BlockSpec((RB1, 3), lambda i: (i, 0)),
            pl.BlockSpec((H, N_INTENTS), lambda i: (0, 0)),
        ],
        out_shape=[
            jax.ShapeDtypeStruct((N_ITEMS, 3), jnp.int32),
            jax.ShapeDtypeStruct((H, N_INTENTS), _F32),
        ],
        scratch_shapes=[
            pltpu.VMEM((1, N_INTENTS), _F32),
            pltpu.VMEM((1, N_INTENTS), _F32),
            pltpu.VMEM((H, N_INTENTS), _F32),
        ],
    )(item_emb_w, iw, kmat, lq_w, la_w)
    return topi, inew


SB = 16


def _session_kernel(hi_ref, win_ref, is0_ref, is1_ref, is2_ref, a_ref, oh_ref,
                    mcol_ref, lb_ref, la1_ref, la2_ref, lb1_ref, lb2_ref,
                    l1w_ref, l1b_ref, l2w_ref, l2b_ref, l3w_ref, pos_ref,
                    hf_ref):
  for k in range(SB):
    hi_raw = hi_ref[k]
    hi = hi_raw / jnp.sqrt(jnp.sum(hi_raw * hi_raw, axis=1, keepdims=True))
    win_raw = win_ref[k]
    win = win_raw / jnp.sqrt(jnp.sum(win_raw * win_raw, axis=1, keepdims=True))
    mcol = mcol_ref[k]
    msum = jnp.sum(mcol)
    hs = jnp.sum(win * mcol, axis=0, keepdims=True) / msum

    lb = lb_ref[...]
    is0, is1, is2 = is0_ref[k], is1_ref[k], is2_ref[k]
    e0 = _leaky(jnp.sum(hi * is0 * lb, axis=1, keepdims=True))
    e1 = _leaky(jnp.sum(hi * is1 * lb, axis=1, keepdims=True))
    e2 = _leaky(jnp.sum(hi * is2 * lb, axis=1, keepdims=True))
    em = jnp.maximum(e0, jnp.maximum(e1, e2))
    x0, x1, x2 = jnp.exp(e0 - em), jnp.exp(e1 - em), jnp.exp(e2 - em)
    xs = x0 + x1 + x2
    item_nei = (x0 * is0 + x1 * is1 + x2 * is2) / xs
    h_intent = ALPHA * hi + (1.0 - ALPHA) * item_nei

    a = a_ref[k]
    c1 = _dot(hs * lb1_ref[...], hi, 1, 1)
    c2 = _dot(hs * lb2_ref[...], hi, 1, 1)
    att1 = _leaky(_dot(hi * la1_ref[...], hi, 1, 1) + c1)
    att2 = _leaky(_dot(hi * la2_ref[...], hi, 1, 1) + c2)
    al = jnp.where(a == 1.0, att1, jnp.where(a == 2.0, att2, -9e15))
    almax = jnp.max(al, axis=1, keepdims=True)
    ale = jnp.exp(al - almax)
    al = ale / jnp.sum(ale, axis=1, keepdims=True)
    h_local = _dot(al, hi, 1, 0)

    output = h_local + h_intent + h_local * h_intent
    sessions = _dot(oh_ref[k], output, 1, 0)

    spe = pos_ref[0:L, :]
    hi2 = sessions + spe
    hs2 = jnp.sum(hi2 * mcol, axis=0, keepdims=True) / msum
    q1 = _dot(hi2, l1w_ref[...], 1, 1) + l1b_ref[...]
    q2 = _dot(hs2, l2w_ref[...], 1, 1) + l2b_ref[...]
    alpha_r = _dot(jax.nn.sigmoid(q1 + q2), l3w_ref[...], 1, 1)
    hf = jnp.sum(alpha_r * sessions * mcol, axis=0, keepdims=True)
    pos_n = pos_ref[L:L + 1, :] * (
        jnp.sum(spe * mcol, axis=0, keepdims=True) / msum)
    hf_ref[k] = hf + pos_n


def _run_session(hi_raw, win_raw, is0, is1, is2, a, oh, mcol,
                 lb_w, la1_w, la2_w, lb1_w, lb2_w,
                 l1_w, l1_b, l2_w, l2_b, l3_w, pos_emb_w):
    full = lambda s: pl.BlockSpec(s, lambda b: tuple(0 for _ in s))
    per_b3 = lambda s1, s2: pl.BlockSpec((SB, s1, s2), lambda b: (b, 0, 0))
    hf = pl.pallas_call(
        _session_kernel,
        grid=(B // SB,),
        in_specs=[
            per_b3(NU, H), per_b3(L, H),
            per_b3(NU, H), per_b3(NU, H), per_b3(NU, H),
            per_b3(NU, NU), per_b3(L, NU), per_b3(L, 1),
            full((1, H)), full((1, H)), full((1, H)), full((1, H)),
            full((1, H)),
            full((H, H)), full((1, H)), full((H, H)), full((1, H)),
            full((1, H)), full((L + 1, H)),
        ],
        out_specs=pl.BlockSpec((SB, 1, H), lambda b: (b, 0, 0)),
        out_shape=jax.ShapeDtypeStruct((B, 1, H), _F32),
    )(hi_raw, win_raw, is0, is1, is2, a, oh, mcol,
      lb_w, la1_w, la2_w, lb1_w, lb2_w,
      l1_w, l1_b, l2_w, l2_b, l3_w, pos_emb_w)
    return hf.reshape(B, H)


def _scores_kernel(item_ref, hf_ref, out_ref):
    blk = item_ref[...]
    raw = _dot(hf_ref[...], blk, 1, 1)
    ones = jnp.ones((1, H), _F32)
    nsq = _dot(ones, blk * blk, 1, 1)
    out_ref[...] = raw / jnp.sqrt(nsq)


def _run_scores(item_emb_w, hf):
    full = pl.pallas_call(
        _scores_kernel,
        grid=(NBLK3,),
        in_specs=[
            pl.BlockSpec((RB3, H), lambda j: (j, 0)),
            pl.BlockSpec((B, H), lambda j: (0, 0)),
        ],
        out_specs=pl.BlockSpec((B, RB3), lambda j: (0, j)),
        out_shape=jax.ShapeDtypeStruct((B, N_ITEMS), _F32),
    )(item_emb_w, hf)
    return full[:, 1:]


def kernel(items, A, inputs, masks, alias_inputs, item_emb_w, intent_emb_w,
           pos_emb_w, lq_w, lk_w, la_w, lb_w, la1_w, la2_w, lb1_w, lb2_w,
           l1_w, l1_b, l2_w, l2_b, l3_w):
    iw = intent_emb_w / jnp.linalg.norm(intent_emb_w, axis=1, keepdims=True)
    kmat = (iw @ lk_w.T) * np.float32(1.0 / np.sqrt(H))

    topi, inew = _run_graph(item_emb_w, iw, kmat, lq_w, la_w)

    items_f = items.reshape(-1)
    rows = jnp.concatenate([items_f, inputs.reshape(-1)])
    g = jnp.take(item_emb_w, rows, axis=0)
    hi_raw = g[:B * NU].reshape(B, NU, H)
    win_raw = g[B * NU:].reshape(B, L, H)
    ti = jnp.take(topi, items_f, axis=0)
    isx = jnp.take(inew.T, ti.reshape(-1), axis=0)
    isx = isx.reshape(B * NU, 3, H)
    is0 = isx[:, 0].reshape(B, NU, H)
    is1 = isx[:, 1].reshape(B, NU, H)
    is2 = isx[:, 2].reshape(B, NU, H)
    oh = jax.nn.one_hot(alias_inputs, NU, dtype=_F32)
    mcol = masks.reshape(B, L, 1)

    hf = _run_session(hi_raw, win_raw, is0, is1, is2, A, oh, mcol,
                      lb_w, la1_w, la2_w, lb1_w, lb2_w,
                      l1_w, l1_b.reshape(1, H), l2_w, l2_b.reshape(1, H),
                      l3_w, pos_emb_w)

    return _run_scores(item_emb_w, hf)

# --- scband reference (transcript-rebuilt; emitter-appended) ---
"""Pipeline reference for scband-iagnn-47957604827509 (READ-ONLY COPY).

The authoritative reference and input builder live on the scoring server;
editing this copy changes nothing except your own understanding.
"""

import jax, jax.numpy as jnp
import numpy as np

N_ITEMS = 100000
N_INTENTS = 512
H = 64
MAX_LEN = 50
B = 64
L = 50
NU = 50
ALPHA = 0.5


def setup_inputs(seed: int = 0):
    key = jax.random.key(seed)
    ks = jax.random.split(key, 24)
    stdv = 1.0 / np.sqrt(H)

    def u(k, s):
        return jax.random.uniform(k, s, jnp.float32, -stdv, stdv)

    inp = {}
    inp['items'] = jax.random.randint(ks[0], (B, NU), 0, N_ITEMS)
    inp['A'] = jax.random.randint(ks[1], (B, NU, NU), 0, 3).astype(jnp.float32)
    inp['inputs'] = jax.random.randint(ks[2], (B, L), 0, N_ITEMS)
    inp['masks'] = jnp.ones((B, L), jnp.float32)
    inp['alias_inputs'] = jax.random.randint(ks[3], (B, L), 0, NU)
    inp['item_emb_w'] = u(ks[4], (N_ITEMS, H))
    inp['intent_emb_w'] = u(ks[5], (N_INTENTS, H))
    inp['pos_emb_w'] = u(ks[6], (MAX_LEN + 1, H))
    inp['lq_w'] = u(ks[7], (H, H))
    inp['lk_w'] = u(ks[8], (H, H))
    inp['la_w'] = u(ks[9], (1, H))
    inp['lb_w'] = u(ks[10], (1, H))
    inp['la1_w'] = u(ks[11], (1, H))
    inp['la2_w'] = u(ks[12], (1, H))
    inp['lb1_w'] = u(ks[13], (1, H))
    inp['lb2_w'] = u(ks[14], (1, H))
    inp['l1_w'] = u(ks[15], (H, H))
    inp['l1_b'] = u(ks[16], (H,))
    inp['l2_w'] = u(ks[17], (H, H))
    inp['l2_b'] = u(ks[18], (H,))
    inp['l3_w'] = u(ks[19], (1, H))
    return inp


def _leaky(x):
    return jnp.where(x >= 0, x, 0.2 * x)


def _seg_softmax(vals, seg, nseg):
    m = jax.ops.segment_max(vals, seg, num_segments=nseg)
    e = jnp.exp(vals - m[seg])
    s = jax.ops.segment_sum(e, seg, num_segments=nseg)
    return e / s[seg]


def _forward(A, masks, item_emb_w, intent_emb_w, pos_emb_w, lq_w, lk_w, la_w, lb_w,
             la1_w, la2_w, lb1_w, lb2_w, l1_w, l1_b, l2_w, l2_b, l3_w,
             items, inputs, alias_inputs):
    # weight L2-normalization (done in-place in torch forward)
    item_w = item_emb_w / jnp.linalg.norm(item_emb_w, axis=1, keepdims=True)
    intent_w = intent_emb_w / jnp.linalg.norm(intent_emb_w, axis=1, keepdims=True)

    # ---- IntentGraph: build sparse top-3 item->intent bipartite graph ----
    sim = ((item_w @ lq_w.T) @ (intent_w @ lk_w.T).T) / np.sqrt(H)
    sim = jax.nn.softmax(sim, axis=1)
    _, topi = jax.lax.top_k(sim, 3)  # softmax values > 0, so scatter+nonzero == topk indices
    item_idx = jnp.repeat(jnp.arange(N_ITEMS), 3)
    intent_idx = topi.reshape(-1)

    # GNNCell: sparse attention softmax over intent rows, then spmm (scatter-add)
    e1 = _leaky((intent_w[intent_idx] * item_w[item_idx]) @ la_w.T)[:, 0]
    a1 = _seg_softmax(e1, intent_idx, N_INTENTS)
    intent_new = jnp.zeros((N_INTENTS, H), jnp.float32).at[intent_idx].add(a1[:, None] * item_w[item_idx])
    e2 = _leaky((item_w[item_idx] * intent_new[intent_idx]) @ lb_w.T)[:, 0]
    a2 = _seg_softmax(e2, item_idx, N_ITEMS)
    item_nei = jnp.zeros((N_ITEMS, H), jnp.float32).at[item_idx].add(a2[:, None] * intent_new[intent_idx])
    agg = ALPHA * item_w + (1.0 - ALPHA) * item_nei

    h_intent = agg[items]
    hi = item_w[items]
    mf = masks[:, :, None]
    hs = jnp.sum(item_w[inputs] * mf, axis=1) / jnp.sum(masks, axis=1, keepdims=True)

    # ---- LocalGraph ----
    h1 = jnp.repeat(hi, NU, axis=1)          # repeat_interleave along dim 1
    h2 = jnp.tile(hi, (1, NU, 1))            # repeat along dim 1
    att1 = _leaky((h1 * h2) @ la1_w.T + (hs[:, None, :] * h2) @ lb1_w.T).reshape(B, NU, NU)
    att2 = _leaky((h1 * h2) @ la2_w.T + (hs[:, None, :] * h2) @ lb2_w.T).reshape(B, NU, NU)
    zero_vec = -9e15 * jnp.ones_like(A)
    al = jnp.where(A == 1.0, att1, zero_vec)
    al = jnp.where(A == 2.0, att2, al)
    al = jax.nn.softmax(al, axis=2)
    h_local = al @ hi

    output = h_local + h_intent + h_local * h_intent
    sessions = jnp.take_along_axis(output, alias_inputs[:, :, None], axis=1)

    # ---- Readout ----
    spe = pos_emb_w[:L][None, :, :]
    hi2 = sessions + spe
    hs2 = jnp.sum(hi2 * mf, axis=1) / jnp.sum(mf, axis=1)
    q1 = hi2 @ l1_w.T + l1_b
    q2 = (hs2 @ l2_w.T + l2_b)[:, None, :]
    alpha_r = jax.nn.sigmoid(q1 + q2) @ l3_w.T
    hf = jnp.sum(alpha_r * sessions * mf, axis=1)
    pos_n = pos_emb_w[-1] * (jnp.sum(spe * mf, axis=1) / jnp.sum(mf, axis=1))
    hf = hf + pos_n
    scores = hf @ item_w[1:].T
    return scores


def reference(items, A, inputs, masks, alias_inputs, item_emb_w, intent_emb_w, pos_emb_w,
              lq_w, lk_w, la_w, lb_w, la1_w, la2_w, lb1_w, lb2_w, l1_w, l1_b, l2_w, l2_b, l3_w):
    return _forward(A, masks, item_emb_w, intent_emb_w, pos_emb_w, lq_w, lk_w, la_w, lb_w,
                    la1_w, la2_w, lb1_w, lb2_w, l1_w, l1_b, l2_w, l2_b, l3_w,
                    items, inputs, alias_inputs)

if __name__ == "__main__":
    import jax
    _d = setup_inputs()
    print(jax.jit(kernel)(*tuple(_d.values())))

</pallas_src>

<mosaic_0001>
module attributes {stable_mosaic.version = 14 : i64} {
  func.func @_graph_kernel(%arg0: i32, %arg1: memref<2000x64xf32, #tpu.memory_space<vmem>>, %arg2: memref<512x64xf32, #tpu.memory_space<vmem>>, %arg3: memref<512x64xf32, #tpu.memory_space<vmem>>, %arg4: memref<64x64xf32, #tpu.memory_space<vmem>>, %arg5: memref<1x64xf32, #tpu.memory_space<vmem>>, %arg6: memref<2000x3xi32, #tpu.memory_space<vmem>>, %arg7: memref<64x512xf32, #tpu.memory_space<vmem>>, %arg8: memref<1x512xf32, #tpu.memory_space<vmem>>, %arg9: memref<1x512xf32, #tpu.memory_space<vmem>>, %arg10: memref<64x512xf32, #tpu.memory_space<vmem>>) attributes {dimension_semantics = [#tpu.dimension_semantics<arbitrary>], iteration_bounds = array<i64: 50>, scalar_prefetch = 0 : i64, scratch_operands = 3 : i64, tpu.core_type = #tpu.core_type<tc>, window_params = [{transform_indices = @transform_0, window_bounds = array<i64: 2000, 64>}, {pipeline_mode = #tpu.pipeline_mode<synchronous>, transform_indices = @transform_1, window_bounds = array<i64: 512, 64>}, {pipeline_mode = #tpu.pipeline_mode<synchronous>, transform_indices = @transform_2, window_bounds = array<i64: 512, 64>}, {pipeline_mode = #tpu.pipeline_mode<synchronous>, transform_indices = @transform_3, window_bounds = array<i64: 64, 64>}, {pipeline_mode = #tpu.pipeline_mode<synchronous>, transform_indices = @transform_4, window_bounds = array<i64: 1, 64>}, {transform_indices = @transform_5, window_bounds = array<i64: 2000, 3>}, {pipeline_mode = #tpu.pipeline_mode<synchronous>, transform_indices = @transform_6, window_bounds = array<i64: 64, 512>}]} {
    %eq3A = arith.constant 0 : i32
    %eq3A_0 = arith.cmpi eq, %arg0, %eq3A : i32
    %convert_element_type3A = arith.extui %eq3A_0 : i1 to i32
    %cond3A = arith.constant 0 : i32
    %cond3A_1 = arith.cmpi ne, %convert_element_type3A, %cond3A : i32
    scf.if %cond3A_1 {
      %broadcast_in_dim3A_121 = arith.constant -3.000000e+38 : f32
      %broadcast_in_dim3A_122 = vector.broadcast %broadcast_in_dim3A_121 : f32 to vector<1x512xf32>
      %swap3A_123 = arith.constant 0 : index
      %swap3A_124 = arith.constant 0 : index
      %swap3A_125 = vector.load %arg8[%swap3A_123, %swap3A_124] : memref<1x512xf32, #tpu.memory_space<vmem>>, vector<1x512xf32>
      tpu.vector_store %arg8[%swap3A_123, %swap3A_124], %broadcast_in_dim3A_122 {strides = array<i32>} : memref<1x512xf32, #tpu.memory_space<vmem>>, vector<1x512xf32>,
      %broadcast_in_dim3A_126 = arith.constant 0.000000e+00 : f32
      %broadcast_in_dim3A_127 = vector.broadcast %broadcast_in_dim3A_126 : f32 to vector<1x512xf32>
      %swap3A_128 = arith.constant 0 : index
      %swap3A_129 = arith.constant 0 : index
      %swap3A_130 = vector.load %arg9[%swap3A_128, %swap3A_129] : memref<1x512xf32, #tpu.memory_space<vmem>>, vector<1x512xf32>
      tpu.vector_store %arg9[%swap3A_128, %swap3A_129], %broadcast_in_dim3A_127 {strides = array<i32>} : memref<1x512xf32, #tpu.memory_space<vmem>>, vector<1x512xf32>,
      %broadcast_in_dim3A_131 = arith.constant 0.000000e+00 : f32
      %broadcast_in_dim3A_132 = vector.broadcast %broadcast_in_dim3A_131 : f32 to vector<64x512xf32>
      %swap3A_133 = arith.constant 0 : index
      %swap3A_134 = arith.constant 0 : index
      %swap3A_135 = vector.load %arg10[%swap3A_133, %swap3A_134] : memref<64x512xf32, #tpu.memory_space<vmem>>, vector<64x512xf32>
      tpu.vector_store %arg10[%swap3A_133, %swap3A_134], %broadcast_in_dim3A_132 {strides = array<i32>} : memref<64x512xf32, #tpu.memory_space<vmem>>, vector<64x512xf32>,
    } else {
    }
    %get3A = arith.constant 0 : index
    %get3A_2 = arith.constant 0 : index
    %get3A_3 = vector.load %arg1[%get3A, %get3A_2] : memref<2000x64xf32, #tpu.memory_space<vmem>>, vector<2000x64xf32>
    %mul3A = arith.mulf %get3A_3, %get3A_3 : vector<2000x64xf32>
    %reduce_sum3A = arith.constant dense<0.000000e+00> : vector<2000xf32>
    %reduce_sum3A_4 = vector.multi_reduction <add>, %mul3A, %reduce_sum3A [1] : vector<2000x64xf32> to vector<2000xf32>
    %broadcast_in_dim3A = vector.shape_cast %reduce_sum3A_4 : vector<2000xf32> to vector<2000x1xf32>
    %sqrt3A = math.sqrt %broadcast_in_dim3A : vector<2000x1xf32>
    %div3A = vector.broadcast %sqrt3A : vector<2000x1xf32> to vector<2000x64xf32>
    %div3A_5 = arith.divf %get3A_3, %div3A : vector<2000x64xf32>
    %get3A_6 = arith.constant 0 : index
    %get3A_7 = arith.constant 0 : index
    %get3A_8 = vector.load %arg2[%get3A_6, %get3A_7] : memref<512x64xf32, #tpu.memory_space<vmem>>, vector<512x64xf32>
    %get3A_9 = arith.constant 0 : index
    %get3A_10 = arith.constant 0 : index
    %get3A_11 = vector.load %arg3[%get3A_9, %get3A_10] : memref<512x64xf32, #tpu.memory_space<vmem>>, vector<512x64xf32>
    %get3A_12 = arith.constant 0 : index
    %get3A_13 = arith.constant 0 : index
    %get3A_14 = vector.load %arg4[%get3A_12, %get3A_13] : memref<64x64xf32, #tpu.memory_space<vmem>>, vector<64x64xf32>
    %dot_general3A = arith.constant dense<0.000000e+00> : vector<2000x64xf32>
    %dot_general3A_15 = tpu.matmul %div3A_5, %get3A_14, %dot_general3A {dimension_numbers = #tpu.dot_dimension_numbers<[1], [1], [0], [0], [0, 0, 1, 0], [], []>, transpose_lhs_hint = false} : vector<2000x64xf32>, vector<64x64xf32>, vector<2000x64xf32> -> vector<2000x64xf32>
    %dot_general3A_16 = arith.constant dense<0.000000e+00> : vector<2000x512xf32>
    %dot_general3A_17 = tpu.matmul %dot_general3A_15, %get3A_11, %dot_general3A_16 {dimension_numbers = #tpu.dot_dimension_numbers<[1], [1], [0], [0], [0, 0, 1, 0], [], []>, transpose_lhs_hint = false} : vector<2000x64xf32>, vector<512x64xf32>, vector<2000x512xf32> -> vector<2000x512xf32>
    %iota3A = tpu.iota {dimensions = array<i32: 0>} : vector<512x1xi32>
    %convert_element_type3A_18 = arith.sitofp %iota3A : vector<512x1xi32> to vector<512x1xf32>
    %reduce_max3A = arith.constant dense<0xFF800000> : vector<2000xf32>
    %reduce_max3A_19 = vector.multi_reduction <maximumf>, %dot_general3A_17, %reduce_max3A [1] : vector<2000x512xf32> to vector<2000xf32>
    %broadcast_in_dim3A_20 = vector.shape_cast %reduce_max3A_19 : vector<2000xf32> to vector<2000x1xf32>
    %ge3A = vector.broadcast %broadcast_in_dim3A_20 : vector<2000x1xf32> to vector<2000x512xf32>
    %ge3A_21 = arith.cmpf oge, %dot_general3A_17, %ge3A : vector<2000x512xf32>
    %jit3A = arith.constant -3.000000e+38 : f32
    %broadcast_in_dim3A_22 = vector.broadcast %jit3A : f32 to vector<2000x512xf32>
    %select_n3A = arith.select %ge3A_21, %broadcast_in_dim3A_22, %dot_general3A_17 : vector<2000x512xi1>, vector<2000x512xf32>
    %reduce_max3A_23 = arith.constant dense<0xFF800000> : vector<2000xf32>
    %reduce_max3A_24 = vector.multi_reduction <maximumf>, %select_n3A, %reduce_max3A_23 [1] : vector<2000x512xf32> to vector<2000xf32>
    %broadcast_in_dim3A_25 = vector.shape_cast %reduce_max3A_24 : vector<2000xf32> to vector<2000x1xf32>
    %ge3A_26 = vector.broadcast %broadcast_in_dim3A_25 : vector<2000x1xf32> to vector<2000x512xf32>
    %ge3A_27 = arith.cmpf oge, %dot_general3A_17, %ge3A_26 : vector<2000x512xf32>
    %jit3A_28 = arith.constant -3.000000e+38 : f32
    %broadcast_in_dim3A_29 = vector.broadcast %jit3A_28 : f32 to vector<2000x512xf32>
    %select_n3A_30 = arith.select %ge3A_27, %broadcast_in_dim3A_29, %dot_general3A_17 : vector<2000x512xi1>, vector<2000x512xf32>
    %reduce_max3A_31 = arith.constant dense<0xFF800000> : vector<2000xf32>
    %reduce_max3A_32 = vector.multi_reduction <maximumf>, %select_n3A_30, %reduce_max3A_31 [1] : vector<2000x512xf32> to vector<2000xf32>
    %broadcast_in_dim3A_33 = vector.shape_cast %reduce_max3A_32 : vector<2000xf32> to vector<2000x1xf32>
    %ge3A_34 = vector.broadcast %broadcast_in_dim3A_33 : vector<2000x1xf32> to vector<2000x512xf32>
    %ge3A_35 = arith.cmpf oge, %dot_general3A_17, %ge3A_34 : vector<2000x512xf32>
    %eq3A_36 = vector.broadcast %broadcast_in_dim3A_20 : vector<2000x1xf32> to vector<2000x512xf32>
    %eq3A_37 = arith.cmpf oeq, %dot_general3A_17, %eq3A_36 : vector<2000x512xf32>
    %jit3A_38 = arith.constant 1.000000e+00 : f32
    %jit3A_39 = arith.constant 0.000000e+00 : f32
    %broadcast_in_dim3A_40 = vector.broadcast %jit3A_38 : f32 to vector<2000x512xf32>
    %broadcast_in_dim3A_41 = vector.broadcast %jit3A_39 : f32 to vector<2000x512xf32>
    %select_n3A_42 = arith.select %eq3A_37, %broadcast_in_dim3A_40, %broadcast_in_dim3A_41 : vector<2000x512xi1>, vector<2000x512xf32>
    %dot_general3A_43 = arith.constant dense<0.000000e+00> : vector<2000x1xf32>
    %dot_general3A_44 = tpu.matmul %select_n3A_42, %convert_element_type3A_18, %dot_general3A_43 {dimension_numbers = #tpu.dot_dimension_numbers<[1], [0], [0], [1], [0, 0, 1, 1], [], []>, transpose_lhs_hint = false} : vector<2000x512xf32>, vector<512x1xf32>, vector<2000x1xf32> -> vector<2000x1xf32>
    %eq3A_45 = vector.broadcast %broadcast_in_dim3A_25 : vector<2000x1xf32> to vector<2000x512xf32>
    %eq3A_46 = arith.cmpf oeq, %dot_general3A_17, %eq3A_45 : vector<2000x512xf32>
    %jit3A_47 = arith.constant 1.000000e+00 : f32
    %jit3A_48 = arith.constant 0.000000e+00 : f32
    %broadcast_in_dim3A_49 = vector.broadcast %jit3A_47 : f32 to vector<2000x512xf32>
    %broadcast_in_dim3A_50 = vector.broadcast %jit3A_48 : f32 to vector<2000x512xf32>
    %select_n3A_51 = arith.select %eq3A_46, %broadcast_in_dim3A_49, %broadcast_in_dim3A_50 : vector<2000x512xi1>, vector<2000x512xf32>
    %dot_general3A_52 = arith.constant dense<0.000000e+00> : vector<2000x1xf32>
    %dot_general3A_53 = tpu.matmul %select_n3A_51, %convert_element_type3A_18, %dot_general3A_52 {dimension_numbers = #tpu.dot_dimension_numbers<[1], [0], [0], [1], [0, 0, 1, 1], [], []>, transpose_lhs_hint = false} : vector<2000x512xf32>, vector<512x1xf32>, vector<2000x1xf32> -> vector<2000x1xf32>
    %eq3A_54 = vector.broadcast %broadcast_in_dim3A_33 : vector<2000x1xf32> to vector<2000x512xf32>
    %eq3A_55 = arith.cmpf oeq, %dot_general3A_17, %eq3A_54 : vector<2000x512xf32>
    %jit3A_56 = arith.constant 1.000000e+00 : f32
    %jit3A_57 = arith.constant 0.000000e+00 : f32
    %broadcast_in_dim3A_58 = vector.broadcast %jit3A_56 : f32 to vector<2000x512xf32>
    %broadcast_in_dim3A_59 = vector.broadcast %jit3A_57 : f32 to vector<2000x512xf32>
    %select_n3A_60 = arith.select %eq3A_55, %broadcast_in_dim3A_58, %broadcast_in_dim3A_59 : vector<2000x512xi1>, vector<2000x512xf32>
    %dot_general3A_61 = arith.constant dense<0.000000e+00> : vector<2000x1xf32>
    %dot_general3A_62 = tpu.matmul %select_n3A_60, %convert_element_type3A_18, %dot_general3A_61 {dimension_numbers = #tpu.dot_dimension_numbers<[1], [0], [0], [1], [0, 0, 1, 1], [], []>, transpose_lhs_hint = false} : vector<2000x512xf32>, vector<512x1xf32>, vector<2000x1xf32> -> vector<2000x1xf32>
    %concatenate3A = tpu.concatenate %dot_general3A_44, %dot_general3A_53, %dot_general3A_62 in 1 : vector<2000x1xf32>, vector<2000x1xf32>, vector<2000x1xf32> -> vector<2000x3xf32>
    %convert_element_type3A_63 = arith.fptosi %concatenate3A : vector<2000x3xf32> to vector<2000x3xi32>
    %swap3A = arith.constant 0 : index
    %swap3A_64 = arith.constant 0 : index
    %swap3A_65 = vector.load %arg6[%swap3A, %swap3A_64] : memref<2000x3xi32, #tpu.memory_space<vmem>>, vector<2000x3xi32>
    tpu.vector_store %arg6[%swap3A, %swap3A_64], %convert_element_type3A_63 {strides = array<i32>} : memref<2000x3xi32, #tpu.memory_space<vmem>>, vector<2000x3xi32>,
    %get3A_66 = arith.constant 0 : index
    %get3A_67 = arith.constant 0 : index
    %get3A_68 = vector.load %arg5[%get3A_66, %get3A_67] : memref<1x64xf32, #tpu.memory_space<vmem>>, vector<1x64xf32>
    %mul3A_69 = vector.broadcast %get3A_68 : vector<1x64xf32> to vector<2000x64xf32>
    %mul3A_70 = arith.mulf %div3A_5, %mul3A_69 : vector<2000x64xf32>
    %dot_general3A_71 = arith.constant dense<0.000000e+00> : vector<2000x512xf32>
    %dot_general3A_72 = tpu.matmul %mul3A_70, %get3A_8, %dot_general3A_71 {dimension_numbers = #tpu.dot_dimension_numbers<[1], [1], [0], [0], [0, 0, 1, 0], [], []>, transpose_lhs_hint = false} : vector<2000x64xf32>, vector<512x64xf32>, vector<2000x512xf32> -> vector<2000x512xf32>
    %ge3A_73 = arith.constant 0.000000e+00 : f32
    %ge3A_74 = vector.broadcast %ge3A_73 : f32 to vector<2000x512xf32>
    %ge3A_75 = arith.cmpf oge, %dot_general3A_72, %ge3A_74 : vector<2000x512xf32>
    %mul3A_76 = arith.constant 2.000000e-01 : f32
    %mul3A_77 = vector.broadcast %mul3A_76 : f32 to vector<2000x512xf32>
    %mul3A_78 = arith.mulf %mul3A_77, %dot_general3A_72 : vector<2000x512xf32>
    %select_n3A_79 = arith.select %ge3A_75, %dot_general3A_72, %mul3A_78 : vector<2000x512xi1>, vector<2000x512xf32>
    %jit3A_80 = arith.constant -3.000000e+38 : f32
    %broadcast_in_dim3A_81 = vector.broadcast %jit3A_80 : f32 to vector<2000x512xf32>
    %select_n3A_82 = arith.select %ge3A_35, %select_n3A_79, %broadcast_in_dim3A_81 : vector<2000x512xi1>, vector<2000x512xf32>
    %reduce_max3A_83 = arith.constant dense<0xFF800000> : vector<512xf32>
    %reduce_max3A_84 = vector.multi_reduction <maximumf>, %select_n3A_82, %reduce_max3A_83 [0] : vector<2000x512xf32> to vector<512xf32>
    %broadcast_in_dim3A_85 = vector.shape_cast %reduce_max3A_84 : vector<512xf32> to vector<1x512xf32>
    %get3A_86 = arith.constant 0 : index
    %get3A_87 = arith.constant 0 : index
    %get3A_88 = vector.load %arg8[%get3A_86, %get3A_87] : memref<1x512xf32, #tpu.memory_space<vmem>>, vector<1x512xf32>
    %max3A = arith.maximumf %get3A_88, %broadcast_in_dim3A_85 : vector<1x512xf32>
    %sub3A = vector.broadcast %max3A : vector<1x512xf32> to vector<2000x512xf32>
    %sub3A_89 = arith.subf %select_n3A_82, %sub3A : vector<2000x512xf32>
    %exp3A = math.exp %sub3A_89 : vector<2000x512xf32>
    %sub3A_90 = arith.subf %get3A_88, %max3A : vector<1x512xf32>
    %exp3A_91 = math.exp %sub3A_90 : vector<1x512xf32>
    %get3A_92 = arith.constant 0 : index
    %get3A_93 = arith.constant 0 : index
    %get3A_94 = vector.load %arg9[%get3A_92, %get3A_93] : memref<1x512xf32, #tpu.memory_space<vmem>>, vector<1x512xf32>
    %mul3A_95 = arith.mulf %get3A_94, %exp3A_91 : vector<1x512xf32>
    %reduce_sum3A_96 = arith.constant dense<0.000000e+00> : vector<512xf32>
    %reduce_sum3A_97 = vector.multi_reduction <add>, %exp3A, %reduce_sum3A_96 [0] : vector<2000x512xf32> to vector<512xf32>
    %broadcast_in_dim3A_98 = vector.shape_cast %reduce_sum3A_97 : vector<512xf32> to vector<1x512xf32>
    %add3A = arith.addf %mul3A_95, %broadcast_in_dim3A_98 : vector<1x512xf32>
    %swap3A_99 = arith.constant 0 : index
    %swap3A_100 = arith.constant 0 : index
    %swap3A_101 = vector.load %arg9[%swap3A_99, %swap3A_100] : memref<1x512xf32, #tpu.memory_space<vmem>>, vector<1x512xf32>
    tpu.vector_store %arg9[%swap3A_99, %swap3A_100], %add3A {strides = array<i32>} : memref<1x512xf32, #tpu.memory_space<vmem>>, vector<1x512xf32>,
    %get3A_102 = arith.constant 0 : index
    %get3A_103 = arith.constant 0 : index
    %get3A_104 = vector.load %arg10[%get3A_102, %get3A_103] : memref<64x512xf32, #tpu.memory_space<vmem>>, vector<64x512xf32>
    %mul3A_105 = vector.broadcast %exp3A_91 : vector<1x512xf32> to vector<64x512xf32>
    %mul3A_106 = arith.mulf %get3A_104, %mul3A_105 : vector<64x512xf32>
    %dot_general3A_107 = arith.constant dense<0.000000e+00> : vector<64x512xf32>
    %dot_general3A_108 = tpu.matmul %div3A_5, %exp3A, %dot_general3A_107 {dimension_numbers = #tpu.dot_dimension_numbers<[0], [0], [1], [1], [0, 1, 1, 1], [], []>, transpose_lhs_hint = false} : vector<2000x64xf32>, vector<2000x512xf32>, vector<64x512xf32> -> vector<64x512xf32>
    %add3A_109 = arith.addf %mul3A_106, %dot_general3A_108 : vector<64x512xf32>
    %swap3A_110 = arith.constant 0 : index
    %swap3A_111 = arith.constant 0 : index
    %swap3A_112 = vector.load %arg10[%swap3A_110, %swap3A_111] : memref<64x512xf32, #tpu.memory_space<vmem>>, vector<64x512xf32>
    tpu.vector_store %arg10[%swap3A_110, %swap3A_111], %add3A_109 {strides = array<i32>} : memref<64x512xf32, #tpu.memory_space<vmem>>, vector<64x512xf32>,
    %swap3A_113 = arith.constant 0 : index
    %swap3A_114 = arith.constant 0 : index
    %swap3A_115 = vector.load %arg8[%swap3A_113, %swap3A_114] : memref<1x512xf32, #tpu.memory_space<vmem>>, vector<1x512xf32>
    tpu.vector_store %arg8[%swap3A_113, %swap3A_114], %max3A {strides = array<i32>} : memref<1x512xf32, #tpu.memory_space<vmem>>, vector<1x512xf32>,
    %eq3A_116 = arith.constant 49 : i32
    %eq3A_117 = arith.cmpi eq, %arg0, %eq3A_116 : i32
    %convert_element_type3A_118 = arith.extui %eq3A_117 : i1 to i32
    %cond3A_119 = arith.constant 0 : i32
    %cond3A_120 = arith.cmpi ne, %convert_element_type3A_118, %cond3A_119 : i32
    scf.if %cond3A_120 {
      %get3A_121 = arith.constant 0 : index
      %get3A_122 = arith.constant 0 : index
      %get3A_123 = vector.load %arg9[%get3A_121, %get3A_122] : memref<1x512xf32, #tpu.memory_space<vmem>>, vector<1x512xf32>
      %gt3A = arith.constant 0.000000e+00 : f32
      %gt3A_124 = vector.broadcast %gt3A : f32 to vector<1x512xf32>
      %gt3A_125 = arith.cmpf ogt, %get3A_123, %gt3A_124 : vector<1x512xf32>
      %get3A_126 = arith.constant 0 : index
      %get3A_127 = arith.constant 0 : index
      %get3A_128 = vector.load %arg10[%get3A_126, %get3A_127] : memref<64x512xf32, #tpu.memory_space<vmem>>, vector<64x512xf32>
      %div3A_129 = vector.broadcast %get3A_123 : vector<1x512xf32> to vector<64x512xf32>
      %div3A_130 = arith.divf %get3A_128, %div3A_129 : vector<64x512xf32>
      %jit3A_131 = arith.constant 0.000000e+00 : f32
      %broadcast_in_dim3A_132 = vector.shape_cast %gt3A_125 : vector<1x512xi1> to vector<1x512xi1>
      %broadcast_in_dim3A_133 = vector.broadcast %broadcast_in_dim3A_132 : vector<1x512xi1> to vector<64x512xi1>
      %broadcast_in_dim3A_134 = vector.broadcast %jit3A_131 : f32 to vector<64x512xf32>
      %select_n3A_135 = arith.select %broadcast_in_dim3A_133, %div3A_130, %broadcast_in_dim3A_134 : vector<64x512xi1>, vector<64x512xf32>
      %swap3A_136 = arith.constant 0 : index
      %swap3A_137 = arith.constant 0 : index
      %swap3A_138 = vector.load %arg7[%swap3A_136, %swap3A_137] : memref<64x512xf32, #tpu.memory_space<vmem>>, vector<64x512xf32>
      tpu.vector_store %arg7[%swap3A_136, %swap3A_137], %select_n3A_135 {strides = array<i32>} : memref<64x512xf32, #tpu.memory_space<vmem>>, vector<64x512xf32>,
    } else {
    }
    return
  }
  func.func @transform_0(%arg0: i32) -> (i32, i32) {
    %c0_i32 = arith.constant 0 : i32
    %c0_i32_0 = arith.constant 0 : i32
    return %arg0, %c0_i32 : i32, i32
  }
  func.func @transform_1(%arg0: i32) -> (i32, i32) {
    %c0_i32 = arith.constant 0 : i32
    %c0_i32_0 = arith.constant 0 : i32
    %c0_i32_1 = arith.constant 0 : i32
    return %c0_i32, %c0_i32_0 : i32, i32
  }
  func.func @transform_2(%arg0: i32) -> (i32, i32) {
    %c0_i32 = arith.constant 0 : i32
    %c0_i32_0 = arith.constant 0 : i32
    %c0_i32_1 = arith.constant 0 : i32
    return %c0_i32, %c0_i32_0 : i32, i32
  }
  func.func @transform_3(%arg0: i32) -> (i32, i32) {
    %c0_i32 = arith.constant 0 : i32
    %c0_i32_0 = arith.constant 0 : i32
    %c0_i32_1 = arith.constant 0 : i32
    return %c0_i32, %c0_i32_0 : i32, i32
  }
  func.func @transform_4(%arg0: i32) -> (i32, i32) {
    %c0_i32 = arith.constant 0 : i32
    %c0_i32_0 = arith.constant 0 : i32
    %c0_i32_1 = arith.constant 0 : i32
    return %c0_i32, %c0_i32_0 : i32, i32
  }
  func.func @transform_5(%arg0: i32) -> (i32, i32) {
    %c0_i32 = arith.constant 0 : i32
    %c0_i32_0 = arith.constant 0 : i32
    return %arg0, %c0_i32 : i32, i32
  }
  func.func @transform_6(%arg0: i32) -> (i32, i32) {
    %c0_i32 = arith.constant 0 : i32
    %c0_i32_0 = arith.constant 0 : i32
    %c0_i32_1 = arith.constant 0 : i32
    return %c0_i32, %c0_i32_0 : i32, i32
  }
}

module attributes {stable_mosaic.version = 14 : i64} {
  func.func @_session_kernel(%arg0: i32, %arg1: memref<16x50x64xf32, #tpu.memory_space<vmem>>, %arg2: memref<16x50x64xf32, #tpu.memory_space<vmem>>, %arg3: memref<16x50x64xf32, #tpu.memory_space<vmem>>, %arg4: memref<16x50x64xf32, #tpu.memory_space<vmem>>, %arg5: memref<16x50x64xf32, #tpu.memory_space<vmem>>, %arg6: memref<16x50x50xf32, #tpu.memory_space<vmem>>, %arg7: memref<16x50x50xf32, #tpu.memory_space<vmem>>, %arg8: memref<16x50x1xf32, #tpu.memory_space<vmem>>, %arg9: memref<1x64xf32, #tpu.memory_space<vmem>>, %arg10: memref<1x64xf32, #tpu.memory_space<vmem>>, %arg11: memref<1x64xf32, #tpu.memory_space<vmem>>, %arg12: memref<1x64xf32, #tpu.memory_space<vmem>>, %arg13: memref<1x64xf32, #tpu.memory_space<vmem>>, %arg14: memref<64x64xf32, #tpu.memory_space<vmem>>, %arg15: memref<1x64xf32, #tpu.memory_space<vmem>>, %arg16: memref<64x64xf32, #tpu.memory_space<vmem>>, %arg17: memref<1x64xf32, #tpu.memory_space<vmem>>, %arg18: memref<1x64xf32, #tpu.memory_space<vmem>>, %arg19: memref<51x64xf32, #tpu.memory_space<vmem>>, %arg20: memref<16x1x64xf32, #tpu.memory_space<vmem>>) attributes {dimension_semantics = [#tpu.dimension_semantics<arbitrary>], iteration_bounds = array<i64: 4>, scalar_prefetch = 0 : i64, scratch_operands = 0 : i64, tpu.core_type = #tpu.core_type<tc>, window_params = [{transform_indices = @transform_0, window_bounds = array<i64: 16, 50, 64>}, {transform_indices = @transform_1, window_bounds = array<i64: 16, 50, 64>}, {transform_indices = @transform_2, window_bounds = array<i64: 16, 50, 64>}, {transform_indices = @transform_3, window_bounds = array<i64: 16, 50, 64>}, {transform_indices = @transform_4, window_bounds = array<i64: 16, 50, 64>}, {transform_indices = @transform_5, window_bounds = array<i64: 16, 50, 50>}, {transform_indices = @transform_6, window_bounds = array<i64: 16, 50, 50>}, {transform_indices = @transform_7, window_bounds = array<i64: 16, 50, 1>}, {pipeline_mode = #tpu.pipeline_mode<synchronous>, transform_indices = @transform_8, window_bounds = array<i64: 1, 64>}, {pipeline_mode = #tpu.pipeline_mode<synchronous>, transform_indices = @transform_9, window_bounds = array<i64: 1, 64>}, {pipeline_mode = #tpu.pipeline_mode<synchronous>, transform_indices = @transform_10, window_bounds = array<i64: 1, 64>}, {pipeline_mode = #tpu.pipeline_mode<synchronous>, transform_indices = @transform_11, window_bounds = array<i64: 1, 64>}, {pipeline_mode = #tpu.pipeline_mode<synchronous>, transform_indices = @transform_12, window_bounds = array<i64: 1, 64>}, {pipeline_mode = #tpu.pipeline_mode<synchronous>, transform_indices = @transform_13, window_bounds = array<i64: 64, 64>}, {pipeline_mode = #tpu.pipeline_mode<synchronous>, transform_indices = @transform_14, window_bounds = array<i64: 1, 64>}, {pipeline_mode = #tpu.pipeline_mode<synchronous>, transform_indices = @transform_15, window_bounds = array<i64: 64, 64>}, {pipeline_mode = #tpu.pipeline_mode<synchronous>, transform_indices = @transform_16, window_bounds = array<i64: 1, 64>}, {pipeline_mode = #tpu.pipeline_mode<synchronous>, transform_indices = @transform_17, window_bounds = array<i64: 1, 64>}, {pipeline_mode = #tpu.pipeline_mode<synchronous>, transform_indices = @transform_18, window_bounds = array<i64: 51, 64>}, {transform_indices = @transform_19, window_bounds = array<i64: 16, 1, 64>}]} {
    %get3A = arith.constant 0 : index
    %get3A_0 = arith.constant 0 : index
    %get3A_1 = arith.constant 0 : index
    %get3A_2 = vector.load %arg1[%get3A, %get3A_0, %get3A_1] : memref<16x50x64xf32, #tpu.memory_space<vmem>>, vector<1x50x64xf32>
    %get3A_3 = vector.shape_cast %get3A_2 : vector<1x50x64xf32> to vector<50x64xf32>
    %mul3A = arith.mulf %get3A_3, %get3A_3 : vector<50x64xf32>
    %reduce_sum3A = arith.constant dense<0.000000e+00> : vector<50xf32>
    %reduce_sum3A_4 = vector.multi_reduction <add>, %mul3A, %reduce_sum3A [1] : vector<50x64xf32> to vector<50xf32>
    %broadcast_in_dim3A = vector.shape_cast %reduce_sum3A_4 : vector<50xf32> to vector<50x1xf32>
    %sqrt3A = math.sqrt %broadcast_in_dim3A : vector<50x1xf32>
    %div3A = vector.broadcast %sqrt3A : vector<50x1xf32> to vector<50x64xf32>
    %div3A_5 = arith.divf %get3A_3, %div3A : vector<50x64xf32>
    %get3A_6 = arith.constant 0 : index
    %get3A_7 = arith.constant 0 : index
    %get3A_8 = arith.constant 0 : index
    %get3A_9 = vector.load %arg2[%get3A_6, %get3A_7, %get3A_8] : memref<16x50x64xf32, #tpu.memory_space<vmem>>, vector<1x50x64xf32>
    %get3A_10 = vector.shape_cast %get3A_9 : vector<1x50x64xf32> to vector<50x64xf32>
    %mul3A_11 = arith.mulf %get3A_10, %get3A_10 : vector<50x64xf32>
    %reduce_sum3A_12 = arith.constant dense<0.000000e+00> : vector<50xf32>
    %reduce_sum3A_13 = vector.multi_reduction <add>, %mul3A_11, %reduce_sum3A_12 [1] : vector<50x64xf32> to vector<50xf32>
    %broadcast_in_dim3A_14 = vector.shape_cast %reduce_sum3A_13 : vector<50xf32> to vector<50x1xf32>
    %sqrt3A_15 = math.sqrt %broadcast_in_dim3A_14 : vector<50x1xf32>
    %div3A_16 = vector.broadcast %sqrt3A_15 : vector<50x1xf32> to vector<50x64xf32>
    %div3A_17 = arith.divf %get3A_10, %div3A_16 : vector<50x64xf32>
    %get3A_18 = arith.constant 0 : index
    %get3A_19 = arith.constant 0 : index
    %get3A_20 = arith.constant 0 : index
    %get3A_21 = vector.load %arg8[%get3A_18, %get3A_19, %get3A_20] : memref<16x50x1xf32, #tpu.memory_space<vmem>>, vector<1x50x1xf32>
    %get3A_22 = vector.shape_cast %get3A_21 : vector<1x50x1xf32> to vector<50x1xf32>
    %reduce_sum3A_23 = vector.shape_cast %get3A_22 : vector<50x1xf32> to vector<1x50x1xf32>
    %reduce_sum3A_24 = arith.constant dense<0.000000e+00> : vector<1xf32>
    %reduce_sum3A_25 = vector.multi_reduction <add>, %reduce_sum3A_23, %reduce_sum3A_24 [1, 2] : vector<1x50x1xf32> to vector<1xf32>
    %reduce_sum3A_26 = vector.shape_cast %reduce_sum3A_25 : vector<1xf32> to vector<1x1x1xf32>
    %reduce_sum3A_27 = vector.extract %reduce_sum3A_26[0, 0, 0] : f32 from vector<1x1x1xf32>
    %mul3A_28 = vector.broadcast %get3A_22 : vector<50x1xf32> to vector<50x64xf32>
    %mul3A_29 = arith.mulf %div3A_17, %mul3A_28 : vector<50x64xf32>
    %reduce_sum3A_30 = arith.constant dense<0.000000e+00> : vector<64xf32>
    %reduce_sum3A_31 = vector.multi_reduction <add>, %mul3A_29, %reduce_sum3A_30 [0] : vector<50x64xf32> to vector<64xf32>
    %broadcast_in_dim3A_32 = vector.shape_cast %reduce_sum3A_31 : vector<64xf32> to vector<1x64xf32>
    %div3A_33 = vector.broadcast %reduce_sum3A_27 : f32 to vector<1x64xf32>
    %div3A_34 = arith.divf %broadcast_in_dim3A_32, %div3A_33 : vector<1x64xf32>
    %get3A_35 = arith.constant 0 : index
    %get3A_36 = arith.constant 0 : index
    %get3A_37 = vector.load %arg9[%get3A_35, %get3A_36] : memref<1x64xf32, #tpu.memory_space<vmem>>, vector<1x64xf32>
    %get3A_38 = arith.constant 0 : index
    %get3A_39 = arith.constant 0 : index
    %get3A_40 = arith.constant 0 : index
    %get3A_41 = vector.load %arg3[%get3A_38, %get3A_39, %get3A_40] : memref<16x50x64xf32, #tpu.memory_space<vmem>>, vector<1x50x64xf32>
    %get3A_42 = vector.shape_cast %get3A_41 : vector<1x50x64xf32> to vector<50x64xf32>
    %get3A_43 = arith.constant 0 : index
    %get3A_44 = arith.constant 0 : index
    %get3A_45 = arith.constant 0 : index
    %get3A_46 = vector.load %arg4[%get3A_43, %get3A_44, %get3A_45] : memref<16x50x64xf32, #tpu.memory_space<vmem>>, vector<1x50x64xf32>
    %get3A_47 = vector.shape_cast %get3A_46 : vector<1x50x64xf32> to vector<50x64xf32>
    %get3A_48 = arith.constant 0 : index
    %get3A_49 = arith.constant 0 : index
    %get3A_50 = arith.constant 0 : index
    %get3A_51 = vector.load %arg5[%get3A_48, %get3A_49, %get3A_50] : memref<16x50x64xf32, #tpu.memory_space<vmem>>, vector<1x50x64xf32>
    %get3A_52 = vector.shape_cast %get3A_51 : vector<1x50x64xf32> to vector<50x64xf32>
    %mul3A_53 = arith.mulf %div3A_5, %get3A_42 : vector<50x64xf32>
    %mul3A_54 = vector.broadcast %get3A_37 : vector<1x64xf32> to vector<50x64xf32>
    %mul3A_55 = arith.mulf %mul3A_53, %mul3A_54 : vector<50x64xf32>
    %reduce_sum3A_56 = arith.constant dense<0.000000e+00> : vector<50xf32>
    %reduce_sum3A_57 = vector.multi_reduction <add>, %mul3A_55, %reduce_sum3A_56 [1] : vector<50x64xf32> to vector<50xf32>
    %broadcast_in_dim3A_58 = vector.shape_cast %reduce_sum3A_57 : vector<50xf32> to vector<50x1xf32>
    %ge3A = arith.constant 0.000000e+00 : f32
    %ge3A_59 = vector.broadcast %ge3A : f32 to vector<50x1xf32>
    %ge3A_60 = arith.cmpf oge, %broadcast_in_dim3A_58, %ge3A_59 : vector<50x1xf32>
    %mul3A_61 = arith.constant 2.000000e-01 : f32
    %mul3A_62 = vector.broadcast %mul3A_61 : f32 to vector<50x1xf32>
    %mul3A_63 = arith.mulf %mul3A_62, %broadcast_in_dim3A_58 : vector<50x1xf32>
    %select_n3A = arith.select %ge3A_60, %broadcast_in_dim3A_58, %mul3A_63 : vector<50x1xi1>, vector<50x1xf32>
    %mul3A_64 = arith.mulf %div3A_5, %get3A_47 : vector<50x64xf32>
    %mul3A_65 = vector.broadcast %get3A_37 : vector<1x64xf32> to vector<50x64xf32>
    %mul3A_66 = arith.mulf %mul3A_64, %mul3A_65 : vector<50x64xf32>
    %reduce_sum3A_67 = arith.constant dense<0.000000e+00> : vector<50xf32>
    %reduce_sum3A_68 = vector.multi_reduction <add>, %mul3A_66, %reduce_sum3A_67 [1] : vector<50x64xf32> to vector<50xf32>
    %broadcast_in_dim3A_69 = vector.shape_cast %reduce_sum3A_68 : vector<50xf32> to vector<50x1xf32>
    %ge3A_70 = arith.constant 0.000000e+00 : f32
    %ge3A_71 = vector.broadcast %ge3A_70 : f32 to vector<50x1xf32>
    %ge3A_72 = arith.cmpf oge, %broadcast_in_dim3A_69, %ge3A_71 : vector<50x1xf32>
    %mul3A_73 = arith.constant 2.000000e-01 : f32
    %mul3A_74 = vector.broadcast %mul3A_73 : f32 to vector<50x1xf32>
    %mul3A_75 = arith.mulf %mul3A_74, %broadcast_in_dim3A_69 : vector<50x1xf32>
    %select_n3A_76 = arith.select %ge3A_72, %broadcast_in_dim3A_69, %mul3A_75 : vector<50x1xi1>, vector<50x1xf32>
    %mul3A_77 = arith.mulf %div3A_5, %get3A_52 : vector<50x64xf32>
    %mul3A_78 = vector.broadcast %get3A_37 : vector<1x64xf32> to vector<50x64xf32>
    %mul3A_79 = arith.mulf %mul3A_77, %mul3A_78 : vector<50x64xf32>
    %reduce_sum3A_80 = arith.constant dense<0.000000e+00> : vector<50xf32>
    %reduce_sum3A_81 = vector.multi_reduction <add>, %mul3A_79, %reduce_sum3A_80 [1] : vector<50x64xf32> to vector<50xf32>
    %broadcast_in_dim3A_82 = vector.shape_cast %reduce_sum3A_81 : vector<50xf32> to vector<50x1xf32>
    %ge3A_83 = arith.constant 0.000000e+00 : f32
    %ge3A_84 = vector.broadcast %ge3A_83 : f32 to vector<50x1xf32>
    %ge3A_85 = arith.cmpf oge, %broadcast_in_dim3A_82, %ge3A_84 : vector<50x1xf32>
    %mul3A_86 = arith.constant 2.000000e-01 : f32
    %mul3A_87 = vector.broadcast %mul3A_86 : f32 to vector<50x1xf32>
    %mul3A_88 = arith.mulf %mul3A_87, %broadcast_in_dim3A_82 : vector<50x1xf32>
    %select_n3A_89 = arith.select %ge3A_85, %broadcast_in_dim3A_82, %mul3A_88 : vector<50x1xi1>, vector<50x1xf32>
    %max3A = arith.maximumf %select_n3A_76, %select_n3A_89 : vector<50x1xf32>
    %max3A_90 = arith.maximumf %select_n3A, %max3A : vector<50x1xf32>
    %sub3A = arith.subf %select_n3A, %max3A_90 : vector<50x1xf32>
    %exp3A = math.exp %sub3A : vector<50x1xf32>
    %sub3A_91 = arith.subf %select_n3A_76, %max3A_90 : vector<50x1xf32>
    %exp3A_92 = math.exp %sub3A_91 : vector<50x1xf32>
    %sub3A_93 = arith.subf %select_n3A_89, %max3A_90 : vector<50x1xf32>
    %exp3A_94 = math.exp %sub3A_93 : vector<50x1xf32>
    %add3A = arith.addf %exp3A, %exp3A_92 : vector<50x1xf32>
    %add3A_95 = arith.addf %add3A, %exp3A_94 : vector<50x1xf32>
    %mul3A_96 = vector.broadcast %exp3A : vector<50x1xf32> to vector<50x64xf32>
    %mul3A_97 = arith.mulf %mul3A_96, %get3A_42 : vector<50x64xf32>
    %mul3A_98 = vector.broadcast %exp3A_92 : vector<50x1xf32> to vector<50x64xf32>
    %mul3A_99 = arith.mulf %mul3A_98, %get3A_47 : vector<50x64xf32>
    %add3A_100 = arith.addf %mul3A_97, %mul3A_99 : vector<50x64xf32>
    %mul3A_101 = vector.broadcast %exp3A_94 : vector<50x1xf32> to vector<50x64xf32>
    %mul3A_102 = arith.mulf %mul3A_101, %get3A_52 : vector<50x64xf32>
    %add3A_103 = arith.addf %add3A_100, %mul3A_102 : vector<50x64xf32>
    %div3A_104 = vector.broadcast %add3A_95 : vector<50x1xf32> to vector<50x64xf32>
    %div3A_105 = arith.divf %add3A_103, %div3A_104 : vector<50x64xf32>
    %mul3A_106 = arith.constant 5.000000e-01 : f32
    %mul3A_107 = vector.broadcast %mul3A_106 : f32 to vector<50x64xf32>
    %mul3A_108 = arith.mulf %mul3A_107, %div3A_5 : vector<50x64xf32>
    %mul3A_109 = arith.constant 5.000000e-01 : f32
    %mul3A_110 = vector.broadcast %mul3A_109 : f32 to vector<50x64xf32>
    %mul3A_111 = arith.mulf %mul3A_110, %div3A_105 : vector<50x64xf32>
    %add3A_112 = arith.addf %mul3A_108, %mul3A_111 : vector<50x64xf32>
    %get3A_113 = arith.constant 0 : index
    %get3A_114 = arith.constant 0 : index
    %get3A_115 = arith.constant 0 : index
    %get3A_116 = vector.load %arg6[%get3A_113, %get3A_114, %get3A_115] : memref<16x50x50xf32, #tpu.memory_space<vmem>>, vector<1x50x50xf32>
    %get3A_117 = vector.shape_cast %get3A_116 : vector<1x50x50xf32> to vector<50x50xf32>
    %get3A_118 = arith.constant 0 : index
    %get3A_119 = arith.constant 0 : index
    %get3A_120 = vector.load %arg12[%get3A_118, %get3A_119] : memref<1x64xf32, #tpu.memory_space<vmem>>, vector<1x64xf32>
    %mul3A_121 = arith.mulf %div3A_34, %get3A_120 : vector<1x64xf32>
    %dot_general3A = arith.constant dense<0.000000e+00> : vector<1x50xf32>
    %dot_general3A_122 = tpu.matmul %mul3A_121, %div3A_5, %dot_general3A {dimension_numbers = #tpu.dot_dimension_numbers<[1], [1], [0], [0], [0, 0, 1, 0], [], []>, transpose_lhs_hint = false} : vector<1x64xf32>, vector<50x64xf32>, vector<1x50xf32> -> vector<1x50xf32>
    %get3A_123 = arith.constant 0 : index
    %get3A_124 = arith.constant 0 : index
    %get3A_125 = vector.load %arg13[%get3A_123, %get3A_124] : memref<1x64xf32, #tpu.memory_space<vmem>>, vector<1x64xf32>
    %mul3A_126 = arith.mulf %div3A_34, %get3A_125 : vector<1x64xf32>
    %dot_general3A_127 = arith.constant dense<0.000000e+00> : vector<1x50xf32>
    %dot_general3A_128 = tpu.matmul %mul3A_126, %div3A_5, %dot_general3A_127 {dimension_numbers = #tpu.dot_dimension_numbers<[1], [1], [0], [0], [0, 0, 1, 0], [], []>, transpose_lhs_hint = false} : vector<1x64xf32>, vector<50x64xf32>, vector<1x50xf32> -> vector<1x50xf32>
    %get3A_129 = arith.constant 0 : index
    %get3A_130 = arith.constant 0 : index
    %get3A_131 = vector.load %arg10[%get3A_129, %get3A_130] : memref<1x64xf32, #tpu.memory_space<vmem>>, vector<1x64xf32>
    %mul3A_132 = vector.broadcast %get3A_131 : vector<1x64xf32> to vector<50x64xf32>
    %mul3A_133 = arith.mulf %div3A_5, %mul3A_132 : vector<50x64xf32>
    %dot_general3A_134 = arith.constant dense<0.000000e+00> : vector<50x50xf32>
    %dot_general3A_135 = tpu.matmul %mul3A_133, %div3A_5, %dot_general3A_134 {dimension_numbers = #tpu.dot_dimension_numbers<[1], [1], [0], [0], [0, 0, 1, 0], [], []>, transpose_lhs_hint = false} : vector<50x64xf32>, vector<50x64xf32>, vector<50x50xf32> -> vector<50x50xf32>
    %add3A_136 = vector.broadcast %dot_general3A_122 : vector<1x50xf32> to vector<50x50xf32>
    %add3A_137 = arith.addf %dot_general3A_135, %add3A_136 : vector<50x50xf32>
    %ge3A_138 = arith.constant 0.000000e+00 : f32
    %ge3A_139 = vector.broadcast %ge3A_138 : f32 to vector<50x50xf32>
    %ge3A_140 = arith.cmpf oge, %add3A_137, %ge3A_139 : vector<50x50xf32>
    %mul3A_141 = arith.constant 2.000000e-01 : f32
    %mul3A_142 = vector.broadcast %mul3A_141 : f32 to vector<50x50xf32>
    %mul3A_143 = arith.mulf %mul3A_142, %add3A_137 : vector<50x50xf32>
    %select_n3A_144 = arith.select %ge3A_140, %add3A_137, %mul3A_143 : vector<50x50xi1>, vector<50x50xf32>
    %get3A_145 = arith.constant 0 : index
    %get3A_146 = arith.constant 0 : index
    %get3A_147 = vector.load %arg11[%get3A_145, %get3A_146] : memref<1x64xf32, #tpu.memory_space<vmem>>, vector<1x64xf32>
    %mul3A_148 = vector.broadcast %get3A_147 : vector<1x64xf32> to vector<50x64xf32>
    %mul3A_149 = arith.mulf %div3A_5, %mul3A_148 : vector<50x64xf32>
    %dot_general3A_150 = arith.constant dense<0.000000e+00> : vector<50x50xf32>
    %dot_general3A_151 = tpu.matmul %mul3A_149, %div3A_5, %dot_general3A_150 {dimension_numbers = #tpu.dot_dimension_numbers<[1], [1], [0], [0], [0, 0, 1, 0], [], []>, transpose_lhs_hint = false} : vector<50x64xf32>, vector<50x64xf32>, vector<50x50xf32> -> vector<50x50xf32>
    %add3A_152 = vector.broadcast %dot_general3A_128 : vector<1x50xf32> to vector<50x50xf32>
    %add3A_153 = arith.addf %dot_general3A_151, %add3A_152 : vector<50x50xf32>
    %ge3A_154 = arith.constant 0.000000e+00 : f32
    %ge3A_155 = vector.broadcast %ge3A_154 : f32 to vector<50x50xf32>
    %ge3A_156 = arith.cmpf oge, %add3A_153, %ge3A_155 : vector<50x50xf32>
    %mul3A_157 = arith.constant 2.000000e-01 : f32
    %mul3A_158 = vector.broadcast %mul3A_157 : f32 to vector<50x50xf32>
    %mul3A_159 = arith.mulf %mul3A_158, %add3A_153 : vector<50x50xf32>
    %select_n3A_160 = arith.select %ge3A_156, %add3A_153, %mul3A_159 : vector<50x50xi1>, vector<50x50xf32>
    %eq3A = arith.constant 1.000000e+00 : f32
    %eq3A_161 = vector.broadcast %eq3A : f32 to vector<50x50xf32>
    %eq3A_162 = arith.cmpf oeq, %get3A_117, %eq3A_161 : vector<50x50xf32>
    %eq3A_163 = arith.constant 2.000000e+00 : f32
    %eq3A_164 = vector.broadcast %eq3A_163 : f32 to vector<50x50xf32>
    %eq3A_165 = arith.cmpf oeq, %get3A_117, %eq3A_164 : vector<50x50xf32>
    %jit3A = arith.constant -9.000000e+15 : f32
    %broadcast_in_dim3A_166 = vector.broadcast %jit3A : f32 to vector<50x50xf32>
    %select_n3A_167 = arith.select %eq3A_165, %select_n3A_160, %broadcast_in_dim3A_166 : vector<50x50xi1>, vector<50x50xf32>
    %select_n3A_168 = arith.select %eq3A_162, %select_n3A_144, %select_n3A_167 : vector<50x50xi1>, vector<50x50xf32>
    %reduce_max3A = arith.constant dense<0xFF800000> : vector<50xf32>
    %reduce_max3A_169 = vector.multi_reduction <maximumf>, %select_n3A_168, %reduce_max3A [1] : vector<50x50xf32> to vector<50xf32>
    %broadcast_in_dim3A_170 = vector.shape_cast %reduce_max3A_169 : vector<50xf32> to vector<50x1xf32>
    %sub3A_171 = vector.broadcast %broadcast_in_dim3A_170 : vector<50x1xf32> to vector<50x50xf32>
    %sub3A_172 = arith.subf %select_n3A_168, %sub3A_171 : vector<50x50xf32>
    %exp3A_173 = math.exp %sub3A_172 : vector<50x50xf32>
    %reduce_sum3A_174 = arith.constant dense<0.000000e+00> : vector<50xf32>
    %reduce_sum3A_175 = vector.multi_reduction <add>, %exp3A_173, %reduce_sum3A_174 [1] : vector<50x50xf32> to vector<50xf32>
    %broadcast_in_dim3A_176 = vector.shape_cast %reduce_sum3A_175 : vector<50xf32> to vector<50x1xf32>
    %div3A_177 = vector.broadcast %broadcast_in_dim3A_176 : vector<50x1xf32> to vector<50x50xf32>
    %div3A_178 = arith.divf %exp3A_173, %div3A_177 : vector<50x50xf32>
    %dot_general3A_179 = arith.constant dense<0.000000e+00> : vector<50x64xf32>
    %dot_general3A_180 = tpu.matmul %div3A_178, %div3A_5, %dot_general3A_179 {dimension_numbers = #tpu.dot_dimension_numbers<[1], [0], [0], [1], [0, 0, 1, 1], [], []>, transpose_lhs_hint = false} : vector<50x50xf32>, vector<50x64xf32>, vector<50x64xf32> -> vector<50x64xf32>
    %add3A_181 = arith.addf %dot_general3A_180, %add3A_112 : vector<50x64xf32>
    %mul3A_182 = arith.mulf %dot_general3A_180, %add3A_112 : vector<50x64xf32>
    %add3A_183 = arith.addf %add3A_181, %mul3A_182 : vector<50x64xf32>
    %get3A_184 = arith.constant 0 : index
    %get3A_185 = arith.constant 0 : index
    %get3A_186 = arith.constant 0 : index
    %get3A_187 = vector.load %arg7[%get3A_184, %get3A_185, %get3A_186] : memref<16x50x50xf32, #tpu.memory_space<vmem>>, vector<1x50x50xf32>
    %get3A_188 = vector.shape_cast %get3A_187 : vector<1x50x50xf32> to vector<50x50xf32>
    %dot_general3A_189 = arith.constant dense<0.000000e+00> : vector<50x64xf32>
    %dot_general3A_190 = tpu.matmul %get3A_188, %add3A_183, %dot_general3A_189 {dimension_numbers = #tpu.dot_dimension_numbers<[1], [0], [0], [1], [0, 0, 1, 1], [], []>, transpose_lhs_hint = false} : vector<50x50xf32>, vector<50x64xf32>, vector<50x64xf32> -> vector<50x64xf32>
    %get3A_191 = arith.constant 0 : index
    %get3A_192 = arith.constant 0 : index
    %get3A_193 = vector.load %arg19[%get3A_191, %get3A_192] : memref<51x64xf32, #tpu.memory_space<vmem>>, vector<50x64xf32>
    %add3A_194 = arith.addf %dot_general3A_190, %get3A_193 : vector<50x64xf32>
    %mul3A_195 = vector.broadcast %get3A_22 : vector<50x1xf32> to vector<50x64xf32>
    %mul3A_196 = arith.mulf %add3A_194, %mul3A_195 : vector<50x64xf32>
    %reduce_sum3A_197 = arith.constant dense<0.000000e+00> : vector<64xf32>
    %reduce_sum3A_198 = vector.multi_reduction <add>, %mul3A_196, %reduce_sum3A_197 [0] : vector<50x64xf32> to vector<64xf32>
    %broadcast_in_dim3A_199 = vector.shape_cast %reduce_sum3A_198 : vector<64xf32> to vector<1x64xf32>
    %div3A_200 = vector.broadcast %reduce_sum3A_27 : f32 to vector<1x64xf32>
    %div3A_201 = arith.divf %broadcast_in_dim3A_199, %div3A_200 : vector<1x64xf32>
    %get3A_202 = arith.constant 0 : index
    %get3A_203 = arith.constant 0 : index
    %get3A_204 = vector.load %arg14[%get3A_202, %get3A_203] : memref<64x64xf32, #tpu.memory_space<vmem>>, vector<64x64xf32>
    %dot_general3A_205 = arith.constant dense<0.000000e+00> : vector<50x64xf32>
    %dot_general3A_206 = tpu.matmul %add3A_194, %get3A_204, %dot_general3A_205 {dimension_numbers = #tpu.dot_dimension_numbers<[1], [1], [0], [0], [0, 0, 1, 0], [], []>, transpose_lhs_hint = false} : vector<50x64xf32>, vector<64x64xf32>, vector<50x64xf32> -> vector<50x64xf32>
    %get3A_207 = arith.constant 0 : index
    %get3A_208 = arith.constant 0 : index
    %get3A_209 = vector.load %arg15[%get3A_207, %get3A_208] : memref<1x64xf32, #tpu.memory_space<vmem>>, vector<1x64xf32>
    %add3A_210 = vector.broadcast %get3A_209 : vector<1x64xf32> to vector<50x64xf32>
    %add3A_211 = arith.addf %dot_general3A_206, %add3A_210 : vector<50x64xf32>
    %get3A_212 = arith.constant 0 : index
    %get3A_213 = arith.constant 0 : index
    %get3A_214 = vector.load %arg16[%get3A_212, %get3A_213] : memref<64x64xf32, #tpu.memory_space<vmem>>, vector<64x64xf32>
    %dot_general3A_215 = arith.constant dense<0.000000e+00> : vector<1x64xf32>
    %dot_general3A_216 = tpu.matmul %div3A_201, %get3A_214, %dot_general3A_215 {dimension_numbers = #tpu.dot_dimension_numbers<[1], [1], [0], [0], [0, 0, 1, 0], [], []>, transpose_lhs_hint = false} : vector<1x64xf32>, vector<64x64xf32>, vector<1x64xf32> -> vector<1x64xf32>
    %get3A_217 = arith.constant 0 : index
    %get3A_218 = arith.constant 0 : index
    %get3A_219 = vector.load %arg17[%get3A_217, %get3A_218] : memref<1x64xf32, #tpu.memory_space<vmem>>, vector<1x64xf32>
    %add3A_220 = arith.addf %dot_general3A_216, %get3A_219 : vector<1x64xf32>
    %add3A_221 = vector.broadcast %add3A_220 : vector<1x64xf32> to vector<50x64xf32>
    %add3A_222 = arith.addf %add3A_211, %add3A_221 : vector<50x64xf32>
    %logistic3A = arith.negf %add3A_222 : vector<50x64xf32>
    %logistic3A_223 = math.exp %logistic3A : vector<50x64xf32>
    %logistic3A_224 = arith.constant 1.000000e+00 : f32
    %logistic3A_225 = vector.broadcast %logistic3A_224 : f32 to vector<50x64xf32>
    %logistic3A_226 = arith.addf %logistic3A_225, %logistic3A_223 : vector<50x64xf32>
    %logistic3A_227 = arith.divf %logistic3A_225, %logistic3A_226 : vector<50x64xf32>
    %get3A_228 = arith.constant 0 : index
    %get3A_229 = arith.constant 0 : index
    %get3A_230 = vector.load %arg18[%get3A_228, %get3A_229] : memref<1x64xf32, #tpu.memory_space<vmem>>, vector<1x64xf32>
    %dot_general3A_231 = arith.constant dense<0.000000e+00> : vector<50x1xf32>
    %dot_general3A_232 = tpu.matmul %logistic3A_227, %get3A_230, %dot_general3A_231 {dimension_numbers = #tpu.dot_dimension_numbers<[1], [1], [0], [0], [0, 0, 1, 0], [], []>, transpose_lhs_hint = false} : vector<50x64xf32>, vector<1x64xf32>, vector<50x1xf32> -> vector<50x1xf32>
    %mul3A_233 = vector.broadcast %dot_general3A_232 : vector<50x1xf32> to vector<50x64xf32>
    %mul3A_234 = arith.mulf %mul3A_233, %dot_general3A_190 : vector<50x64xf32>
    %mul3A_235 = vector.broadcast %get3A_22 : vector<50x1xf32> to vector<50x64xf32>
    %mul3A_236 = arith.mulf %mul3A_234, %mul3A_235 : vector<50x64xf32>
    %reduce_sum3A_237 = arith.constant dense<0.000000e+00> : vector<64xf32>
    %reduce_sum3A_238 = vector.multi_reduction <add>, %mul3A_236, %reduce_sum3A_237 [0] : vector<50x64xf32> to vector<64xf32>
    %broadcast_in_dim3A_239 = vector.shape_cast %reduce_sum3A_238 : vector<64xf32> to vector<1x64xf32>
    %get3A_240 = arith.constant 50 : index
    %get3A_241 = arith.constant 0 : index
    %get3A_242 = vector.load %arg19[%get3A_240, %get3A_241] : memref<51x64xf32, #tpu.memory_space<vmem>>, vector<1x64xf32>
    %mul3A_243 = vector.broadcast %get3A_22 : vector<50x1xf32> to vector<50x64xf32>
    %mul3A_244 = arith.mulf %get3A_193, %mul3A_243 : vector<50x64xf32>
    %reduce_sum3A_245 = arith.constant dense<0.000000e+00> : vector<64xf32>
    %reduce_sum3A_246 = vector.multi_reduction <add>, %mul3A_244, %reduce_sum3A_245 [0] : vector<50x64xf32> to vector<64xf32>
    %broadcast_in_dim3A_247 = vector.shape_cast %reduce_sum3A_246 : vector<64xf32> to vector<1x64xf32>
    %div3A_248 = vector.broadcast %reduce_sum3A_27 : f32 to vector<1x64xf32>
    %div3A_249 = arith.divf %broadcast_in_dim3A_247, %div3A_248 : vector<1x64xf32>
    %mul3A_250 = arith.mulf %get3A_242, %div3A_249 : vector<1x64xf32>
    %add3A_251 = arith.addf %broadcast_in_dim3A_239, %mul3A_250 : vector<1x64xf32>
    %swap3A = arith.constant 0 : index
    %swap3A_252 = arith.constant 0 : index
    %swap3A_253 = arith.constant 0 : index
    %swap3A_254 = vector.load %arg20[%swap3A, %swap3A_252, %swap3A_253] : memref<16x1x64xf32, #tpu.memory_space<vmem>>, vector<1x1x64xf32>
    %swap3A_255 = vector.shape_cast %swap3A_254 : vector<1x1x64xf32> to vector<1x64xf32>
    %swap3A_256 = vector.shape_cast %add3A_251 : vector<1x64xf32> to vector<1x1x64xf32>
    tpu.vector_store %arg20[%swap3A, %swap3A_252, %swap3A_253], %swap3A_256 {strides = array<i32>} : memref<16x1x64xf32, #tpu.memory_space<vmem>>, vector<1x1x64xf32>,
    %get3A_257 = arith.constant 1 : index
    %get3A_258 = arith.constant 0 : index
    %get3A_259 = arith.constant 0 : index
    %get3A_260 = vector.load %arg1[%get3A_257, %get3A_258, %get3A_259] : memref<16x50x64xf32, #tpu.memory_space<vmem>>, vector<1x50x64xf32>
    %get3A_261 = vector.shape_cast %get3A_260 : vector<1x50x64xf32> to vector<50x64xf32>
    %mul3A_262 = arith.mulf %get3A_261, %get3A_261 : vector<50x64xf32>
    %reduce_sum3A_263 = arith.constant dense<0.000000e+00> : vector<50xf32>
    %reduce_sum3A_264 = vector.multi_reduction <add>, %mul3A_262, %reduce_sum3A_263 [1] : vector<50x64xf32> to vector<50xf32>
    %broadcast_in_dim3A_265 = vector.shape_cast %reduce_sum3A_264 : vector<50xf32> to vector<50x1xf32>
    %sqrt3A_266 = math.sqrt %broadcast_in_dim3A_265 : vector<50x1xf32>
    %div3A_267 = vector.broadcast %sqrt3A_266 : vector<50x1xf32> to vector<50x64xf32>
    %div3A_268 = arith.divf %get3A_261, %div3A_267 : vector<50x64xf32>
    %get3A_269 = arith.constant 1 : index
    %get3A_270 = arith.constant 0 : index
    %get3A_271 = arith.constant 0 : index
    %get3A_272 = vector.load %arg2[%get3A_269, %get3A_270, %get3A_271] : memref<16x50x64xf32, #tpu.memory_space<vmem>>, vector<1x50x64xf32>
    %get3A_273 = vector.shape_cast %get3A_272 : vector<1x50x64xf32> to vector<50x64xf32>
    %mul3A_274 = arith.mulf %get3A_273, %get3A_273 : vector<50x64xf32>
    %reduce_sum3A_275 = arith.constant dense<0.000000e+00> : vector<50xf32>
    %reduce_sum3A_276 = vector.multi_reduction <add>, %mul3A_274, %reduce_sum3A_275 [1] : vector<50x64xf32> to vector<50xf32>
    %broadcast_in_dim3A_277 = vector.shape_cast %reduce_sum3A_276 : vector<50xf32> to vector<50x1xf32>
    %sqrt3A_278 = math.sqrt %broadcast_in_dim3A_277 : vector<50x1xf32>
    %div3A_279 = vector.broadcast %sqrt3A_278 : vector<50x1xf32> to vector<50x64xf32>
    %div3A_280 = arith.divf %get3A_273, %div3A_279 : vector<50x64xf32>
    %get3A_281 = arith.constant 1 : index
    %get3A_282 = arith.constant 0 : index
    %get3A_283 = arith.constant 0 : index
    %get3A_284 = vector.load %arg8[%get3A_281, %get3A_282, %get3A_283] : memref<16x50x1xf32, #tpu.memory_space<vmem>>, vector<1x50x1xf32>
    %get3A_285 = vector.shape_cast %get3A_284 : vector<1x50x1xf32> to vector<50x1xf32>
    %reduce_sum3A_286 = vector.shape_cast %get3A_285 : vector<50x1xf32> to vector<1x50x1xf32>
    %reduce_sum3A_287 = arith.constant dense<0.000000e+00> : vector<1xf32>
    %reduce_sum3A_288 = vector.multi_reduction <add>, %reduce_sum3A_286, %reduce_sum3A_287 [1, 2] : vector<1x50x1xf32> to vector<1xf32>
    %reduce_sum3A_289 = vector.shape_cast %reduce_sum3A_288 : vector<1xf32> to vector<1x1x1xf32>
    %reduce_sum3A_290 = vector.extract %reduce_sum3A_289[0, 0, 0] : f32 from vector<1x1x1xf32>
    %mul3A_291 = vector.broadcast %get3A_285 : vector<50x1xf32> to vector<50x64xf32>
    %mul3A_292 = arith.mulf %div3A_280, %mul3A_291 : vector<50x64xf32>
    %reduce_sum3A_293 = arith.constant dense<0.000000e+00> : vector<64xf32>
    %reduce_sum3A_294 = vector.multi_reduction <add>, %mul3A_292, %reduce_sum3A_293 [0] : vector<50x64xf32> to vector<64xf32>
    %broadcast_in_dim3A_295 = vector.shape_cast %reduce_sum3A_294 : vector<64xf32> to vector<1x64xf32>
    %div3A_296 = vector.broadcast %reduce_sum3A_290 : f32 to vector<1x64xf32>
    %div3A_297 = arith.divf %broadcast_in_dim3A_295, %div3A_296 : vector<1x64xf32>
    %get3A_298 = arith.constant 0 : index
    %get3A_299 = arith.constant 0 : index
    %get3A_300 = vector.load %arg9[%get3A_298, %get3A_299] : memref<1x64xf32, #tpu.memory_space<vmem>>, vector<1x64xf32>
    %get3A_301 = arith.constant 1 : index
    %get3A_302 = arith.constant 0 : index
    %get3A_303 = arith.constant 0 : index
    %get3A_304 = vector.load %arg3[%get3A_301, %get3A_302, %get3A_303] : memref<16x50x64xf32, #tpu.memory_space<vmem>>, vector<1x50x64xf32>
    %get3A_305 = vector.shape_cast %get3A_304 : vector<1x50x64xf32> to vector<50x64xf32>
    %get3A_306 = arith.constant 1 : index
    %get3A_307 = arith.constant 0 : index
    %get3A_308 = arith.constant 0 : index
    %get3A_309 = vector.load %arg4[%get3A_306, %get3A_307, %get3A_308] : memref<16x50x64xf32, #tpu.memory_space<vmem>>, vector<1x50x64xf32>
    %get3A_310 = vector.shape_cast %get3A_309 : vector<1x50x64xf32> to vector<50x64xf32>
    %get3A_311 = arith.constant 1 : index
    %get3A_312 = arith.constant 0 : index
    %get3A_313 = arith.constant 0 : index
    %get3A_314 = vector.load %arg5[%get3A_311, %get3A_312, %get3A_313] : memref<16x50x64xf32, #tpu.memory_space<vmem>>, vector<1x50x64xf32>
    %get3A_315 = vector.shape_cast %get3A_314 : vector<1x50x64xf32> to vector<50x64xf32>
    %mul3A_316 = arith.mulf %div3A_268, %get3A_305 : vector<50x64xf32>
    %mul3A_317 = vector.broadcast %get3A_300 : vector<1x64xf32> to vector<50x64xf32>
    %mul3A_318 = arith.mulf %mul3A_316, %mul3A_317 : vector<50x64xf32>
    %reduce_sum3A_319 = arith.constant dense<0.000000e+00> : vector<50xf32>
    %reduce_sum3A_320 = vector.multi_reduction <add>, %mul3A_318, %reduce_sum3A_319 [1] : vector<50x64xf32> to vector<50xf32>
    %broadcast_in_dim3A_321 = vector.shape_cast %reduce_sum3A_320 : vector<50xf32> to vector<50x1xf32>
    %ge3A_322 = arith.constant 0.000000e+00 : f32
    %ge3A_323 = vector.broadcast %ge3A_322 : f32 to vector<50x1xf32>
    %ge3A_324 = arith.cmpf oge, %broadcast_in_dim3A_321, %ge3A_323 : vector<50x1xf32>
    %mul3A_325 = arith.constant 2.000000e-01 : f32
    %mul3A_326 = vector.broadcast %mul3A_325 : f32 to vector<50x1xf32>
    %mul3A_327 = arith.mulf %mul3A_326, %broadcast_in_dim3A_321 : vector<50x1xf32>
    %select_n3A_328 = arith.select %ge3A_324, %broadcast_in_dim3A_321, %mul3A_327 : vector<50x1xi1>, vector<50x1xf32>
    %mul3A_329 = arith.mulf %div3A_268, %get3A_310 : vector<50x64xf32>
    %mul3A_330 = vector.broadcast %get3A_300 : vector<1x64xf32> to vector<50x64xf32>
    %mul3A_331 = arith.mulf %mul3A_329, %mul3A_330 : vector<50x64xf32>
    %reduce_sum3A_332 = arith.constant dense<0.000000e+00> : vector<50xf32>
    %reduce_sum3A_333 = vector.multi_reduction <add>, %mul3A_331, %reduce_sum3A_332 [1] : vector<50x64xf32> to vector<50xf32>
    %broadcast_in_dim3A_334 = vector.shape_cast %reduce_sum3A_333 : vector<50xf32> to vector<50x1xf32>
    %ge3A_335 = arith.constant 0.000000e+00 : f32
    %ge3A_336 = vector.broadcast %ge3A_335 : f32 to vector<50x1xf32>
    %ge3A_337 = arith.cmpf oge, %broadcast_in_dim3A_334, %ge3A_336 : vector<50x1xf32>
    %mul3A_338 = arith.constant 2.000000e-01 : f32
    %mul3A_339 = vector.broadcast %mul3A_338 : f32 to vector<50x1xf32>
    %mul3A_340 = arith.mulf %mul3A_339, %broadcast_in_dim3A_334 : vector<50x1xf32>
    %select_n3A_341 = arith.select %ge3A_337, %broadcast_in_dim3A_334, %mul3A_340 : vector<50x1xi1>, vector<50x1xf32>
    %mul3A_342 = arith.mulf %div3A_268, %get3A_315 : vector<50x64xf32>
    %mul3A_343 = vector.broadcast %get3A_300 : vector<1x64xf32> to vector<50x64xf32>
    %mul3A_344 = arith.mulf %mul3A_342, %mul3A_343 : vector<50x64xf32>
    %reduce_sum3A_345 = arith.constant dense<0.000000e+00> : vector<50xf32>
    %reduce_sum3A_346 = vector.multi_reduction <add>, %mul3A_344, %reduce_sum3A_345 [1] : vector<50x64xf32> to vector<50xf32>
    %broadcast_in_dim3A_347 = vector.shape_cast %reduce_sum3A_346 : vector<50xf32> to vector<50x1xf32>
    %ge3A_348 = arith.constant 0.000000e+00 : f32
    %ge3A_349 = vector.broadcast %ge3A_348 : f32 to vector<50x1xf32>
    %ge3A_350 = arith.cmpf oge, %broadcast_in_dim3A_347, %ge3A_349 : vector<50x1xf32>
    %mul3A_351 = arith.constant 2.000000e-01 : f32
    %mul3A_352 = vector.broadcast %mul3A_351 : f32 to vector<50x1xf32>
    %mul3A_353 = arith.mulf %mul3A_352, %broadcast_in_dim3A_347 : vector<50x1xf32>
    %select_n3A_354 = arith.select %ge3A_350, %broadcast_in_dim3A_347, %mul3A_353 : vector<50x1xi1>, vector<50x1xf32>
    %max3A_355 = arith.maximumf %select_n3A_341, %select_n3A_354 : vector<50x1xf32>
    %max3A_356 = arith.maximumf %select_n3A_328, %max3A_355 : vector<50x1xf32>
    %sub3A_357 = arith.subf %select_n3A_328, %max3A_356 : vector<50x1xf32>
    %exp3A_358 = math.exp %sub3A_357 : vector<50x1xf32>
    %sub3A_359 = arith.subf %select_n3A_341, %max3A_356 : vector<50x1xf32>
    %exp3A_360 = math.exp %sub3A_359 : vector<50x1xf32>
    %sub3A_361 = arith.subf %select_n3A_354, %max3A_356 : vector<50x1xf32>
    %exp3A_362 = math.exp %sub3A_361 : vector<50x1xf32>
    %add3A_363 = arith.addf %exp3A_358, %exp3A_360 : vector<50x1xf32>
    %add3A_364 = arith.addf %add3A_363, %exp3A_362 : vector<50x1xf32>
    %mul3A_365 = vector.broadcast %exp3A_358 : vector<50x1xf32> to vector<50x64xf32>
    %mul3A_366 = arith.mulf %mul3A_365, %get3A_305 : vector<50x64xf32>
    %mul3A_367 = vector.broadcast %exp3A_360 : vector<50x1xf32> to vector<50x64xf32>
    %mul3A_368 = arith.mulf %mul3A_367, %get3A_310 : vector<50x64xf32>
    %add3A_369 = arith.addf %mul3A_366, %mul3A_368 : vector<50x64xf32>
    %mul3A_370 = vector.broadcast %exp3A_362 : vector<50x1xf32> to vector<50x64xf32>
    %mul3A_371 = arith.mulf %mul3A_370, %get3A_315 : vector<50x64xf32>
    %add3A_372 = arith.addf %add3A_369, %mul3A_371 : vector<50x64xf32>
    %div3A_373 = vector.broadcast %add3A_364 : vector<50x1xf32> to vector<50x64xf32>
    %div3A_374 = arith.divf %add3A_372, %div3A_373 : vector<50x64xf32>
    %mul3A_375 = arith.constant 5.000000e-01 : f32
    %mul3A_376 = vector.broadcast %mul3A_375 : f32 to vector<50x64xf32>
    %mul3A_377 = arith.mulf %mul3A_376, %div3A_268 : vector<50x64xf32>
    %mul3A_378 = arith.constant 5.000000e-01 : f32
    %mul3A_379 = vector.broadcast %mul3A_378 : f32 to vector<50x64xf32>
    %mul3A_380 = arith.mulf %mul3A_379, %div3A_374 : vector<50x64xf32>
    %add3A_381 = arith.addf %mul3A_377, %mul3A_380 : vector<50x64xf32>
    %get3A_382 = arith.constant 1 : index
    %get3A_383 = arith.constant 0 : index
    %get3A_384 = arith.constant 0 : index
    %get3A_385 = vector.load %arg6[%get3A_382, %get3A_383, %get3A_384] : memref<16x50x50xf32, #tpu.memory_space<vmem>>, vector<1x50x50xf32>
    %get3A_386 = vector.shape_cast %get3A_385 : vector<1x50x50xf32> to vector<50x50xf32>
    %get3A_387 = arith.constant 0 : index
    %get3A_388 = arith.constant 0 : index
    %get3A_389 = vector.load %arg12[%get3A_387, %get3A_388] : memref<1x64xf32, #tpu.memory_space<vmem>>, vector<1x64xf32>
    %mul3A_390 = arith.mulf %div3A_297, %get3A_389 : vector<1x64xf32>
    %dot_general3A_391 = arith.constant dense<0.000000e+00> : vector<1x50xf32>
    %dot_general3A_392 = tpu.matmul %mul3A_390, %div3A_268, %dot_general3A_391 {dimension_numbers = #tpu.dot_dimension_numbers<[1], [1], [0], [0], [0, 0, 1, 0], [], []>, transpose_lhs_hint = false} : vector<1x64xf32>, vector<50x64xf32>, vector<1x50xf32> -> vector<1x50xf32>
    %get3A_393 = arith.constant 0 : index
    %get3A_394 = arith.constant 0 : index
    %get3A_395 = vector.load %arg13[%get3A_393, %get3A_394] : memref<1x64xf32, #tpu.memory_space<vmem>>, vector<1x64xf32>
    %mul3A_396 = arith.mulf %div3A_297, %get3A_395 : vector<1x64xf32>
    %dot_general3A_397 = arith.constant dense<0.000000e+00> : vector<1x50xf32>
    %dot_general3A_398 = tpu.matmul %mul3A_396, %div3A_268, %dot_general3A_397 {dimension_numbers = #tpu.dot_dimension_numbers<[1], [1], [0], [0], [0, 0, 1, 0], [], []>, transpose_lhs_hint = false} : vector<1x64xf32>, vector<50x64xf32>, vector<1x50xf32> -> vector<1x50xf32>
    %get3A_399 = arith.constant 0 : index
    %get3A_400 = arith.constant 0 : index
    %get3A_401 = vector.load %arg10[%get3A_399, %get3A_400] : memref<1x64xf32, #tpu.memory_space<vmem>>, vector<1x64xf32>
    %mul3A_402 = vector.broadcast %get3A_401 : vector<1x64xf32> to vector<50x64xf32>
    %mul3A_403 = arith.mulf %div3A_268, %mul3A_402 : vector<50x64xf32>
    %dot_general3A_404 = arith.constant dense<0.000000e+00> : vector<50x50xf32>
    %dot_general3A_405 = tpu.matmul %mul3A_403, %div3A_268, %dot_general3A_404 {dimension_numbers = #tpu.dot_dimension_numbers<[1], [1], [0], [0], [0, 0, 1, 0], [], []>, transpose_lhs_hint = false} : vector<50x64xf32>, vector<50x64xf32>, vector<50x50xf32> -> vector<50x50xf32>
    %add3A_406 = vector.broadcast %dot_general3A_392 : vector<1x50xf32> to vector<50x50xf32>
    %add3A_407 = arith.addf %dot_general3A_405, %add3A_406 : vector<50x50xf32>
    %ge3A_408 = arith.constant 0.000000e+00 : f32
    %ge3A_409 = vector.broadcast %ge3A_408 : f32 to vector<50x50xf32>
    %ge3A_410 = arith.cmpf oge, %add3A_407, %ge3A_409 : vector<50x50xf32>
    %mul3A_411 = arith.constant 2.000000e-01 : f32
    %mul3A_412 = vector.broadcast %mul3A_411 : f32 to vector<50x50xf32>
    %mul3A_413 = arith.mulf %mul3A_412, %add3A_407 : vector<50x50xf32>
    %select_n3A_414 = arith.select %ge3A_410, %add3A_407, %mul3A_413 : vector<50x50xi1>, vector<50x50xf32>
    %get3A_415 = arith.constant 0 : index
    %get3A_416 = arith.constant 0 : index
    %get3A_417 = vector.load %arg11[%get3A_415, %get3A_416] : memref<1x64xf32, #tpu.memory_space<vmem>>, vector<1x64xf32>
    %mul3A_418 = vector.broadcast %get3A_417 : vector<1x64xf32> to vector<50x64xf32>
    %mul3A_419 = arith.mulf %div3A_268, %mul3A_418 : vector<50x64xf32>
    %dot_general3A_420 = arith.constant dense<0.000000e+00> : vector<50x50xf32>
    %dot_general3A_421 = tpu.matmul %mul3A_419, %div3A_268, %dot_general3A_420 {dimension_numbers = #tpu.dot_dimension_numbers<[1], [1], [0], [0], [0, 0, 1, 0], [], []>, transpose_lhs_hint = false} : vector<50x64xf32>, vector<50x64xf32>, vector<50x50xf32> -> vector<50x50xf32>
    %add3A_422 = vector.broadcast %dot_general3A_398 : vector<1x50xf32> to vector<50x50xf32>
    %add3A_423 = arith.addf %dot_general3A_421, %add3A_422 : vector<50x50xf32>
    %ge3A_424 = arith.constant 0.000000e+00 : f32
    %ge3A_425 = vector.broadcast %ge3A_424 : f32 to vector<50x50xf32>
    %ge3A_426 = arith.cmpf oge, %add3A_423, %ge3A_425 : vector<50x50xf32>
    %mul3A_427 = arith.constant 2.000000e-01 : f32
    %mul3A_428 = vector.broadcast %mul3A_427 : f32 to vector<50x50xf32>
    %mul3A_429 = arith.mulf %mul3A_428, %add3A_423 : vector<50x50xf32>
    %select_n3A_430 = arith.select %ge3A_426, %add3A_423, %mul3A_429 : vector<50x50xi1>, vector<50x50xf32>
    %eq3A_431 = arith.constant 1.000000e+00 : f32
    %eq3A_432 = vector.broadcast %eq3A_431 : f32 to vector<50x50xf32>
    %eq3A_433 = arith.cmpf oeq, %get3A_386, %eq3A_432 : vector<50x50xf32>
    %eq3A_434 = arith.constant 2.000000e+00 : f32
    %eq3A_435 = vector.broadcast %eq3A_434 : f32 to vector<50x50xf32>
    %eq3A_436 = arith.cmpf oeq, %get3A_386, %eq3A_435 : vector<50x50xf32>
    %jit3A_437 = arith.constant -9.000000e+15 : f32
    %broadcast_in_dim3A_438 = vector.broadcast %jit3A_437 : f32 to vector<50x50xf32>
    %select_n3A_439 = arith.select %eq3A_436, %select_n3A_430, %broadcast_in_dim3A_438 : vector<50x50xi1>, vector<50x50xf32>
    %select_n3A_440 = arith.select %eq3A_433, %select_n3A_414, %select_n3A_439 : vector<50x50xi1>, vector<50x50xf32>
    %reduce_max3A_441 = arith.constant dense<0xFF800000> : vector<50xf32>
    %reduce_max3A_442 = vector.multi_reduction <maximumf>, %select_n3A_440, %reduce_max3A_441 [1] : vector<50x50xf32> to vector<50xf32>
    %broadcast_in_dim3A_443 = vector.shape_cast %reduce_max3A_442 : vector<50xf32> to vector<50x1xf32>
    %sub3A_444 = vector.broadcast %broadcast_in_dim3A_443 : vector<50x1xf32> to vector<50x50xf32>
    %sub3A_445 = arith.subf %select_n3A_440, %sub3A_444 : vector<50x50xf32>
    %exp3A_446 = math.exp %sub3A_445 : vector<50x50xf32>
    %reduce_sum3A_447 = arith.constant dense<0.000000e+00> : vector<50xf32>
    %reduce_sum3A_448 = vector.multi_reduction <add>, %exp3A_446, %reduce_sum3A_447 [1] : vector<50x50xf32> to vector<50xf32>
    %broadcast_in_dim3A_449 = vector.shape_cast %reduce_sum3A_448 : vector<50xf32> to vector<50x1xf32>
    %div3A_450 = vector.broadcast %broadcast_in_dim3A_449 : vector<50x1xf32> to vector<50x50xf32>
    %div3A_451 = arith.divf %exp3A_446, %div3A_450 : vector<50x50xf32>
    %dot_general3A_452 = arith.constant dense<0.000000e+00> : vector<50x64xf32>
    %dot_general3A_453 = tpu.matmul %div3A_451, %div3A_268, %dot_general3A_452 {dimension_numbers = #tpu.dot_dimension_numbers<[1], [0], [0], [1], [0, 0, 1, 1], [], []>, transpose_lhs_hint = false} : vector<50x50xf32>, vector<50x64xf32>, vector<50x64xf32> -> vector<50x64xf32>
    %add3A_454 = arith.addf %dot_general3A_453, %add3A_381 : vector<50x64xf32>
    %mul3A_455 = arith.mulf %dot_general3A_453, %add3A_381 : vector<50x64xf32>
    %add3A_456 = arith.addf %add3A_454, %mul3A_455 : vector<50x64xf32>
    %get3A_457 = arith.constant 1 : index
    %get3A_458 = arith.constant 0 : index
    %get3A_459 = arith.constant 0 : index
    %get3A_460 = vector.load %arg7[%get3A_457, %get3A_458, %get3A_459] : memref<16x50x50xf32, #tpu.memory_space<vmem>>, vector<1x50x50xf32>
    %get3A_461 = vector.shape_cast %get3A_460 : vector<1x50x50xf32> to vector<50x50xf32>
    %dot_general3A_462 = arith.constant dense<0.000000e+00> : vector<50x64xf32>
    %dot_general3A_463 = tpu.matmul %get3A_461, %add3A_456, %dot_general3A_462 {dimension_numbers = #tpu.dot_dimension_numbers<[1], [0], [0], [1], [0, 0, 1, 1], [], []>, transpose_lhs_hint = false} : vector<50x50xf32>, vector<50x64xf32>, vector<50x64xf32> -> vector<50x64xf32>
    %get3A_464 = arith.constant 0 : index
    %get3A_465 = arith.constant 0 : index
    %get3A_466 = vector.load %arg19[%get3A_464, %get3A_465] : memref<51x64xf32, #tpu.memory_space<vmem>>, vector<50x64xf32>
    %add3A_467 = arith.addf %dot_general3A_463, %get3A_466 : vector<50x64xf32>
    %mul3A_468 = vector.broadcast %get3A_285 : vector<50x1xf32> to vector<50x64xf32>
    %mul3A_469 = arith.mulf %add3A_467, %mul3A_468 : vector<50x64xf32>
    %reduce_sum3A_470 = arith.constant dense<0.000000e+00> : vector<64xf32>
    %reduce_sum3A_471 = vector.multi_reduction <add>, %mul3A_469, %reduce_sum3A_470 [0] : vector<50x64xf32> to vector<64xf32>
    %broadcast_in_dim3A_472 = vector.shape_cast %reduce_sum3A_471 : vector<64xf32> to vector<1x64xf32>
    %div3A_473 = vector.broadcast %reduce_sum3A_290 : f32 to vector<1x64xf32>
    %div3A_474 = arith.divf %broadcast_in_dim3A_472, %div3A_473 : vector<1x64xf32>
    %get3A_475 = arith.constant 0 : index
    %get3A_476 = arith.constant 0 : index
    %get3A_477 = vector.load %arg14[%get3A_475, %get3A_476] : memref<64x64xf32, #tpu.memory_space<vmem>>, vector<64x64xf32>
    %dot_general3A_478 = arith.constant dense<0.000000e+00> : vector<50x64xf32>
    %dot_general3A_479 = tpu.matmul %add3A_467, %get3A_477, %dot_general3A_478 {dimension_numbers = #tpu.dot_dimension_numbers<[1], [1], [0], [0], [0, 0, 1, 0], [], []>, transpose_lhs_hint = false} : vector<50x64xf32>, vector<64x64xf32>, vector<50x64xf32> -> vector<50x64xf32>
    %get3A_480 = arith.constant 0 : index
    %get3A_481 = arith.constant 0 : index
    %get3A_482 = vector.load %arg15[%get3A_480, %get3A_481] : memref<1x64xf32, #tpu.memory_space<vmem>>, vector<1x64xf32>
    %add3A_483 = vector.broadcast %get3A_482 : vector<1x64xf32> to vector<50x64xf32>
    %add3A_484 = arith.addf %dot_general3A_479, %add3A_483 : vector<50x64xf32>
    %get3A_485 = arith.constant 0 : index
    %get3A_486 = arith.constant 0 : index
    %get3A_487 = vector.load %arg16[%get3A_485, %get3A_486] : memref<64x64xf32, #tpu.memory_space<vmem>>, vector<64x64xf32>
    %dot_general3A_488 = arith.constant dense<0.000000e+00> : vector<1x64xf32>
    %dot_general3A_489 = tpu.matmul %div3A_474, %get3A_487, %dot_general3A_488 {dimension_numbers = #tpu.dot_dimension_numbers<[1], [1], [0], [0], [0, 0, 1, 0], [], []>, transpose_lhs_hint = false} : vector<1x64xf32>, vector<64x64xf32>, vector<1x64xf32> -> vector<1x64xf32>
    %get3A_490 = arith.constant 0 : index
    %get3A_491 = arith.constant 0 : index
    %get3A_492 = vector.load %arg17[%get3A_490, %get3A_491] : memref<1x64xf32, #tpu.memory_space<vmem>>, vector<1x64xf32>
    %add3A_493 = arith.addf %dot_general3A_489, %get3A_492 : vector<1x64xf32>
    %add3A_494 = vector.broadcast %add3A_493 : vector<1x64xf32> to vector<50x64xf32>
    %add3A_495 = arith.addf %add3A_484, %add3A_494 : vector<50x64xf32>
    %logistic3A_496 = arith.negf %add3A_495 : vector<50x64xf32>
    %logistic3A_497 = math.exp %logistic3A_496 : vector<50x64xf32>
    %logistic3A_498 = arith.constant 1.000000e+00 : f32
    %logistic3A_499 = vector.broadcast %logistic3A_498 : f32 to vector<50x64xf32>
    %logistic3A_500 = arith.addf %logistic3A_499, %logistic3A_497 : vector<50x64xf32>
    %logistic3A_501 = arith.divf %logistic3A_499, %logistic3A_500 : vector<50x64xf32>
    %get3A_502 = arith.constant 0 : index
    %get3A_503 = arith.constant 0 : index
    %get3A_504 = vector.load %arg18[%get3A_502, %get3A_503] : memref<1x64xf32, #tpu.memory_space<vmem>>, vector<1x64xf32>
    %dot_general3A_505 = arith.constant dense<0.000000e+00> : vector<50x1xf32>
    %dot_general3A_506 = tpu.matmul %logistic3A_501, %get3A_504, %dot_general3A_505 {dimension_numbers = #tpu.dot_dimension_numbers<[1], [1], [0], [0], [0, 0, 1, 0], [], []>, transpose_lhs_hint = false} : vector<50x64xf32>, vector<1x64xf32>, vector<50x1xf32> -> vector<50x1xf32>
    %mul3A_507 = vector.broadcast %dot_general3A_506 : vector<50x1xf32> to vector<50x64xf32>
    %mul3A_508 = arith.mulf %mul3A_507, %dot_general3A_463 : vector<50x64xf32>
    %mul3A_509 = vector.broadcast %get3A_285 : vector<50x1xf32> to vector<50x64xf32>
    %mul3A_510 = arith.mulf %mul3A_508, %mul3A_509 : vector<50x64xf32>
    %reduce_sum3A_511 = arith.constant dense<0.000000e+00> : vector<64xf32>
    %reduce_sum3A_512 = vector.multi_reduction <add>, %mul3A_510, %reduce_sum3A_511 [0] : vector<50x64xf32> to vector<64xf32>
    %broadcast_in_dim3A_513 = vector.shape_cast %reduce_sum3A_512 : vector<64xf32> to vector<1x64xf32>
    %get3A_514 = arith.constant 50 : index
    %get3A_515 = arith.constant 0 : index
    %get3A_516 = vector.load %arg19[%get3A_514, %get3A_515] : memref<51x64xf32, #tpu.memory_space<vmem>>, vector<1x64xf32>
    %mul3A_517 = vector.broadcast %get3A_285 : vector<50x1xf32> to vector<50x64xf32>
    %mul3A_518 = arith.mulf %get3A_466, %mul3A_517 : vector<50x64xf32>
    %reduce_sum3A_519 = arith.constant dense<0.000000e+00> : vector<64xf32>
    %reduce_sum3A_520 = vector.multi_reduction <add>, %mul3A_518, %reduce_sum3A_519 [0] : vector<50x64xf32> to vector<64xf32>
    %broadcast_in_dim3A_521 = vector.shape_cast %reduce_sum3A_520 : vector<64xf32> to vector<1x64xf32>
    %div3A_522 = vector.broadcast %reduce_sum3A_290 : f32 to vector<1x64xf32>
    %div3A_523 = arith.divf %broadcast_in_dim3A_521, %div3A_522 : vector<1x64xf32>
    %mul3A_524 = arith.mulf %get3A_516, %div3A_523 : vector<1x64xf32>
    %add3A_525 = arith.addf %broadcast_in_dim3A_513, %mul3A_524 : vector<1x64xf32>
    %swap3A_526 = arith.constant 1 : index
    %swap3A_527 = arith.constant 0 : index
    %swap3A_528 = arith.constant 0 : index
    %swap3A_529 = vector.load %arg20[%swap3A_526, %swap3A_527, %swap3A_528] : memref<16x1x64xf32, #tpu.memory_space<vmem>>, vector<1x1x64xf32>
    %swap3A_530 = vector.shape_cast %swap3A_529 : vector<1x1x64xf32> to vector<1x64xf32>
    %swap3A_531 = vector.shape_cast %add3A_525 : vector<1x64xf32> to vector<1x1x64xf32>
    tpu.vector_store %arg20[%swap3A_526, %swap3A_527, %swap3A_528], %swap3A_531 {strides = array<i32>} : memref<16x1x64xf32, #tpu.memory_space<vmem>>, vector<1x1x64xf32>,
    %get3A_532 = arith.constant 2 : index
    %get3A_533 = arith.constant 0 : index
    %get3A_534 = arith.constant 0 : index
    %get3A_535 = vector.load %arg1[%get3A_532, %get3A_533, %get3A_534] : memref<16x50x64xf32, #tpu.memory_space<vmem>>, vector<1x50x64xf32>
    %get3A_536 = vector.shape_cast %get3A_535 : vector<1x50x64xf32> to vector<50x64xf32>
    %mul3A_537 = arith.mulf %get3A_536, %get3A_536 : vector<50x64xf32>
    %reduce_sum3A_538 = arith.constant dense<0.000000e+00> : vector<50xf32>
    %reduce_sum3A_539 = vector.multi_reduction <add>, %mul3A_537, %reduce_sum3A_538 [1] : vector<50x64xf32> to vector<50xf32>
    %broadcast_in_dim3A_540 = vector.shape_cast %reduce_sum3A_539 : vector<50xf32> to vector<50x1xf32>
    %sqrt3A_541 = math.sqrt %broadcast_in_dim3A_540 : vector<50x1xf32>
    %div3A_542 = vector.broadcast %sqrt3A_541 : vector<50x1xf32> to vector<50x64xf32>
    %div3A_543 = arith.divf %get3A_536, %div3A_542 : vector<50x64xf32>
    %get3A_544 = arith.constant 2 : index
    %get3A_545 = arith.constant 0 : index
    %get3A_546 = arith.constant 0 : index
    %get3A_547 = vector.load %arg2[%get3A_544, %get3A_545, %get3A_546] : memref<16x50x64xf32, #tpu.memory_space<vmem>>, vector<1x50x64xf32>
    %get3A_548 = vector.shape_cast %get3A_547 : vector<1x50x64xf32> to vector<50x64xf32>
    %mul3A_549 = arith.mulf %get3A_548, %get3A_548 : vector<50x64xf32>
    %reduce_sum3A_550 = arith.constant dense<0.000000e+00> : vector<50xf32>
    %reduce_sum3A_551 = vector.multi_reduction <add>, %mul3A_549, %reduce_sum3A_550 [1] : vector<50x64xf32> to vector<50xf32>
    %broadcast_in_dim3A_552 = vector.shape_cast %reduce_sum3A_551 : vector<50xf32> to vector<50x1xf32>
    %sqrt3A_553 = math.sqrt %broadcast_in_dim3A_552 : vector<50x1xf32>
    %div3A_554 = vector.broadcast %sqrt3A_553 : vector<50x1xf32> to vector<50x64xf32>
    %div3A_555 = arith.divf %get3A_548, %div3A_554 : vector<50x64xf32>
    %get3A_556 = arith.constant 2 : index
    %get3A_557 = arith.constant 0 : index
    %get3A_558 = arith.constant 0 : index
    %get3A_559 = vector.load %arg8[%get3A_556, %get3A_557, %get3A_558] : memref<16x50x1xf32, #tpu.memory_space<vmem>>, vector<1x50x1xf32>
    %get3A_560 = vector.shape_cast %get3A_559 : vector<1x50x1xf32> to vector<50x1xf32>
    %reduce_sum3A_561 = vector.shape_cast %get3A_560 : vector<50x1xf32> to vector<1x50x1xf32>
    %reduce_sum3A_562 = arith.constant dense<0.000000e+00> : vector<1xf32>
    %reduce_sum3A_563 = vector.multi_reduction <add>, %reduce_sum3A_561, %reduce_sum3A_562 [1, 2] : vector<1x50x1xf32> to vector<1xf32>
    %reduce_sum3A_564 = vector.shape_cast %reduce_sum3A_563 : vector<1xf32> to vector<1x1x1xf32>
    %reduce_sum3A_565 = vector.extract %reduce_sum3A_564[0, 0, 0] : f32 from vector<1x1x1xf32>
    %mul3A_566 = vector.broadcast %get3A_560 : vector<50x1xf32> to vector<50x64xf32>
    %mul3A_567 = arith.mulf %div3A_555, %mul3A_566 : vector<50x64xf32>
    %reduce_sum3A_568 = arith.constant dense<0.000000e+00> : vector<64xf32>
    %reduce_sum3A_569 = vector.multi_reduction <add>, %mul3A_567, %reduce_sum3A_568 [0] : vector<50x64xf32> to vector<64xf32>
    %broadcast_in_dim3A_570 = vector.shape_cast %reduce_sum3A_569 : vector<64xf32> to vector<1x64xf32>
    %div3A_571 = vector.broadcast %reduce_sum3A_565 : f32 to vector<1x64xf32>
    %div3A_572 = arith.divf %broadcast_in_dim3A_570, %div3A_571 : vector<1x64xf32>
    %get3A_573 = arith.constant 0 : index
    %get3A_574 = arith.constant 0 : index
    %get3A_575 = vector.load %arg9[%get3A_573, %get3A_574] : memref<1x64xf32, #tpu.memory_space<vmem>>, vector<1x64xf32>
    %get3A_576 = arith.constant 2 : index
    %get3A_577 = arith.constant 0 : index
    %get3A_578 = arith.constant 0 : index
    %get3A_579 = vector.load %arg3[%get3A_576, %get3A_577, %get3A_578] : memref<16x50x64xf32, #tpu.memory_space<vmem>>, vector<1x50x64xf32>
    %get3A_580 = vector.shape_cast %get3A_579 : vector<1x50x64xf32> to vector<50x64xf32>
    %get3A_581 = arith.constant 2 : index
    %get3A_582 = arith.constant 0 : index
    %get3A_583 = arith.constant 0 : index
    %get3A_584 = vector.load %arg4[%get3A_581, %get3A_582, %get3A_583] : memref<16x50x64xf32, #tpu.memory_space<vmem>>, vector<1x50x64xf32>
    %get3A_585 = vector.shape_cast %get3A_584 : vector<1x50x64xf32> to vector<50x64xf32>
    %get3A_586 = arith.constant 2 : index
    %get3A_587 = arith.constant 0 : index
    %get3A_588 = arith.constant 0 : index
    %get3A_589 = vector.load %arg5[%get3A_586, %get3A_587, %get3A_588] : memref<16x50x64xf32, #tpu.memory_space<vmem>>, vector<1x50x64xf32>
    %get3A_590 = vector.shape_cast %get3A_589 : vector<1x50x64xf32> to vector<50x64xf32>
    %mul3A_591 = arith.mulf %div3A_543, %get3A_580 : vector<50x64xf32>
    %mul3A_592 = vector.broadcast %get3A_575 : vector<1x64xf32> to vector<50x64xf32>
    %mul3A_593 = arith.mulf %mul3A_591, %mul3A_592 : vector<50x64xf32>
    %reduce_sum3A_594 = arith.constant dense<0.000000e+00> : vector<50xf32>
    %reduce_sum3A_595 = vector.multi_reduction <add>, %mul3A_593, %reduce_sum3A_594 [1] : vector<50x64xf32> to vector<50xf32>
    %broadcast_in_dim3A_596 = vector.shape_cast %reduce_sum3A_595 : vector<50xf32> to vector<50x1xf32>
    %ge3A_597 = arith.constant 0.000000e+00 : f32
    %ge3A_598 = vector.broadcast %ge3A_597 : f32 to vector<50x1xf32>
    %ge3A_599 = arith.cmpf oge, %broadcast_in_dim3A_596, %ge3A_598 : vector<50x1xf32>
    %mul3A_600 = arith.constant 2.000000e-01 : f32
    %mul3A_601 = vector.broadcast %mul3A_600 : f32 to vector<50x1xf32>
    %mul3A_602 = arith.mulf %mul3A_601, %broadcast_in_dim3A_596 : vector<50x1xf32>
    %select_n3A_603 = arith.select %ge3A_599, %broadcast_in_dim3A_596, %mul3A_602 : vector<50x1xi1>, vector<50x1xf32>
    %mul3A_604 = arith.mulf %div3A_543, %get3A_585 : vector<50x64xf32>
    %mul3A_605 = vector.broadcast %get3A_575 : vector<1x64xf32> to vector<50x64xf32>
    %mul3A_606 = arith.mulf %mul3A_604, %mul3A_605 : vector<50x64xf32>
    %reduce_sum3A_607 = arith.constant dense<0.000000e+00> : vector<50xf32>
    %reduce_sum3A_608 = vector.multi_reduction <add>, %mul3A_606, %reduce_sum3A_607 [1] : vector<50x64xf32> to vector<50xf32>
    %broadcast_in_dim3A_609 = vector.shape_cast %reduce_sum3A_608 : vector<50xf32> to vector<50x1xf32>
    %ge3A_610 = arith.constant 0.000000e+00 : f32
    %ge3A_611 = vector.broadcast %ge3A_610 : f32 to vector<50x1xf32>
    %ge3A_612 = arith.cmpf oge, %broadcast_in_dim3A_609, %ge3A_611 : vector<50x1xf32>
    %mul3A_613 = arith.constant 2.000000e-01 : f32
    %mul3A_614 = vector.broadcast %mul3A_613 : f32 to vector<50x1xf32>
    %mul3A_615 = arith.mulf %mul3A_614, %broadcast_in_dim3A_609 : vector<50x1xf32>
    %select_n3A_616 = arith.select %ge3A_612, %broadcast_in_dim3A_609, %mul3A_615 : vector<50x1xi1>, vector<50x1xf32>
    %mul3A_617 = arith.mulf %div3A_543, %get3A_590 : vector<50x64xf32>
    %mul3A_618 = vector.broadcast %get3A_575 : vector<1x64xf32> to vector<50x64xf32>
    %mul3A_619 = arith.mulf %mul3A_617, %mul3A_618 : vector<50x64xf32>
    %reduce_sum3A_620 = arith.constant dense<0.000000e+00> : vector<50xf32>
    %reduce_sum3A_621 = vector.multi_reduction <add>, %mul3A_619, %reduce_sum3A_620 [1] : vector<50x64xf32> to vector<50xf32>
    %broadcast_in_dim3A_622 = vector.shape_cast %reduce_sum3A_621 : vector<50xf32> to vector<50x1xf32>
    %ge3A_623 = arith.constant 0.000000e+00 : f32
    %ge3A_624 = vector.broadcast %ge3A_623 : f32 to vector<50x1xf32>
    %ge3A_625 = arith.cmpf oge, %broadcast_in_dim3A_622, %ge3A_624 : vector<50x1xf32>
    %mul3A_626 = arith.constant 2.000000e-01 : f32
    %mul3A_627 = vector.broadcast %mul3A_626 : f32 to vector<50x1xf32>
    %mul3A_628 = arith.mulf %mul3A_627, %broadcast_in_dim3A_622 : vector<50x1xf32>
    %select_n3A_629 = arith.select %ge3A_625, %broadcast_in_dim3A_622, %mul3A_628 : vector<50x1xi1>, vector<50x1xf32>
    %max3A_630 = arith.maximumf %select_n3A_616, %select_n3A_629 : vector<50x1xf32>
    %max3A_631 = arith.maximumf %select_n3A_603, %max3A_630 : vector<50x1xf32>
    %sub3A_632 = arith.subf %select_n3A_603, %max3A_631 : vector<50x1xf32>
    %exp3A_633 = math.exp %sub3A_632 : vector<50x1xf32>
    %sub3A_634 = arith.subf %select_n3A_616, %max3A_631 : vector<50x1xf32>
    %exp3A_635 = math.exp %sub3A_634 : vector<50x1xf32>
    %sub3A_636 = arith.subf %select_n3A_629, %max3A_631 : vector<50x1xf32>
    %exp3A_637 = math.exp %sub3A_636 : vector<50x1xf32>
    %add3A_638 = arith.addf %exp3A_633, %exp3A_635 : vector<50x1xf32>
    %add3A_639 = arith.addf %add3A_638, %exp3A_637 : vector<50x1xf32>
    %mul3A_640 = vector.broadcast %exp3A_633 : vector<50x1xf32> to vector<50x64xf32>
    %mul3A_641 = arith.mulf %mul3A_640, %get3A_580 : vector<50x64xf32>
    %mul3A_642 = vector.broadcast %exp3A_635 : vector<50x1xf32> to vector<50x64xf32>
    %mul3A_643 = arith.mulf %mul3A_642, %get3A_585 : vector<50x64xf32>
    %add3A_644 = arith.addf %mul3A_641, %mul3A_643 : vector<50x64xf32>
    %mul3A_645 = vector.broadcast %exp3A_637 : vector<50x1xf32> to vector<50x64xf32>
    %mul3A_646 = arith.mulf %mul3A_645, %get3A_590 : vector<50x64xf32>
    %add3A_647 = arith.addf %add3A_644, %mul3A_646 : vector<50x64xf32>
    %div3A_648 = vector.broadcast %add3A_639 : vector<50x1xf32> to vector<50x64xf32>
    %div3A_649 = arith.divf %add3A_647, %div3A_648 : vector<50x64xf32>
    %mul3A_650 = arith.constant 5.000000e-01 : f32
    %mul3A_651 = vector.broadcast %mul3A_650 : f32 to vector<50x64xf32>
    %mul3A_652 = arith.mulf %mul3A_651, %div3A_543 : vector<50x64xf32>
    %mul3A_653 = arith.constant 5.000000e-01 : f32
    %mul3A_654 = vector.broadcast %mul3A_653 : f32 to vector<50x64xf32>
    %mul3A_655 = arith.mulf %mul3A_654, %div3A_649 : vector<50x64xf32>
    %add3A_656 = arith.addf %mul3A_652, %mul3A_655 : vector<50x64xf32>
    %get3A_657 = arith.constant 2 : index
    %get3A_658 = arith.constant 0 : index
    %get3A_659 = arith.constant 0 : index
    %get3A_660 = vector.load %arg6[%get3A_657, %get3A_658, %get3A_659] : memref<16x50x50xf32, #tpu.memory_space<vmem>>, vector<1x50x50xf32>
    %get3A_661 = vector.shape_cast %get3A_660 : vector<1x50x50xf32> to vector<50x50xf32>
    %get3A_662 = arith.constant 0 : index
    %get3A_663 = arith.constant 0 : index
    %get3A_664 = vector.load %arg12[%get3A_662, %get3A_663] : memref<1x64xf32, #tpu.memory_space<vmem>>, vector<1x64xf32>
    %mul3A_665 = arith.mulf %div3A_572, %get3A_664 : vector<1x64xf32>
    %dot_general3A_666 = arith.constant dense<0.000000e+00> : vector<1x50xf32>
    %dot_general3A_667 = tpu.matmul %mul3A_665, %div3A_543, %dot_general3A_666 {dimension_numbers = #tpu.dot_dimension_numbers<[1], [1], [0], [0], [0, 0, 1, 0], [], []>, transpose_lhs_hint = false} : vector<1x64xf32>, vector<50x64xf32>, vector<1x50xf32> -> vector<1x50xf32>
    %get3A_668 = arith.constant 0 : index
    %get3A_669 = arith.constant 0 : index
    %get3A_670 = vector.load %arg13[%get3A_668, %get3A_669] : memref<1x64xf32, #tpu.memory_space<vmem>>, vector<1x64xf32>
    %mul3A_671 = arith.mulf %div3A_572, %get3A_670 : vector<1x64xf32>
    %dot_general3A_672 = arith.constant dense<0.000000e+00> : vector<1x50xf32>
    %dot_general3A_673 = tpu.matmul %mul3A_671, %div3A_543, %dot_general3A_672 {dimension_numbers = #tpu.dot_dimension_numbers<[1], [1], [0], [0], [0, 0, 1, 0], [], []>, transpose_lhs_hint = false} : vector<1x64xf32>, vector<50x64xf32>, vector<1x50xf32> -> vector<1x50xf32>
    %get3A_674 = arith.constant 0 : index
    %get3A_675 = arith.constant 0 : index
    %get3A_676 = vector.load %arg10[%get3A_674, %get3A_675] : memref<1x64xf32, #tpu.memory_space<vmem>>, vector<1x64xf32>
    %mul3A_677 = vector.broadcast %get3A_676 : vector<1x64xf32> to vector<50x64xf32>
    %mul3A_678 = arith.mulf %div3A_543, %mul3A_677 : vector<50x64xf32>
    %dot_general3A_679 = arith.constant dense<0.000000e+00> : vector<50x50xf32>
    %dot_general3A_680 = tpu.matmul %mul3A_678, %div3A_543, %dot_general3A_679 {dimension_numbers = #tpu.dot_dimension_numbers<[1], [1], [0], [0], [0, 0, 1, 0], [], []>, transpose_lhs_hint = false} : vector<50x64xf32>, vector<50x64xf32>, vector<50x50xf32> -> vector<50x50xf32>
    %add3A_681 = vector.broadcast %dot_general3A_667 : vector<1x50xf32> to vector<50x50xf32>
    %add3A_682 = arith.addf %dot_general3A_680, %add3A_681 : vector<50x50xf32>
    %ge3A_683 = arith.constant 0.000000e+00 : f32
    %ge3A_684 = vector.broadcast %ge3A_683 : f32 to vector<50x50xf32>
    %ge3A_685 = arith.cmpf oge, %add3A_682, %ge3A_684 : vector<50x50xf32>
    %mul3A_686 = arith.constant 2.000000e-01 : f32
    %mul3A_687 = vector.broadcast %mul3A_686 : f32 to vector<50x50xf32>
    %mul3A_688 = arith.mulf %mul3A_687, %add3A_682 : vector<50x50xf32>
    %select_n3A_689 = arith.select %ge3A_685, %add3A_682, %mul3A_688 : vector<50x50xi1>, vector<50x50xf32>
    %get3A_690 = arith.constant 0 : index
    %get3A_691 = arith.constant 0 : index
    %get3A_692 = vector.load %arg11[%get3A_690, %get3A_691] : memref<1x64xf32, #tpu.memory_space<vmem>>, vector<1x64xf32>
    %mul3A_693 = vector.broadcast %get3A_692 : vector<1x64xf32> to vector<50x64xf32>
    %mul3A_694 = arith.mulf %div3A_543, %mul3A_693 : vector<50x64xf32>
    %dot_general3A_695 = arith.constant dense<0.000000e+00> : vector<50x50xf32>
    %dot_general3A_696 = tpu.matmul %mul3A_694, %div3A_543, %dot_general3A_695 {dimension_numbers = #tpu.dot_dimension_numbers<[1], [1], [0], [0], [0, 0, 1, 0], [], []>, transpose_lhs_hint = false} : vector<50x64xf32>, vector<50x64xf32>, vector<50x50xf32> -> vector<50x50xf32>
    %add3A_697 = vector.broadcast %dot_general3A_673 : vector<1x50xf32> to vector<50x50xf32>
    %add3A_698 = arith.addf %dot_general3A_696, %add3A_697 : vector<50x50xf32>
    %ge3A_699 = arith.constant 0.000000e+00 : f32
    %ge3A_700 = vector.broadcast %ge3A_699 : f32 to vector<50x50xf32>
    %ge3A_701 = arith.cmpf oge, %add3A_698, %ge3A_700 : vector<50x50xf32>
    %mul3A_702 = arith.constant 2.000000e-01 : f32
    %mul3A_703 = vector.broadcast %mul3A_702 : f32 to vector<50x50xf32>
    %mul3A_704 = arith.mulf %mul3A_703, %add3A_698 : vector<50x50xf32>
    %select_n3A_705 = arith.select %ge3A_701, %add3A_698, %mul3A_704 : vector<50x50xi1>, vector<50x50xf32>
    %eq3A_706 = arith.constant 1.000000e+00 : f32
    %eq3A_707 = vector.broadcast %eq3A_706 : f32 to vector<50x50xf32>
    %eq3A_708 = arith.cmpf oeq, %get3A_661, %eq3A_707 : vector<50x50xf32>
    %eq3A_709 = arith.constant 2.000000e+00 : f32
    %eq3A_710 = vector.broadcast %eq3A_709 : f32 to vector<50x50xf32>
    %eq3A_711 = arith.cmpf oeq, %get3A_661, %eq3A_710 : vector<50x50xf32>
    %jit3A_712 = arith.constant -9.000000e+15 : f32
    %broadcast_in_dim3A_713 = vector.broadcast %jit3A_712 : f32 to vector<50x50xf32>
    %select_n3A_714 = arith.select %eq3A_711, %select_n3A_705, %broadcast_in_dim3A_713 : vector<50x50xi1>, vector<50x50xf32>
    %select_n3A_715 = arith.select %eq3A_708, %select_n3A_689, %select_n3A_714 : vector<50x50xi1>, vector<50x50xf32>
    %reduce_max3A_716 = arith.constant dense<0xFF800000> : vector<50xf32>
    %reduce_max3A_717 = vector.multi_reduction <maximumf>, %select_n3A_715, %reduce_max3A_716 [1] : vector<50x50xf32> to vector<50xf32>
    %broadcast_in_dim3A_718 = vector.shape_cast %reduce_max3A_717 : vector<50xf32> to vector<50x1xf32>
    %sub3A_719 = vector.broadcast %broadcast_in_dim3A_718 : vector<50x1xf32> to vector<50x50xf32>
    %sub3A_720 = arith.subf %select_n3A_715, %sub3A_719 : vector<50x50xf32>
    %exp3A_721 = math.exp %sub3A_720 : vector<50x50xf32>
    %reduce_sum3A_722 = arith.constant dense<0.000000e+00> : vector<50xf32>
    %reduce_sum3A_723 = vector.multi_reduction <add>, %exp3A_721, %reduce_sum3A_722 [1] : vector<50x50xf32> to vector<50xf32>
    %broadcast_in_dim3A_724 = vector.shape_cast %reduce_sum3A_723 : vector<50xf32> to vector<50x1xf32>
    %div3A_725 = vector.broadcast %broadcast_in_dim3A_724 : vector<50x1xf32> to vector<50x50xf32>
    %div3A_726 = arith.divf %exp3A_721, %div3A_725 : vector<50x50xf32>
    %dot_general3A_727 = arith.constant dense<0.000000e+00> : vector<50x64xf32>
    %dot_general3A_728 = tpu.matmul %div3A_726, %div3A_543, %dot_general3A_727 {dimension_numbers = #tpu.dot_dimension_numbers<[1], [0], [0], [1], [0, 0, 1, 1], [], []>, transpose_lhs_hint = false} : vector<50x50xf32>, vector<50x64xf32>, vector<50x64xf32> -> vector<50x64xf32>
    %add3A_729 = arith.addf %dot_general3A_728, %add3A_656 : vector<50x64xf32>
    %mul3A_730 = arith.mulf %dot_general3A_728, %add3A_656 : vector<50x64xf32>
    %add3A_731 = arith.addf %add3A_729, %mul3A_730 : vector<50x64xf32>
    %get3A_732 = arith.constant 2 : index
    %get3A_733 = arith.constant 0 : index
    %get3A_734 = arith.constant 0 : index
    %get3A_735 = vector.load %arg7[%get3A_732, %get3A_733, %get3A_734] : memref<16x50x50xf32, #tpu.memory_space<vmem>>, vector<1x50x50xf32>
    %get3A_736 = vector.shape_cast %get3A_735 : vector<1x50x50xf32> to vector<50x50xf32>
    %dot_general3A_737 = arith.constant dense<0.000000e+00> : vector<50x64xf32>
    %dot_general3A_738 = tpu.matmul %get3A_736, %add3A_731, %dot_general3A_737 {dimension_numbers = #tpu.dot_dimension_numbers<[1], [0], [0], [1], [0, 0, 1, 1], [], []>, transpose_lhs_hint = false} : vector<50x50xf32>, vector<50x64xf32>, vector<50x64xf32> -> vector<50x64xf32>
    %get3A_739 = arith.constant 0 : index
    %get3A_740 = arith.constant 0 : index
    %get3A_741 = vector.load %arg19[%get3A_739, %get3A_740] : memref<51x64xf32, #tpu.memory_space<vmem>>, vector<50x64xf32>
    %add3A_742 = arith.addf %dot_general3A_738, %get3A_741 : vector<50x64xf32>
    %mul3A_743 = vector.broadcast %get3A_560 : vector<50x1xf32> to vector<50x64xf32>
    %mul3A_744 = arith.mulf %add3A_742, %mul3A_743 : vector<50x64xf32>
    %reduce_sum3A_745 = arith.constant dense<0.000000e+00> : vector<64xf32>
    %reduce_sum3A_746 = vector.multi_reduction <add>, %mul3A_744, %reduce_sum3A_745 [0] : vector<50x64xf32> to vector<64xf32>
    %broadcast_in_dim3A_747 = vector.shape_cast %reduce_sum3A_746 : vector<64xf32> to vector<1x64xf32>
    %div3A_748 = vector.broadcast %reduce_sum3A_565 : f32 to vector<1x64xf32>
    %div3A_749 = arith.divf %broadcast_in_dim3A_747, %div3A_748 : vector<1x64xf32>
    %get3A_750 = arith.constant 0 : index
    %get3A_751 = arith.constant 0 : index
    %get3A_752 = vector.load %arg14[%get3A_750, %get3A_751] : memref<64x64xf32, #tpu.memory_space<vmem>>, vector<64x64xf32>
    %dot_general3A_753 = arith.constant dense<0.000000e+00> : vector<50x64xf32>
    %dot_general3A_754 = tpu.matmul %add3A_742, %get3A_752, %dot_general3A_753 {dimension_numbers = #tpu.dot_dimension_numbers<[1], [1], [0], [0], [0, 0, 1, 0], [], []>, transpose_lhs_hint = false} : vector<50x64xf32>, vector<64x64xf32>, vector<50x64xf32> -> vector<50x64xf32>
    %get3A_755 = arith.constant 0 : index
    %get3A_756 = arith.constant 0 : index
    %get3A_757 = vector.load %arg15[%get3A_755, %get3A_756] : memref<1x64xf32, #tpu.memory_space<vmem>>, vector<1x64xf32>
    %add3A_758 = vector.broadcast %get3A_757 : vector<1x64xf32> to vector<50x64xf32>
    %add3A_759 = arith.addf %dot_general3A_754, %add3A_758 : vector<50x64xf32>
    %get3A_760 = arith.constant 0 : index
    %get3A_761 = arith.constant 0 : index
    %get3A_762 = vector.load %arg16[%get3A_760, %get3A_761] : memref<64x64xf32, #tpu.memory_space<vmem>>, vector<64x64xf32>
    %dot_general3A_763 = arith.constant dense<0.000000e+00> : vector<1x64xf32>
    %dot_general3A_764 = tpu.matmul %div3A_749, %get3A_762, %dot_general3A_763 {dimension_numbers = #tpu.dot_dimension_numbers<[1], [1], [0], [0], [0, 0, 1, 0], [], []>, transpose_lhs_hint = false} : vector<1x64xf32>, vector<64x64xf32>, vector<1x64xf32> -> vector<1x64xf32>
    %get3A_765 = arith.constant 0 : index
    %get3A_766 = arith.constant 0 : index
    %get3A_767 = vector.load %arg17[%get3A_765, %get3A_766] : memref<1x64xf32, #tpu.memory_space<vmem>>, vector<1x64xf32>
    %add3A_768 = arith.addf %dot_general3A_764, %get3A_767 : vector<1x64xf32>
    %add3A_769 = vector.broadcast %add3A_768 : vector<1x64xf32> to vector<50x64xf32>
    %add3A_770 = arith.addf %add3A_759, %add3A_769 : vector<50x64xf32>
    %logistic3A_771 = arith.negf %add3A_770 : vector<50x64xf32>
    %logistic3A_772 = math.exp %logistic3A_771 : vector<50x64xf32>
    %logistic3A_773 = arith.constant 1.000000e+00 : f32
    %logistic3A_774 = vector.broadcast %logistic3A_773 : f32 to vector<50x64xf32>
    %logistic3A_775 = arith.addf %logistic3A_774, %logistic3A_772 : vector<50x64xf32>
    %logistic3A_776 = arith.divf %logistic3A_774, %logistic3A_775 : vector<50x64xf32>
    %get3A_777 = arith.constant 0 : index
    %get3A_778 = arith.constant 0 : index
    %get3A_779 = vector.load %arg18[%get3A_777, %get3A_778] : memref<1x64xf32, #tpu.memory_space<vmem>>, vector<1x64xf32>
    %dot_general3A_780 = arith.constant dense<0.000000e+00> : vector<50x1xf32>
    %dot_general3A_781 = tpu.matmul %logistic3A_776, %get3A_779, %dot_general3A_780 {dimension_numbers = #tpu.dot_dimension_numbers<[1], [1], [0], [0], [0, 0, 1, 0], [], []>, transpose_lhs_hint = false} : vector<50x64xf32>, vector<1x64xf32>, vector<50x1xf32> -> vector<50x1xf32>
    %mul3A_782 = vector.broadcast %dot_general3A_781 : vector<50x1xf32> to vector<50x64xf32>
    %mul3A_783 = arith.mulf %mul3A_782, %dot_general3A_738 : vector<50x64xf32>
    %mul3A_784 = vector.broadcast %get3A_560 : vector<50x1xf32> to vector<50x64xf32>
    %mul3A_785 = arith.mulf %mul3A_783, %mul3A_784 : vector<50x64xf32>
    %reduce_sum3A_786 = arith.constant dense<0.000000e+00> : vector<64xf32>
    %reduce_sum3A_787 = vector.multi_reduction <add>, %mul3A_785, %reduce_sum3A_786 [0] : vector<50x64xf32> to vector<64xf32>
    %broadcast_in_dim3A_788 = vector.shape_cast %reduce_sum3A_787 : vector<64xf32> to vector<1x64xf32>
    %get3A_789 = arith.constant 50 : index
    %get3A_790 = arith.constant 0 : index
    %get3A_791 = vector.load %arg19[%get3A_789, %get3A_790] : memref<51x64xf32, #tpu.memory_space<vmem>>, vector<1x64xf32>
    %mul3A_792 = vector.broadcast %get3A_560 : vector<50x1xf32> to vector<50x64xf32>
    %mul3A_793 = arith.mulf %get3A_741, %mul3A_792 : vector<50x64xf32>
    %reduce_sum3A_794 = arith.constant dense<0.000000e+00> : vector<64xf32>
    %reduce_sum3A_795 = vector.multi_reduction <add>, %mul3A_793, %reduce_sum3A_794 [0] : vector<50x64xf32> to vector<64xf32>
    %broadcast_in_dim3A_796 = vector.shape_cast %reduce_sum3A_795 : vector<64xf32> to vector<1x64xf32>
    %div3A_797 = vector.broadcast %reduce_sum3A_565 : f32 to vector<1x64xf32>
    %div3A_798 = arith.divf %broadcast_in_dim3A_796, %div3A_797 : vector<1x64xf32>
    %mul3A_799 = arith.mulf %get3A_791, %div3A_798 : vector<1x64xf32>
    %add3A_800 = arith.addf %broadcast_in_dim3A_788, %mul3A_799 : vector<1x64xf32>
    %swap3A_801 = arith.constant 2 : index
    %swap3A_802 = arith.constant 0 : index
    %swap3A_803 = arith.constant 0 : index
    %swap3A_804 = vector.load %arg20[%swap3A_801, %swap3A_802, %swap3A_803] : memref<16x1x64xf32, #tpu.memory_space<vmem>>, vector<1x1x64xf32>
    %swap3A_805 = vector.shape_cast %swap3A_804 : vector<1x1x64xf32> to vector<1x64xf32>
    %swap3A_806 = vector.shape_cast %add3A_800 : vector<1x64xf32> to vector<1x1x64xf32>
    tpu.vector_store %arg20[%swap3A_801, %swap3A_802, %swap3A_803], %swap3A_806 {strides = array<i32>} : memref<16x1x64xf32, #tpu.memory_space<vmem>>, vector<1x1x64xf32>,
    %get3A_807 = arith.constant 3 : index
    %get3A_808 = arith.constant 0 : index
    %get3A_809 = arith.constant 0 : index
    %get3A_810 = vector.load %arg1[%get3A_807, %get3A_808, %get3A_809] : memref<16x50x64xf32, #tpu.memory_space<vmem>>, vector<1x50x64xf32>
    %get3A_811 = vector.shape_cast %get3A_810 : vector<1x50x64xf32> to vector<50x64xf32>
    %mul3A_812 = arith.mulf %get3A_811, %get3A_811 : vector<50x64xf32>
    %reduce_sum3A_813 = arith.constant dense<0.000000e+00> : vector<50xf32>
    %reduce_sum3A_814 = vector.multi_reduction <add>, %mul3A_812, %reduce_sum3A_813 [1] : vector<50x64xf32> to vector<50xf32>
    %broadcast_in_dim3A_815 = vector.shape_cast %reduce_sum3A_814 : vector<50xf32> to vector<50x1xf32>
    %sqrt3A_816 = math.sqrt %broadcast_in_dim3A_815 : vector<50x1xf32>
    %div3A_817 = vector.broadcast %sqrt3A_816 : vector<50x1xf32> to vector<50x64xf32>
    %div3A_818 = arith.divf %get3A_811, %div3A_817 : vector<50x64xf32>
    %get3A_819 = arith.constant 3 : index
    %get3A_820 = arith.constant 0 : index
    %get3A_821 = arith.constant 0 : index
    %get3A_822 = vector.load %arg2[%get3A_819, %get3A_820, %get3A_821] : memref<16x50x64xf32, #tpu.memory_space<vmem>>, vector<1x50x64xf32>
    %get3A_823 = vector.shape_cast %get3A_822 : vector<1x50x64xf32> to vector<50x64xf32>
    %mul3A_824 = arith.mulf %get3A_823, %get3A_823 : vector<50x64xf32>
    %reduce_sum3A_825 = arith.constant dense<0.000000e+00> : vector<50xf32>
    %reduce_sum3A_826 = vector.multi_reduction <add>, %mul3A_824, %reduce_sum3A_825 [1] : vector<50x64xf32> to vector<50xf32>
    %broadcast_in_dim3A_827 = vector.shape_cast %reduce_sum3A_826 : vector<50xf32> to vector<50x1xf32>
    %sqrt3A_828 = math.sqrt %broadcast_in_dim3A_827 : vector<50x1xf32>
    %div3A_829 = vector.broadcast %sqrt3A_828 : vector<50x1xf32> to vector<50x64xf32>
    %div3A_830 = arith.divf %get3A_823, %div3A_829 : vector<50x64xf32>
    %get3A_831 = arith.constant 3 : index
    %get3A_832 = arith.constant 0 : index
    %get3A_833 = arith.constant 0 : index
    %get3A_834 = vector.load %arg8[%get3A_831, %get3A_832, %get3A_833] : memref<16x50x1xf32, #tpu.memory_space<vmem>>, vector<1x50x1xf32>
    %get3A_835 = vector.shape_cast %get3A_834 : vector<1x50x1xf32> to vector<50x1xf32>
    %reduce_sum3A_836 = vector.shape_cast %get3A_835 : vector<50x1xf32> to vector<1x50x1xf32>
    %reduce_sum3A_837 = arith.constant dense<0.000000e+00> : vector<1xf32>
    %reduce_sum3A_838 = vector.multi_reduction <add>, %reduce_sum3A_836, %reduce_sum3A_837 [1, 2] : vector<1x50x1xf32> to vector<1xf32>
    %reduce_sum3A_839 = vector.shape_cast %reduce_sum3A_838 : vector<1xf32> to vector<1x1x1xf32>
    %reduce_sum3A_840 = vector.extract %reduce_sum3A_839[0, 0, 0] : f32 from vector<1x1x1xf32>
    %mul3A_841 = vector.broadcast %get3A_835 : vector<50x1xf32> to vector<50x64xf32>
    %mul3A_842 = arith.mulf %div3A_830, %mul3A_841 : vector<50x64xf32>
    %reduce_sum3A_843 = arith.constant dense<0.000000e+00> : vector<64xf32>
    %reduce_sum3A_844 = vector.multi_reduction <add>, %mul3A_842, %reduce_sum3A_843 [0] : vector<50x64xf32> to vector<64xf32>
    %broadcast_in_dim3A_845 = vector.shape_cast %reduce_sum3A_844 : vector<64xf32> to vector<1x64xf32>
    %div3A_846 = vector.broadcast %reduce_sum3A_840 : f32 to vector<1x64xf32>
    %div3A_847 = arith.divf %broadcast_in_dim3A_845, %div3A_846 : vector<1x64xf32>
    %get3A_848 = arith.constant 0 : index
    %get3A_849 = arith.constant 0 : index
    %get3A_850 = vector.load %arg9[%get3A_848, %get3A_849] : memref<1x64xf32, #tpu.memory_space<vmem>>, vector<1x64xf32>
    %get3A_851 = arith.constant 3 : index
    %get3A_852 = arith.constant 0 : index
    %get3A_853 = arith.constant 0 : index
    %get3A_854 = vector.load %arg3[%get3A_851, %get3A_852, %get3A_853] : memref<16x50x64xf32, #tpu.memory_space<vmem>>, vector<1x50x64xf32>
    %get3A_855 = vector.shape_cast %get3A_854 : vector<1x50x64xf32> to vector<50x64xf32>
    %get3A_856 = arith.constant 3 : index
    %get3A_857 = arith.constant 0 : index
    %get3A_858 = arith.constant 0 : index
    %get3A_859 = vector.load %arg4[%get3A_856, %get3A_857, %get3A_858] : memref<16x50x64xf32, #tpu.memory_space<vmem>>, vector<1x50x64xf32>
    %get3A_860 = vector.shape_cast %get3A_859 : vector<1x50x64xf32> to vector<50x64xf32>
    %get3A_861 = arith.constant 3 : index
    %get3A_862 = arith.constant 0 : index
    %get3A_863 = arith.constant 0 : index
    %get3A_864 = vector.load %arg5[%get3A_861, %get3A_862, %get3A_863] : memref<16x50x64xf32, #tpu.memory_space<vmem>>, vector<1x50x64xf32>
    %get3A_865 = vector.shape_cast %get3A_864 : vector<1x50x64xf32> to vector<50x64xf32>
    %mul3A_866 = arith.mulf %div3A_818, %get3A_855 : vector<50x64xf32>
    %mul3A_867 = vector.broadcast %get3A_850 : vector<1x64xf32> to vector<50x64xf32>
    %mul3A_868 = arith.mulf %mul3A_866, %mul3A_867 : vector<50x64xf32>
    %reduce_sum3A_869 = arith.constant dense<0.000000e+00> : vector<50xf32>
    %reduce_sum3A_870 = vector.multi_reduction <add>, %mul3A_868, %reduce_sum3A_869 [1] : vector<50x64xf32> to vector<50xf32>
    %broadcast_in_dim3A_871 = vector.shape_cast %reduce_sum3A_870 : vector<50xf32> to vector<50x1xf32>
    %ge3A_872 = arith.constant 0.000000e+00 : f32
    %ge3A_873 = vector.broadcast %ge3A_872 : f32 to vector<50x1xf32>
    %ge3A_874 = arith.cmpf oge, %broadcast_in_dim3A_871, %ge3A_873 : vector<50x1xf32>
    %mul3A_875 = arith.constant 2.000000e-01 : f32
    %mul3A_876 = vector.broadcast %mul3A_875 : f32 to vector<50x1xf32>
    %mul3A_877 = arith.mulf %mul3A_876, %broadcast_in_dim3A_871 : vector<50x1xf32>
    %select_n3A_878 = arith.select %ge3A_874, %broadcast_in_dim3A_871, %mul3A_877 : vector<50x1xi1>, vector<50x1xf32>
    %mul3A_879 = arith.mulf %div3A_818, %get3A_860 : vector<50x64xf32>
    %mul3A_880 = vector.broadcast %get3A_850 : vector<1x64xf32> to vector<50x64xf32>
    %mul3A_881 = arith.mulf %mul3A_879, %mul3A_880 : vector<50x64xf32>
    %reduce_sum3A_882 = arith.constant dense<0.000000e+00> : vector<50xf32>
    %reduce_sum3A_883 = vector.multi_reduction <add>, %mul3A_881, %reduce_sum3A_882 [1] : vector<50x64xf32> to vector<50xf32>
    %broadcast_in_dim3A_884 = vector.shape_cast %reduce_sum3A_883 : vector<50xf32> to vector<50x1xf32>
    %ge3A_885 = arith.constant 0.000000e+00 : f32
    %ge3A_886 = vector.broadcast %ge3A_885 : f32 to vector<50x1xf32>
    %ge3A_887 = arith.cmpf oge, %broadcast_in_dim3A_884, %ge3A_886 : vector<50x1xf32>
    %mul3A_888 = arith.constant 2.000000e-01 : f32
    %mul3A_889 = vector.broadcast %mul3A_888 : f32 to vector<50x1xf32>
    %mul3A_890 = arith.mulf %mul3A_889, %broadcast_in_dim3A_884 : vector<50x1xf32>
    %select_n3A_891 = arith.select %ge3A_887, %broadcast_in_dim3A_884, %mul3A_890 : vector<50x1xi1>, vector<50x1xf32>
    %mul3A_892 = arith.mulf %div3A_818, %get3A_865 : vector<50x64xf32>
    %mul3A_893 = vector.broadcast %get3A_850 : vector<1x64xf32> to vector<50x64xf32>
    %mul3A_894 = arith.mulf %mul3A_892, %mul3A_893 : vector<50x64xf32>
    %reduce_sum3A_895 = arith.constant dense<0.000000e+00> : vector<50xf32>
    %reduce_sum3A_896 = vector.multi_reduction <add>, %mul3A_894, %reduce_sum3A_895 [1] : vector<50x64xf32> to vector<50xf32>
    %broadcast_in_dim3A_897 = vector.shape_cast %reduce_sum3A_896 : vector<50xf32> to vector<50x1xf32>
    %ge3A_898 = arith.constant 0.000000e+00 : f32
    %ge3A_899 = vector.broadcast %ge3A_898 : f32 to vector<50x1xf32>
    %ge3A_900 = arith.cmpf oge, %broadcast_in_dim3A_897, %ge3A_899 : vector<50x1xf32>
    %mul3A_901 = arith.constant 2.000000e-01 : f32
    %mul3A_902 = vector.broadcast %mul3A_901 : f32 to vector<50x1xf32>
    %mul3A_903 = arith.mulf %mul3A_902, %broadcast_in_dim3A_897 : vector<50x1xf32>
    %select_n3A_904 = arith.select %ge3A_900, %broadcast_in_dim3A_897, %mul3A_903 : vector<50x1xi1>, vector<50x1xf32>
    %max3A_905 = arith.maximumf %select_n3A_891, %select_n3A_904 : vector<50x1xf32>
    %max3A_906 = arith.maximumf %select_n3A_878, %max3A_905 : vector<50x1xf32>
    %sub3A_907 = arith.subf %select_n3A_878, %max3A_906 : vector<50x1xf32>
    %exp3A_908 = math.exp %sub3A_907 : vector<50x1xf32>
    %sub3A_909 = arith.subf %select_n3A_891, %max3A_906 : vector<50x1xf32>
    %exp3A_910 = math.exp %sub3A_909 : vector<50x1xf32>
    %sub3A_911 = arith.subf %select_n3A_904, %max3A_906 : vector<50x1xf32>
    %exp3A_912 = math.exp %sub3A_911 : vector<50x1xf32>
    %add3A_913 = arith.addf %exp3A_908, %exp3A_910 : vector<50x1xf32>
    %add3A_914 = arith.addf %add3A_913, %exp3A_912 : vector<50x1xf32>
    %mul3A_915 = vector.broadcast %exp3A_908 : vector<50x1xf32> to vector<50x64xf32>
    %mul3A_916 = arith.mulf %mul3A_915, %get3A_855 : vector<50x64xf32>
    %mul3A_917 = vector.broadcast %exp3A_910 : vector<50x1xf32> to vector<50x64xf32>
    %mul3A_918 = arith.mulf %mul3A_917, %get3A_860 : vector<50x64xf32>
    %add3A_919 = arith.addf %mul3A_916, %mul3A_918 : vector<50x64xf32>
    %mul3A_920 = vector.broadcast %exp3A_912 : vector<50x1xf32> to vector<50x64xf32>
    %mul3A_921 = arith.mulf %mul3A_920, %get3A_865 : vector<50x64xf32>
    %add3A_922 = arith.addf %add3A_919, %mul3A_921 : vector<50x64xf32>
    %div3A_923 = vector.broadcast %add3A_914 : vector<50x1xf32> to vector<50x64xf32>
    %div3A_924 = arith.divf %add3A_922, %div3A_923 : vector<50x64xf32>
    %mul3A_925 = arith.constant 5.000000e-01 : f32
    %mul3A_926 = vector.broadcast %mul3A_925 : f32 to vector<50x64xf32>
    %mul3A_927 = arith.mulf %mul3A_926, %div3A_818 : vector<50x64xf32>
    %mul3A_928 = arith.constant 5.000000e-01 : f32
    %mul3A_929 = vector.broadcast %mul3A_928 : f32 to vector<50x64xf32>
    %mul3A_930 = arith.mulf %mul3A_929, %div3A_924 : vector<50x64xf32>
    %add3A_931 = arith.addf %mul3A_927, %mul3A_930 : vector<50x64xf32>
    %get3A_932 = arith.constant 3 : index
    %get3A_933 = arith.constant 0 : index
    %get3A_934 = arith.constant 0 : index
    %get3A_935 = vector.load %arg6[%get3A_932, %get3A_933, %get3A_934] : memref<16x50x50xf32, #tpu.memory_space<vmem>>, vector<1x50x50xf32>
    %get3A_936 = vector.shape_cast %get3A_935 : vector<1x50x50xf32> to vector<50x50xf32>
    %get3A_937 = arith.constant 0 : index
    %get3A_938 = arith.constant 0 : index
    %get3A_939 = vector.load %arg12[%get3A_937, %get3A_938] : memref<1x64xf32, #tpu.memory_space<vmem>>, vector<1x64xf32>
    %mul3A_940 = arith.mulf %div3A_847, %get3A_939 : vector<1x64xf32>
    %dot_general3A_941 = arith.constant dense<0.000000e+00> : vector<1x50xf32>
    %dot_general3A_942 = tpu.matmul %mul3A_940, %div3A_818, %dot_general3A_941 {dimension_numbers = #tpu.dot_dimension_numbers<[1], [1], [0], [0], [0, 0, 1, 0], [], []>, transpose_lhs_hint = false} : vector<1x64xf32>, vector<50x64xf32>, vector<1x50xf32> -> vector<1x50xf32>
    %get3A_943 = arith.constant 0 : index
    %get3A_944 = arith.constant 0 : index
    %get3A_945 = vector.load %arg13[%get3A_943, %get3A_944] : memref<1x64xf32, #tpu.memory_space<vmem>>, vector<1x64xf32>
    %mul3A_946 = arith.mulf %div3A_847, %get3A_945 : vector<1x64xf32>
    %dot_general3A_947 = arith.constant dense<0.000000e+00> : vector<1x50xf32>
    %dot_general3A_948 = tpu.matmul %mul3A_946, %div3A_818, %dot_general3A_947 {dimension_numbers = #tpu.dot_dimension_numbers<[1], [1], [0], [0], [0, 0, 1, 0], [], []>, transpose_lhs_hint = false} : vector<1x64xf32>, vector<50x64xf32>, vector<1x50xf32> -> vector<1x50xf32>
    %get3A_949 = arith.constant 0 : index
    %get3A_950 = arith.constant 0 : index
    %get3A_951 = vector.load %arg10[%get3A_949, %get3A_950] : memref<1x64xf32, #tpu.memory_space<vmem>>, vector<1x64xf32>
    %mul3A_952 = vector.broadcast %get3A_951 : vector<1x64xf32> to vector<50x64xf32>
    %mul3A_953 = arith.mulf %div3A_818, %mul3A_952 : vector<50x64xf32>
    %dot_general3A_954 = arith.constant dense<0.000000e+00> : vector<50x50xf32>
    %dot_general3A_955 = tpu.matmul %mul3A_953, %div3A_818, %dot_general3A_954 {dimension_numbers = #tpu.dot_dimension_numbers<[1], [1], [0], [0], [0, 0, 1, 0], [], []>, transpose_lhs_hint = false} : vector<50x64xf32>, vector<50x64xf32>, vector<50x50xf32> -> vector<50x50xf32>
    %add3A_956 = vector.broadcast %dot_general3A_942 : vector<1x50xf32> to vector<50x50xf32>
    %add3A_957 = arith.addf %dot_general3A_955, %add3A_956 : vector<50x50xf32>
    %ge3A_958 = arith.constant 0.000000e+00 : f32
    %ge3A_959 = vector.broadcast %ge3A_958 : f32 to vector<50x50xf32>
    %ge3A_960 = arith.cmpf oge, %add3A_957, %ge3A_959 : vector<50x50xf32>
    %mul3A_961 = arith.constant 2.000000e-01 : f32
    %mul3A_962 = vector.broadcast %mul3A_961 : f32 to vector<50x50xf32>
    %mul3A_963 = arith.mulf %mul3A_962, %add3A_957 : vector<50x50xf32>
    %select_n3A_964 = arith.select %ge3A_960, %add3A_957, %mul3A_963 : vector<50x50xi1>, vector<50x50xf32>
    %get3A_965 = arith.constant 0 : index
    %get3A_966 = arith.constant 0 : index
    %get3A_967 = vector.load %arg11[%get3A_965, %get3A_966] : memref<1x64xf32, #tpu.memory_space<vmem>>, vector<1x64xf32>
    %mul3A_968 = vector.broadcast %get3A_967 : vector<1x64xf32> to vector<50x64xf32>
    %mul3A_969 = arith.mulf %div3A_818, %mul3A_968 : vector<50x64xf32>
    %dot_general3A_970 = arith.constant dense<0.000000e+00> : vector<50x50xf32>
    %dot_general3A_971 = tpu.matmul %mul3A_969, %div3A_818, %dot_general3A_970 {dimension_numbers = #tpu.dot_dimension_numbers<[1], [1], [0], [0], [0, 0, 1, 0], [], []>, transpose_lhs_hint = false} : vector<50x64xf32>, vector<50x64xf32>, vector<50x50xf32> -> vector<50x50xf32>
    %add3A_972 = vector.broadcast %dot_general3A_948 : vector<1x50xf32> to vector<50x50xf32>
    %add3A_973 = arith.addf %dot_general3A_971, %add3A_972 : vector<50x50xf32>
    %ge3A_974 = arith.constant 0.000000e+00 : f32
    %ge3A_975 = vector.broadcast %ge3A_974 : f32 to vector<50x50xf32>
    %ge3A_976 = arith.cmpf oge, %add3A_973, %ge3A_975 : vector<50x50xf32>
    %mul3A_977 = arith.constant 2.000000e-01 : f32
    %mul3A_978 = vector.broadcast %mul3A_977 : f32 to vector<50x50xf32>
    %mul3A_979 = arith.mulf %mul3A_978, %add3A_973 : vector<50x50xf32>
    %select_n3A_980 = arith.select %ge3A_976, %add3A_973, %mul3A_979 : vector<50x50xi1>, vector<50x50xf32>
    %eq3A_981 = arith.constant 1.000000e+00 : f32
    %eq3A_982 = vector.broadcast %eq3A_981 : f32 to vector<50x50xf32>
    %eq3A_983 = arith.cmpf oeq, %get3A_936, %eq3A_982 : vector<50x50xf32>
    %eq3A_984 = arith.constant 2.000000e+00 : f32
    %eq3A_985 = vector.broadcast %eq3A_984 : f32 to vector<50x50xf32>
    %eq3A_986 = arith.cmpf oeq, %get3A_936, %eq3A_985 : vector<50x50xf32>
    %jit3A_987 = arith.constant -9.000000e+15 : f32
    %broadcast_in_dim3A_988 = vector.broadcast %jit3A_987 : f32 to vector<50x50xf32>
    %select_n3A_989 = arith.select %eq3A_986, %select_n3A_980, %broadcast_in_dim3A_988 : vector<50x50xi1>, vector<50x50xf32>
    %select_n3A_990 = arith.select %eq3A_983, %select_n3A_964, %select_n3A_989 : vector<50x50xi1>, vector<50x50xf32>
    %reduce_max3A_991 = arith.constant dense<0xFF800000> : vector<50xf32>
    %reduce_max3A_992 = vector.multi_reduction <maximumf>, %select_n3A_990, %reduce_max3A_991 [1] : vector<50x50xf32> to vector<50xf32>
    %broadcast_in_dim3A_993 = vector.shape_cast %reduce_max3A_992 : vector<50xf32> to vector<50x1xf32>
    %sub3A_994 = vector.broadcast %broadcast_in_dim3A_993 : vector<50x1xf32> to vector<50x50xf32>
    %sub3A_995 = arith.subf %select_n3A_990, %sub3A_994 : vector<50x50xf32>
    %exp3A_996 = math.exp %sub3A_995 : vector<50x50xf32>
    %reduce_sum3A_997 = arith.constant dense<0.000000e+00> : vector<50xf32>
    %reduce_sum3A_998 = vector.multi_reduction <add>, %exp3A_996, %reduce_sum3A_997 [1] : vector<50x50xf32> to vector<50xf32>
    %broadcast_in_dim3A_999 = vector.shape_cast %reduce_sum3A_998 : vector<50xf32> to vector<50x1xf32>
    %div3A_1000 = vector.broadcast %broadcast_in_dim3A_999 : vector<50x1xf32> to vector<50x50xf32>
    %div3A_1001 = arith.divf %exp3A_996, %div3A_1000 : vector<50x50xf32>
    %dot_general3A_1002 = arith.constant dense<0.000000e+00> : vector<50x64xf32>
    %dot_general3A_1003 = tpu.matmul %div3A_1001, %div3A_818, %dot_general3A_1002 {dimension_numbers = #tpu.dot_dimension_numbers<[1], [0], [0], [1], [0, 0, 1, 1], [], []>, transpose_lhs_hint = false} : vector<50x50xf32>, vector<50x64xf32>, vector<50x64xf32> -> vector<50x64xf32>
    %add3A_1004 = arith.addf %dot_general3A_1003, %add3A_931 : vector<50x64xf32>
    %mul3A_1005 = arith.mulf %dot_general3A_1003, %add3A_931 : vector<50x64xf32>
    %add3A_1006 = arith.addf %add3A_1004, %mul3A_1005 : vector<50x64xf32>
    %get3A_1007 = arith.constant 3 : index
    %get3A_1008 = arith.constant 0 : index
    %get3A_1009 = arith.constant 0 : index
    %get3A_1010 = vector.load %arg7[%get3A_1007, %get3A_1008, %get3A_1009] : memref<16x50x50xf32, #tpu.memory_space<vmem>>, vector<1x50x50xf32>
    %get3A_1011 = vector.shape_cast %get3A_1010 : vector<1x50x50xf32> to vector<50x50xf32>
    %dot_general3A_1012 = arith.constant dense<0.000000e+00> : vector<50x64xf32>
    %dot_general3A_1013 = tpu.matmul %get3A_1011, %add3A_1006, %dot_general3A_1012 {dimension_numbers = #tpu.dot_dimension_numbers<[1], [0], [0], [1], [0, 0, 1, 1], [], []>, transpose_lhs_hint = false} : vector<50x50xf32>, vector<50x64xf32>, vector<50x64xf32> -> vector<50x64xf32>
    %get3A_1014 = arith.constant 0 : index
    %get3A_1015 = arith.constant 0 : index
    %get3A_1016 = vector.load %arg19[%get3A_1014, %get3A_1015] : memref<51x64xf32, #tpu.memory_space<vmem>>, vector<50x64xf32>
    %add3A_1017 = arith.addf %dot_general3A_1013, %get3A_1016 : vector<50x64xf32>
    %mul3A_1018 = vector.broadcast %get3A_835 : vector<50x1xf32> to vector<50x64xf32>
    %mul3A_1019 = arith.mulf %add3A_1017, %mul3A_1018 : vector<50x64xf32>
    %reduce_sum3A_1020 = arith.constant dense<0.000000e+00> : vector<64xf32>
    %reduce_sum3A_1021 = vector.multi_reduction <add>, %mul3A_1019, %reduce_sum3A_1020 [0] : vector<50x64xf32> to vector<64xf32>
    %broadcast_in_dim3A_1022 = vector.shape_cast %reduce_sum3A_1021 : vector<64xf32> to vector<1x64xf32>
    %div3A_1023 = vector.broadcast %reduce_sum3A_840 : f32 to vector<1x64xf32>
    %div3A_1024 = arith.divf %broadcast_in_dim3A_1022, %div3A_1023 : vector<1x64xf32>
    %get3A_1025 = arith.constant 0 : index
    %get3A_1026 = arith.constant 0 : index
    %get3A_1027 = vector.load %arg14[%get3A_1025, %get3A_1026] : memref<64x64xf32, #tpu.memory_space<vmem>>, vector<64x64xf32>
    %dot_general3A_1028 = arith.constant dense<0.000000e+00> : vector<50x64xf32>
    %dot_general3A_1029 = tpu.matmul %add3A_1017, %get3A_1027, %dot_general3A_1028 {dimension_numbers = #tpu.dot_dimension_numbers<[1], [1], [0], [0], [0, 0, 1, 0], [], []>, transpose_lhs_hint = false} : vector<50x64xf32>, vector<64x64xf32>, vector<50x64xf32> -> vector<50x64xf32>
    %get3A_1030 = arith.constant 0 : index
    %get3A_1031 = arith.constant 0 : index
    %get3A_1032 = vector.load %arg15[%get3A_1030, %get3A_1031] : memref<1x64xf32, #tpu.memory_space<vmem>>, vector<1x64xf32>
    %add3A_1033 = vector.broadcast %get3A_1032 : vector<1x64xf32> to vector<50x64xf32>
    %add3A_1034 = arith.addf %dot_general3A_1029, %add3A_1033 : vector<50x64xf32>
    %get3A_1035 = arith.constant 0 : index
    %get3A_1036 = arith.constant 0 : index
    %get3A_1037 = vector.load %arg16[%get3A_1035, %get3A_1036] : memref<64x64xf32, #tpu.memory_space<vmem>>, vector<64x64xf32>
    %dot_general3A_1038 = arith.constant dense<0.000000e+00> : vector<1x64xf32>
    %dot_general3A_1039 = tpu.matmul %div3A_1024, %get3A_1037, %dot_general3A_1038 {dimension_numbers = #tpu.dot_dimension_numbers<[1], [1], [0], [0], [0, 0, 1, 0], [], []>, transpose_lhs_hint = false} : vector<1x64xf32>, vector<64x64xf32>, vector<1x64xf32> -> vector<1x64xf32>
    %get3A_1040 = arith.constant 0 : index
    %get3A_1041 = arith.constant 0 : index
    %get3A_1042 = vector.load %arg17[%get3A_1040, %get3A_1041] : memref<1x64xf32, #tpu.memory_space<vmem>>, vector<1x64xf32>
    %add3A_1043 = arith.addf %dot_general3A_1039, %get3A_1042 : vector<1x64xf32>
    %add3A_1044 = vector.broadcast %add3A_1043 : vector<1x64xf32> to vector<50x64xf32>
    %add3A_1045 = arith.addf %add3A_1034, %add3A_1044 : vector<50x64xf32>
    %logistic3A_1046 = arith.negf %add3A_1045 : vector<50x64xf32>
    %logistic3A_1047 = math.exp %logistic3A_1046 : vector<50x64xf32>
    %logistic3A_1048 = arith.constant 1.000000e+00 : f32
    %logistic3A_1049 = vector.broadcast %logistic3A_1048 : f32 to vector<50x64xf32>
    %logistic3A_1050 = arith.addf %logistic3A_1049, %logistic3A_1047 : vector<50x64xf32>
    %logistic3A_1051 = arith.divf %logistic3A_1049, %logistic3A_1050 : vector<50x64xf32>
    %get3A_1052 = arith.constant 0 : index
    %get3A_1053 = arith.constant 0 : index
    %get3A_1054 = vector.load %arg18[%get3A_1052, %get3A_1053] : memref<1x64xf32, #tpu.memory_space<vmem>>, vector<1x64xf32>
    %dot_general3A_1055 = arith.constant dense<0.000000e+00> : vector<50x1xf32>
    %dot_general3A_1056 = tpu.matmul %logistic3A_1051, %get3A_1054, %dot_general3A_1055 {dimension_numbers = #tpu.dot_dimension_numbers<[1], [1], [0], [0], [0, 0, 1, 0], [], []>, transpose_lhs_hint = false} : vector<50x64xf32>, vector<1x64xf32>, vector<50x1xf32> -> vector<50x1xf32>
    %mul3A_1057 = vector.broadcast %dot_general3A_1056 : vector<50x1xf32> to vector<50x64xf32>
    %mul3A_1058 = arith.mulf %mul3A_1057, %dot_general3A_1013 : vector<50x64xf32>
    %mul3A_1059 = vector.broadcast %get3A_835 : vector<50x1xf32> to vector<50x64xf32>
    %mul3A_1060 = arith.mulf %mul3A_1058, %mul3A_1059 : vector<50x64xf32>
    %reduce_sum3A_1061 = arith.constant dense<0.000000e+00> : vector<64xf32>
    %reduce_sum3A_1062 = vector.multi_reduction <add>, %mul3A_1060, %reduce_sum3A_1061 [0] : vector<50x64xf32> to vector<64xf32>
    %broadcast_in_dim3A_1063 = vector.shape_cast %reduce_sum3A_1062 : vector<64xf32> to vector<1x64xf32>
    %get3A_1064 = arith.constant 50 : index
    %get3A_1065 = arith.constant 0 : index
    %get3A_1066 = vector.load %arg19[%get3A_1064, %get3A_1065] : memref<51x64xf32, #tpu.memory_space<vmem>>, vector<1x64xf32>
    %mul3A_1067 = vector.broadcast %get3A_835 : vector<50x1xf32> to vector<50x64xf32>
    %mul3A_1068 = arith.mulf %get3A_1016, %mul3A_1067 : vector<50x64xf32>
    %reduce_sum3A_1069 = arith.constant dense<0.000000e+00> : vector<64xf32>
    %reduce_sum3A_1070 = vector.multi_reduction <add>, %mul3A_1068, %reduce_sum3A_1069 [0] : vector<50x64xf32> to vector<64xf32>
    %broadcast_in_dim3A_1071 = vector.shape_cast %reduce_sum3A_1070 : vector<64xf32> to vector<1x64xf32>
    %div3A_1072 = vector.broadcast %reduce_sum3A_840 : f32 to vector<1x64xf32>
    %div3A_1073 = arith.divf %broadcast_in_dim3A_1071, %div3A_1072 : vector<1x64xf32>
    %mul3A_1074 = arith.mulf %get3A_1066, %div3A_1073 : vector<1x64xf32>
    %add3A_1075 = arith.addf %broadcast_in_dim3A_1063, %mul3A_1074 : vector<1x64xf32>
    %swap3A_1076 = arith.constant 3 : index
    %swap3A_1077 = arith.constant 0 : index
    %swap3A_1078 = arith.constant 0 : index
    %swap3A_1079 = vector.load %arg20[%swap3A_1076, %swap3A_1077, %swap3A_1078] : memref<16x1x64xf32, #tpu.memory_space<vmem>>, vector<1x1x64xf32>
    %swap3A_1080 = vector.shape_cast %swap3A_1079 : vector<1x1x64xf32> to vector<1x64xf32>
    %swap3A_1081 = vector.shape_cast %add3A_1075 : vector<1x64xf32> to vector<1x1x64xf32>
    tpu.vector_store %arg20[%swap3A_1076, %swap3A_1077, %swap3A_1078], %swap3A_1081 {strides = array<i32>} : memref<16x1x64xf32, #tpu.memory_space<vmem>>, vector<1x1x64xf32>,
    %get3A_1082 = arith.constant 4 : index
    %get3A_1083 = arith.constant 0 : index
    %get3A_1084 = arith.constant 0 : index
    %get3A_1085 = vector.load %arg1[%get3A_1082, %get3A_1083, %get3A_1084] : memref<16x50x64xf32, #tpu.memory_space<vmem>>, vector<1x50x64xf32>
    %get3A_1086 = vector.shape_cast %get3A_1085 : vector<1x50x64xf32> to vector<50x64xf32>
    %mul3A_1087 = arith.mulf %get3A_1086, %get3A_1086 : vector<50x64xf32>
    %reduce_sum3A_1088 = arith.constant dense<0.000000e+00> : vector<50xf32>
    %reduce_sum3A_1089 = vector.multi_reduction <add>, %mul3A_1087, %reduce_sum3A_1088 [1] : vector<50x64xf32> to vector<50xf32>
    %broadcast_in_dim3A_1090 = vector.shape_cast %reduce_sum3A_1089 : vector<50xf32> to vector<50x1xf32>
    %sqrt3A_1091 = math.sqrt %broadcast_in_dim3A_1090 : vector<50x1xf32>
    %div3A_1092 = vector.broadcast %sqrt3A_1091 : vector<50x1xf32> to vector<50x64xf32>
    %div3A_1093 = arith.divf %get3A_1086, %div3A_1092 : vector<50x64xf32>
    %get3A_1094 = arith.constant 4 : index
    %get3A_1095 = arith.constant 0 : index
    %get3A_1096 = arith.constant 0 : index
    %get3A_1097 = vector.load %arg2[%get3A_1094, %get3A_1095, %get3A_1096] : memref<16x50x64xf32, #tpu.memory_space<vmem>>, vector<1x50x64xf32>
    %get3A_1098 = vector.shape_cast %get3A_1097 : vector<1x50x64xf32> to vector<50x64xf32>
    %mul3A_1099 = arith.mulf %get3A_1098, %get3A_1098 : vector<50x64xf32>
    %reduce_sum3A_1100 = arith.constant dense<0.000000e+00> : vector<50xf32>
    %reduce_sum3A_1101 = vector.multi_reduction <add>, %mul3A_1099, %reduce_sum3A_1100 [1] : vector<50x64xf32> to vector<50xf32>
    %broadcast_in_dim3A_1102 = vector.shape_cast %reduce_sum3A_1101 : vector<50xf32> to vector<50x1xf32>
    %sqrt3A_1103 = math.sqrt %broadcast_in_dim3A_1102 : vector<50x1xf32>
    %div3A_1104 = vector.broadcast %sqrt3A_1103 : vector<50x1xf32> to vector<50x64xf32>
    %div3A_1105 = arith.divf %get3A_1098, %div3A_1104 : vector<50x64xf32>
    %get3A_1106 = arith.constant 4 : index
    %get3A_1107 = arith.constant 0 : index
    %get3A_1108 = arith.constant 0 : index
    %get3A_1109 = vector.load %arg8[%get3A_1106, %get3A_1107, %get3A_1108] : memref<16x50x1xf32, #tpu.memory_space<vmem>>, vector<1x50x1xf32>
    %get3A_1110 = vector.shape_cast %get3A_1109 : vector<1x50x1xf32> to vector<50x1xf32>
    %reduce_sum3A_1111 = vector.shape_cast %get3A_1110 : vector<50x1xf32> to vector<1x50x1xf32>
    %reduce_sum3A_1112 = arith.constant dense<0.000000e+00> : vector<1xf32>
    %reduce_sum3A_1113 = vector.multi_reduction <add>, %reduce_sum3A_1111, %reduce_sum3A_1112 [1, 2] : vector<1x50x1xf32> to vector<1xf32>
    %reduce_sum3A_1114 = vector.shape_cast %reduce_sum3A_1113 : vector<1xf32> to vector<1x1x1xf32>
    %reduce_sum3A_1115 = vector.extract %reduce_sum3A_1114[0, 0, 0] : f32 from vector<1x1x1xf32>
    %mul3A_1116 = vector.broadcast %get3A_1110 : vector<50x1xf32> to vector<50x64xf32>
    %mul3A_1117 = arith.mulf %div3A_1105, %mul3A_1116 : vector<50x64xf32>
    %reduce_sum3A_1118 = arith.constant dense<0.000000e+00> : vector<64xf32>
    %reduce_sum3A_1119 = vector.multi_reduction <add>, %mul3A_1117, %reduce_sum3A_1118 [0] : vector<50x64xf32> to vector<64xf32>
    %broadcast_in_dim3A_1120 = vector.shape_cast %reduce_sum3A_1119 : vector<64xf32> to vector<1x64xf32>
    %div3A_1121 = vector.broadcast %reduce_sum3A_1115 : f32 to vector<1x64xf32>
    %div3A_1122 = arith.divf %broadcast_in_dim3A_1120, %div3A_1121 : vector<1x64xf32>
    %get3A_1123 = arith.constant 0 : index
    %get3A_1124 = arith.constant 0 : index
    %get3A_1125 = vector.load %arg9[%get3A_1123, %get3A_1124] : memref<1x64xf32, #tpu.memory_space<vmem>>, vector<1x64xf32>
    %get3A_1126 = arith.constant 4 : index
    %get3A_1127 = arith.constant 0 : index
    %get3A_1128 = arith.constant 0 : index
    %get3A_1129 = vector.load %arg3[%get3A_1126, %get3A_1127, %get3A_1128] : memref<16x50x64xf32, #tpu.memory_space<vmem>>, vector<1x50x64xf32>
    %get3A_1130 = vector.shape_cast %get3A_1129 : vector<1x50x64xf32> to vector<50x64xf32>
    %get3A_1131 = arith.constant 4 : index
    %get3A_1132 = arith.constant 0 : index
    %get3A_1133 = arith.constant 0 : index
    %get3A_1134 = vector.load %arg4[%get3A_1131, %get3A_1132, %get3A_1133] : memref<16x50x64xf32, #tpu.memory_space<vmem>>, vector<1x50x64xf32>
    %get3A_1135 = vector.shape_cast %get3A_1134 : vector<1x50x64xf32> to vector<50x64xf32>
    %get3A_1136 = arith.constant 4 : index
    %get3A_1137 = arith.constant 0 : index
    %get3A_1138 = arith.constant 0 : index
    %get3A_1139 = vector.load %arg5[%get3A_1136, %get3A_1137, %get3A_1138] : memref<16x50x64xf32, #tpu.memory_space<vmem>>, vector<1x50x64xf32>
    %get3A_1140 = vector.shape_cast %get3A_1139 : vector<1x50x64xf32> to vector<50x64xf32>
    %mul3A_1141 = arith.mulf %div3A_1093, %get3A_1130 : vector<50x64xf32>
    %mul3A_1142 = vector.broadcast %get3A_1125 : vector<1x64xf32> to vector<50x64xf32>
    %mul3A_1143 = arith.mulf %mul3A_1141, %mul3A_1142 : vector<50x64xf32>
    %reduce_sum3A_1144 = arith.constant dense<0.000000e+00> : vector<50xf32>
    %reduce_sum3A_1145 = vector.multi_reduction <add>, %mul3A_1143, %reduce_sum3A_1144 [1] : vector<50x64xf32> to vector<50xf32>
    %broadcast_in_dim3A_1146 = vector.shape_cast %reduce_sum3A_1145 : vector<50xf32> to vector<50x1xf32>
    %ge3A_1147 = arith.constant 0.000000e+00 : f32
    %ge3A_1148 = vector.broadcast %ge3A_1147 : f32 to vector<50x1xf32>
    %ge3A_1149 = arith.cmpf oge, %broadcast_in_dim3A_1146, %ge3A_1148 : vector<50x1xf32>
    %mul3A_1150 = arith.constant 2.000000e-01 : f32
    %mul3A_1151 = vector.broadcast %mul3A_1150 : f32 to vector<50x1xf32>
    %mul3A_1152 = arith.mulf %mul3A_1151, %broadcast_in_dim3A_1146 : vector<50x1xf32>
    %select_n3A_1153 = arith.select %ge3A_1149, %broadcast_in_dim3A_1146, %mul3A_1152 : vector<50x1xi1>, vector<50x1xf32>
    %mul3A_1154 = arith.mulf %div3A_1093, %get3A_1135 : vector<50x64xf32>
    %mul3A_1155 = vector.broadcast %get3A_1125 : vector<1x64xf32> to vector<50x64xf32>
    %mul3A_1156 = arith.mulf %mul3A_1154, %mul3A_1155 : vector<50x64xf32>
    %reduce_sum3A_1157 = arith.constant dense<0.000000e+00> : vector<50xf32>
    %reduce_sum3A_1158 = vector.multi_reduction <add>, %mul3A_1156, %reduce_sum3A_1157 [1] : vector<50x64xf32> to vector<50xf32>
    %broadcast_in_dim3A_1159 = vector.shape_cast %reduce_sum3A_1158 : vector<50xf32> to vector<50x1xf32>
    %ge3A_1160 = arith.constant 0.000000e+00 : f32
    %ge3A_1161 = vector.broadcast %ge3A_1160 : f32 to vector<50x1xf32>
    %ge3A_1162 = arith.cmpf oge, %broadcast_in_dim3A_1159, %ge3A_1161 : vector<50x1xf32>
    %mul3A_1163 = arith.constant 2.000000e-01 : f32
    %mul3A_1164 = vector.broadcast %mul3A_1163 : f32 to vector<50x1xf32>
    %mul3A_1165 = arith.mulf %mul3A_1164, %broadcast_in_dim3A_1159 : vector<50x1xf32>
    %select_n3A_1166 = arith.select %ge3A_1162, %broadcast_in_dim3A_1159, %mul3A_1165 : vector<50x1xi1>, vector<50x1xf32>
    %mul3A_1167 = arith.mulf %div3A_1093, %get3A_1140 : vector<50x64xf32>
    %mul3A_1168 = vector.broadcast %get3A_1125 : vector<1x64xf32> to vector<50x64xf32>
    %mul3A_1169 = arith.mulf %mul3A_1167, %mul3A_1168 : vector<50x64xf32>
    %reduce_sum3A_1170 = arith.constant dense<0.000000e+00> : vector<50xf32>
    %reduce_sum3A_1171 = vector.multi_reduction <add>, %mul3A_1169, %reduce_sum3A_1170 [1] : vector<50x64xf32> to vector<50xf32>
    %broadcast_in_dim3A_1172 = vector.shape_cast %reduce_sum3A_1171 : vector<50xf32> to vector<50x1xf32>
    %ge3A_1173 = arith.constant 0.000000e+00 : f32
    %ge3A_1174 = vector.broadcast %ge3A_1173 : f32 to vector<50x1xf32>
    %ge3A_1175 = arith.cmpf oge, %broadcast_in_dim3A_1172, %ge3A_1174 : vector<50x1xf32>
    %mul3A_1176 = arith.constant 2.000000e-01 : f32
    %mul3A_1177 = vector.broadcast %mul3A_1176 : f32 to vector<50x1xf32>
    %mul3A_1178 = arith.mulf %mul3A_1177, %broadcast_in_dim3A_1172 : vector<50x1xf32>
    %select_n3A_1179 = arith.select %ge3A_1175, %broadcast_in_dim3A_1172, %mul3A_1178 : vector<50x1xi1>, vector<50x1xf32>
    %max3A_1180 = arith.maximumf %select_n3A_1166, %select_n3A_1179 : vector<50x1xf32>
    %max3A_1181 = arith.maximumf %select_n3A_1153, %max3A_1180 : vector<50x1xf32>
    %sub3A_1182 = arith.subf %select_n3A_1153, %max3A_1181 : vector<50x1xf32>
    %exp3A_1183 = math.exp %sub3A_1182 : vector<50x1xf32>
    %sub3A_1184 = arith.subf %select_n3A_1166, %max3A_1181 : vector<50x1xf32>
    %exp3A_1185 = math.exp %sub3A_1184 : vector<50x1xf32>
    %sub3A_1186 = arith.subf %select_n3A_1179, %max3A_1181 : vector<50x1xf32>
    %exp3A_1187 = math.exp %sub3A_1186 : vector<50x1xf32>
    %add3A_1188 = arith.addf %exp3A_1183, %exp3A_1185 : vector<50x1xf32>
    %add3A_1189 = arith.addf %add3A_1188, %exp3A_1187 : vector<50x1xf32>
    %mul3A_1190 = vector.broadcast %exp3A_1183 : vector<50x1xf32> to vector<50x64xf32>
    %mul3A_1191 = arith.mulf %mul3A_1190, %get3A_1130 : vector<50x64xf32>
    %mul3A_1192 = vector.broadcast %exp3A_1185 : vector<50x1xf32> to vector<50x64xf32>
    %mul3A_1193 = arith.mulf %mul3A_1192, %get3A_1135 : vector<50x64xf32>
    %add3A_1194 = arith.addf %mul3A_1191, %mul3A_1193 : vector<50x64xf32>
    %mul3A_1195 = vector.broadcast %exp3A_1187 : vector<50x1xf32> to vector<50x64xf32>
    %mul3A_1196 = arith.mulf %mul3A_1195, %get3A_1140 : vector<50x64xf32>
    %add3A_1197 = arith.addf %add3A_1194, %mul3A_1196 : vector<50x64xf32>
    %div3A_1198 = vector.broadcast %add3A_1189 : vector<50x1xf32> to vector<50x64xf32>
    %div3A_1199 = arith.divf %add3A_1197, %div3A_1198 : vector<50x64xf32>
    %mul3A_1200 = arith.constant 5.000000e-01 : f32
    %mul3A_1201 = vector.broadcast %mul3A_1200 : f32 to vector<50x64xf32>
    %mul3A_1202 = arith.mulf %mul3A_1201, %div3A_1093 : vector<50x64xf32>
    %mul3A_1203 = arith.constant 5.000000e-01 : f32
    %mul3A_1204 = vector.broadcast %mul3A_1203 : f32 to vector<50x64xf32>
    %mul3A_1205 = arith.mulf %mul3A_1204, %div3A_1199 : vector<50x64xf32>
    %add3A_1206 = arith.addf %mul3A_1202, %mul3A_1205 : vector<50x64xf32>
    %get3A_1207 = arith.constant 4 : index
    %get3A_1208 = arith.constant 0 : index
    %get3A_1209 = arith.constant 0 : index
    %get3A_1210 = vector.load %arg6[%get3A_1207, %get3A_1208, %get3A_1209] : memref<16x50x50xf32, #tpu.memory_space<vmem>>, vector<1x50x50xf32>
    %get3A_1211 = vector.shape_cast %get3A_1210 : vector<1x50x50xf32> to vector<50x50xf32>
    %get3A_1212 = arith.constant 0 : index
    %get3A_1213 = arith.constant 0 : index
    %get3A_1214 = vector.load %arg12[%get3A_1212, %get3A_1213] : memref<1x64xf32, #tpu.memory_space<vmem>>, vector<1x64xf32>
    %mul3A_1215 = arith.mulf %div3A_1122, %get3A_1214 : vector<1x64xf32>
    %dot_general3A_1216 = arith.constant dense<0.000000e+00> : vector<1x50xf32>
    %dot_general3A_1217 = tpu.matmul %mul3A_1215, %div3A_1093, %dot_general3A_1216 {dimension_numbers = #tpu.dot_dimension_numbers<[1], [1], [0], [0], [0, 0, 1, 0], [], []>, transpose_lhs_hint = false} : vector<1x64xf32>, vector<50x64xf32>, vector<1x50xf32> -> vector<1x50xf32>
    %get3A_1218 = arith.constant 0 : index
    %get3A_1219 = arith.constant 0 : index
    %get3A_1220 = vector.load %arg13[%get3A_1218, %get3A_1219] : memref<1x64xf32, #tpu.memory_space<vmem>>, vector<1x64xf32>
    %mul3A_1221 = arith.mulf %div3A_1122, %get3A_1220 : vector<1x64xf32>
    %dot_general3A_1222 = arith.constant dense<0.000000e+00> : vector<1x50xf32>
    %dot_general3A_1223 = tpu.matmul %mul3A_1221, %div3A_1093, %dot_general3A_1222 {dimension_numbers = #tpu.dot_dimension_numbers<[1], [1], [0], [0], [0, 0, 1, 0], [], []>, transpose_lhs_hint = false} : vector<1x64xf32>, vector<50x64xf32>, vector<1x50xf32> -> vector<1x50xf32>
    %get3A_1224 = arith.constant 0 : index
    %get3A_1225 = arith.constant 0 : index
    %get3A_1226 = vector.load %arg10[%get3A_1224, %get3A_1225] : memref<1x64xf32, #tpu.memory_space<vmem>>, vector<1x64xf32>
    %mul3A_1227 = vector.broadcast %get3A_1226 : vector<1x64xf32> to vector<50x64xf32>
    %mul3A_1228 = arith.mulf %div3A_1093, %mul3A_1227 : vector<50x64xf32>
    %dot_general3A_1229 = arith.constant dense<0.000000e+00> : vector<50x50xf32>
    %dot_general3A_1230 = tpu.matmul %mul3A_1228, %div3A_1093, %dot_general3A_1229 {dimension_numbers = #tpu.dot_dimension_numbers<[1], [1], [0], [0], [0, 0, 1, 0], [], []>, transpose_lhs_hint = false} : vector<50x64xf32>, vector<50x64xf32>, vector<50x50xf32> -> vector<50x50xf32>
    %add3A_1231 = vector.broadcast %dot_general3A_1217 : vector<1x50xf32> to vector<50x50xf32>
    %add3A_1232 = arith.addf %dot_general3A_1230, %add3A_1231 : vector<50x50xf32>
    %ge3A_1233 = arith.constant 0.000000e+00 : f32
    %ge3A_1234 = vector.broadcast %ge3A_1233 : f32 to vector<50x50xf32>
    %ge3A_1235 = arith.cmpf oge, %add3A_1232, %ge3A_1234 : vector<50x50xf32>
    %mul3A_1236 = arith.constant 2.000000e-01 : f32
    %mul3A_1237 = vector.broadcast %mul3A_1236 : f32 to vector<50x50xf32>
    %mul3A_1238 = arith.mulf %mul3A_1237, %add3A_1232 : vector<50x50xf32>
    %select_n3A_1239 = arith.select %ge3A_1235, %add3A_1232, %mul3A_1238 : vector<50x50xi1>, vector<50x50xf32>
    %get3A_1240 = arith.constant 0 : index
    %get3A_1241 = arith.constant 0 : index
    %get3A_1242 = vector.load %arg11[%get3A_1240, %get3A_1241] : memref<1x64xf32, #tpu.memory_space<vmem>>, vector<1x64xf32>
    %mul3A_1243 = vector.broadcast %get3A_1242 : vector<1x64xf32> to vector<50x64xf32>
    %mul3A_1244 = arith.mulf %div3A_1093, %mul3A_1243 : vector<50x64xf32>
    %dot_general3A_1245 = arith.constant dense<0.000000e+00> : vector<50x50xf32>
    %dot_general3A_1246 = tpu.matmul %mul3A_1244, %div3A_1093, %dot_general3A_1245 {dimension_numbers = #tpu.dot_dimension_numbers<[1], [1], [0], [0], [0, 0, 1, 0], [], []>, transpose_lhs_hint = false} : vector<50x64xf32>, vector<50x64xf32>, vector<50x50xf32> -> vector<50x50xf32>
    %add3A_1247 = vector.broadcast %dot_general3A_1223 : vector<1x50xf32> to vector<50x50xf32>
    %add3A_1248 = arith.addf %dot_general3A_1246, %add3A_1247 : vector<50x50xf32>
    %ge3A_1249 = arith.constant 0.000000e+00 : f32
    %ge3A_1250 = vector.broadcast %ge3A_1249 : f32 to vector<50x50xf32>
    %ge3A_1251 = arith.cmpf oge, %add3A_1248, %ge3A_1250 : vector<50x50xf32>
    %mul3A_1252 = arith.constant 2.000000e-01 : f32
    %mul3A_1253 = vector.broadcast %mul3A_1252 : f32 to vector<50x50xf32>
    %mul3A_1254 = arith.mulf %mul3A_1253, %add3A_1248 : vector<50x50xf32>
    %select_n3A_1255 = arith.select %ge3A_1251, %add3A_1248, %mul3A_1254 : vector<50x50xi1>, vector<50x50xf32>
    %eq3A_1256 = arith.constant 1.000000e+00 : f32
    %eq3A_1257 = vector.broadcast %eq3A_1256 : f32 to vector<50x50xf32>
    %eq3A_1258 = arith.cmpf oeq, %get3A_1211, %eq3A_1257 : vector<50x50xf32>
    %eq3A_1259 = arith.constant 2.000000e+00 : f32
    %eq3A_1260 = vector.broadcast %eq3A_1259 : f32 to vector<50x50xf32>
    %eq3A_1261 = arith.cmpf oeq, %get3A_1211, %eq3A_1260 : vector<50x50xf32>
    %jit3A_1262 = arith.constant -9.000000e+15 : f32
    %broadcast_in_dim3A_1263 = vector.broadcast %jit3A_1262 : f32 to vector<50x50xf32>
    %select_n3A_1264 = arith.select %eq3A_1261, %select_n3A_1255, %broadcast_in_dim3A_1263 : vector<50x50xi1>, vector<50x50xf32>
    %select_n3A_1265 = arith.select %eq3A_1258, %select_n3A_1239, %select_n3A_1264 : vector<50x50xi1>, vector<50x50xf32>
    %reduce_max3A_1266 = arith.constant dense<0xFF800000> : vector<50xf32>
    %reduce_max3A_1267 = vector.multi_reduction <maximumf>, %select_n3A_1265, %reduce_max3A_1266 [1] : vector<50x50xf32> to vector<50xf32>
    %broadcast_in_dim3A_1268 = vector.shape_cast %reduce_max3A_1267 : vector<50xf32> to vector<50x1xf32>
    %sub3A_1269 = vector.broadcast %broadcast_in_dim3A_1268 : vector<50x1xf32> to vector<50x50xf32>
    %sub3A_1270 = arith.subf %select_n3A_1265, %sub3A_1269 : vector<50x50xf32>
    %exp3A_1271 = math.exp %sub3A_1270 : vector<50x50xf32>
    %reduce_sum3A_1272 = arith.constant dense<0.000000e+00> : vector<50xf32>
    %reduce_sum3A_1273 = vector.multi_reduction <add>, %exp3A_1271, %reduce_sum3A_1272 [1] : vector<50x50xf32> to vector<50xf32>
    %broadcast_in_dim3A_1274 = vector.shape_cast %reduce_sum3A_1273 : vector<50xf32> to vector<50x1xf32>
    %div3A_1275 = vector.broadcast %broadcast_in_dim3A_1274 : vector<50x1xf32> to vector<50x50xf32>
    %div3A_1276 = arith.divf %exp3A_1271, %div3A_1275 : vector<50x50xf32>
    %dot_general3A_1277 = arith.constant dense<0.000000e+00> : vector<50x64xf32>
    %dot_general3A_1278 = tpu.matmul %div3A_1276, %div3A_1093, %dot_general3A_1277 {dimension_numbers = #tpu.dot_dimension_numbers<[1], [0], [0], [1], [0, 0, 1, 1], [], []>, transpose_lhs_hint = false} : vector<50x50xf32>, vector<50x64xf32>, vector<50x64xf32> -> vector<50x64xf32>
    %add3A_1279 = arith.addf %dot_general3A_1278, %add3A_1206 : vector<50x64xf32>
    %mul3A_1280 = arith.mulf %dot_general3A_1278, %add3A_1206 : vector<50x64xf32>
    %add3A_1281 = arith.addf %add3A_1279, %mul3A_1280 : vector<50x64xf32>
    %get3A_1282 = arith.constant 4 : index
    %get3A_1283 = arith.constant 0 : index
    %get3A_1284 = arith.constant 0 : index
    %get3A_1285 = vector.load %arg7[%get3A_1282, %get3A_1283, %get3A_1284] : memref<16x50x50xf32, #tpu.memory_space<vmem>>, vector<1x50x50xf32>
    %get3A_1286 = vector.shape_cast %get3A_1285 : vector<1x50x50xf32> to vector<50x50xf32>
    %dot_general3A_1287 = arith.constant dense<0.000000e+00> : vector<50x64xf32>
    %dot_general3A_1288 = tpu.matmul %get3A_1286, %add3A_1281, %dot_general3A_1287 {dimension_numbers = #tpu.dot_dimension_numbers<[1], [0], [0], [1], [0, 0, 1, 1], [], []>, transpose_lhs_hint = false} : vector<50x50xf32>, vector<50x64xf32>, vector<50x64xf32> -> vector<50x64xf32>
    %get3A_1289 = arith.constant 0 : index
    %get3A_1290 = arith.constant 0 : index
    %get3A_1291 = vector.load %arg19[%get3A_1289, %get3A_1290] : memref<51x64xf32, #tpu.memory_space<vmem>>, vector<50x64xf32>
    %add3A_1292 = arith.addf %dot_general3A_1288, %get3A_1291 : vector<50x64xf32>
    %mul3A_1293 = vector.broadcast %get3A_1110 : vector<50x1xf32> to vector<50x64xf32>
    %mul3A_1294 = arith.mulf %add3A_1292, %mul3A_1293 : vector<50x64xf32>
    %reduce_sum3A_1295 = arith.constant dense<0.000000e+00> : vector<64xf32>
    %reduce_sum3A_1296 = vector.multi_reduction <add>, %mul3A_1294, %reduce_sum3A_1295 [0] : vector<50x64xf32> to vector<64xf32>
    %broadcast_in_dim3A_1297 = vector.shape_cast %reduce_sum3A_1296 : vector<64xf32> to vector<1x64xf32>
    %div3A_1298 = vector.broadcast %reduce_sum3A_1115 : f32 to vector<1x64xf32>
    %div3A_1299 = arith.divf %broadcast_in_dim3A_1297, %div3A_1298 : vector<1x64xf32>
    %get3A_1300 = arith.constant 0 : index
    %get3A_1301 = arith.constant 0 : index
    %get3A_1302 = vector.load %arg14[%get3A_1300, %get3A_1301] : memref<64x64xf32, #tpu.memory_space<vmem>>, vector<64x64xf32>
    %dot_general3A_1303 = arith.constant dense<0.000000e+00> : vector<50x64xf32>
    %dot_general3A_1304 = tpu.matmul %add3A_1292, %get3A_1302, %dot_general3A_1303 {dimension_numbers = #tpu.dot_dimension_numbers<[1], [1], [0], [0], [0, 0, 1, 0], [], []>, transpose_lhs_hint = false} : vector<50x64xf32>, vector<64x64xf32>, vector<50x64xf32> -> vector<50x64xf32>
    %get3A_1305 = arith.constant 0 : index
    %get3A_1306 = arith.constant 0 : index
    %get3A_1307 = vector.load %arg15[%get3A_1305, %get3A_1306] : memref<1x64xf32, #tpu.memory_space<vmem>>, vector<1x64xf32>
    %add3A_1308 = vector.broadcast %get3A_1307 : vector<1x64xf32> to vector<50x64xf32>
    %add3A_1309 = arith.addf %dot_general3A_1304, %add3A_1308 : vector<50x64xf32>
    %get3A_1310 = arith.constant 0 : index
    %get3A_1311 = arith.constant 0 : index
    %get3A_1312 = vector.load %arg16[%get3A_1310, %get3A_1311] : memref<64x64xf32, #tpu.memory_space<vmem>>, vector<64x64xf32>
    %dot_general3A_1313 = arith.constant dense<0.000000e+00> : vector<1x64xf32>
    %dot_general3A_1314 = tpu.matmul %div3A_1299, %get3A_1312, %dot_general3A_1313 {dimension_numbers = #tpu.dot_dimension_numbers<[1], [1], [0], [0], [0, 0, 1, 0], [], []>, transpose_lhs_hint = false} : vector<1x64xf32>, vector<64x64xf32>, vector<1x64xf32> -> vector<1x64xf32>
    %get3A_1315 = arith.constant 0 : index
    %get3A_1316 = arith.constant 0 : index
    %get3A_1317 = vector.load %arg17[%get3A_1315, %get3A_1316] : memref<1x64xf32, #tpu.memory_space<vmem>>, vector<1x64xf32>
    %add3A_1318 = arith.addf %dot_general3A_1314, %get3A_1317 : vector<1x64xf32>
    %add3A_1319 = vector.broadcast %add3A_1318 : vector<1x64xf32> to vector<50x64xf32>
    %add3A_1320 = arith.addf %add3A_1309, %add3A_1319 : vector<50x64xf32>
    %logistic3A_1321 = arith.negf %add3A_1320 : vector<50x64xf32>
    %logistic3A_1322 = math.exp %logistic3A_1321 : vector<50x64xf32>
    %logistic3A_1323 = arith.constant 1.000000e+00 : f32
    %logistic3A_1324 = vector.broadcast %logistic3A_1323 : f32 to vector<50x64xf32>
    %logistic3A_1325 = arith.addf %logistic3A_1324, %logistic3A_1322 : vector<50x64xf32>
    %logistic3A_1326 = arith.divf %logistic3A_1324, %logistic3A_1325 : vector<50x64xf32>
    %get3A_1327 = arith.constant 0 : index
    %get3A_1328 = arith.constant 0 : index
    %get3A_1329 = vector.load %arg18[%get3A_1327, %get3A_1328] : memref<1x64xf32, #tpu.memory_space<vmem>>, vector<1x64xf32>
    %dot_general3A_1330 = arith.constant dense<0.000000e+00> : vector<50x1xf32>
    %dot_general3A_1331 = tpu.matmul %logistic3A_1326, %get3A_1329, %dot_general3A_1330 {dimension_numbers = #tpu.dot_dimension_numbers<[1], [1], [0], [0], [0, 0, 1, 0], [], []>, transpose_lhs_hint = false} : vector<50x64xf32>, vector<1x64xf32>, vector<50x1xf32> -> vector<50x1xf32>
    %mul3A_1332 = vector.broadcast %dot_general3A_1331 : vector<50x1xf32> to vector<50x64xf32>
    %mul3A_1333 = arith.mulf %mul3A_1332, %dot_general3A_1288 : vector<50x64xf32>
    %mul3A_1334 = vector.broadcast %get3A_1110 : vector<50x1xf32> to vector<50x64xf32>
    %mul3A_1335 = arith.mulf %mul3A_1333, %mul3A_1334 : vector<50x64xf32>
    %reduce_sum3A_1336 = arith.constant dense<0.000000e+00> : vector<64xf32>
    %reduce_sum3A_1337 = vector.multi_reduction <add>, %mul3A_1335, %reduce_sum3A_1336 [0] : vector<50x64xf32> to vector<64xf32>
    %broadcast_in_dim3A_1338 = vector.shape_cast %reduce_sum3A_1337 : vector<64xf32> to vector<1x64xf32>
    %get3A_1339 = arith.constant 50 : index
    %get3A_1340 = arith.constant 0 : index
    %get3A_1341 = vector.load %arg19[%get3A_1339, %get3A_1340] : memref<51x64xf32, #tpu.memory_space<vmem>>, vector<1x64xf32>
    %mul3A_1342 = vector.broadcast %get3A_1110 : vector<50x1xf32> to vector<50x64xf32>
    %mul3A_1343 = arith.mulf %get3A_1291, %mul3A_1342 : vector<50x64xf32>
    %reduce_sum3A_1344 = arith.constant dense<0.000000e+00> : vector<64xf32>
    %reduce_sum3A_1345 = vector.multi_reduction <add>, %mul3A_1343, %reduce_sum3A_1344 [0] : vector<50x64xf32> to vector<64xf32>
    %broadcast_in_dim3A_1346 = vector.shape_cast %reduce_sum3A_1345 : vector<64xf32> to vector<1x64xf32>
    %div3A_1347 = vector.broadcast %reduce_sum3A_1115 : f32 to vector<1x64xf32>
    %div3A_1348 = arith.divf %broadcast_in_dim3A_1346, %div3A_1347 : vector<1x64xf32>
    %mul3A_1349 = arith.mulf %get3A_1341, %div3A_1348 : vector<1x64xf32>
    %add3A_1350 = arith.addf %broadcast_in_dim3A_1338, %mul3A_1349 : vector<1x64xf32>
    %swap3A_1351 = arith.constant 4 : index
    %swap3A_1352 = arith.constant 0 : index
    %swap3A_1353 = arith.constant 0 : index
    %swap3A_1354 = vector.load %arg20[%swap3A_1351, %swap3A_1352, %swap3A_1353] : memref<16x1x64xf32, #tpu.memory_space<vmem>>, vector<1x1x64xf32>
    %swap3A_1355 = vector.shape_cast %swap3A_1354 : vector<1x1x64xf32> to vector<1x64xf32>
    %swap3A_1356 = vector.shape_cast %add3A_1350 : vector<1x64xf32> to vector<1x1x64xf32>
    tpu.vector_store %arg20[%swap3A_1351, %swap3A_1352, %swap3A_1353], %swap3A_1356 {strides = array<i32>} : memref<16x1x64xf32, #tpu.memory_space<vmem>>, vector<1x1x64xf32>,
    %get3A_1357 = arith.constant 5 : index
    %get3A_1358 = arith.constant 0 : index
    %get3A_1359 = arith.constant 0 : index
    %get3A_1360 = vector.load %arg1[%get3A_1357, %get3A_1358, %get3A_1359] : memref<16x50x64xf32, #tpu.memory_space<vmem>>, vector<1x50x64xf32>
    %get3A_1361 = vector.shape_cast %get3A_1360 : vector<1x50x64xf32> to vector<50x64xf32>
    %mul3A_1362 = arith.mulf %get3A_1361, %get3A_1361 : vector<50x64xf32>
    %reduce_sum3A_1363 = arith.constant dense<0.000000e+00> : vector<50xf32>
    %reduce_sum3A_1364 = vector.multi_reduction <add>, %mul3A_1362, %reduce_sum3A_1363 [1] : vector<50x64xf32> to vector<50xf32>
    %broadcast_in_dim3A_1365 = vector.shape_cast %reduce_sum3A_1364 : vector<50xf32> to vector<50x1xf32>
    %sqrt3A_1366 = math.sqrt %broadcast_in_dim3A_1365 : vector<50x1xf32>
    %div3A_1367 = vector.broadcast %sqrt3A_1366 : vector<50x1xf32> to vector<50x64xf32>
    %div3A_1368 = arith.divf %get3A_1361, %div3A_1367 : vector<50x64xf32>
    %get3A_1369 = arith.constant 5 : index
    %get3A_1370 = arith.constant 0 : index
    %get3A_1371 = arith.constant 0 : index
    %get3A_1372 = vector.load %arg2[%get3A_1369, %get3A_1370, %get3A_1371] : memref<16x50x64xf32, #tpu.memory_space<vmem>>, vector<1x50x64xf32>
    %get3A_1373 = vector.shape_cast %get3A_1372 : vector<1x50x64xf32> to vector<50x64xf32>
    %mul3A_1374 = arith.mulf %get3A_1373, %get3A_1373 : vector<50x64xf32>
    %reduce_sum3A_1375 = arith.constant dense<0.000000e+00> : vector<50xf32>
    %reduce_sum3A_1376 = vector.multi_reduction <add>, %mul3A_1374, %reduce_sum3A_1375 [1] : vector<50x64xf32> to vector<50xf32>
    %broadcast_in_dim3A_1377 = vector.shape_cast %reduce_sum3A_1376 : vector<50xf32> to vector<50x1xf32>
    %sqrt3A_1378 = math.sqrt %broadcast_in_dim3A_1377 : vector<50x1xf32>
    %div3A_1379 = vector.broadcast %sqrt3A_1378 : vector<50x1xf32> to vector<50x64xf32>
    %div3A_1380 = arith.divf %get3A_1373, %div3A_1379 : vector<50x64xf32>
    %get3A_1381 = arith.constant 5 : index
    %get3A_1382 = arith.constant 0 : index
    %get3A_1383 = arith.constant 0 : index
    %get3A_1384 = vector.load %arg8[%get3A_1381, %get3A_1382, %get3A_1383] : memref<16x50x1xf32, #tpu.memory_space<vmem>>, vector<1x50x1xf32>
    %get3A_1385 = vector.shape_cast %get3A_1384 : vector<1x50x1xf32> to vector<50x1xf32>
    %reduce_sum3A_1386 = vector.shape_cast %get3A_1385 : vector<50x1xf32> to vector<1x50x1xf32>
    %reduce_sum3A_1387 = arith.constant dense<0.000000e+00> : vector<1xf32>
    %reduce_sum3A_1388 = vector.multi_reduction <add>, %reduce_sum3A_1386, %reduce_sum3A_1387 [1, 2] : vector<1x50x1xf32> to vector<1xf32>
    %reduce_sum3A_1389 = vector.shape_cast %reduce_sum3A_1388 : vector<1xf32> to vector<1x1x1xf32>
    %reduce_sum3A_1390 = vector.extract %reduce_sum3A_1389[0, 0, 0] : f32 from vector<1x1x1xf32>
    %mul3A_1391 = vector.broadcast %get3A_1385 : vector<50x1xf32> to vector<50x64xf32>
    %mul3A_1392 = arith.mulf %div3A_1380, %mul3A_1391 : vector<50x64xf32>
    %reduce_sum3A_1393 = arith.constant dense<0.000000e+00> : vector<64xf32>
    %reduce_sum3A_1394 = vector.multi_reduction <add>, %mul3A_1392, %reduce_sum3A_1393 [0] : vector<50x64xf32> to vector<64xf32>
    %broadcast_in_dim3A_1395 = vector.shape_cast %reduce_sum3A_1394 : vector<64xf32> to vector<1x64xf32>
    %div3A_1396 = vector.broadcast %reduce_sum3A_1390 : f32 to vector<1x64xf32>
    %div3A_1397 = arith.divf %broadcast_in_dim3A_1395, %div3A_1396 : vector<1x64xf32>
    %get3A_1398 = arith.constant 0 : index
    %get3A_1399 = arith.constant 0 : index
    %get3A_1400 = vector.load %arg9[%get3A_1398, %get3A_1399] : memref<1x64xf32, #tpu.memory_space<vmem>>, vector<1x64xf32>
    %get3A_1401 = arith.constant 5 : index
    %get3A_1402 = arith.constant 0 : index
    %get3A_1403 = arith.constant 0 : index
    %get3A_1404 = vector.load %arg3[%get3A_1401, %get3A_1402, %get3A_1403] : memref<16x50x64xf32, #tpu.memory_space<vmem>>, vector<1x50x64xf32>
    %get3A_1405 = vector.shape_cast %get3A_1404 : vector<1x50x64xf32> to vector<50x64xf32>
    %get3A_1406 = arith.constant 5 : index
    %get3A_1407 = arith.constant 0 : index
    %get3A_1408 = arith.constant 0 : index
    %get3A_1409 = vector.load %arg4[%get3A_1406, %get3A_1407, %get3A_1408] : memref<16x50x64xf32, #tpu.memory_space<vmem>>, vector<1x50x64xf32>
    %get3A_1410 = vector.shape_cast %get3A_1409 : vector<1x50x64xf32> to vector<50x64xf32>
    %get3A_1411 = arith.constant 5 : index
    %get3A_1412 = arith.constant 0 : index
    %get3A_1413 = arith.constant 0 : index
    %get3A_1414 = vector.load %arg5[%get3A_1411, %get3A_1412, %get3A_1413] : memref<16x50x64xf32, #tpu.memory_space<vmem>>, vector<1x50x64xf32>
    %get3A_1415 = vector.shape_cast %get3A_1414 : vector<1x50x64xf32> to vector<50x64xf32>
    %mul3A_1416 = arith.mulf %div3A_1368, %get3A_1405 : vector<50x64xf32>
    %mul3A_1417 = vector.broadcast %get3A_1400 : vector<1x64xf32> to vector<50x64xf32>
    %mul3A_1418 = arith.mulf %mul3A_1416, %mul3A_1417 : vector<50x64xf32>
    %reduce_sum3A_1419 = arith.constant dense<0.000000e+00> : vector<50xf32>
    %reduce_sum3A_1420 = vector.multi_reduction <add>, %mul3A_1418, %reduce_sum3A_1419 [1] : vector<50x64xf32> to vector<50xf32>
    %broadcast_in_dim3A_1421 = vector.shape_cast %reduce_sum3A_1420 : vector<50xf32> to vector<50x1xf32>
    %ge3A_1422 = arith.constant 0.000000e+00 : f32
    %ge3A_1423 = vector.broadcast %ge3A_1422 : f32 to vector<50x1xf32>
    %ge3A_1424 = arith.cmpf oge, %broadcast_in_dim3A_1421, %ge3A_1423 : vector<50x1xf32>
    %mul3A_1425 = arith.constant 2.000000e-01 : f32
    %mul3A_1426 = vector.broadcast %mul3A_1425 : f32 to vector<50x1xf32>
    %mul3A_1427 = arith.mulf %mul3A_1426, %broadcast_in_dim3A_1421 : vector<50x1xf32>
    %select_n3A_1428 = arith.select %ge3A_1424, %broadcast_in_dim3A_1421, %mul3A_1427 : vector<50x1xi1>, vector<50x1xf32>
    %mul3A_1429 = arith.mulf %div3A_1368, %get3A_1410 : vector<50x64xf32>
    %mul3A_1430 = vector.broadcast %get3A_1400 : vector<1x64xf32> to vector<50x64xf32>
    %mul3A_1431 = arith.mulf %mul3A_1429, %mul3A_1430 : vector<50x64xf32>
    %reduce_sum3A_1432 = arith.constant dense<0.000000e+00> : vector<50xf32>
    %reduce_sum3A_1433 = vector.multi_reduction <add>, %mul3A_1431, %reduce_sum3A_1432 [1] : vector<50x64xf32> to vector<50xf32>
    %broadcast_in_dim3A_1434 = vector.shape_cast %reduce_sum3A_1433 : vector<50xf32> to vector<50x1xf32>
    %ge3A_1435 = arith.constant 0.000000e+00 : f32
    %ge3A_1436 = vector.broadcast %ge3A_1435 : f32 to vector<50x1xf32>
    %ge3A_1437 = arith.cmpf oge, %broadcast_in_dim3A_1434, %ge3A_1436 : vector<50x1xf32>
    %mul3A_1438 = arith.constant 2.000000e-01 : f32
    %mul3A_1439 = vector.broadcast %mul3A_1438 : f32 to vector<50x1xf32>
    %mul3A_1440 = arith.mulf %mul3A_1439, %broadcast_in_dim3A_1434 : vector<50x1xf32>
    %select_n3A_1441 = arith.select %ge3A_1437, %broadcast_in_dim3A_1434, %mul3A_1440 : vector<50x1xi1>, vector<50x1xf32>
    %mul3A_1442 = arith.mulf %div3A_1368, %get3A_1415 : vector<50x64xf32>
    %mul3A_1443 = vector.broadcast %get3A_1400 : vector<1x64xf32> to vector<50x64xf32>
    %mul3A_1444 = arith.mulf %mul3A_1442, %mul3A_1443 : vector<50x64xf32>
    %reduce_sum3A_1445 = arith.constant dense<0.000000e+00> : vector<50xf32>
    %reduce_sum3A_1446 = vector.multi_reduction <add>, %mul3A_1444, %reduce_sum3A_1445 [1] : vector<50x64xf32> to vector<50xf32>
    %broadcast_in_dim3A_1447 = vector.shape_cast %reduce_sum3A_1446 : vector<50xf32> to vector<50x1xf32>
    %ge3A_1448 = arith.constant 0.000000e+00 : f32
    %ge3A_1449 = vector.broadcast %ge3A_1448 : f32 to vector<50x1xf32>
    %ge3A_1450 = arith.cmpf oge, %broadcast_in_dim3A_1447, %ge3A_1449 : vector<50x1xf32>
    %mul3A_1451 = arith.constant 2.000000e-01 : f32
    %mul3A_1452 = vector.broadcast %mul3A_1451 : f32 to vector<50x1xf32>
    %mul3A_1453 = arith.mulf %mul3A_1452, %broadcast_in_dim3A_1447 : vector<50x1xf32>
    %select_n3A_1454 = arith.select %ge3A_1450, %broadcast_in_dim3A_1447, %mul3A_1453 : vector<50x1xi1>, vector<50x1xf32>
    %max3A_1455 = arith.maximumf %select_n3A_1441, %select_n3A_1454 : vector<50x1xf32>
    %max3A_1456 = arith.maximumf %select_n3A_1428, %max3A_1455 : vector<50x1xf32>
    %sub3A_1457 = arith.subf %select_n3A_1428, %max3A_1456 : vector<50x1xf32>
    %exp3A_1458 = math.exp %sub3A_1457 : vector<50x1xf32>
    %sub3A_1459 = arith.subf %select_n3A_1441, %max3A_1456 : vector<50x1xf32>
    %exp3A_1460 = math.exp %sub3A_1459 : vector<50x1xf32>
    %sub3A_1461 = arith.subf %select_n3A_1454, %max3A_1456 : vector<50x1xf32>
    %exp3A_1462 = math.exp %sub3A_1461 : vector<50x1xf32>
    %add3A_1463 = arith.addf %exp3A_1458, %exp3A_1460 : vector<50x1xf32>
    %add3A_1464 = arith.addf %add3A_1463, %exp3A_1462 : vector<50x1xf32>
    %mul3A_1465 = vector.broadcast %exp3A_1458 : vector<50x1xf32> to vector<50x64xf32>
    %mul3A_1466 = arith.mulf %mul3A_1465, %get3A_1405 : vector<50x64xf32>
    %mul3A_1467 = vector.broadcast %exp3A_1460 : vector<50x1xf32> to vector<50x64xf32>
    %mul3A_1468 = arith.mulf %mul3A_1467, %get3A_1410 : vector<50x64xf32>
    %add3A_1469 = arith.addf %mul3A_1466, %mul3A_1468 : vector<50x64xf32>
    %mul3A_1470 = vector.broadcast %exp3A_1462 : vector<50x1xf32> to vector<50x64xf32>
    %mul3A_1471 = arith.mulf %mul3A_1470, %get3A_1415 : vector<50x64xf32>
    %add3A_1472 = arith.addf %add3A_1469, %mul3A_1471 : vector<50x64xf32>
    %div3A_1473 = vector.broadcast %add3A_1464 : vector<50x1xf32> to vector<50x64xf32>
    %div3A_1474 = arith.divf %add3A_1472, %div3A_1473 : vector<50x64xf32>
    %mul3A_1475 = arith.constant 5.000000e-01 : f32
    %mul3A_1476 = vector.broadcast %mul3A_1475 : f32 to vector<50x64xf32>
    %mul3A_1477 = arith.mulf %mul3A_1476, %div3A_1368 : vector<50x64xf32>
    %mul3A_1478 = arith.constant 5.000000e-01 : f32
    %mul3A_1479 = vector.broadcast %mul3A_1478 : f32 to vector<50x64xf32>
    %mul3A_1480 = arith.mulf %mul3A_1479, %div3A_1474 : vector<50x64xf32>
    %add3A_1481 = arith.addf %mul3A_1477, %mul3A_1480 : vector<50x64xf32>
    %get3A_1482 = arith.constant 5 : index
    %get3A_1483 = arith.constant 0 : index
    %get3A_1484 = arith.constant 0 : index
    %get3A_1485 = vector.load %arg6[%get3A_1482, %get3A_1483, %get3A_1484] : memref<16x50x50xf32, #tpu.memory_space<vmem>>, vector<1x50x50xf32>
    %get3A_1486 = vector.shape_cast %get3A_1485 : vector<1x50x50xf32> to vector<50x50xf32>
    %get3A_1487 = arith.constant 0 : index
    %get3A_1488 = arith.constant 0 : index
    %get3A_1489 = vector.load %arg12[%get3A_1487, %get3A_1488] : memref<1x64xf32, #tpu.memory_space<vmem>>, vector<1x64xf32>
    %mul3A_1490 = arith.mulf %div3A_1397, %get3A_1489 : vector<1x64xf32>
    %dot_general3A_1491 = arith.constant dense<0.000000e+00> : vector<1x50xf32>
    %dot_general3A_1492 = tpu.matmul %mul3A_1490, %div3A_1368, %dot_general3A_1491 {dimension_numbers = #tpu.dot_dimension_numbers<[1], [1], [0], [0], [0, 0, 1, 0], [], []>, transpose_lhs_hint = false} : vector<1x64xf32>, vector<50x64xf32>, vector<1x50xf32> -> vector<1x50xf32>
    %get3A_1493 = arith.constant 0 : index
    %get3A_1494 = arith.constant 0 : index
    %get3A_1495 = vector.load %arg13[%get3A_1493, %get3A_1494] : memref<1x64xf32, #tpu.memory_space<vmem>>, vector<1x64xf32>
    %mul3A_1496 = arith.mulf %div3A_1397, %get3A_1495 : vector<1x64xf32>
    %dot_general3A_1497 = arith.constant dense<0.000000e+00> : vector<1x50xf32>
    %dot_general3A_1498 = tpu.matmul %mul3A_1496, %div3A_1368, %dot_general3A_1497 {dimension_numbers = #tpu.dot_dimension_numbers<[1], [1], [0], [0], [0, 0, 1, 0], [], []>, transpose_lhs_hint = false} : vector<1x64xf32>, vector<50x64xf32>, vector<1x50xf32> -> vector<1x50xf32>
    %get3A_1499 = arith.constant 0 : index
    %get3A_1500 = arith.constant 0 : index
    %get3A_1501 = vector.load %arg10[%get3A_1499, %get3A_1500] : memref<1x64xf32, #tpu.memory_space<vmem>>, vector<1x64xf32>
    %mul3A_1502 = vector.broadcast %get3A_1501 : vector<1x64xf32> to vector<50x64xf32>
    %mul3A_1503 = arith.mulf %div3A_1368, %mul3A_1502 : vector<50x64xf32>
    %dot_general3A_1504 = arith.constant dense<0.000000e+00> : vector<50x50xf32>
    %dot_general3A_1505 = tpu.matmul %mul3A_1503, %div3A_1368, %dot_general3A_1504 {dimension_numbers = #tpu.dot_dimension_numbers<[1], [1], [0], [0], [0, 0, 1, 0], [], []>, transpose_lhs_hint = false} : vector<50x64xf32>, vector<50x64xf32>, vector<50x50xf32> -> vector<50x50xf32>
    %add3A_1506 = vector.broadcast %dot_general3A_1492 : vector<1x50xf32> to vector<50x50xf32>
    %add3A_1507 = arith.addf %dot_general3A_1505, %add3A_1506 : vector<50x50xf32>
    %ge3A_1508 = arith.constant 0.000000e+00 : f32
    %ge3A_1509 = vector.broadcast %ge3A_1508 : f32 to vector<50x50xf32>
    %ge3A_1510 = arith.cmpf oge, %add3A_1507, %ge3A_1509 : vector<50x50xf32>
    %mul3A_1511 = arith.constant 2.000000e-01 : f32
    %mul3A_1512 = vector.broadcast %mul3A_1511 : f32 to vector<50x50xf32>
    %mul3A_1513 = arith.mulf %mul3A_1512, %add3A_1507 : vector<50x50xf32>
    %select_n3A_1514 = arith.select %ge3A_1510, %add3A_1507, %mul3A_1513 : vector<50x50xi1>, vector<50x50xf32>
    %get3A_1515 = arith.constant 0 : index
    %get3A_1516 = arith.constant 0 : index
    %get3A_1517 = vector.load %arg11[%get3A_1515, %get3A_1516] : memref<1x64xf32, #tpu.memory_space<vmem>>, vector<1x64xf32>
    %mul3A_1518 = vector.broadcast %get3A_1517 : vector<1x64xf32> to vector<50x64xf32>
    %mul3A_1519 = arith.mulf %div3A_1368, %mul3A_1518 : vector<50x64xf32>
    %dot_general3A_1520 = arith.constant dense<0.000000e+00> : vector<50x50xf32>
    %dot_general3A_1521 = tpu.matmul %mul3A_1519, %div3A_1368, %dot_general3A_1520 {dimension_numbers = #tpu.dot_dimension_numbers<[1], [1], [0], [0], [0, 0, 1, 0], [], []>, transpose_lhs_hint = false} : vector<50x64xf32>, vector<50x64xf32>, vector<50x50xf32> -> vector<50x50xf32>
    %add3A_1522 = vector.broadcast %dot_general3A_1498 : vector<1x50xf32> to vector<50x50xf32>
    %add3A_1523 = arith.addf %dot_general3A_1521, %add3A_1522 : vector<50x50xf32>
    %ge3A_1524 = arith.constant 0.000000e+00 : f32
    %ge3A_1525 = vector.broadcast %ge3A_1524 : f32 to vector<50x50xf32>
    %ge3A_1526 = arith.cmpf oge, %add3A_1523, %ge3A_1525 : vector<50x50xf32>
    %mul3A_1527 = arith.constant 2.000000e-01 : f32
    %mul3A_1528 = vector.broadcast %mul3A_1527 : f32 to vector<50x50xf32>
    %mul3A_1529 = arith.mulf %mul3A_1528, %add3A_1523 : vector<50x50xf32>
    %select_n3A_1530 = arith.select %ge3A_1526, %add3A_1523, %mul3A_1529 : vector<50x50xi1>, vector<50x50xf32>
    %eq3A_1531 = arith.constant 1.000000e+00 : f32
    %eq3A_1532 = vector.broadcast %eq3A_1531 : f32 to vector<50x50xf32>
    %eq3A_1533 = arith.cmpf oeq, %get3A_1486, %eq3A_1532 : vector<50x50xf32>
    %eq3A_1534 = arith.constant 2.000000e+00 : f32
    %eq3A_1535 = vector.broadcast %eq3A_1534 : f32 to vector<50x50xf32>
    %eq3A_1536 = arith.cmpf oeq, %get3A_1486, %eq3A_1535 : vector<50x50xf32>
    %jit3A_1537 = arith.constant -9.000000e+15 : f32
    %broadcast_in_dim3A_1538 = vector.broadcast %jit3A_1537 : f32 to vector<50x50xf32>
    %select_n3A_1539 = arith.select %eq3A_1536, %select_n3A_1530, %broadcast_in_dim3A_1538 : vector<50x50xi1>, vector<50x50xf32>
    %select_n3A_1540 = arith.select %eq3A_1533, %select_n3A_1514, %select_n3A_1539 : vector<50x50xi1>, vector<50x50xf32>
    %reduce_max3A_1541 = arith.constant dense<0xFF800000> : vector<50xf32>
    %reduce_max3A_1542 = vector.multi_reduction <maximumf>, %select_n3A_1540, %reduce_max3A_1541 [1] : vector<50x50xf32> to vector<50xf32>
    %broadcast_in_dim3A_1543 = vector.shape_cast %reduce_max3A_1542 : vector<50xf32> to vector<50x1xf32>
    %sub3A_1544 = vector.broadcast %broadcast_in_dim3A_1543 : vector<50x1xf32> to vector<50x50xf32>
    %sub3A_1545 = arith.subf %select_n3A_1540, %sub3A_1544 : vector<50x50xf32>
    %exp3A_1546 = math.exp %sub3A_1545 : vector<50x50xf32>
    %reduce_sum3A_1547 = arith.constant dense<0.000000e+00> : vector<50xf32>
    %reduce_sum3A_1548 = vector.multi_reduction <add>, %exp3A_1546, %reduce_sum3A_1547 [1] : vector<50x50xf32> to vector<50xf32>
    %broadcast_in_dim3A_1549 = vector.shape_cast %reduce_sum3A_1548 : vector<50xf32> to vector<50x1xf32>
    %div3A_1550 = vector.broadcast %broadcast_in_dim3A_1549 : vector<50x1xf32> to vector<50x50xf32>
    %div3A_1551 = arith.divf %exp3A_1546, %div3A_1550 : vector<50x50xf32>
    %dot_general3A_1552 = arith.constant dense<0.000000e+00> : vector<50x64xf32>
    %dot_general3A_1553 = tpu.matmul %div3A_1551, %div3A_1368, %dot_general3A_1552 {dimension_numbers = #tpu.dot_dimension_numbers<[1], [0], [0], [1], [0, 0, 1, 1], [], []>, transpose_lhs_hint = false} : vector<50x50xf32>, vector<50x64xf32>, vector<50x64xf32> -> vector<50x64xf32>
    %add3A_1554 = arith.addf %dot_general3A_1553, %add3A_1481 : vector<50x64xf32>
    %mul3A_1555 = arith.mulf %dot_general3A_1553, %add3A_1481 : vector<50x64xf32>
    %add3A_1556 = arith.addf %add3A_1554, %mul3A_1555 : vector<50x64xf32>
    %get3A_1557 = arith.constant 5 : index
    %get3A_1558 = arith.constant 0 : index
    %get3A_1559 = arith.constant 0 : index
    %get3A_1560 = vector.load %arg7[%get3A_1557, %get3A_1558, %get3A_1559] : memref<16x50x50xf32, #tpu.memory_space<vmem>>, vector<1x50x50xf32>
    %get3A_1561 = vector.shape_cast %get3A_1560 : vector<1x50x50xf32> to vector<50x50xf32>
    %dot_general3A_1562 = arith.constant dense<0.000000e+00> : vector<50x64xf32>
    %dot_general3A_1563 = tpu.matmul %get3A_1561, %add3A_1556, %dot_general3A_1562 {dimension_numbers = #tpu.dot_dimension_numbers<[1], [0], [0], [1], [0, 0, 1, 1], [], []>, transpose_lhs_hint = false} : vector<50x50xf32>, vector<50x64xf32>, vector<50x64xf32> -> vector<50x64xf32>
    %get3A_1564 = arith.constant 0 : index
    %get3A_1565 = arith.constant 0 : index
    %get3A_1566 = vector.load %arg19[%get3A_1564, %get3A_1565] : memref<51x64xf32, #tpu.memory_space<vmem>>, vector<50x64xf32>
    %add3A_1567 = arith.addf %dot_general3A_1563, %get3A_1566 : vector<50x64xf32>
    %mul3A_1568 = vector.broadcast %get3A_1385 : vector<50x1xf32> to vector<50x64xf32>
    %mul3A_1569 = arith.mulf %add3A_1567, %mul3A_1568 : vector<50x64xf32>
    %reduce_sum3A_1570 = arith.constant dense<0.000000e+00> : vector<64xf32>
    %reduce_sum3A_1571 = vector.multi_reduction <add>, %mul3A_1569, %reduce_sum3A_1570 [0] : vector<50x64xf32> to vector<64xf32>
    %broadcast_in_dim3A_1572 = vector.shape_cast %reduce_sum3A_1571 : vector<64xf32> to vector<1x64xf32>
    %div3A_1573 = vector.broadcast %reduce_sum3A_1390 : f32 to vector<1x64xf32>
    %div3A_1574 = arith.divf %broadcast_in_dim3A_1572, %div3A_1573 : vector<1x64xf32>
    %get3A_1575 = arith.constant 0 : index
    %get3A_1576 = arith.constant 0 : index
    %get3A_1577 = vector.load %arg14[%get3A_1575, %get3A_1576] : memref<64x64xf32, #tpu.memory_space<vmem>>, vector<64x64xf32>
    %dot_general3A_1578 = arith.constant dense<0.000000e+00> : vector<50x64xf32>
    %dot_general3A_1579 = tpu.matmul %add3A_1567, %get3A_1577, %dot_general3A_1578 {dimension_numbers = #tpu.dot_dimension_numbers<[1], [1], [0], [0], [0, 0, 1, 0], [], []>, transpose_lhs_hint = false} : vector<50x64xf32>, vector<64x64xf32>, vector<50x64xf32> -> vector<50x64xf32>
    %get3A_1580 = arith.constant 0 : index
    %get3A_1581 = arith.constant 0 : index
    %get3A_1582 = vector.load %arg15[%get3A_1580, %get3A_1581] : memref<1x64xf32, #tpu.memory_space<vmem>>, vector<1x64xf32>
    %add3A_1583 = vector.broadcast %get3A_1582 : vector<1x64xf32> to vector<50x64xf32>
    %add3A_1584 = arith.addf %dot_general3A_1579, %add3A_1583 : vector<50x64xf32>
    %get3A_1585 = arith.constant 0 : index
    %get3A_1586 = arith.constant 0 : index
    %get3A_1587 = vector.load %arg16[%get3A_1585, %get3A_1586] : memref<64x64xf32, #tpu.memory_space<vmem>>, vector<64x64xf32>
    %dot_general3A_1588 = arith.constant dense<0.000000e+00> : vector<1x64xf32>
    %dot_general3A_1589 = tpu.matmul %div3A_1574, %get3A_1587, %dot_general3A_1588 {dimension_numbers = #tpu.dot_dimension_numbers<[1], [1], [0], [0], [0, 0, 1, 0], [], []>, transpose_lhs_hint = false} : vector<1x64xf32>, vector<64x64xf32>, vector<1x64xf32> -> vector<1x64xf32>
    %get3A_1590 = arith.constant 0 : index
    %get3A_1591 = arith.constant 0 : index
    %get3A_1592 = vector.load %arg17[%get3A_1590, %get3A_1591] : memref<1x64xf32, #tpu.memory_space<vmem>>, vector<1x64xf32>
    %add3A_1593 = arith.addf %dot_general3A_1589, %get3A_1592 : vector<1x64xf32>
    %add3A_1594 = vector.broadcast %add3A_1593 : vector<1x64xf32> to vector<50x64xf32>
    %add3A_1595 = arith.addf %add3A_1584, %add3A_1594 : vector<50x64xf32>
    %logistic3A_1596 = arith.negf %add3A_1595 : vector<50x64xf32>
    %logistic3A_1597 = math.exp %logistic3A_1596 : vector<50x64xf32>
    %logistic3A_1598 = arith.constant 1.000000e+00 : f32
    %logistic3A_1599 = vector.broadcast %logistic3A_1598 : f32 to vector<50x64xf32>
    %logistic3A_1600 = arith.addf %logistic3A_1599, %logistic3A_1597 : vector<50x64xf32>
    %logistic3A_1601 = arith.divf %logistic3A_1599, %logistic3A_1600 : vector<50x64xf32>
    %get3A_1602 = arith.constant 0 : index
    %get3A_1603 = arith.constant 0 : index
    %get3A_1604 = vector.load %arg18[%get3A_1602, %get3A_1603] : memref<1x64xf32, #tpu.memory_space<vmem>>, vector<1x64xf32>
    %dot_general3A_1605 = arith.constant dense<0.000000e+00> : vector<50x1xf32>
    %dot_general3A_1606 = tpu.matmul %logistic3A_1601, %get3A_1604, %dot_general3A_1605 {dimension_numbers = #tpu.dot_dimension_numbers<[1], [1], [0], [0], [0, 0, 1, 0], [], []>, transpose_lhs_hint = false} : vector<50x64xf32>, vector<1x64xf32>, vector<50x1xf32> -> vector<50x1xf32>
    %mul3A_1607 = vector.broadcast %dot_general3A_1606 : vector<50x1xf32> to vector<50x64xf32>
    %mul3A_1608 = arith.mulf %mul3A_1607, %dot_general3A_1563 : vector<50x64xf32>
    %mul3A_1609 = vector.broadcast %get3A_1385 : vector<50x1xf32> to vector<50x64xf32>
    %mul3A_1610 = arith.mulf %mul3A_1608, %mul3A_1609 : vector<50x64xf32>
    %reduce_sum3A_1611 = arith.constant dense<0.000000e+00> : vector<64xf32>
    %reduce_sum3A_1612 = vector.multi_reduction <add>, %mul3A_1610, %reduce_sum3A_1611 [0] : vector<50x64xf32> to vector<64xf32>
    %broadcast_in_dim3A_1613 = vector.shape_cast %reduce_sum3A_1612 : vector<64xf32> to vector<1x64xf32>
    %get3A_1614 = arith.constant 50 : index
    %get3A_1615 = arith.constant 0 : index
    %get3A_1616 = vector.load %arg19[%get3A_1614, %get3A_1615] : memref<51x64xf32, #tpu.memory_space<vmem>>, vector<1x64xf32>
    %mul3A_1617 = vector.broadcast %get3A_1385 : vector<50x1xf32> to vector<50x64xf32>
    %mul3A_1618 = arith.mulf %get3A_1566, %mul3A_1617 : vector<50x64xf32>
    %reduce_sum3A_1619 = arith.constant dense<0.000000e+00> : vector<64xf32>
    %reduce_sum3A_1620 = vector.multi_reduction <add>, %mul3A_1618, %reduce_sum3A_1619 [0] : vector<50x64xf32> to vector<64xf32>
    %broadcast_in_dim3A_1621 = vector.shape_cast %reduce_sum3A_1620 : vector<64xf32> to vector<1x64xf32>
    %div3A_1622 = vector.broadcast %reduce_sum3A_1390 : f32 to vector<1x64xf32>
    %div3A_1623 = arith.divf %broadcast_in_dim3A_1621, %div3A_1622 : vector<1x64xf32>
    %mul3A_1624 = arith.mulf %get3A_1616, %div3A_1623 : vector<1x64xf32>
    %add3A_1625 = arith.addf %broadcast_in_dim3A_1613, %mul3A_1624 : vector<1x64xf32>
    %swap3A_1626 = arith.constant 5 : index
    %swap3A_1627 = arith.constant 0 : index
    %swap3A_1628 = arith.constant 0 : index
    %swap3A_1629 = vector.load %arg20[%swap3A_1626, %swap3A_1627, %swap3A_1628] : memref<16x1x64xf32, #tpu.memory_space<vmem>>, vector<1x1x64xf32>
    %swap3A_1630 = vector.shape_cast %swap3A_1629 : vector<1x1x64xf32> to vector<1x64xf32>
    %swap3A_1631 = vector.shape_cast %add3A_1625 : vector<1x64xf32> to vector<1x1x64xf32>
    tpu.vector_store %arg20[%swap3A_1626, %swap3A_1627, %swap3A_1628], %swap3A_1631 {strides = array<i32>} : memref<16x1x64xf32, #tpu.memory_space<vmem>>, vector<1x1x64xf32>,
    %get3A_1632 = arith.constant 6 : index
    %get3A_1633 = arith.constant 0 : index
    %get3A_1634 = arith.constant 0 : index
    %get3A_1635 = vector.load %arg1[%get3A_1632, %get3A_1633, %get3A_1634] : memref<16x50x64xf32, #tpu.memory_space<vmem>>, vector<1x50x64xf32>
    %get3A_1636 = vector.shape_cast %get3A_1635 : vector<1x50x64xf32> to vector<50x64xf32>
    %mul3A_1637 = arith.mulf %get3A_1636, %get3A_1636 : vector<50x64xf32>
    %reduce_sum3A_1638 = arith.constant dense<0.000000e+00> : vector<50xf32>
    %reduce_sum3A_1639 = vector.multi_reduction <add>, %mul3A_1637, %reduce_sum3A_1638 [1] : vector<50x64xf32> to vector<50xf32>
    %broadcast_in_dim3A_1640 = vector.shape_cast %reduce_sum3A_1639 : vector<50xf32> to vector<50x1xf32>
    %sqrt3A_1641 = math.sqrt %broadcast_in_dim3A_1640 : vector<50x1xf32>
    %div3A_1642 = vector.broadcast %sqrt3A_1641 : vector<50x1xf32> to vector<50x64xf32>
    %div3A_1643 = arith.divf %get3A_1636, %div3A_1642 : vector<50x64xf32>
    %get3A_1644 = arith.constant 6 : index
    %get3A_1645 = arith.constant 0 : index
    %get3A_1646 = arith.constant 0 : index
    %get3A_1647 = vector.load %arg2[%get3A_1644, %get3A_1645, %get3A_1646] : memref<16x50x64xf32, #tpu.memory_space<vmem>>, vector<1x50x64xf32>
    %get3A_1648 = vector.shape_cast %get3A_1647 : vector<1x50x64xf32> to vector<50x64xf32>
    %mul3A_1649 = arith.mulf %get3A_1648, %get3A_1648 : vector<50x64xf32>
    %reduce_sum3A_1650 = arith.constant dense<0.000000e+00> : vector<50xf32>
    %reduce_sum3A_1651 = vector.multi_reduction <add>, %mul3A_1649, %reduce_sum3A_1650 [1] : vector<50x64xf32> to vector<50xf32>
    %broadcast_in_dim3A_1652 = vector.shape_cast %reduce_sum3A_1651 : vector<50xf32> to vector<50x1xf32>
    %sqrt3A_1653 = math.sqrt %broadcast_in_dim3A_1652 : vector<50x1xf32>
    %div3A_1654 = vector.broadcast %sqrt3A_1653 : vector<50x1xf32> to vector<50x64xf32>
    %div3A_1655 = arith.divf %get3A_1648, %div3A_1654 : vector<50x64xf32>
    %get3A_1656 = arith.constant 6 : index
    %get3A_1657 = arith.constant 0 : index
    %get3A_1658 = arith.constant 0 : index
    %get3A_1659 = vector.load %arg8[%get3A_1656, %get3A_1657, %get3A_1658] : memref<16x50x1xf32, #tpu.memory_space<vmem>>, vector<1x50x1xf32>
    %get3A_1660 = vector.shape_cast %get3A_1659 : vector<1x50x1xf32> to vector<50x1xf32>
    %reduce_sum3A_1661 = vector.shape_cast %get3A_1660 : vector<50x1xf32> to vector<1x50x1xf32>
    %reduce_sum3A_1662 = arith.constant dense<0.000000e+00> : vector<1xf32>
    %reduce_sum3A_1663 = vector.multi_reduction <add>, %reduce_sum3A_1661, %reduce_sum3A_1662 [1, 2] : vector<1x50x1xf32> to vector<1xf32>
    %reduce_sum3A_1664 = vector.shape_cast %reduce_sum3A_1663 : vector<1xf32> to vector<1x1x1xf32>
    %reduce_sum3A_1665 = vector.extract %reduce_sum3A_1664[0, 0, 0] : f32 from vector<1x1x1xf32>
    %mul3A_1666 = vector.broadcast %get3A_1660 : vector<50x1xf32> to vector<50x64xf32>
    %mul3A_1667 = arith.mulf %div3A_1655, %mul3A_1666 : vector<50x64xf32>
    %reduce_sum3A_1668 = arith.constant dense<0.000000e+00> : vector<64xf32>
    %reduce_sum3A_1669 = vector.multi_reduction <add>, %mul3A_1667, %reduce_sum3A_1668 [0] : vector<50x64xf32> to vector<64xf32>
    %broadcast_in_dim3A_1670 = vector.shape_cast %reduce_sum3A_1669 : vector<64xf32> to vector<1x64xf32>
    %div3A_1671 = vector.broadcast %reduce_sum3A_1665 : f32 to vector<1x64xf32>
    %div3A_1672 = arith.divf %broadcast_in_dim3A_1670, %div3A_1671 : vector<1x64xf32>
    %get3A_1673 = arith.constant 0 : index
    %get3A_1674 = arith.constant 0 : index
    %get3A_1675 = vector.load %arg9[%get3A_1673, %get3A_1674] : memref<1x64xf32, #tpu.memory_space<vmem>>, vector<1x64xf32>
    %get3A_1676 = arith.constant 6 : index
    %get3A_1677 = arith.constant 0 : index
    %get3A_1678 = arith.constant 0 : index
    %get3A_1679 = vector.load %arg3[%get3A_1676, %get3A_1677, %get3A_1678] : memref<16x50x64xf32, #tpu.memory_space<vmem>>, vector<1x50x64xf32>
    %get3A_1680 = vector.shape_cast %get3A_1679 : vector<1x50x64xf32> to vector<50x64xf32>
    %get3A_1681 = arith.constant 6 : index
    %get3A_1682 = arith.constant 0 : index
    %get3A_1683 = arith.constant 0 : index
    %get3A_1684 = vector.load %arg4[%get3A_1681, %get3A_1682, %get3A_1683] : memref<16x50x64xf32, #tpu.memory_space<vmem>>, vector<1x50x64xf32>
    %get3A_1685 = vector.shape_cast %get3A_1684 : vector<1x50x64xf32> to vector<50x64xf32>
    %get3A_1686 = arith.constant 6 : index
    %get3A_1687 = arith.constant 0 : index
    %get3A_1688 = arith.constant 0 : index
    %get3A_1689 = vector.load %arg5[%get3A_1686, %get3A_1687, %get3A_1688] : memref<16x50x64xf32, #tpu.memory_space<vmem>>, vector<1x50x64xf32>
    %get3A_1690 = vector.shape_cast %get3A_1689 : vector<1x50x64xf32> to vector<50x64xf32>
    %mul3A_1691 = arith.mulf %div3A_1643, %get3A_1680 : vector<50x64xf32>
    %mul3A_1692 = vector.broadcast %get3A_1675 : vector<1x64xf32> to vector<50x64xf32>
    %mul3A_1693 = arith.mulf %mul3A_1691, %mul3A_1692 : vector<50x64xf32>
    %reduce_sum3A_1694 = arith.constant dense<0.000000e+00> : vector<50xf32>
    %reduce_sum3A_1695 = vector.multi_reduction <add>, %mul3A_1693, %reduce_sum3A_1694 [1] : vector<50x64xf32> to vector<50xf32>
    %broadcast_in_dim3A_1696 = vector.shape_cast %reduce_sum3A_1695 : vector<50xf32> to vector<50x1xf32>
    %ge3A_1697 = arith.constant 0.000000e+00 : f32
    %ge3A_1698 = vector.broadcast %ge3A_1697 : f32 to vector<50x1xf32>
    %ge3A_1699 = arith.cmpf oge, %broadcast_in_dim3A_1696, %ge3A_1698 : vector<50x1xf32>
    %mul3A_1700 = arith.constant 2.000000e-01 : f32
    %mul3A_1701 = vector.broadcast %mul3A_1700 : f32 to vector<50x1xf32>
    %mul3A_1702 = arith.mulf %mul3A_1701, %broadcast_in_dim3A_1696 : vector<50x1xf32>
    %select_n3A_1703 = arith.select %ge3A_1699, %broadcast_in_dim3A_1696, %mul3A_1702 : vector<50x1xi1>, vector<50x1xf32>
    %mul3A_1704 = arith.mulf %div3A_1643, %get3A_1685 : vector<50x64xf32>
    %mul3A_1705 = vector.broadcast %get3A_1675 : vector<1x64xf32> to vector<50x64xf32>
    %mul3A_1706 = arith.mulf %mul3A_1704, %mul3A_1705 : vector<50x64xf32>
    %reduce_sum3A_1707 = arith.constant dense<0.000000e+00> : vector<50xf32>
    %reduce_sum3A_1708 = vector.multi_reduction <add>, %mul3A_1706, %reduce_sum3A_1707 [1] : vector<50x64xf32> to vector<50xf32>
    %broadcast_in_dim3A_1709 = vector.shape_cast %reduce_sum3A_1708 : vector<50xf32> to vector<50x1xf32>
    %ge3A_1710 = arith.constant 0.000000e+00 : f32
    %ge3A_1711 = vector.broadcast %ge3A_1710 : f32 to vector<50x1xf32>
    %ge3A_1712 = arith.cmpf oge, %broadcast_in_dim3A_1709, %ge3A_1711 : vector<50x1xf32>
    %mul3A_1713 = arith.constant 2.000000e-01 : f32
    %mul3A_1714 = vector.broadcast %mul3A_1713 : f32 to vector<50x1xf32>
    %mul3A_1715 = arith.mulf %mul3A_1714, %broadcast_in_dim3A_1709 : vector<50x1xf32>
    %select_n3A_1716 = arith.select %ge3A_1712, %broadcast_in_dim3A_1709, %mul3A_1715 : vector<50x1xi1>, vector<50x1xf32>
    %mul3A_1717 = arith.mulf %div3A_1643, %get3A_1690 : vector<50x64xf32>
    %mul3A_1718 = vector.broadcast %get3A_1675 : vector<1x64xf32> to vector<50x64xf32>
    %mul3A_1719 = arith.mulf %mul3A_1717, %mul3A_1718 : vector<50x64xf32>
    %reduce_sum3A_1720 = arith.constant dense<0.000000e+00> : vector<50xf32>
    %reduce_sum3A_1721 = vector.multi_reduction <add>, %mul3A_1719, %reduce_sum3A_1720 [1] : vector<50x64xf32> to vector<50xf32>
    %broadcast_in_dim3A_1722 = vector.shape_cast %reduce_sum3A_1721 : vector<50xf32> to vector<50x1xf32>
    %ge3A_1723 = arith.constant 0.000000e+00 : f32
    %ge3A_1724 = vector.broadcast %ge3A_1723 : f32 to vector<50x1xf32>
    %ge3A_1725 = arith.cmpf oge, %broadcast_in_dim3A_1722, %ge3A_1724 : vector<50x1xf32>
    %mul3A_1726 = arith.constant 2.000000e-01 : f32
    %mul3A_1727 = vector.broadcast %mul3A_1726 : f32 to vector<50x1xf32>
    %mul3A_1728 = arith.mulf %mul3A_1727, %broadcast_in_dim3A_1722 : vector<50x1xf32>
    %select_n3A_1729 = arith.select %ge3A_1725, %broadcast_in_dim3A_1722, %mul3A_1728 : vector<50x1xi1>, vector<50x1xf32>
    %max3A_1730 = arith.maximumf %select_n3A_1716, %select_n3A_1729 : vector<50x1xf32>
    %max3A_1731 = arith.maximumf %select_n3A_1703, %max3A_1730 : vector<50x1xf32>
    %sub3A_1732 = arith.subf %select_n3A_1703, %max3A_1731 : vector<50x1xf32>
    %exp3A_1733 = math.exp %sub3A_1732 : vector<50x1xf32>
    %sub3A_1734 = arith.subf %select_n3A_1716, %max3A_1731 : vector<50x1xf32>
    %exp3A_1735 = math.exp %sub3A_1734 : vector<50x1xf32>
    %sub3A_1736 = arith.subf %select_n3A_1729, %max3A_1731 : vector<50x1xf32>
    %exp3A_1737 = math.exp %sub3A_1736 : vector<50x1xf32>
    %add3A_1738 = arith.addf %exp3A_1733, %exp3A_1735 : vector<50x1xf32>
    %add3A_1739 = arith.addf %add3A_1738, %exp3A_1737 : vector<50x1xf32>
    %mul3A_1740 = vector.broadcast %exp3A_1733 : vector<50x1xf32> to vector<50x64xf32>
    %mul3A_1741 = arith.mulf %mul3A_1740, %get3A_1680 : vector<50x64xf32>
    %mul3A_1742 = vector.broadcast %exp3A_1735 : vector<50x1xf32> to vector<50x64xf32>
    %mul3A_1743 = arith.mulf %mul3A_1742, %get3A_1685 : vector<50x64xf32>
    %add3A_1744 = arith.addf %mul3A_1741, %mul3A_1743 : vector<50x64xf32>
    %mul3A_1745 = vector.broadcast %exp3A_1737 : vector<50x1xf32> to vector<50x64xf32>
    %mul3A_1746 = arith.mulf %mul3A_1745, %get3A_1690 : vector<50x64xf32>
    %add3A_1747 = arith.addf %add3A_1744, %mul3A_1746 : vector<50x64xf32>
    %div3A_1748 = vector.broadcast %add3A_1739 : vector<50x1xf32> to vector<50x64xf32>
    %div3A_1749 = arith.divf %add3A_1747, %div3A_1748 : vector<50x64xf32>
    %mul3A_1750 = arith.constant 5.000000e-01 : f32
    %mul3A_1751 = vector.broadcast %mul3A_1750 : f32 to vector<50x64xf32>
    %mul3A_1752 = arith.mulf %mul3A_1751, %div3A_1643 : vector<50x64xf32>
    %mul3A_1753 = arith.constant 5.000000e-01 : f32
    %mul3A_1754 = vector.broadcast %mul3A_1753 : f32 to vector<50x64xf32>
    %mul3A_1755 = arith.mulf %mul3A_1754, %div3A_1749 : vector<50x64xf32>
    %add3A_1756 = arith.addf %mul3A_1752, %mul3A_1755 : vector<50x64xf32>
    %get3A_1757 = arith.constant 6 : index
    %get3A_1758 = arith.constant 0 : index
    %get3A_1759 = arith.constant 0 : index
    %get3A_1760 = vector.load %arg6[%get3A_1757, %get3A_1758, %get3A_1759] : memref<16x50x50xf32, #tpu.memory_space<vmem>>, vector<1x50x50xf32>
    %get3A_1761 = vector.shape_cast %get3A_1760 : vector<1x50x50xf32> to vector<50x50xf32>
    %get3A_1762 = arith.constant 0 : index
    %get3A_1763 = arith.constant 0 : index
    %get3A_1764 = vector.load %arg12[%get3A_1762, %get3A_1763] : memref<1x64xf32, #tpu.memory_space<vmem>>, vector<1x64xf32>
    %mul3A_1765 = arith.mulf %div3A_1672, %get3A_1764 : vector<1x64xf32>
    %dot_general3A_1766 = arith.constant dense<0.000000e+00> : vector<1x50xf32>
    %dot_general3A_1767 = tpu.matmul %mul3A_1765, %div3A_1643, %dot_general3A_1766 {dimension_numbers = #tpu.dot_dimension_numbers<[1], [1], [0], [0], [0, 0, 1, 0], [], []>, transpose_lhs_hint = false} : vector<1x64xf32>, vector<50x64xf32>, vector<1x50xf32> -> vector<1x50xf32>
    %get3A_1768 = arith.constant 0 : index
    %get3A_1769 = arith.constant 0 : index
    %get3A_1770 = vector.load %arg13[%get3A_1768, %get3A_1769] : memref<1x64xf32, #tpu.memory_space<vmem>>, vector<1x64xf32>
    %mul3A_1771 = arith.mulf %div3A_1672, %get3A_1770 : vector<1x64xf32>
    %dot_general3A_1772 = arith.constant dense<0.000000e+00> : vector<1x50xf32>
    %dot_general3A_1773 = tpu.matmul %mul3A_1771, %div3A_1643, %dot_general3A_1772 {dimension_numbers = #tpu.dot_dimension_numbers<[1], [1], [0], [0], [0, 0, 1, 0], [], []>, transpose_lhs_hint = false} : vector<1x64xf32>, vector<50x64xf32>, vector<1x50xf32> -> vector<1x50xf32>
    %get3A_1774 = arith.constant 0 : index
    %get3A_1775 = arith.constant 0 : index
    %get3A_1776 = vector.load %arg10[%get3A_1774, %get3A_1775] : memref<1x64xf32, #tpu.memory_space<vmem>>, vector<1x64xf32>
    %mul3A_1777 = vector.broadcast %get3A_1776 : vector<1x64xf32> to vector<50x64xf32>
    %mul3A_1778 = arith.mulf %div3A_1643, %mul3A_1777 : vector<50x64xf32>
    %dot_general3A_1779 = arith.constant dense<0.000000e+00> : vector<50x50xf32>
    %dot_general3A_1780 = tpu.matmul %mul3A_1778, %div3A_1643, %dot_general3A_1779 {dimension_numbers = #tpu.dot_dimension_numbers<[1], [1], [0], [0], [0, 0, 1, 0], [], []>, transpose_lhs_hint = false} : vector<50x64xf32>, vector<50x64xf32>, vector<50x50xf32> -> vector<50x50xf32>
    %add3A_1781 = vector.broadcast %dot_general3A_1767 : vector<1x50xf32> to vector<50x50xf32>
    %add3A_1782 = arith.addf %dot_general3A_1780, %add3A_1781 : vector<50x50xf32>
    %ge3A_1783 = arith.constant 0.000000e+00 : f32
    %ge3A_1784 = vector.broadcast %ge3A_1783 : f32 to vector<50x50xf32>
    %ge3A_1785 = arith.cmpf oge, %add3A_1782, %ge3A_1784 : vector<50x50xf32>
    %mul3A_1786 = arith.constant 2.000000e-01 : f32
    %mul3A_1787 = vector.broadcast %mul3A_1786 : f32 to vector<50x50xf32>
    %mul3A_1788 = arith.mulf %mul3A_1787, %add3A_1782 : vector<50x50xf32>
    %select_n3A_1789 = arith.select %ge3A_1785, %add3A_1782, %mul3A_1788 : vector<50x50xi1>, vector<50x50xf32>
    %get3A_1790 = arith.constant 0 : index
    %get3A_1791 = arith.constant 0 : index
    %get3A_1792 = vector.load %arg11[%get3A_1790, %get3A_1791] : memref<1x64xf32, #tpu.memory_space<vmem>>, vector<1x64xf32>
    %mul3A_1793 = vector.broadcast %get3A_1792 : vector<1x64xf32> to vector<50x64xf32>
    %mul3A_1794 = arith.mulf %div3A_1643, %mul3A_1793 : vector<50x64xf32>
    %dot_general3A_1795 = arith.constant dense<0.000000e+00> : vector<50x50xf32>
    %dot_general3A_1796 = tpu.matmul %mul3A_1794, %div3A_1643, %dot_general3A_1795 {dimension_numbers = #tpu.dot_dimension_numbers<[1], [1], [0], [0], [0, 0, 1, 0], [], []>, transpose_lhs_hint = false} : vector<50x64xf32>, vector<50x64xf32>, vector<50x50xf32> -> vector<50x50xf32>
    %add3A_1797 = vector.broadcast %dot_general3A_1773 : vector<1x50xf32> to vector<50x50xf32>
    %add3A_1798 = arith.addf %dot_general3A_1796, %add3A_1797 : vector<50x50xf32>
    %ge3A_1799 = arith.constant 0.000000e+00 : f32
    %ge3A_1800 = vector.broadcast %ge3A_1799 : f32 to vector<50x50xf32>
    %ge3A_1801 = arith.cmpf oge, %add3A_1798, %ge3A_1800 : vector<50x50xf32>
    %mul3A_1802 = arith.constant 2.000000e-01 : f32
    %mul3A_1803 = vector.broadcast %mul3A_1802 : f32 to vector<50x50xf32>
    %mul3A_1804 = arith.mulf %mul3A_1803, %add3A_1798 : vector<50x50xf32>
    %select_n3A_1805 = arith.select %ge3A_1801, %add3A_1798, %mul3A_1804 : vector<50x50xi1>, vector<50x50xf32>
    %eq3A_1806 = arith.constant 1.000000e+00 : f32
    %eq3A_1807 = vector.broadcast %eq3A_1806 : f32 to vector<50x50xf32>
    %eq3A_1808 = arith.cmpf oeq, %get3A_1761, %eq3A_1807 : vector<50x50xf32>
    %eq3A_1809 = arith.constant 2.000000e+00 : f32
    %eq3A_1810 = vector.broadcast %eq3A_1809 : f32 to vector<50x50xf32>
    %eq3A_1811 = arith.cmpf oeq, %get3A_1761, %eq3A_1810 : vector<50x50xf32>
    %jit3A_1812 = arith.constant -9.000000e+15 : f32
    %broadcast_in_dim3A_1813 = vector.broadcast %jit3A_1812 : f32 to vector<50x50xf32>
    %select_n3A_1814 = arith.select %eq3A_1811, %select_n3A_1805, %broadcast_in_dim3A_1813 : vector<50x50xi1>, vector<50x50xf32>
    %select_n3A_1815 = arith.select %eq3A_1808, %select_n3A_1789, %select_n3A_1814 : vector<50x50xi1>, vector<50x50xf32>
    %reduce_max3A_1816 = arith.constant dense<0xFF800000> : vector<50xf32>
    %reduce_max3A_1817 = vector.multi_reduction <maximumf>, %select_n3A_1815, %reduce_max3A_1816 [1] : vector<50x50xf32> to vector<50xf32>
    %broadcast_in_dim3A_1818 = vector.shape_cast %reduce_max3A_1817 : vector<50xf32> to vector<50x1xf32>
    %sub3A_1819 = vector.broadcast %broadcast_in_dim3A_1818 : vector<50x1xf32> to vector<50x50xf32>
    %sub3A_1820 = arith.subf %select_n3A_1815, %sub3A_1819 : vector<50x50xf32>
    %exp3A_1821 = math.exp %sub3A_1820 : vector<50x50xf32>
    %reduce_sum3A_1822 = arith.constant dense<0.000000e+00> : vector<50xf32>
    %reduce_sum3A_1823 = vector.multi_reduction <add>, %exp3A_1821, %reduce_sum3A_1822 [1] : vector<50x50xf32> to vector<50xf32>
    %broadcast_in_dim3A_1824 = vector.shape_cast %reduce_sum3A_1823 : vector<50xf32> to vector<50x1xf32>
    %div3A_1825 = vector.broadcast %broadcast_in_dim3A_1824 : vector<50x1xf32> to vector<50x50xf32>
    %div3A_1826 = arith.divf %exp3A_1821, %div3A_1825 : vector<50x50xf32>
    %dot_general3A_1827 = arith.constant dense<0.000000e+00> : vector<50x64xf32>
    %dot_general3A_1828 = tpu.matmul %div3A_1826, %div3A_1643, %dot_general3A_1827 {dimension_numbers = #tpu.dot_dimension_numbers<[1], [0], [0], [1], [0, 0, 1, 1], [], []>, transpose_lhs_hint = false} : vector<50x50xf32>, vector<50x64xf32>, vector<50x64xf32> -> vector<50x64xf32>
    %add3A_1829 = arith.addf %dot_general3A_1828, %add3A_1756 : vector<50x64xf32>
    %mul3A_1830 = arith.mulf %dot_general3A_1828, %add3A_1756 : vector<50x64xf32>
    %add3A_1831 = arith.addf %add3A_1829, %mul3A_1830 : vector<50x64xf32>
    %get3A_1832 = arith.constant 6 : index
    %get3A_1833 = arith.constant 0 : index
    %get3A_1834 = arith.constant 0 : index
    %get3A_1835 = vector.load %arg7[%get3A_1832, %get3A_1833, %get3A_1834] : memref<16x50x50xf32, #tpu.memory_space<vmem>>, vector<1x50x50xf32>
    %get3A_1836 = vector.shape_cast %get3A_1835 : vector<1x50x50xf32> to vector<50x50xf32>
    %dot_general3A_1837 = arith.constant dense<0.000000e+00> : vector<50x64xf32>
    %dot_general3A_1838 = tpu.matmul %get3A_1836, %add3A_1831, %dot_general3A_1837 {dimension_numbers = #tpu.dot_dimension_numbers<[1], [0], [0], [1], [0, 0, 1, 1], [], []>, transpose_lhs_hint = false} : vector<50x50xf32>, vector<50x64xf32>, vector<50x64xf32> -> vector<50x64xf32>
    %get3A_1839 = arith.constant 0 : index
    %get3A_1840 = arith.constant 0 : index
    %get3A_1841 = vector.load %arg19[%get3A_1839, %get3A_1840] : memref<51x64xf32, #tpu.memory_space<vmem>>, vector<50x64xf32>
    %add3A_1842 = arith.addf %dot_general3A_1838, %get3A_1841 : vector<50x64xf32>
    %mul3A_1843 = vector.broadcast %get3A_1660 : vector<50x1xf32> to vector<50x64xf32>
    %mul3A_1844 = arith.mulf %add3A_1842, %mul3A_1843 : vector<50x64xf32>
    %reduce_sum3A_1845 = arith.constant dense<0.000000e+00> : vector<64xf32>
    %reduce_sum3A_1846 = vector.multi_reduction <add>, %mul3A_1844, %reduce_sum3A_1845 [0] : vector<50x64xf32> to vector<64xf32>
    %broadcast_in_dim3A_1847 = vector.shape_cast %reduce_sum3A_1846 : vector<64xf32> to vector<1x64xf32>
    %div3A_1848 = vector.broadcast %reduce_sum3A_1665 : f32 to vector<1x64xf32>
    %div3A_1849 = arith.divf %broadcast_in_dim3A_1847, %div3A_1848 : vector<1x64xf32>
    %get3A_1850 = arith.constant 0 : index
    %get3A_1851 = arith.constant 0 : index
    %get3A_1852 = vector.load %arg14[%get3A_1850, %get3A_1851] : memref<64x64xf32, #tpu.memory_space<vmem>>, vector<64x64xf32>
    %dot_general3A_1853 = arith.constant dense<0.000000e+00> : vector<50x64xf32>
    %dot_general3A_1854 = tpu.matmul %add3A_1842, %get3A_1852, %dot_general3A_1853 {dimension_numbers = #tpu.dot_dimension_numbers<[1], [1], [0], [0], [0, 0, 1, 0], [], []>, transpose_lhs_hint = false} : vector<50x64xf32>, vector<64x64xf32>, vector<50x64xf32> -> vector<50x64xf32>
    %get3A_1855 = arith.constant 0 : index
    %get3A_1856 = arith.constant 0 : index
    %get3A_1857 = vector.load %arg15[%get3A_1855, %get3A_1856] : memref<1x64xf32, #tpu.memory_space<vmem>>, vector<1x64xf32>
    %add3A_1858 = vector.broadcast %get3A_1857 : vector<1x64xf32> to vector<50x64xf32>
    %add3A_1859 = arith.addf %dot_general3A_1854, %add3A_1858 : vector<50x64xf32>
    %get3A_1860 = arith.constant 0 : index
    %get3A_1861 = arith.constant 0 : index
    %get3A_1862 = vector.load %arg16[%get3A_1860, %get3A_1861] : memref<64x64xf32, #tpu.memory_space<vmem>>, vector<64x64xf32>
    %dot_general3A_1863 = arith.constant dense<0.000000e+00> : vector<1x64xf32>
    %dot_general3A_1864 = tpu.matmul %div3A_1849, %get3A_1862, %dot_general3A_1863 {dimension_numbers = #tpu.dot_dimension_numbers<[1], [1], [0], [0], [0, 0, 1, 0], [], []>, transpose_lhs_hint = false} : vector<1x64xf32>, vector<64x64xf32>, vector<1x64xf32> -> vector<1x64xf32>
    %get3A_1865 = arith.constant 0 : index
    %get3A_1866 = arith.constant 0 : index
    %get3A_1867 = vector.load %arg17[%get3A_1865, %get3A_1866] : memref<1x64xf32, #tpu.memory_space<vmem>>, vector<1x64xf32>
    %add3A_1868 = arith.addf %dot_general3A_1864, %get3A_1867 : vector<1x64xf32>
    %add3A_1869 = vector.broadcast %add3A_1868 : vector<1x64xf32> to vector<50x64xf32>
    %add3A_1870 = arith.addf %add3A_1859, %add3A_1869 : vector<50x64xf32>
    %logistic3A_1871 = arith.negf %add3A_1870 : vector<50x64xf32>
    %logistic3A_1872 = math.exp %logistic3A_1871 : vector<50x64xf32>
    %logistic3A_1873 = arith.constant 1.000000e+00 : f32
    %logistic3A_1874 = vector.broadcast %logistic3A_1873 : f32 to vector<50x64xf32>
    %logistic3A_1875 = arith.addf %logistic3A_1874, %logistic3A_1872 : vector<50x64xf32>
    %logistic3A_1876 = arith.divf %logistic3A_1874, %logistic3A_1875 : vector<50x64xf32>
    %get3A_1877 = arith.constant 0 : index
    %get3A_1878 = arith.constant 0 : index
    %get3A_1879 = vector.load %arg18[%get3A_1877, %get3A_1878] : memref<1x64xf32, #tpu.memory_space<vmem>>, vector<1x64xf32>
    %dot_general3A_1880 = arith.constant dense<0.000000e+00> : vector<50x1xf32>
    %dot_general3A_1881 = tpu.matmul %logistic3A_1876, %get3A_1879, %dot_general3A_1880 {dimension_numbers = #tpu.dot_dimension_numbers<[1], [1], [0], [0], [0, 0, 1, 0], [], []>, transpose_lhs_hint = false} : vector<50x64xf32>, vector<1x64xf32>, vector<50x1xf32> -> vector<50x1xf32>
    %mul3A_1882 = vector.broadcast %dot_general3A_1881 : vector<50x1xf32> to vector<50x64xf32>
    %mul3A_1883 = arith.mulf %mul3A_1882, %dot_general3A_1838 : vector<50x64xf32>
    %mul3A_1884 = vector.broadcast %get3A_1660 : vector<50x1xf32> to vector<50x64xf32>
    %mul3A_1885 = arith.mulf %mul3A_1883, %mul3A_1884 : vector<50x64xf32>
    %reduce_sum3A_1886 = arith.constant dense<0.000000e+00> : vector<64xf32>
    %reduce_sum3A_1887 = vector.multi_reduction <add>, %mul3A_1885, %reduce_sum3A_1886 [0] : vector<50x64xf32> to vector<64xf32>
    %broadcast_in_dim3A_1888 = vector.shape_cast %reduce_sum3A_1887 : vector<64xf32> to vector<1x64xf32>
    %get3A_1889 = arith.constant 50 : index
    %get3A_1890 = arith.constant 0 : index
    %get3A_1891 = vector.load %arg19[%get3A_1889, %get3A_1890] : memref<51x64xf32, #tpu.memory_space<vmem>>, vector<1x64xf32>
    %mul3A_1892 = vector.broadcast %get3A_1660 : vector<50x1xf32> to vector<50x64xf32>
    %mul3A_1893 = arith.mulf %get3A_1841, %mul3A_1892 : vector<50x64xf32>
    %reduce_sum3A_1894 = arith.constant dense<0.000000e+00> : vector<64xf32>
    %reduce_sum3A_1895 = vector.multi_reduction <add>, %mul3A_1893, %reduce_sum3A_1894 [0] : vector<50x64xf32> to vector<64xf32>
    %broadcast_in_dim3A_1896 = vector.shape_cast %reduce_sum3A_1895 : vector<64xf32> to vector<1x64xf32>
    %div3A_1897 = vector.broadcast %reduce_sum3A_1665 : f32 to vector<1x64xf32>
    %div3A_1898 = arith.divf %broadcast_in_dim3A_1896, %div3A_1897 : vector<1x64xf32>
    %mul3A_1899 = arith.mulf %get3A_1891, %div3A_1898 : vector<1x64xf32>
    %add3A_1900 = arith.addf %broadcast_in_dim3A_1888, %mul3A_1899 : vector<1x64xf32>
    %swap3A_1901 = arith.constant 6 : index
    %swap3A_1902 = arith.constant 0 : index
    %swap3A_1903 = arith.constant 0 : index
    %swap3A_1904 = vector.load %arg20[%swap3A_1901, %swap3A_1902, %swap3A_1903] : memref<16x1x64xf32, #tpu.memory_space<vmem>>, vector<1x1x64xf32>
    %swap3A_1905 = vector.shape_cast %swap3A_1904 : vector<1x1x64xf32> to vector<1x64xf32>
    %swap3A_1906 = vector.shape_cast %add3A_1900 : vector<1x64xf32> to vector<1x1x64xf32>
    tpu.vector_store %arg20[%swap3A_1901, %swap3A_1902, %swap3A_1903], %swap3A_1906 {strides = array<i32>} : memref<16x1x64xf32, #tpu.memory_space<vmem>>, vector<1x1x64xf32>,
    %get3A_1907 = arith.constant 7 : index
    %get3A_1908 = arith.constant 0 : index
    %get3A_1909 = arith.constant 0 : index
    %get3A_1910 = vector.load %arg1[%get3A_1907, %get3A_1908, %get3A_1909] : memref<16x50x64xf32, #tpu.memory_space<vmem>>, vector<1x50x64xf32>
    %get3A_1911 = vector.shape_cast %get3A_1910 : vector<1x50x64xf32> to vector<50x64xf32>
    %mul3A_1912 = arith.mulf %get3A_1911, %get3A_1911 : vector<50x64xf32>
    %reduce_sum3A_1913 = arith.constant dense<0.000000e+00> : vector<50xf32>
    %reduce_sum3A_1914 = vector.multi_reduction <add>, %mul3A_1912, %reduce_sum3A_1913 [1] : vector<50x64xf32> to vector<50xf32>
    %broadcast_in_dim3A_1915 = vector.shape_cast %reduce_sum3A_1914 : vector<50xf32> to vector<50x1xf32>
    %sqrt3A_1916 = math.sqrt %broadcast_in_dim3A_1915 : vector<50x1xf32>
    %div3A_1917 = vector.broadcast %sqrt3A_1916 : vector<50x1xf32> to vector<50x64xf32>
    %div3A_1918 = arith.divf %get3A_1911, %div3A_1917 : vector<50x64xf32>
    %get3A_1919 = arith.constant 7 : index
    %get3A_1920 = arith.constant 0 : index
    %get3A_1921 = arith.constant 0 : index
    %get3A_1922 = vector.load %arg2[%get3A_1919, %get3A_1920, %get3A_1921] : memref<16x50x64xf32, #tpu.memory_space<vmem>>, vector<1x50x64xf32>
    %get3A_1923 = vector.shape_cast %get3A_1922 : vector<1x50x64xf32> to vector<50x64xf32>
    %mul3A_1924 = arith.mulf %get3A_1923, %get3A_1923 : vector<50x64xf32>
    %reduce_sum3A_1925 = arith.constant dense<0.000000e+00> : vector<50xf32>
    %reduce_sum3A_1926 = vector.multi_reduction <add>, %mul3A_1924, %reduce_sum3A_1925 [1] : vector<50x64xf32> to vector<50xf32>
    %broadcast_in_dim3A_1927 = vector.shape_cast %reduce_sum3A_1926 : vector<50xf32> to vector<50x1xf32>
    %sqrt3A_1928 = math.sqrt %broadcast_in_dim3A_1927 : vector<50x1xf32>
    %div3A_1929 = vector.broadcast %sqrt3A_1928 : vector<50x1xf32> to vector<50x64xf32>
    %div3A_1930 = arith.divf %get3A_1923, %div3A_1929 : vector<50x64xf32>
    %get3A_1931 = arith.constant 7 : index
    %get3A_1932 = arith.constant 0 : index
    %get3A_1933 = arith.constant 0 : index
    %get3A_1934 = vector.load %arg8[%get3A_1931, %get3A_1932, %get3A_1933] : memref<16x50x1xf32, #tpu.memory_space<vmem>>, vector<1x50x1xf32>
    %get3A_1935 = vector.shape_cast %get3A_1934 : vector<1x50x1xf32> to vector<50x1xf32>
    %reduce_sum3A_1936 = vector.shape_cast %get3A_1935 : vector<50x1xf32> to vector<1x50x1xf32>
    %reduce_sum3A_1937 = arith.constant dense<0.000000e+00> : vector<1xf32>
    %reduce_sum3A_1938 = vector.multi_reduction <add>, %reduce_sum3A_1936, %reduce_sum3A_1937 [1, 2] : vector<1x50x1xf32> to vector<1xf32>
    %reduce_sum3A_1939 = vector.shape_cast %reduce_sum3A_1938 : vector<1xf32> to vector<1x1x1xf32>
    %reduce_sum3A_1940 = vector.extract %reduce_sum3A_1939[0, 0, 0] : f32 from vector<1x1x1xf32>
    %mul3A_1941 = vector.broadcast %get3A_1935 : vector<50x1xf32> to vector<50x64xf32>
    %mul3A_1942 = arith.mulf %div3A_1930, %mul3A_1941 : vector<50x64xf32>
    %reduce_sum3A_1943 = arith.constant dense<0.000000e+00> : vector<64xf32>
    %reduce_sum3A_1944 = vector.multi_reduction <add>, %mul3A_1942, %reduce_sum3A_1943 [0] : vector<50x64xf32> to vector<64xf32>
    %broadcast_in_dim3A_1945 = vector.shape_cast %reduce_sum3A_1944 : vector<64xf32> to vector<1x64xf32>
    %div3A_1946 = vector.broadcast %reduce_sum3A_1940 : f32 to vector<1x64xf32>
    %div3A_1947 = arith.divf %broadcast_in_dim3A_1945, %div3A_1946 : vector<1x64xf32>
    %get3A_1948 = arith.constant 0 : index
    %get3A_1949 = arith.constant 0 : index
    %get3A_1950 = vector.load %arg9[%get3A_1948, %get3A_1949] : memref<1x64xf32, #tpu.memory_space<vmem>>, vector<1x64xf32>
    %get3A_1951 = arith.constant 7 : index
    %get3A_1952 = arith.constant 0 : index
    %get3A_1953 = arith.constant 0 : index
    %get3A_1954 = vector.load %arg3[%get3A_1951, %get3A_1952, %get3A_1953] : memref<16x50x64xf32, #tpu.memory_space<vmem>>, vector<1x50x64xf32>
    %get3A_1955 = vector.shape_cast %get3A_1954 : vector<1x50x64xf32> to vector<50x64xf32>
    %get3A_1956 = arith.constant 7 : index
    %get3A_1957 = arith.constant 0 : index
    %get3A_1958 = arith.constant 0 : index
    %get3A_1959 = vector.load %arg4[%get3A_1956, %get3A_1957, %get3A_1958] : memref<16x50x64xf32, #tpu.memory_space<vmem>>, vector<1x50x64xf32>
    %get3A_1960 = vector.shape_cast %get3A_1959 : vector<1x50x64xf32> to vector<50x64xf32>
    %get3A_1961 = arith.constant 7 : index
    %get3A_1962 = arith.constant 0 : index
    %get3A_1963 = arith.constant 0 : index
    %get3A_1964 = vector.load %arg5[%get3A_1961, %get3A_1962, %get3A_1963] : memref<16x50x64xf32, #tpu.memory_space<vmem>>, vector<1x50x64xf32>
    %get3A_1965 = vector.shape_cast %get3A_1964 : vector<1x50x64xf32> to vector<50x64xf32>
    %mul3A_1966 = arith.mulf %div3A_1918, %get3A_1955 : vector<50x64xf32>
    %mul3A_1967 = vector.broadcast %get3A_1950 : vector<1x64xf32> to vector<50x64xf32>
    %mul3A_1968 = arith.mulf %mul3A_1966, %mul3A_1967 : vector<50x64xf32>
    %reduce_sum3A_1969 = arith.constant dense<0.000000e+00> : vector<50xf32>
    %reduce_sum3A_1970 = vector.multi_reduction <add>, %mul3A_1968, %reduce_sum3A_1969 [1] : vector<50x64xf32> to vector<50xf32>
    %broadcast_in_dim3A_1971 = vector.shape_cast %reduce_sum3A_1970 : vector<50xf32> to vector<50x1xf32>
    %ge3A_1972 = arith.constant 0.000000e+00 : f32
    %ge3A_1973 = vector.broadcast %ge3A_1972 : f32 to vector<50x1xf32>
    %ge3A_1974 = arith.cmpf oge, %broadcast_in_dim3A_1971, %ge3A_1973 : vector<50x1xf32>
    %mul3A_1975 = arith.constant 2.000000e-01 : f32
    %mul3A_1976 = vector.broadcast %mul3A_1975 : f32 to vector<50x1xf32>
    %mul3A_1977 = arith.mulf %mul3A_1976, %broadcast_in_dim3A_1971 : vector<50x1xf32>
    %select_n3A_1978 = arith.select %ge3A_1974, %broadcast_in_dim3A_1971, %mul3A_1977 : vector<50x1xi1>, vector<50x1xf32>
    %mul3A_1979 = arith.mulf %div3A_1918, %get3A_1960 : vector<50x64xf32>
    %mul3A_1980 = vector.broadcast %get3A_1950 : vector<1x64xf32> to vector<50x64xf32>
    %mul3A_1981 = arith.mulf %mul3A_1979, %mul3A_1980 : vector<50x64xf32>
    %reduce_sum3A_1982 = arith.constant dense<0.000000e+00> : vector<50xf32>
    %reduce_sum3A_1983 = vector.multi_reduction <add>, %mul3A_1981, %reduce_sum3A_1982 [1] : vector<50x64xf32> to vector<50xf32>
    %broadcast_in_dim3A_1984 = vector.shape_cast %reduce_sum3A_1983 : vector<50xf32> to vector<50x1xf32>
    %ge3A_1985 = arith.constant 0.000000e+00 : f32
    %ge3A_1986 = vector.broadcast %ge3A_1985 : f32 to vector<50x1xf32>
    %ge3A_1987 = arith.cmpf oge, %broadcast_in_dim3A_1984, %ge3A_1986 : vector<50x1xf32>
    %mul3A_1988 = arith.constant 2.000000e-01 : f32
    %mul3A_1989 = vector.broadcast %mul3A_1988 : f32 to vector<50x1xf32>
    %mul3A_1990 = arith.mulf %mul3A_1989, %broadcast_in_dim3A_1984 : vector<50x1xf32>
    %select_n3A_1991 = arith.select %ge3A_1987, %broadcast_in_dim3A_1984, %mul3A_1990 : vector<50x1xi1>, vector<50x1xf32>
    %mul3A_1992 = arith.mulf %div3A_1918, %get3A_1965 : vector<50x64xf32>
    %mul3A_1993 = vector.broadcast %get3A_1950 : vector<1x64xf32> to vector<50x64xf32>
    %mul3A_1994 = arith.mulf %mul3A_1992, %mul3A_1993 : vector<50x64xf32>
    %reduce_sum3A_1995 = arith.constant dense<0.000000e+00> : vector<50xf32>
    %reduce_sum3A_1996 = vector.multi_reduction <add>, %mul3A_1994, %reduce_sum3A_1995 [1] : vector<50x64xf32> to vector<50xf32>
    %broadcast_in_dim3A_1997 = vector.shape_cast %reduce_sum3A_1996 : vector<50xf32> to vector<50x1xf32>
    %ge3A_1998 = arith.constant 0.000000e+00 : f32
    %ge3A_1999 = vector.broadcast %ge3A_1998 : f32 to vector<50x1xf32>
    %ge3A_2000 = arith.cmpf oge, %broadcast_in_dim3A_1997, %ge3A_1999 : vector<50x1xf32>
    %mul3A_2001 = arith.constant 2.000000e-01 : f32
    %mul3A_2002 = vector.broadcast %mul3A_2001 : f32 to vector<50x1xf32>
    %mul3A_2003 = arith.mulf %mul3A_2002, %broadcast_in_dim3A_1997 : vector<50x1xf32>
    %select_n3A_2004 = arith.select %ge3A_2000, %broadcast_in_dim3A_1997, %mul3A_2003 : vector<50x1xi1>, vector<50x1xf32>
    %max3A_2005 = arith.maximumf %select_n3A_1991, %select_n3A_2004 : vector<50x1xf32>
    %max3A_2006 = arith.maximumf %select_n3A_1978, %max3A_2005 : vector<50x1xf32>
    %sub3A_2007 = arith.subf %select_n3A_1978, %max3A_2006 : vector<50x1xf32>
    %exp3A_2008 = math.exp %sub3A_2007 : vector<50x1xf32>
    %sub3A_2009 = arith.subf %select_n3A_1991, %max3A_2006 : vector<50x1xf32>
    %exp3A_2010 = math.exp %sub3A_2009 : vector<50x1xf32>
    %sub3A_2011 = arith.subf %select_n3A_2004, %max3A_2006 : vector<50x1xf32>
    %exp3A_2012 = math.exp %sub3A_2011 : vector<50x1xf32>
    %add3A_2013 = arith.addf %exp3A_2008, %exp3A_2010 : vector<50x1xf32>
    %add3A_2014 = arith.addf %add3A_2013, %exp3A_2012 : vector<50x1xf32>
    %mul3A_2015 = vector.broadcast %exp3A_2008 : vector<50x1xf32> to vector<50x64xf32>
    %mul3A_2016 = arith.mulf %mul3A_2015, %get3A_1955 : vector<50x64xf32>
    %mul3A_2017 = vector.broadcast %exp3A_2010 : vector<50x1xf32> to vector<50x64xf32>
    %mul3A_2018 = arith.mulf %mul3A_2017, %get3A_1960 : vector<50x64xf32>
    %add3A_2019 = arith.addf %mul3A_2016, %mul3A_2018 : vector<50x64xf32>
    %mul3A_2020 = vector.broadcast %exp3A_2012 : vector<50x1xf32> to vector<50x64xf32>
    %mul3A_2021 = arith.mulf %mul3A_2020, %get3A_1965 : vector<50x64xf32>
    %add3A_2022 = arith.addf %add3A_2019, %mul3A_2021 : vector<50x64xf32>
    %div3A_2023 = vector.broadcast %add3A_2014 : vector<50x1xf32> to vector<50x64xf32>
    %div3A_2024 = arith.divf %add3A_2022, %div3A_2023 : vector<50x64xf32>
    %mul3A_2025 = arith.constant 5.000000e-01 : f32
    %mul3A_2026 = vector.broadcast %mul3A_2025 : f32 to vector<50x64xf32>
    %mul3A_2027 = arith.mulf %mul3A_2026, %div3A_1918 : vector<50x64xf32>
    %mul3A_2028 = arith.constant 5.000000e-01 : f32
    %mul3A_2029 = vector.broadcast %mul3A_2028 : f32 to vector<50x64xf32>
    %mul3A_2030 = arith.mulf %mul3A_2029, %div3A_2024 : vector<50x64xf32>
    %add3A_2031 = arith.addf %mul3A_2027, %mul3A_2030 : vector<50x64xf32>
    %get3A_2032 = arith.constant 7 : index
    %get3A_2033 = arith.constant 0 : index
    %get3A_2034 = arith.constant 0 : index
    %get3A_2035 = vector.load %arg6[%get3A_2032, %get3A_2033, %get3A_2034] : memref<16x50x50xf32, #tpu.memory_space<vmem>>, vector<1x50x50xf32>
    %get3A_2036 = vector.shape_cast %get3A_2035 : vector<1x50x50xf32> to vector<50x50xf32>
    %get3A_2037 = arith.constant 0 : index
    %get3A_2038 = arith.constant 0 : index
    %get3A_2039 = vector.load %arg12[%get3A_2037, %get3A_2038] : memref<1x64xf32, #tpu.memory_space<vmem>>, vector<1x64xf32>
    %mul3A_2040 = arith.mulf %div3A_1947, %get3A_2039 : vector<1x64xf32>
    %dot_general3A_2041 = arith.constant dense<0.000000e+00> : vector<1x50xf32>
    %dot_general3A_2042 = tpu.matmul %mul3A_2040, %div3A_1918, %dot_general3A_2041 {dimension_numbers = #tpu.dot_dimension_numbers<[1], [1], [0], [0], [0, 0, 1, 0], [], []>, transpose_lhs_hint = false} : vector<1x64xf32>, vector<50x64xf32>, vector<1x50xf32> -> vector<1x50xf32>
    %get3A_2043 = arith.constant 0 : index
    %get3A_2044 = arith.constant 0 : index
    %get3A_2045 = vector.load %arg13[%get3A_2043, %get3A_2044] : memref<1x64xf32, #tpu.memory_space<vmem>>, vector<1x64xf32>
    %mul3A_2046 = arith.mulf %div3A_1947, %get3A_2045 : vector<1x64xf32>
    %dot_general3A_2047 = arith.constant dense<0.000000e+00> : vector<1x50xf32>
    %dot_general3A_2048 = tpu.matmul %mul3A_2046, %div3A_1918, %dot_general3A_2047 {dimension_numbers = #tpu.dot_dimension_numbers<[1], [1], [0], [0], [0, 0, 1, 0], [], []>, transpose_lhs_hint = false} : vector<1x64xf32>, vector<50x64xf32>, vector<1x50xf32> -> vector<1x50xf32>
    %get3A_2049 = arith.constant 0 : index
    %get3A_2050 = arith.constant 0 : index
    %get3A_2051 = vector.load %arg10[%get3A_2049, %get3A_2050] : memref<1x64xf32, #tpu.memory_space<vmem>>, vector<1x64xf32>
    %mul3A_2052 = vector.broadcast %get3A_2051 : vector<1x64xf32> to vector<50x64xf32>
    %mul3A_2053 = arith.mulf %div3A_1918, %mul3A_2052 : vector<50x64xf32>
    %dot_general3A_2054 = arith.constant dense<0.000000e+00> : vector<50x50xf32>
    %dot_general3A_2055 = tpu.matmul %mul3A_2053, %div3A_1918, %dot_general3A_2054 {dimension_numbers = #tpu.dot_dimension_numbers<[1], [1], [0], [0], [0, 0, 1, 0], [], []>, transpose_lhs_hint = false} : vector<50x64xf32>, vector<50x64xf32>, vector<50x50xf32> -> vector<50x50xf32>
    %add3A_2056 = vector.broadcast %dot_general3A_2042 : vector<1x50xf32> to vector<50x50xf32>
    %add3A_2057 = arith.addf %dot_general3A_2055, %add3A_2056 : vector<50x50xf32>
    %ge3A_2058 = arith.constant 0.000000e+00 : f32
    %ge3A_2059 = vector.broadcast %ge3A_2058 : f32 to vector<50x50xf32>
    %ge3A_2060 = arith.cmpf oge, %add3A_2057, %ge3A_2059 : vector<50x50xf32>
    %mul3A_2061 = arith.constant 2.000000e-01 : f32
    %mul3A_2062 = vector.broadcast %mul3A_2061 : f32 to vector<50x50xf32>
    %mul3A_2063 = arith.mulf %mul3A_2062, %add3A_2057 : vector<50x50xf32>
    %select_n3A_2064 = arith.select %ge3A_2060, %add3A_2057, %mul3A_2063 : vector<50x50xi1>, vector<50x50xf32>
    %get3A_2065 = arith.constant 0 : index
    %get3A_2066 = arith.constant 0 : index
    %get3A_2067 = vector.load %arg11[%get3A_2065, %get3A_2066] : memref<1x64xf32, #tpu.memory_space<vmem>>, vector<1x64xf32>
    %mul3A_2068 = vector.broadcast %get3A_2067 : vector<1x64xf32> to vector<50x64xf32>
    %mul3A_2069 = arith.mulf %div3A_1918, %mul3A_2068 : vector<50x64xf32>
    %dot_general3A_2070 = arith.constant dense<0.000000e+00> : vector<50x50xf32>
    %dot_general3A_2071 = tpu.matmul %mul3A_2069, %div3A_1918, %dot_general3A_2070 {dimension_numbers = #tpu.dot_dimension_numbers<[1], [1], [0], [0], [0, 0, 1, 0], [], []>, transpose_lhs_hint = false} : vector<50x64xf32>, vector<50x64xf32>, vector<50x50xf32> -> vector<50x50xf32>
    %add3A_2072 = vector.broadcast %dot_general3A_2048 : vector<1x50xf32> to vector<50x50xf32>
    %add3A_2073 = arith.addf %dot_general3A_2071, %add3A_2072 : vector<50x50xf32>
    %ge3A_2074 = arith.constant 0.000000e+00 : f32
    %ge3A_2075 = vector.broadcast %ge3A_2074 : f32 to vector<50x50xf32>
    %ge3A_2076 = arith.cmpf oge, %add3A_2073, %ge3A_2075 : vector<50x50xf32>
    %mul3A_2077 = arith.constant 2.000000e-01 : f32
    %mul3A_2078 = vector.broadcast %mul3A_2077 : f32 to vector<50x50xf32>
    %mul3A_2079 = arith.mulf %mul3A_2078, %add3A_2073 : vector<50x50xf32>
    %select_n3A_2080 = arith.select %ge3A_2076, %add3A_2073, %mul3A_2079 : vector<50x50xi1>, vector<50x50xf32>
    %eq3A_2081 = arith.constant 1.000000e+00 : f32
    %eq3A_2082 = vector.broadcast %eq3A_2081 : f32 to vector<50x50xf32>
    %eq3A_2083 = arith.cmpf oeq, %get3A_2036, %eq3A_2082 : vector<50x50xf32>
    %eq3A_2084 = arith.constant 2.000000e+00 : f32
    %eq3A_2085 = vector.broadcast %eq3A_2084 : f32 to vector<50x50xf32>
    %eq3A_2086 = arith.cmpf oeq, %get3A_2036, %eq3A_2085 : vector<50x50xf32>
    %jit3A_2087 = arith.constant -9.000000e+15 : f32
    %broadcast_in_dim3A_2088 = vector.broadcast %jit3A_2087 : f32 to vector<50x50xf32>
    %select_n3A_2089 = arith.select %eq3A_2086, %select_n3A_2080, %broadcast_in_dim3A_2088 : vector<50x50xi1>, vector<50x50xf32>
    %select_n3A_2090 = arith.select %eq3A_2083, %select_n3A_2064, %select_n3A_2089 : vector<50x50xi1>, vector<50x50xf32>
    %reduce_max3A_2091 = arith.constant dense<0xFF800000> : vector<50xf32>
    %reduce_max3A_2092 = vector.multi_reduction <maximumf>, %select_n3A_2090, %reduce_max3A_2091 [1] : vector<50x50xf32> to vector<50xf32>
    %broadcast_in_dim3A_2093 = vector.shape_cast %reduce_max3A_2092 : vector<50xf32> to vector<50x1xf32>
    %sub3A_2094 = vector.broadcast %broadcast_in_dim3A_2093 : vector<50x1xf32> to vector<50x50xf32>
    %sub3A_2095 = arith.subf %select_n3A_2090, %sub3A_2094 : vector<50x50xf32>
    %exp3A_2096 = math.exp %sub3A_2095 : vector<50x50xf32>
    %reduce_sum3A_2097 = arith.constant dense<0.000000e+00> : vector<50xf32>
    %reduce_sum3A_2098 = vector.multi_reduction <add>, %exp3A_2096, %reduce_sum3A_2097 [1] : vector<50x50xf32> to vector<50xf32>
    %broadcast_in_dim3A_2099 = vector.shape_cast %reduce_sum3A_2098 : vector<50xf32> to vector<50x1xf32>
    %div3A_2100 = vector.broadcast %broadcast_in_dim3A_2099 : vector<50x1xf32> to vector<50x50xf32>
    %div3A_2101 = arith.divf %exp3A_2096, %div3A_2100 : vector<50x50xf32>
    %dot_general3A_2102 = arith.constant dense<0.000000e+00> : vector<50x64xf32>
    %dot_general3A_2103 = tpu.matmul %div3A_2101, %div3A_1918, %dot_general3A_2102 {dimension_numbers = #tpu.dot_dimension_numbers<[1], [0], [0], [1], [0, 0, 1, 1], [], []>, transpose_lhs_hint = false} : vector<50x50xf32>, vector<50x64xf32>, vector<50x64xf32> -> vector<50x64xf32>
    %add3A_2104 = arith.addf %dot_general3A_2103, %add3A_2031 : vector<50x64xf32>
    %mul3A_2105 = arith.mulf %dot_general3A_2103, %add3A_2031 : vector<50x64xf32>
    %add3A_2106 = arith.addf %add3A_2104, %mul3A_2105 : vector<50x64xf32>
    %get3A_2107 = arith.constant 7 : index
    %get3A_2108 = arith.constant 0 : index
    %get3A_2109 = arith.constant 0 : index
    %get3A_2110 = vector.load %arg7[%get3A_2107, %get3A_2108, %get3A_2109] : memref<16x50x50xf32, #tpu.memory_space<vmem>>, vector<1x50x50xf32>
    %get3A_2111 = vector.shape_cast %get3A_2110 : vector<1x50x50xf32> to vector<50x50xf32>
    %dot_general3A_2112 = arith.constant dense<0.000000e+00> : vector<50x64xf32>
    %dot_general3A_2113 = tpu.matmul %get3A_2111, %add3A_2106, %dot_general3A_2112 {dimension_numbers = #tpu.dot_dimension_numbers<[1], [0], [0], [1], [0, 0, 1, 1], [], []>, transpose_lhs_hint = false} : vector<50x50xf32>, vector<50x64xf32>, vector<50x64xf32> -> vector<50x64xf32>
    %get3A_2114 = arith.constant 0 : index
    %get3A_2115 = arith.constant 0 : index
    %get3A_2116 = vector.load %arg19[%get3A_2114, %get3A_2115] : memref<51x64xf32, #tpu.memory_space<vmem>>, vector<50x64xf32>
    %add3A_2117 = arith.addf %dot_general3A_2113, %get3A_2116 : vector<50x64xf32>
    %mul3A_2118 = vector.broadcast %get3A_1935 : vector<50x1xf32> to vector<50x64xf32>
    %mul3A_2119 = arith.mulf %add3A_2117, %mul3A_2118 : vector<50x64xf32>
    %reduce_sum3A_2120 = arith.constant dense<0.000000e+00> : vector<64xf32>
    %reduce_sum3A_2121 = vector.multi_reduction <add>, %mul3A_2119, %reduce_sum3A_2120 [0] : vector<50x64xf32> to vector<64xf32>
    %broadcast_in_dim3A_2122 = vector.shape_cast %reduce_sum3A_2121 : vector<64xf32> to vector<1x64xf32>
    %div3A_2123 = vector.broadcast %reduce_sum3A_1940 : f32 to vector<1x64xf32>
    %div3A_2124 = arith.divf %broadcast_in_dim3A_2122, %div3A_2123 : vector<1x64xf32>
    %get3A_2125 = arith.constant 0 : index
    %get3A_2126 = arith.constant 0 : index
    %get3A_2127 = vector.load %arg14[%get3A_2125, %get3A_2126] : memref<64x64xf32, #tpu.memory_space<vmem>>, vector<64x64xf32>
    %dot_general3A_2128 = arith.constant dense<0.000000e+00> : vector<50x64xf32>
    %dot_general3A_2129 = tpu.matmul %add3A_2117, %get3A_2127, %dot_general3A_2128 {dimension_numbers = #tpu.dot_dimension_numbers<[1], [1], [0], [0], [0, 0, 1, 0], [], []>, transpose_lhs_hint = false} : vector<50x64xf32>, vector<64x64xf32>, vector<50x64xf32> -> vector<50x64xf32>
    %get3A_2130 = arith.constant 0 : index
    %get3A_2131 = arith.constant 0 : index
    %get3A_2132 = vector.load %arg15[%get3A_2130, %get3A_2131] : memref<1x64xf32, #tpu.memory_space<vmem>>, vector<1x64xf32>
    %add3A_2133 = vector.broadcast %get3A_2132 : vector<1x64xf32> to vector<50x64xf32>
    %add3A_2134 = arith.addf %dot_general3A_2129, %add3A_2133 : vector<50x64xf32>
    %get3A_2135 = arith.constant 0 : index
    %get3A_2136 = arith.constant 0 : index
    %get3A_2137 = vector.load %arg16[%get3A_2135, %get3A_2136] : memref<64x64xf32, #tpu.memory_space<vmem>>, vector<64x64xf32>
    %dot_general3A_2138 = arith.constant dense<0.000000e+00> : vector<1x64xf32>
    %dot_general3A_2139 = tpu.matmul %div3A_2124, %get3A_2137, %dot_general3A_2138 {dimension_numbers = #tpu.dot_dimension_numbers<[1], [1], [0], [0], [0, 0, 1, 0], [], []>, transpose_lhs_hint = false} : vector<1x64xf32>, vector<64x64xf32>, vector<1x64xf32> -> vector<1x64xf32>
    %get3A_2140 = arith.constant 0 : index
    %get3A_2141 = arith.constant 0 : index
    %get3A_2142 = vector.load %arg17[%get3A_2140, %get3A_2141] : memref<1x64xf32, #tpu.memory_space<vmem>>, vector<1x64xf32>
    %add3A_2143 = arith.addf %dot_general3A_2139, %get3A_2142 : vector<1x64xf32>
    %add3A_2144 = vector.broadcast %add3A_2143 : vector<1x64xf32> to vector<50x64xf32>
    %add3A_2145 = arith.addf %add3A_2134, %add3A_2144 : vector<50x64xf32>
    %logistic3A_2146 = arith.negf %add3A_2145 : vector<50x64xf32>
    %logistic3A_2147 = math.exp %logistic3A_2146 : vector<50x64xf32>
    %logistic3A_2148 = arith.constant 1.000000e+00 : f32
    %logistic3A_2149 = vector.broadcast %logistic3A_2148 : f32 to vector<50x64xf32>
    %logistic3A_2150 = arith.addf %logistic3A_2149, %logistic3A_2147 : vector<50x64xf32>
    %logistic3A_2151 = arith.divf %logistic3A_2149, %logistic3A_2150 : vector<50x64xf32>
    %get3A_2152 = arith.constant 0 : index
    %get3A_2153 = arith.constant 0 : index
    %get3A_2154 = vector.load %arg18[%get3A_2152, %get3A_2153] : memref<1x64xf32, #tpu.memory_space<vmem>>, vector<1x64xf32>
    %dot_general3A_2155 = arith.constant dense<0.000000e+00> : vector<50x1xf32>
    %dot_general3A_2156 = tpu.matmul %logistic3A_2151, %get3A_2154, %dot_general3A_2155 {dimension_numbers = #tpu.dot_dimension_numbers<[1], [1], [0], [0], [0, 0, 1, 0], [], []>, transpose_lhs_hint = false} : vector<50x64xf32>, vector<1x64xf32>, vector<50x1xf32> -> vector<50x1xf32>
    %mul3A_2157 = vector.broadcast %dot_general3A_2156 : vector<50x1xf32> to vector<50x64xf32>
    %mul3A_2158 = arith.mulf %mul3A_2157, %dot_general3A_2113 : vector<50x64xf32>
    %mul3A_2159 = vector.broadcast %get3A_1935 : vector<50x1xf32> to vector<50x64xf32>
    %mul3A_2160 = arith.mulf %mul3A_2158, %mul3A_2159 : vector<50x64xf32>
    %reduce_sum3A_2161 = arith.constant dense<0.000000e+00> : vector<64xf32>
    %reduce_sum3A_2162 = vector.multi_reduction <add>, %mul3A_2160, %reduce_sum3A_2161 [0] : vector<50x64xf32> to vector<64xf32>
    %broadcast_in_dim3A_2163 = vector.shape_cast %reduce_sum3A_2162 : vector<64xf32> to vector<1x64xf32>
    %get3A_2164 = arith.constant 50 : index
    %get3A_2165 = arith.constant 0 : index
    %get3A_2166 = vector.load %arg19[%get3A_2164, %get3A_2165] : memref<51x64xf32, #tpu.memory_space<vmem>>, vector<1x64xf32>
    %mul3A_2167 = vector.broadcast %get3A_1935 : vector<50x1xf32> to vector<50x64xf32>
    %mul3A_2168 = arith.mulf %get3A_2116, %mul3A_2167 : vector<50x64xf32>
    %reduce_sum3A_2169 = arith.constant dense<0.000000e+00> : vector<64xf32>
    %reduce_sum3A_2170 = vector.multi_reduction <add>, %mul3A_2168, %reduce_sum3A_2169 [0] : vector<50x64xf32> to vector<64xf32>
    %broadcast_in_dim3A_2171 = vector.shape_cast %reduce_sum3A_2170 : vector<64xf32> to vector<1x64xf32>
    %div3A_2172 = vector.broadcast %reduce_sum3A_1940 : f32 to vector<1x64xf32>
    %div3A_2173 = arith.divf %broadcast_in_dim3A_2171, %div3A_2172 : vector<1x64xf32>
    %mul3A_2174 = arith.mulf %get3A_2166, %div3A_2173 : vector<1x64xf32>
    %add3A_2175 = arith.addf %broadcast_in_dim3A_2163, %mul3A_2174 : vector<1x64xf32>
    %swap3A_2176 = arith.constant 7 : index
    %swap3A_2177 = arith.constant 0 : index
    %swap3A_2178 = arith.constant 0 : index
    %swap3A_2179 = vector.load %arg20[%swap3A_2176, %swap3A_2177, %swap3A_2178] : memref<16x1x64xf32, #tpu.memory_space<vmem>>, vector<1x1x64xf32>
    %swap3A_2180 = vector.shape_cast %swap3A_2179 : vector<1x1x64xf32> to vector<1x64xf32>
    %swap3A_2181 = vector.shape_cast %add3A_2175 : vector<1x64xf32> to vector<1x1x64xf32>
    tpu.vector_store %arg20[%swap3A_2176, %swap3A_2177, %swap3A_2178], %swap3A_2181 {strides = array<i32>} : memref<16x1x64xf32, #tpu.memory_space<vmem>>, vector<1x1x64xf32>,
    %get3A_2182 = arith.constant 8 : index
    %get3A_2183 = arith.constant 0 : index
    %get3A_2184 = arith.constant 0 : index
    %get3A_2185 = vector.load %arg1[%get3A_2182, %get3A_2183, %get3A_2184] : memref<16x50x64xf32, #tpu.memory_space<vmem>>, vector<1x50x64xf32>
    %get3A_2186 = vector.shape_cast %get3A_2185 : vector<1x50x64xf32> to vector<50x64xf32>
    %mul3A_2187 = arith.mulf %get3A_2186, %get3A_2186 : vector<50x64xf32>
    %reduce_sum3A_2188 = arith.constant dense<0.000000e+00> : vector<50xf32>
    %reduce_sum3A_2189 = vector.multi_reduction <add>, %mul3A_2187, %reduce_sum3A_2188 [1] : vector<50x64xf32> to vector<50xf32>
    %broadcast_in_dim3A_2190 = vector.shape_cast %reduce_sum3A_2189 : vector<50xf32> to vector<50x1xf32>
    %sqrt3A_2191 = math.sqrt %broadcast_in_dim3A_2190 : vector<50x1xf32>
    %div3A_2192 = vector.broadcast %sqrt3A_2191 : vector<50x1xf32> to vector<50x64xf32>
    %div3A_2193 = arith.divf %get3A_2186, %div3A_2192 : vector<50x64xf32>
    %get3A_2194 = arith.constant 8 : index
    %get3A_2195 = arith.constant 0 : index
    %get3A_2196 = arith.constant 0 : index
    %get3A_2197 = vector.load %arg2[%get3A_2194, %get3A_2195, %get3A_2196] : memref<16x50x64xf32, #tpu.memory_space<vmem>>, vector<1x50x64xf32>
    %get3A_2198 = vector.shape_cast %get3A_2197 : vector<1x50x64xf32> to vector<50x64xf32>
    %mul3A_2199 = arith.mulf %get3A_2198, %get3A_2198 : vector<50x64xf32>
    %reduce_sum3A_2200 = arith.constant dense<0.000000e+00> : vector<50xf32>
    %reduce_sum3A_2201 = vector.multi_reduction <add>, %mul3A_2199, %reduce_sum3A_2200 [1] : vector<50x64xf32> to vector<50xf32>
    %broadcast_in_dim3A_2202 = vector.shape_cast %reduce_sum3A_2201 : vector<50xf32> to vector<50x1xf32>
    %sqrt3A_2203 = math.sqrt %broadcast_in_dim3A_2202 : vector<50x1xf32>
    %div3A_2204 = vector.broadcast %sqrt3A_2203 : vector<50x1xf32> to vector<50x64xf32>
    %div3A_2205 = arith.divf %get3A_2198, %div3A_2204 : vector<50x64xf32>
    %get3A_2206 = arith.constant 8 : index
    %get3A_2207 = arith.constant 0 : index
    %get3A_2208 = arith.constant 0 : index
    %get3A_2209 = vector.load %arg8[%get3A_2206, %get3A_2207, %get3A_2208] : memref<16x50x1xf32, #tpu.memory_space<vmem>>, vector<1x50x1xf32>
    %get3A_2210 = vector.shape_cast %get3A_2209 : vector<1x50x1xf32> to vector<50x1xf32>
    %reduce_sum3A_2211 = vector.shape_cast %get3A_2210 : vector<50x1xf32> to vector<1x50x1xf32>
    %reduce_sum3A_2212 = arith.constant dense<0.000000e+00> : vector<1xf32>
    %reduce_sum3A_2213 = vector.multi_reduction <add>, %reduce_sum3A_2211, %reduce_sum3A_2212 [1, 2] : vector<1x50x1xf32> to vector<1xf32>
    %reduce_sum3A_2214 = vector.shape_cast %reduce_sum3A_2213 : vector<1xf32> to vector<1x1x1xf32>
    %reduce_sum3A_2215 = vector.extract %reduce_sum3A_2214[0, 0, 0] : f32 from vector<1x1x1xf32>
    %mul3A_2216 = vector.broadcast %get3A_2210 : vector<50x1xf32> to vector<50x64xf32>
    %mul3A_2217 = arith.mulf %div3A_2205, %mul3A_2216 : vector<50x64xf32>
    %reduce_sum3A_2218 = arith.constant dense<0.000000e+00> : vector<64xf32>
    %reduce_sum3A_2219 = vector.multi_reduction <add>, %mul3A_2217, %reduce_sum3A_2218 [0] : vector<50x64xf32> to vector<64xf32>
    %broadcast_in_dim3A_2220 = vector.shape_cast %reduce_sum3A_2219 : vector<64xf32> to vector<1x64xf32>
    %div3A_2221 = vector.broadcast %reduce_sum3A_2215 : f32 to vector<1x64xf32>
    %div3A_2222 = arith.divf %broadcast_in_dim3A_2220, %div3A_2221 : vector<1x64xf32>
    %get3A_2223 = arith.constant 0 : index
    %get3A_2224 = arith.constant 0 : index
    %get3A_2225 = vector.load %arg9[%get3A_2223, %get3A_2224] : memref<1x64xf32, #tpu.memory_space<vmem>>, vector<1x64xf32>
    %get3A_2226 = arith.constant 8 : index
    %get3A_2227 = arith.constant 0 : index
    %get3A_2228 = arith.constant 0 : index
    %get3A_2229 = vector.load %arg3[%get3A_2226, %get3A_2227, %get3A_2228] : memref<16x50x64xf32, #tpu.memory_space<vmem>>, vector<1x50x64xf32>
    %get3A_2230 = vector.shape_cast %get3A_2229 : vector<1x50x64xf32> to vector<50x64xf32>
    %get3A_2231 = arith.constant 8 : index
    %get3A_2232 = arith.constant 0 : index
    %get3A_2233 = arith.constant 0 : index
    %get3A_2234 = vector.load %arg4[%get3A_2231, %get3A_2232, %get3A_2233] : memref<16x50x64xf32, #tpu.memory_space<vmem>>, vector<1x50x64xf32>
    %get3A_2235 = vector.shape_cast %get3A_2234 : vector<1x50x64xf32> to vector<50x64xf32>
    %get3A_2236 = arith.constant 8 : index
    %get3A_2237 = arith.constant 0 : index
    %get3A_2238 = arith.constant 0 : index
    %get3A_2239 = vector.load %arg5[%get3A_2236, %get3A_2237, %get3A_2238] : memref<16x50x64xf32, #tpu.memory_space<vmem>>, vector<1x50x64xf32>
    %get3A_2240 = vector.shape_cast %get3A_2239 : vector<1x50x64xf32> to vector<50x64xf32>
    %mul3A_2241 = arith.mulf %div3A_2193, %get3A_2230 : vector<50x64xf32>
    %mul3A_2242 = vector.broadcast %get3A_2225 : vector<1x64xf32> to vector<50x64xf32>
    %mul3A_2243 = arith.mulf %mul3A_2241, %mul3A_2242 : vector<50x64xf32>
    %reduce_sum3A_2244 = arith.constant dense<0.000000e+00> : vector<50xf32>
    %reduce_sum3A_2245 = vector.multi_reduction <add>, %mul3A_2243, %reduce_sum3A_2244 [1] : vector<50x64xf32> to vector<50xf32>
    %broadcast_in_dim3A_2246 = vector.shape_cast %reduce_sum3A_2245 : vector<50xf32> to vector<50x1xf32>
    %ge3A_2247 = arith.constant 0.000000e+00 : f32
    %ge3A_2248 = vector.broadcast %ge3A_2247 : f32 to vector<50x1xf32>
    %ge3A_2249 = arith.cmpf oge, %broadcast_in_dim3A_2246, %ge3A_2248 : vector<50x1xf32>
    %mul3A_2250 = arith.constant 2.000000e-01 : f32
    %mul3A_2251 = vector.broadcast %mul3A_2250 : f32 to vector<50x1xf32>
    %mul3A_2252 = arith.mulf %mul3A_2251, %broadcast_in_dim3A_2246 : vector<50x1xf32>
    %select_n3A_2253 = arith.select %ge3A_2249, %broadcast_in_dim3A_2246, %mul3A_2252 : vector<50x1xi1>, vector<50x1xf32>
    %mul3A_2254 = arith.mulf %div3A_2193, %get3A_2235 : vector<50x64xf32>
    %mul3A_2255 = vector.broadcast %get3A_2225 : vector<1x64xf32> to vector<50x64xf32>
    %mul3A_2256 = arith.mulf %mul3A_2254, %mul3A_2255 : vector<50x64xf32>
    %reduce_sum3A_2257 = arith.constant dense<0.000000e+00> : vector<50xf32>
    %reduce_sum3A_2258 = vector.multi_reduction <add>, %mul3A_2256, %reduce_sum3A_2257 [1] : vector<50x64xf32> to vector<50xf32>
    %broadcast_in_dim3A_2259 = vector.shape_cast %reduce_sum3A_2258 : vector<50xf32> to vector<50x1xf32>
    %ge3A_2260 = arith.constant 0.000000e+00 : f32
    %ge3A_2261 = vector.broadcast %ge3A_2260 : f32 to vector<50x1xf32>
    %ge3A_2262 = arith.cmpf oge, %broadcast_in_dim3A_2259, %ge3A_2261 : vector<50x1xf32>
    %mul3A_2263 = arith.constant 2.000000e-01 : f32
    %mul3A_2264 = vector.broadcast %mul3A_2263 : f32 to vector<50x1xf32>
    %mul3A_2265 = arith.mulf %mul3A_2264, %broadcast_in_dim3A_2259 : vector<50x1xf32>
    %select_n3A_2266 = arith.select %ge3A_2262, %broadcast_in_dim3A_2259, %mul3A_2265 : vector<50x1xi1>, vector<50x1xf32>
    %mul3A_2267 = arith.mulf %div3A_2193, %get3A_2240 : vector<50x64xf32>
    %mul3A_2268 = vector.broadcast %get3A_2225 : vector<1x64xf32> to vector<50x64xf32>
    %mul3A_2269 = arith.mulf %mul3A_2267, %mul3A_2268 : vector<50x64xf32>
    %reduce_sum3A_2270 = arith.constant dense<0.000000e+00> : vector<50xf32>
    %reduce_sum3A_2271 = vector.multi_reduction <add>, %mul3A_2269, %reduce_sum3A_2270 [1] : vector<50x64xf32> to vector<50xf32>
    %broadcast_in_dim3A_2272 = vector.shape_cast %reduce_sum3A_2271 : vector<50xf32> to vector<50x1xf32>
    %ge3A_2273 = arith.constant 0.000000e+00 : f32
    %ge3A_2274 = vector.broadcast %ge3A_2273 : f32 to vector<50x1xf32>
    %ge3A_2275 = arith.cmpf oge, %broadcast_in_dim3A_2272, %ge3A_2274 : vector<50x1xf32>
    %mul3A_2276 = arith.constant 2.000000e-01 : f32
    %mul3A_2277 = vector.broadcast %mul3A_2276 : f32 to vector<50x1xf32>
    %mul3A_2278 = arith.mulf %mul3A_2277, %broadcast_in_dim3A_2272 : vector<50x1xf32>
    %select_n3A_2279 = arith.select %ge3A_2275, %broadcast_in_dim3A_2272, %mul3A_2278 : vector<50x1xi1>, vector<50x1xf32>
    %max3A_2280 = arith.maximumf %select_n3A_2266, %select_n3A_2279 : vector<50x1xf32>
    %max3A_2281 = arith.maximumf %select_n3A_2253, %max3A_2280 : vector<50x1xf32>
    %sub3A_2282 = arith.subf %select_n3A_2253, %max3A_2281 : vector<50x1xf32>
    %exp3A_2283 = math.exp %sub3A_2282 : vector<50x1xf32>
    %sub3A_2284 = arith.subf %select_n3A_2266, %max3A_2281 : vector<50x1xf32>
    %exp3A_2285 = math.exp %sub3A_2284 : vector<50x1xf32>
    %sub3A_2286 = arith.subf %select_n3A_2279, %max3A_2281 : vector<50x1xf32>
    %exp3A_2287 = math.exp %sub3A_2286 : vector<50x1xf32>
    %add3A_2288 = arith.addf %exp3A_2283, %exp3A_2285 : vector<50x1xf32>
    %add3A_2289 = arith.addf %add3A_2288, %exp3A_2287 : vector<50x1xf32>
    %mul3A_2290 = vector.broadcast %exp3A_2283 : vector<50x1xf32> to vector<50x64xf32>
    %mul3A_2291 = arith.mulf %mul3A_2290, %get3A_2230 : vector<50x64xf32>
    %mul3A_2292 = vector.broadcast %exp3A_2285 : vector<50x1xf32> to vector<50x64xf32>
    %mul3A_2293 = arith.mulf %mul3A_2292, %get3A_2235 : vector<50x64xf32>
    %add3A_2294 = arith.addf %mul3A_2291, %mul3A_2293 : vector<50x64xf32>
    %mul3A_2295 = vector.broadcast %exp3A_2287 : vector<50x1xf32> to vector<50x64xf32>
    %mul3A_2296 = arith.mulf %mul3A_2295, %get3A_2240 : vector<50x64xf32>
    %add3A_2297 = arith.addf %add3A_2294, %mul3A_2296 : vector<50x64xf32>
    %div3A_2298 = vector.broadcast %add3A_2289 : vector<50x1xf32> to vector<50x64xf32>
    %div3A_2299 = arith.divf %add3A_2297, %div3A_2298 : vector<50x64xf32>
    %mul3A_2300 = arith.constant 5.000000e-01 : f32
    %mul3A_2301 = vector.broadcast %mul3A_2300 : f32 to vector<50x64xf32>
    %mul3A_2302 = arith.mulf %mul3A_2301, %div3A_2193 : vector<50x64xf32>
    %mul3A_2303 = arith.constant 5.000000e-01 : f32
    %mul3A_2304 = vector.broadcast %mul3A_2303 : f32 to vector<50x64xf32>
    %mul3A_2305 = arith.mulf %mul3A_2304, %div3A_2299 : vector<50x64xf32>
    %add3A_2306 = arith.addf %mul3A_2302, %mul3A_2305 : vector<50x64xf32>
    %get3A_2307 = arith.constant 8 : index
    %get3A_2308 = arith.constant 0 : index
    %get3A_2309 = arith.constant 0 : index
    %get3A_2310 = vector.load %arg6[%get3A_2307, %get3A_2308, %get3A_2309] : memref<16x50x50xf32, #tpu.memory_space<vmem>>, vector<1x50x50xf32>
    %get3A_2311 = vector.shape_cast %get3A_2310 : vector<1x50x50xf32> to vector<50x50xf32>
    %get3A_2312 = arith.constant 0 : index
    %get3A_2313 = arith.constant 0 : index
    %get3A_2314 = vector.load %arg12[%get3A_2312, %get3A_2313] : memref<1x64xf32, #tpu.memory_space<vmem>>, vector<1x64xf32>
    %mul3A_2315 = arith.mulf %div3A_2222, %get3A_2314 : vector<1x64xf32>
    %dot_general3A_2316 = arith.constant dense<0.000000e+00> : vector<1x50xf32>
    %dot_general3A_2317 = tpu.matmul %mul3A_2315, %div3A_2193, %dot_general3A_2316 {dimension_numbers = #tpu.dot_dimension_numbers<[1], [1], [0], [0], [0, 0, 1, 0], [], []>, transpose_lhs_hint = false} : vector<1x64xf32>, vector<50x64xf32>, vector<1x50xf32> -> vector<1x50xf32>
    %get3A_2318 = arith.constant 0 : index
    %get3A_2319 = arith.constant 0 : index
    %get3A_2320 = vector.load %arg13[%get3A_2318, %get3A_2319] : memref<1x64xf32, #tpu.memory_space<vmem>>, vector<1x64xf32>
    %mul3A_2321 = arith.mulf %div3A_2222, %get3A_2320 : vector<1x64xf32>
    %dot_general3A_2322 = arith.constant dense<0.000000e+00> : vector<1x50xf32>
    %dot_general3A_2323 = tpu.matmul %mul3A_2321, %div3A_2193, %dot_general3A_2322 {dimension_numbers = #tpu.dot_dimension_numbers<[1], [1], [0], [0], [0, 0, 1, 0], [], []>, transpose_lhs_hint = false} : vector<1x64xf32>, vector<50x64xf32>, vector<1x50xf32> -> vector<1x50xf32>
    %get3A_2324 = arith.constant 0 : index
    %get3A_2325 = arith.constant 0 : index
    %get3A_2326 = vector.load %arg10[%get3A_2324, %get3A_2325] : memref<1x64xf32, #tpu.memory_space<vmem>>, vector<1x64xf32>
    %mul3A_2327 = vector.broadcast %get3A_2326 : vector<1x64xf32> to vector<50x64xf32>
    %mul3A_2328 = arith.mulf %div3A_2193, %mul3A_2327 : vector<50x64xf32>
    %dot_general3A_2329 = arith.constant dense<0.000000e+00> : vector<50x50xf32>
    %dot_general3A_2330 = tpu.matmul %mul3A_2328, %div3A_2193, %dot_general3A_2329 {dimension_numbers = #tpu.dot_dimension_numbers<[1], [1], [0], [0], [0, 0, 1, 0], [], []>, transpose_lhs_hint = false} : vector<50x64xf32>, vector<50x64xf32>, vector<50x50xf32> -> vector<50x50xf32>
    %add3A_2331 = vector.broadcast %dot_general3A_2317 : vector<1x50xf32> to vector<50x50xf32>
    %add3A_2332 = arith.addf %dot_general3A_2330, %add3A_2331 : vector<50x50xf32>
    %ge3A_2333 = arith.constant 0.000000e+00 : f32
    %ge3A_2334 = vector.broadcast %ge3A_2333 : f32 to vector<50x50xf32>
    %ge3A_2335 = arith.cmpf oge, %add3A_2332, %ge3A_2334 : vector<50x50xf32>
    %mul3A_2336 = arith.constant 2.000000e-01 : f32
    %mul3A_2337 = vector.broadcast %mul3A_2336 : f32 to vector<50x50xf32>
    %mul3A_2338 = arith.mulf %mul3A_2337, %add3A_2332 : vector<50x50xf32>
    %select_n3A_2339 = arith.select %ge3A_2335, %add3A_2332, %mul3A_2338 : vector<50x50xi1>, vector<50x50xf32>
    %get3A_2340 = arith.constant 0 : index
    %get3A_2341 = arith.constant 0 : index
    %get3A_2342 = vector.load %arg11[%get3A_2340, %get3A_2341] : memref<1x64xf32, #tpu.memory_space<vmem>>, vector<1x64xf32>
    %mul3A_2343 = vector.broadcast %get3A_2342 : vector<1x64xf32> to vector<50x64xf32>
    %mul3A_2344 = arith.mulf %div3A_2193, %mul3A_2343 : vector<50x64xf32>
    %dot_general3A_2345 = arith.constant dense<0.000000e+00> : vector<50x50xf32>
    %dot_general3A_2346 = tpu.matmul %mul3A_2344, %div3A_2193, %dot_general3A_2345 {dimension_numbers = #tpu.dot_dimension_numbers<[1], [1], [0], [0], [0, 0, 1, 0], [], []>, transpose_lhs_hint = false} : vector<50x64xf32>, vector<50x64xf32>, vector<50x50xf32> -> vector<50x50xf32>
    %add3A_2347 = vector.broadcast %dot_general3A_2323 : vector<1x50xf32> to vector<50x50xf32>
    %add3A_2348 = arith.addf %dot_general3A_2346, %add3A_2347 : vector<50x50xf32>
    %ge3A_2349 = arith.constant 0.000000e+00 : f32
    %ge3A_2350 = vector.broadcast %ge3A_2349 : f32 to vector<50x50xf32>
    %ge3A_2351 = arith.cmpf oge, %add3A_2348, %ge3A_2350 : vector<50x50xf32>
    %mul3A_2352 = arith.constant 2.000000e-01 : f32
    %mul3A_2353 = vector.broadcast %mul3A_2352 : f32 to vector<50x50xf32>
    %mul3A_2354 = arith.mulf %mul3A_2353, %add3A_2348 : vector<50x50xf32>
    %select_n3A_2355 = arith.select %ge3A_2351, %add3A_2348, %mul3A_2354 : vector<50x50xi1>, vector<50x50xf32>
    %eq3A_2356 = arith.constant 1.000000e+00 : f32
    %eq3A_2357 = vector.broadcast %eq3A_2356 : f32 to vector<50x50xf32>
    %eq3A_2358 = arith.cmpf oeq, %get3A_2311, %eq3A_2357 : vector<50x50xf32>
    %eq3A_2359 = arith.constant 2.000000e+00 : f32
    %eq3A_2360 = vector.broadcast %eq3A_2359 : f32 to vector<50x50xf32>
    %eq3A_2361 = arith.cmpf oeq, %get3A_2311, %eq3A_2360 : vector<50x50xf32>
    %jit3A_2362 = arith.constant -9.000000e+15 : f32
    %broadcast_in_dim3A_2363 = vector.broadcast %jit3A_2362 : f32 to vector<50x50xf32>
    %select_n3A_2364 = arith.select %eq3A_2361, %select_n3A_2355, %broadcast_in_dim3A_2363 : vector<50x50xi1>, vector<50x50xf32>
    %select_n3A_2365 = arith.select %eq3A_2358, %select_n3A_2339, %select_n3A_2364 : vector<50x50xi1>, vector<50x50xf32>
    %reduce_max3A_2366 = arith.constant dense<0xFF800000> : vector<50xf32>
    %reduce_max3A_2367 = vector.multi_reduction <maximumf>, %select_n3A_2365, %reduce_max3A_2366 [1] : vector<50x50xf32> to vector<50xf32>
    %broadcast_in_dim3A_2368 = vector.shape_cast %reduce_max3A_2367 : vector<50xf32> to vector<50x1xf32>
    %sub3A_2369 = vector.broadcast %broadcast_in_dim3A_2368 : vector<50x1xf32> to vector<50x50xf32>
    %sub3A_2370 = arith.subf %select_n3A_2365, %sub3A_2369 : vector<50x50xf32>
    %exp3A_2371 = math.exp %sub3A_2370 : vector<50x50xf32>
    %reduce_sum3A_2372 = arith.constant dense<0.000000e+00> : vector<50xf32>
    %reduce_sum3A_2373 = vector.multi_reduction <add>, %exp3A_2371, %reduce_sum3A_2372 [1] : vector<50x50xf32> to vector<50xf32>
    %broadcast_in_dim3A_2374 = vector.shape_cast %reduce_sum3A_2373 : vector<50xf32> to vector<50x1xf32>
    %div3A_2375 = vector.broadcast %broadcast_in_dim3A_2374 : vector<50x1xf32> to vector<50x50xf32>
    %div3A_2376 = arith.divf %exp3A_2371, %div3A_2375 : vector<50x50xf32>
    %dot_general3A_2377 = arith.constant dense<0.000000e+00> : vector<50x64xf32>
    %dot_general3A_2378 = tpu.matmul %div3A_2376, %div3A_2193, %dot_general3A_2377 {dimension_numbers = #tpu.dot_dimension_numbers<[1], [0], [0], [1], [0, 0, 1, 1], [], []>, transpose_lhs_hint = false} : vector<50x50xf32>, vector<50x64xf32>, vector<50x64xf32> -> vector<50x64xf32>
    %add3A_2379 = arith.addf %dot_general3A_2378, %add3A_2306 : vector<50x64xf32>
    %mul3A_2380 = arith.mulf %dot_general3A_2378, %add3A_2306 : vector<50x64xf32>
    %add3A_2381 = arith.addf %add3A_2379, %mul3A_2380 : vector<50x64xf32>
    %get3A_2382 = arith.constant 8 : index
    %get3A_2383 = arith.constant 0 : index
    %get3A_2384 = arith.constant 0 : index
    %get3A_2385 = vector.load %arg7[%get3A_2382, %get3A_2383, %get3A_2384] : memref<16x50x50xf32, #tpu.memory_space<vmem>>, vector<1x50x50xf32>
    %get3A_2386 = vector.shape_cast %get3A_2385 : vector<1x50x50xf32> to vector<50x50xf32>
    %dot_general3A_2387 = arith.constant dense<0.000000e+00> : vector<50x64xf32>
    %dot_general3A_2388 = tpu.matmul %get3A_2386, %add3A_2381, %dot_general3A_2387 {dimension_numbers = #tpu.dot_dimension_numbers<[1], [0], [0], [1], [0, 0, 1, 1], [], []>, transpose_lhs_hint = false} : vector<50x50xf32>, vector<50x64xf32>, vector<50x64xf32> -> vector<50x64xf32>
    %get3A_2389 = arith.constant 0 : index
    %get3A_2390 = arith.constant 0 : index
    %get3A_2391 = vector.load %arg19[%get3A_2389, %get3A_2390] : memref<51x64xf32, #tpu.memory_space<vmem>>, vector<50x64xf32>
    %add3A_2392 = arith.addf %dot_general3A_2388, %get3A_2391 : vector<50x64xf32>
    %mul3A_2393 = vector.broadcast %get3A_2210 : vector<50x1xf32> to vector<50x64xf32>
    %mul3A_2394 = arith.mulf %add3A_2392, %mul3A_2393 : vector<50x64xf32>
    %reduce_sum3A_2395 = arith.constant dense<0.000000e+00> : vector<64xf32>
    %reduce_sum3A_2396 = vector.multi_reduction <add>, %mul3A_2394, %reduce_sum3A_2395 [0] : vector<50x64xf32> to vector<64xf32>
    %broadcast_in_dim3A_2397 = vector.shape_cast %reduce_sum3A_2396 : vector<64xf32> to vector<1x64xf32>
    %div3A_2398 = vector.broadcast %reduce_sum3A_2215 : f32 to vector<1x64xf32>
    %div3A_2399 = arith.divf %broadcast_in_dim3A_2397, %div3A_2398 : vector<1x64xf32>
    %get3A_2400 = arith.constant 0 : index
    %get3A_2401 = arith.constant 0 : index
    %get3A_2402 = vector.load %arg14[%get3A_2400, %get3A_2401] : memref<64x64xf32, #tpu.memory_space<vmem>>, vector<64x64xf32>
    %dot_general3A_2403 = arith.constant dense<0.000000e+00> : vector<50x64xf32>
    %dot_general3A_2404 = tpu.matmul %add3A_2392, %get3A_2402, %dot_general3A_2403 {dimension_numbers = #tpu.dot_dimension_numbers<[1], [1], [0], [0], [0, 0, 1, 0], [], []>, transpose_lhs_hint = false} : vector<50x64xf32>, vector<64x64xf32>, vector<50x64xf32> -> vector<50x64xf32>
    %get3A_2405 = arith.constant 0 : index
    %get3A_2406 = arith.constant 0 : index
    %get3A_2407 = vector.load %arg15[%get3A_2405, %get3A_2406] : memref<1x64xf32, #tpu.memory_space<vmem>>, vector<1x64xf32>
    %add3A_2408 = vector.broadcast %get3A_2407 : vector<1x64xf32> to vector<50x64xf32>
    %add3A_2409 = arith.addf %dot_general3A_2404, %add3A_2408 : vector<50x64xf32>
    %get3A_2410 = arith.constant 0 : index
    %get3A_2411 = arith.constant 0 : index
    %get3A_2412 = vector.load %arg16[%get3A_2410, %get3A_2411] : memref<64x64xf32, #tpu.memory_space<vmem>>, vector<64x64xf32>
    %dot_general3A_2413 = arith.constant dense<0.000000e+00> : vector<1x64xf32>
    %dot_general3A_2414 = tpu.matmul %div3A_2399, %get3A_2412, %dot_general3A_2413 {dimension_numbers = #tpu.dot_dimension_numbers<[1], [1], [0], [0], [0, 0, 1, 0], [], []>, transpose_lhs_hint = false} : vector<1x64xf32>, vector<64x64xf32>, vector<1x64xf32> -> vector<1x64xf32>
    %get3A_2415 = arith.constant 0 : index
    %get3A_2416 = arith.constant 0 : index
    %get3A_2417 = vector.load %arg17[%get3A_2415, %get3A_2416] : memref<1x64xf32, #tpu.memory_space<vmem>>, vector<1x64xf32>
    %add3A_2418 = arith.addf %dot_general3A_2414, %get3A_2417 : vector<1x64xf32>
    %add3A_2419 = vector.broadcast %add3A_2418 : vector<1x64xf32> to vector<50x64xf32>
    %add3A_2420 = arith.addf %add3A_2409, %add3A_2419 : vector<50x64xf32>
    %logistic3A_2421 = arith.negf %add3A_2420 : vector<50x64xf32>
    %logistic3A_2422 = math.exp %logistic3A_2421 : vector<50x64xf32>
    %logistic3A_2423 = arith.constant 1.000000e+00 : f32
    %logistic3A_2424 = vector.broadcast %logistic3A_2423 : f32 to vector<50x64xf32>
    %logistic3A_2425 = arith.addf %logistic3A_2424, %logistic3A_2422 : vector<50x64xf32>
    %logistic3A_2426 = arith.divf %logistic3A_2424, %logistic3A_2425 : vector<50x64xf32>
    %get3A_2427 = arith.constant 0 : index
    %get3A_2428 = arith.constant 0 : index
    %get3A_2429 = vector.load %arg18[%get3A_2427, %get3A_2428] : memref<1x64xf32, #tpu.memory_space<vmem>>, vector<1x64xf32>
    %dot_general3A_2430 = arith.constant dense<0.000000e+00> : vector<50x1xf32>
    %dot_general3A_2431 = tpu.matmul %logistic3A_2426, %get3A_2429, %dot_general3A_2430 {dimension_numbers = #tpu.dot_dimension_numbers<[1], [1], [0], [0], [0, 0, 1, 0], [], []>, transpose_lhs_hint = false} : vector<50x64xf32>, vector<1x64xf32>, vector<50x1xf32> -> vector<50x1xf32>
    %mul3A_2432 = vector.broadcast %dot_general3A_2431 : vector<50x1xf32> to vector<50x64xf32>
    %mul3A_2433 = arith.mulf %mul3A_2432, %dot_general3A_2388 : vector<50x64xf32>
    %mul3A_2434 = vector.broadcast %get3A_2210 : vector<50x1xf32> to vector<50x64xf32>
    %mul3A_2435 = arith.mulf %mul3A_2433, %mul3A_2434 : vector<50x64xf32>
    %reduce_sum3A_2436 = arith.constant dense<0.000000e+00> : vector<64xf32>
    %reduce_sum3A_2437 = vector.multi_reduction <add>, %mul3A_2435, %reduce_sum3A_2436 [0] : vector<50x64xf32> to vector<64xf32>
    %broadcast_in_dim3A_2438 = vector.shape_cast %reduce_sum3A_2437 : vector<64xf32> to vector<1x64xf32>
    %get3A_2439 = arith.constant 50 : index
    %get3A_2440 = arith.constant 0 : index
    %get3A_2441 = vector.load %arg19[%get3A_2439, %get3A_2440] : memref<51x64xf32, #tpu.memory_space<vmem>>, vector<1x64xf32>
    %mul3A_2442 = vector.broadcast %get3A_2210 : vector<50x1xf32> to vector<50x64xf32>
    %mul3A_2443 = arith.mulf %get3A_2391, %mul3A_2442 : vector<50x64xf32>
    %reduce_sum3A_2444 = arith.constant dense<0.000000e+00> : vector<64xf32>
    %reduce_sum3A_2445 = vector.multi_reduction <add>, %mul3A_2443, %reduce_sum3A_2444 [0] : vector<50x64xf32> to vector<64xf32>
    %broadcast_in_dim3A_2446 = vector.shape_cast %reduce_sum3A_2445 : vector<64xf32> to vector<1x64xf32>
    %div3A_2447 = vector.broadcast %reduce_sum3A_2215 : f32 to vector<1x64xf32>
    %div3A_2448 = arith.divf %broadcast_in_dim3A_2446, %div3A_2447 : vector<1x64xf32>
    %mul3A_2449 = arith.mulf %get3A_2441, %div3A_2448 : vector<1x64xf32>
    %add3A_2450 = arith.addf %broadcast_in_dim3A_2438, %mul3A_2449 : vector<1x64xf32>
    %swap3A_2451 = arith.constant 8 : index
    %swap3A_2452 = arith.constant 0 : index
    %swap3A_2453 = arith.constant 0 : index
    %swap3A_2454 = vector.load %arg20[%swap3A_2451, %swap3A_2452, %swap3A_2453] : memref<16x1x64xf32, #tpu.memory_space<vmem>>, vector<1x1x64xf32>
    %swap3A_2455 = vector.shape_cast %swap3A_2454 : vector<1x1x64xf32> to vector<1x64xf32>
    %swap3A_2456 = vector.shape_cast %add3A_2450 : vector<1x64xf32> to vector<1x1x64xf32>
    tpu.vector_store %arg20[%swap3A_2451, %swap3A_2452, %swap3A_2453], %swap3A_2456 {strides = array<i32>} : memref<16x1x64xf32, #tpu.memory_space<vmem>>, vector<1x1x64xf32>,
    %get3A_2457 = arith.constant 9 : index
    %get3A_2458 = arith.constant 0 : index
    %get3A_2459 = arith.constant 0 : index
    %get3A_2460 = vector.load %arg1[%get3A_2457, %get3A_2458, %get3A_2459] : memref<16x50x64xf32, #tpu.memory_space<vmem>>, vector<1x50x64xf32>
    %get3A_2461 = vector.shape_cast %get3A_2460 : vector<1x50x64xf32> to vector<50x64xf32>
    %mul3A_2462 = arith.mulf %get3A_2461, %get3A_2461 : vector<50x64xf32>
    %reduce_sum3A_2463 = arith.constant dense<0.000000e+00> : vector<50xf32>
    %reduce_sum3A_2464 = vector.multi_reduction <add>, %mul3A_2462, %reduce_sum3A_2463 [1] : vector<50x64xf32> to vector<50xf32>
    %broadcast_in_dim3A_2465 = vector.shape_cast %reduce_sum3A_2464 : vector<50xf32> to vector<50x1xf32>
    %sqrt3A_2466 = math.sqrt %broadcast_in_dim3A_2465 : vector<50x1xf32>
    %div3A_2467 = vector.broadcast %sqrt3A_2466 : vector<50x1xf32> to vector<50x64xf32>
    %div3A_2468 = arith.divf %get3A_2461, %div3A_2467 : vector<50x64xf32>
    %get3A_2469 = arith.constant 9 : index
    %get3A_2470 = arith.constant 0 : index
    %get3A_2471 = arith.constant 0 : index
    %get3A_2472 = vector.load %arg2[%get3A_2469, %get3A_2470, %get3A_2471] : memref<16x50x64xf32, #tpu.memory_space<vmem>>, vector<1x50x64xf32>
    %get3A_2473 = vector.shape_cast %get3A_2472 : vector<1x50x64xf32> to vector<50x64xf32>
    %mul3A_2474 = arith.mulf %get3A_2473, %get3A_2473 : vector<50x64xf32>
    %reduce_sum3A_2475 = arith.constant dense<0.000000e+00> : vector<50xf32>
    %reduce_sum3A_2476 = vector.multi_reduction <add>, %mul3A_2474, %reduce_sum3A_2475 [1] : vector<50x64xf32> to vector<50xf32>
    %broadcast_in_dim3A_2477 = vector.shape_cast %reduce_sum3A_2476 : vector<50xf32> to vector<50x1xf32>
    %sqrt3A_2478 = math.sqrt %broadcast_in_dim3A_2477 : vector<50x1xf32>
    %div3A_2479 = vector.broadcast %sqrt3A_2478 : vector<50x1xf32> to vector<50x64xf32>
    %div3A_2480 = arith.divf %get3A_2473, %div3A_2479 : vector<50x64xf32>
    %get3A_2481 = arith.constant 9 : index
    %get3A_2482 = arith.constant 0 : index
    %get3A_2483 = arith.constant 0 : index
    %get3A_2484 = vector.load %arg8[%get3A_2481, %get3A_2482, %get3A_2483] : memref<16x50x1xf32, #tpu.memory_space<vmem>>, vector<1x50x1xf32>
    %get3A_2485 = vector.shape_cast %get3A_2484 : vector<1x50x1xf32> to vector<50x1xf32>
    %reduce_sum3A_2486 = vector.shape_cast %get3A_2485 : vector<50x1xf32> to vector<1x50x1xf32>
    %reduce_sum3A_2487 = arith.constant dense<0.000000e+00> : vector<1xf32>
    %reduce_sum3A_2488 = vector.multi_reduction <add>, %reduce_sum3A_2486, %reduce_sum3A_2487 [1, 2] : vector<1x50x1xf32> to vector<1xf32>
    %reduce_sum3A_2489 = vector.shape_cast %reduce_sum3A_2488 : vector<1xf32> to vector<1x1x1xf32>
    %reduce_sum3A_2490 = vector.extract %reduce_sum3A_2489[0, 0, 0] : f32 from vector<1x1x1xf32>
    %mul3A_2491 = vector.broadcast %get3A_2485 : vector<50x1xf32> to vector<50x64xf32>
    %mul3A_2492 = arith.mulf %div3A_2480, %mul3A_2491 : vector<50x64xf32>
    %reduce_sum3A_2493 = arith.constant dense<0.000000e+00> : vector<64xf32>
    %reduce_sum3A_2494 = vector.multi_reduction <add>, %mul3A_2492, %reduce_sum3A_2493 [0] : vector<50x64xf32> to vector<64xf32>
    %broadcast_in_dim3A_2495 = vector.shape_cast %reduce_sum3A_2494 : vector<64xf32> to vector<1x64xf32>
    %div3A_2496 = vector.broadcast %reduce_sum3A_2490 : f32 to vector<1x64xf32>
    %div3A_2497 = arith.divf %broadcast_in_dim3A_2495, %div3A_2496 : vector<1x64xf32>
    %get3A_2498 = arith.constant 0 : index
    %get3A_2499 = arith.constant 0 : index
    %get3A_2500 = vector.load %arg9[%get3A_2498, %get3A_2499] : memref<1x64xf32, #tpu.memory_space<vmem>>, vector<1x64xf32>
    %get3A_2501 = arith.constant 9 : index
    %get3A_2502 = arith.constant 0 : index
    %get3A_2503 = arith.constant 0 : index
    %get3A_2504 = vector.load %arg3[%get3A_2501, %get3A_2502, %get3A_2503] : memref<16x50x64xf32, #tpu.memory_space<vmem>>, vector<1x50x64xf32>
    %get3A_2505 = vector.shape_cast %get3A_2504 : vector<1x50x64xf32> to vector<50x64xf32>
    %get3A_2506 = arith.constant 9 : index
    %get3A_2507 = arith.constant 0 : index
    %get3A_2508 = arith.constant 0 : index
    %get3A_2509 = vector.load %arg4[%get3A_2506, %get3A_2507, %get3A_2508] : memref<16x50x64xf32, #tpu.memory_space<vmem>>, vector<1x50x64xf32>
    %get3A_2510 = vector.shape_cast %get3A_2509 : vector<1x50x64xf32> to vector<50x64xf32>
    %get3A_2511 = arith.constant 9 : index
    %get3A_2512 = arith.constant 0 : index
    %get3A_2513 = arith.constant 0 : index
    %get3A_2514 = vector.load %arg5[%get3A_2511, %get3A_2512, %get3A_2513] : memref<16x50x64xf32, #tpu.memory_space<vmem>>, vector<1x50x64xf32>
    %get3A_2515 = vector.shape_cast %get3A_2514 : vector<1x50x64xf32> to vector<50x64xf32>
    %mul3A_2516 = arith.mulf %div3A_2468, %get3A_2505 : vector<50x64xf32>
    %mul3A_2517 = vector.broadcast %get3A_2500 : vector<1x64xf32> to vector<50x64xf32>
    %mul3A_2518 = arith.mulf %mul3A_2516, %mul3A_2517 : vector<50x64xf32>
    %reduce_sum3A_2519 = arith.constant dense<0.000000e+00> : vector<50xf32>
    %reduce_sum3A_2520 = vector.multi_reduction <add>, %mul3A_2518, %reduce_sum3A_2519 [1] : vector<50x64xf32> to vector<50xf32>
    %broadcast_in_dim3A_2521 = vector.shape_cast %reduce_sum3A_2520 : vector<50xf32> to vector<50x1xf32>
    %ge3A_2522 = arith.constant 0.000000e+00 : f32
    %ge3A_2523 = vector.broadcast %ge3A_2522 : f32 to vector<50x1xf32>
    %ge3A_2524 = arith.cmpf oge, %broadcast_in_dim3A_2521, %ge3A_2523 : vector<50x1xf32>
    %mul3A_2525 = arith.constant 2.000000e-01 : f32
    %mul3A_2526 = vector.broadcast %mul3A_2525 : f32 to vector<50x1xf32>
    %mul3A_2527 = arith.mulf %mul3A_2526, %broadcast_in_dim3A_2521 : vector<50x1xf32>
    %select_n3A_2528 = arith.select %ge3A_2524, %broadcast_in_dim3A_2521, %mul3A_2527 : vector<50x1xi1>, vector<50x1xf32>
    %mul3A_2529 = arith.mulf %div3A_2468, %get3A_2510 : vector<50x64xf32>
    %mul3A_2530 = vector.broadcast %get3A_2500 : vector<1x64xf32> to vector<50x64xf32>
    %mul3A_2531 = arith.mulf %mul3A_2529, %mul3A_2530 : vector<50x64xf32>
    %reduce_sum3A_2532 = arith.constant dense<0.000000e+00> : vector<50xf32>
    %reduce_sum3A_2533 = vector.multi_reduction <add>, %mul3A_2531, %reduce_sum3A_2532 [1] : vector<50x64xf32> to vector<50xf32>
    %broadcast_in_dim3A_2534 = vector.shape_cast %reduce_sum3A_2533 : vector<50xf32> to vector<50x1xf32>
    %ge3A_2535 = arith.constant 0.000000e+00 : f32
    %ge3A_2536 = vector.broadcast %ge3A_2535 : f32 to vector<50x1xf32>
    %ge3A_2537 = arith.cmpf oge, %broadcast_in_dim3A_2534, %ge3A_2536 : vector<50x1xf32>
    %mul3A_2538 = arith.constant 2.000000e-01 : f32
    %mul3A_2539 = vector.broadcast %mul3A_2538 : f32 to vector<50x1xf32>
    %mul3A_2540 = arith.mulf %mul3A_2539, %broadcast_in_dim3A_2534 : vector<50x1xf32>
    %select_n3A_2541 = arith.select %ge3A_2537, %broadcast_in_dim3A_2534, %mul3A_2540 : vector<50x1xi1>, vector<50x1xf32>
    %mul3A_2542 = arith.mulf %div3A_2468, %get3A_2515 : vector<50x64xf32>
    %mul3A_2543 = vector.broadcast %get3A_2500 : vector<1x64xf32> to vector<50x64xf32>
    %mul3A_2544 = arith.mulf %mul3A_2542, %mul3A_2543 : vector<50x64xf32>
    %reduce_sum3A_2545 = arith.constant dense<0.000000e+00> : vector<50xf32>
    %reduce_sum3A_2546 = vector.multi_reduction <add>, %mul3A_2544, %reduce_sum3A_2545 [1] : vector<50x64xf32> to vector<50xf32>
    %broadcast_in_dim3A_2547 = vector.shape_cast %reduce_sum3A_2546 : vector<50xf32> to vector<50x1xf32>
    %ge3A_2548 = arith.constant 0.000000e+00 : f32
    %ge3A_2549 = vector.broadcast %ge3A_2548 : f32 to vector<50x1xf32>
    %ge3A_2550 = arith.cmpf oge, %broadcast_in_dim3A_2547, %ge3A_2549 : vector<50x1xf32>
    %mul3A_2551 = arith.constant 2.000000e-01 : f32
    %mul3A_2552 = vector.broadcast %mul3A_2551 : f32 to vector<50x1xf32>
    %mul3A_2553 = arith.mulf %mul3A_2552, %broadcast_in_dim3A_2547 : vector<50x1xf32>
    %select_n3A_2554 = arith.select %ge3A_2550, %broadcast_in_dim3A_2547, %mul3A_2553 : vector<50x1xi1>, vector<50x1xf32>
    %max3A_2555 = arith.maximumf %select_n3A_2541, %select_n3A_2554 : vector<50x1xf32>
    %max3A_2556 = arith.maximumf %select_n3A_2528, %max3A_2555 : vector<50x1xf32>
    %sub3A_2557 = arith.subf %select_n3A_2528, %max3A_2556 : vector<50x1xf32>
    %exp3A_2558 = math.exp %sub3A_2557 : vector<50x1xf32>
    %sub3A_2559 = arith.subf %select_n3A_2541, %max3A_2556 : vector<50x1xf32>
    %exp3A_2560 = math.exp %sub3A_2559 : vector<50x1xf32>
    %sub3A_2561 = arith.subf %select_n3A_2554, %max3A_2556 : vector<50x1xf32>
    %exp3A_2562 = math.exp %sub3A_2561 : vector<50x1xf32>
    %add3A_2563 = arith.addf %exp3A_2558, %exp3A_2560 : vector<50x1xf32>
    %add3A_2564 = arith.addf %add3A_2563, %exp3A_2562 : vector<50x1xf32>
    %mul3A_2565 = vector.broadcast %exp3A_2558 : vector<50x1xf32> to vector<50x64xf32>
    %mul3A_2566 = arith.mulf %mul3A_2565, %get3A_2505 : vector<50x64xf32>
    %mul3A_2567 = vector.broadcast %exp3A_2560 : vector<50x1xf32> to vector<50x64xf32>
    %mul3A_2568 = arith.mulf %mul3A_2567, %get3A_2510 : vector<50x64xf32>
    %add3A_2569 = arith.addf %mul3A_2566, %mul3A_2568 : vector<50x64xf32>
    %mul3A_2570 = vector.broadcast %exp3A_2562 : vector<50x1xf32> to vector<50x64xf32>
    %mul3A_2571 = arith.mulf %mul3A_2570, %get3A_2515 : vector<50x64xf32>
    %add3A_2572 = arith.addf %add3A_2569, %mul3A_2571 : vector<50x64xf32>
    %div3A_2573 = vector.broadcast %add3A_2564 : vector<50x1xf32> to vector<50x64xf32>
    %div3A_2574 = arith.divf %add3A_2572, %div3A_2573 : vector<50x64xf32>
    %mul3A_2575 = arith.constant 5.000000e-01 : f32
    %mul3A_2576 = vector.broadcast %mul3A_2575 : f32 to vector<50x64xf32>
    %mul3A_2577 = arith.mulf %mul3A_2576, %div3A_2468 : vector<50x64xf32>
    %mul3A_2578 = arith.constant 5.000000e-01 : f32
    %mul3A_2579 = vector.broadcast %mul3A_2578 : f32 to vector<50x64xf32>
    %mul3A_2580 = arith.mulf %mul3A_2579, %div3A_2574 : vector<50x64xf32>
    %add3A_2581 = arith.addf %mul3A_2577, %mul3A_2580 : vector<50x64xf32>
    %get3A_2582 = arith.constant 9 : index
    %get3A_2583 = arith.constant 0 : index
    %get3A_2584 = arith.constant 0 : index
    %get3A_2585 = vector.load %arg6[%get3A_2582, %get3A_2583, %get3A_2584] : memref<16x50x50xf32, #tpu.memory_space<vmem>>, vector<1x50x50xf32>
    %get3A_2586 = vector.shape_cast %get3A_2585 : vector<1x50x50xf32> to vector<50x50xf32>
    %get3A_2587 = arith.constant 0 : index
    %get3A_2588 = arith.constant 0 : index
    %get3A_2589 = vector.load %arg12[%get3A_2587, %get3A_2588] : memref<1x64xf32, #tpu.memory_space<vmem>>, vector<1x64xf32>
    %mul3A_2590 = arith.mulf %div3A_2497, %get3A_2589 : vector<1x64xf32>
    %dot_general3A_2591 = arith.constant dense<0.000000e+00> : vector<1x50xf32>
    %dot_general3A_2592 = tpu.matmul %mul3A_2590, %div3A_2468, %dot_general3A_2591 {dimension_numbers = #tpu.dot_dimension_numbers<[1], [1], [0], [0], [0, 0, 1, 0], [], []>, transpose_lhs_hint = false} : vector<1x64xf32>, vector<50x64xf32>, vector<1x50xf32> -> vector<1x50xf32>
    %get3A_2593 = arith.constant 0 : index
    %get3A_2594 = arith.constant 0 : index
    %get3A_2595 = vector.load %arg13[%get3A_2593, %get3A_2594] : memref<1x64xf32, #tpu.memory_space<vmem>>, vector<1x64xf32>
    %mul3A_2596 = arith.mulf %div3A_2497, %get3A_2595 : vector<1x64xf32>
    %dot_general3A_2597 = arith.constant dense<0.000000e+00> : vector<1x50xf32>
    %dot_general3A_2598 = tpu.matmul %mul3A_2596, %div3A_2468, %dot_general3A_2597 {dimension_numbers = #tpu.dot_dimension_numbers<[1], [1], [0], [0], [0, 0, 1, 0], [], []>, transpose_lhs_hint = false} : vector<1x64xf32>, vector<50x64xf32>, vector<1x50xf32> -> vector<1x50xf32>
    %get3A_2599 = arith.constant 0 : index
    %get3A_2600 = arith.constant 0 : index
    %get3A_2601 = vector.load %arg10[%get3A_2599, %get3A_2600] : memref<1x64xf32, #tpu.memory_space<vmem>>, vector<1x64xf32>
    %mul3A_2602 = vector.broadcast %get3A_2601 : vector<1x64xf32> to vector<50x64xf32>
    %mul3A_2603 = arith.mulf %div3A_2468, %mul3A_2602 : vector<50x64xf32>
    %dot_general3A_2604 = arith.constant dense<0.000000e+00> : vector<50x50xf32>
    %dot_general3A_2605 = tpu.matmul %mul3A_2603, %div3A_2468, %dot_general3A_2604 {dimension_numbers = #tpu.dot_dimension_numbers<[1], [1], [0], [0], [0, 0, 1, 0], [], []>, transpose_lhs_hint = false} : vector<50x64xf32>, vector<50x64xf32>, vector<50x50xf32> -> vector<50x50xf32>
    %add3A_2606 = vector.broadcast %dot_general3A_2592 : vector<1x50xf32> to vector<50x50xf32>
    %add3A_2607 = arith.addf %dot_general3A_2605, %add3A_2606 : vector<50x50xf32>
    %ge3A_2608 = arith.constant 0.000000e+00 : f32
    %ge3A_2609 = vector.broadcast %ge3A_2608 : f32 to vector<50x50xf32>
    %ge3A_2610 = arith.cmpf oge, %add3A_2607, %ge3A_2609 : vector<50x50xf32>
    %mul3A_2611 = arith.constant 2.000000e-01 : f32
    %mul3A_2612 = vector.broadcast %mul3A_2611 : f32 to vector<50x50xf32>
    %mul3A_2613 = arith.mulf %mul3A_2612, %add3A_2607 : vector<50x50xf32>
    %select_n3A_2614 = arith.select %ge3A_2610, %add3A_2607, %mul3A_2613 : vector<50x50xi1>, vector<50x50xf32>
    %get3A_2615 = arith.constant 0 : index
    %get3A_2616 = arith.constant 0 : index
    %get3A_2617 = vector.load %arg11[%get3A_2615, %get3A_2616] : memref<1x64xf32, #tpu.memory_space<vmem>>, vector<1x64xf32>
    %mul3A_2618 = vector.broadcast %get3A_2617 : vector<1x64xf32> to vector<50x64xf32>
    %mul3A_2619 = arith.mulf %div3A_2468, %mul3A_2618 : vector<50x64xf32>
    %dot_general3A_2620 = arith.constant dense<0.000000e+00> : vector<50x50xf32>
    %dot_general3A_2621 = tpu.matmul %mul3A_2619, %div3A_2468, %dot_general3A_2620 {dimension_numbers = #tpu.dot_dimension_numbers<[1], [1], [0], [0], [0, 0, 1, 0], [], []>, transpose_lhs_hint = false} : vector<50x64xf32>, vector<50x64xf32>, vector<50x50xf32> -> vector<50x50xf32>
    %add3A_2622 = vector.broadcast %dot_general3A_2598 : vector<1x50xf32> to vector<50x50xf32>
    %add3A_2623 = arith.addf %dot_general3A_2621, %add3A_2622 : vector<50x50xf32>
    %ge3A_2624 = arith.constant 0.000000e+00 : f32
    %ge3A_2625 = vector.broadcast %ge3A_2624 : f32 to vector<50x50xf32>
    %ge3A_2626 = arith.cmpf oge, %add3A_2623, %ge3A_2625 : vector<50x50xf32>
    %mul3A_2627 = arith.constant 2.000000e-01 : f32
    %mul3A_2628 = vector.broadcast %mul3A_2627 : f32 to vector<50x50xf32>
    %mul3A_2629 = arith.mulf %mul3A_2628, %add3A_2623 : vector<50x50xf32>
    %select_n3A_2630 = arith.select %ge3A_2626, %add3A_2623, %mul3A_2629 : vector<50x50xi1>, vector<50x50xf32>
    %eq3A_2631 = arith.constant 1.000000e+00 : f32
    %eq3A_2632 = vector.broadcast %eq3A_2631 : f32 to vector<50x50xf32>
    %eq3A_2633 = arith.cmpf oeq, %get3A_2586, %eq3A_2632 : vector<50x50xf32>
    %eq3A_2634 = arith.constant 2.000000e+00 : f32
    %eq3A_2635 = vector.broadcast %eq3A_2634 : f32 to vector<50x50xf32>
    %eq3A_2636 = arith.cmpf oeq, %get3A_2586, %eq3A_2635 : vector<50x50xf32>
    %jit3A_2637 = arith.constant -9.000000e+15 : f32
    %broadcast_in_dim3A_2638 = vector.broadcast %jit3A_2637 : f32 to vector<50x50xf32>
    %select_n3A_2639 = arith.select %eq3A_2636, %select_n3A_2630, %broadcast_in_dim3A_2638 : vector<50x50xi1>, vector<50x50xf32>
    %select_n3A_2640 = arith.select %eq3A_2633, %select_n3A_2614, %select_n3A_2639 : vector<50x50xi1>, vector<50x50xf32>
    %reduce_max3A_2641 = arith.constant dense<0xFF800000> : vector<50xf32>
    %reduce_max3A_2642 = vector.multi_reduction <maximumf>, %select_n3A_2640, %reduce_max3A_2641 [1] : vector<50x50xf32> to vector<50xf32>
    %broadcast_in_dim3A_2643 = vector.shape_cast %reduce_max3A_2642 : vector<50xf32> to vector<50x1xf32>
    %sub3A_2644 = vector.broadcast %broadcast_in_dim3A_2643 : vector<50x1xf32> to vector<50x50xf32>
    %sub3A_2645 = arith.subf %select_n3A_2640, %sub3A_2644 : vector<50x50xf32>
    %exp3A_2646 = math.exp %sub3A_2645 : vector<50x50xf32>
    %reduce_sum3A_2647 = arith.constant dense<0.000000e+00> : vector<50xf32>
    %reduce_sum3A_2648 = vector.multi_reduction <add>, %exp3A_2646, %reduce_sum3A_2647 [1] : vector<50x50xf32> to vector<50xf32>
    %broadcast_in_dim3A_2649 = vector.shape_cast %reduce_sum3A_2648 : vector<50xf32> to vector<50x1xf32>
    %div3A_2650 = vector.broadcast %broadcast_in_dim3A_2649 : vector<50x1xf32> to vector<50x50xf32>
    %div3A_2651 = arith.divf %exp3A_2646, %div3A_2650 : vector<50x50xf32>
    %dot_general3A_2652 = arith.constant dense<0.000000e+00> : vector<50x64xf32>
    %dot_general3A_2653 = tpu.matmul %div3A_2651, %div3A_2468, %dot_general3A_2652 {dimension_numbers = #tpu.dot_dimension_numbers<[1], [0], [0], [1], [0, 0, 1, 1], [], []>, transpose_lhs_hint = false} : vector<50x50xf32>, vector<50x64xf32>, vector<50x64xf32> -> vector<50x64xf32>
    %add3A_2654 = arith.addf %dot_general3A_2653, %add3A_2581 : vector<50x64xf32>
    %mul3A_2655 = arith.mulf %dot_general3A_2653, %add3A_2581 : vector<50x64xf32>
    %add3A_2656 = arith.addf %add3A_2654, %mul3A_2655 : vector<50x64xf32>
    %get3A_2657 = arith.constant 9 : index
    %get3A_2658 = arith.constant 0 : index
    %get3A_2659 = arith.constant 0 : index
    %get3A_2660 = vector.load %arg7[%get3A_2657, %get3A_2658, %get3A_2659] : memref<16x50x50xf32, #tpu.memory_space<vmem>>, vector<1x50x50xf32>
    %get3A_2661 = vector.shape_cast %get3A_2660 : vector<1x50x50xf32> to vector<50x50xf32>
    %dot_general3A_2662 = arith.constant dense<0.000000e+00> : vector<50x64xf32>
    %dot_general3A_2663 = tpu.matmul %get3A_2661, %add3A_2656, %dot_general3A_2662 {dimension_numbers = #tpu.dot_dimension_numbers<[1], [0], [0], [1], [0, 0, 1, 1], [], []>, transpose_lhs_hint = false} : vector<50x50xf32>, vector<50x64xf32>, vector<50x64xf32> -> vector<50x64xf32>
    %get3A_2664 = arith.constant 0 : index
    %get3A_2665 = arith.constant 0 : index
    %get3A_2666 = vector.load %arg19[%get3A_2664, %get3A_2665] : memref<51x64xf32, #tpu.memory_space<vmem>>, vector<50x64xf32>
    %add3A_2667 = arith.addf %dot_general3A_2663, %get3A_2666 : vector<50x64xf32>
    %mul3A_2668 = vector.broadcast %get3A_2485 : vector<50x1xf32> to vector<50x64xf32>
    %mul3A_2669 = arith.mulf %add3A_2667, %mul3A_2668 : vector<50x64xf32>
    %reduce_sum3A_2670 = arith.constant dense<0.000000e+00> : vector<64xf32>
    %reduce_sum3A_2671 = vector.multi_reduction <add>, %mul3A_2669, %reduce_sum3A_2670 [0] : vector<50x64xf32> to vector<64xf32>
    %broadcast_in_dim3A_2672 = vector.shape_cast %reduce_sum3A_2671 : vector<64xf32> to vector<1x64xf32>
    %div3A_2673 = vector.broadcast %reduce_sum3A_2490 : f32 to vector<1x64xf32>
    %div3A_2674 = arith.divf %broadcast_in_dim3A_2672, %div3A_2673 : vector<1x64xf32>
    %get3A_2675 = arith.constant 0 : index
    %get3A_2676 = arith.constant 0 : index
    %get3A_2677 = vector.load %arg14[%get3A_2675, %get3A_2676] : memref<64x64xf32, #tpu.memory_space<vmem>>, vector<64x64xf32>
    %dot_general3A_2678 = arith.constant dense<0.000000e+00> : vector<50x64xf32>
    %dot_general3A_2679 = tpu.matmul %add3A_2667, %get3A_2677, %dot_general3A_2678 {dimension_numbers = #tpu.dot_dimension_numbers<[1], [1], [0], [0], [0, 0, 1, 0], [], []>, transpose_lhs_hint = false} : vector<50x64xf32>, vector<64x64xf32>, vector<50x64xf32> -> vector<50x64xf32>
    %get3A_2680 = arith.constant 0 : index
    %get3A_2681 = arith.constant 0 : index
    %get3A_2682 = vector.load %arg15[%get3A_2680, %get3A_2681] : memref<1x64xf32, #tpu.memory_space<vmem>>, vector<1x64xf32>
    %add3A_2683 = vector.broadcast %get3A_2682 : vector<1x64xf32> to vector<50x64xf32>
    %add3A_2684 = arith.addf %dot_general3A_2679, %add3A_2683 : vector<50x64xf32>
    %get3A_2685 = arith.constant 0 : index
    %get3A_2686 = arith.constant 0 : index
    %get3A_2687 = vector.load %arg16[%get3A_2685, %get3A_2686] : memref<64x64xf32, #tpu.memory_space<vmem>>, vector<64x64xf32>
    %dot_general3A_2688 = arith.constant dense<0.000000e+00> : vector<1x64xf32>
    %dot_general3A_2689 = tpu.matmul %div3A_2674, %get3A_2687, %dot_general3A_2688 {dimension_numbers = #tpu.dot_dimension_numbers<[1], [1], [0], [0], [0, 0, 1, 0], [], []>, transpose_lhs_hint = false} : vector<1x64xf32>, vector<64x64xf32>, vector<1x64xf32> -> vector<1x64xf32>
    %get3A_2690 = arith.constant 0 : index
    %get3A_2691 = arith.constant 0 : index
    %get3A_2692 = vector.load %arg17[%get3A_2690, %get3A_2691] : memref<1x64xf32, #tpu.memory_space<vmem>>, vector<1x64xf32>
    %add3A_2693 = arith.addf %dot_general3A_2689, %get3A_2692 : vector<1x64xf32>
    %add3A_2694 = vector.broadcast %add3A_2693 : vector<1x64xf32> to vector<50x64xf32>
    %add3A_2695 = arith.addf %add3A_2684, %add3A_2694 : vector<50x64xf32>
    %logistic3A_2696 = arith.negf %add3A_2695 : vector<50x64xf32>
    %logistic3A_2697 = math.exp %logistic3A_2696 : vector<50x64xf32>
    %logistic3A_2698 = arith.constant 1.000000e+00 : f32
    %logistic3A_2699 = vector.broadcast %logistic3A_2698 : f32 to vector<50x64xf32>
    %logistic3A_2700 = arith.addf %logistic3A_2699, %logistic3A_2697 : vector<50x64xf32>
    %logistic3A_2701 = arith.divf %logistic3A_2699, %logistic3A_2700 : vector<50x64xf32>
    %get3A_2702 = arith.constant 0 : index
    %get3A_2703 = arith.constant 0 : index
    %get3A_2704 = vector.load %arg18[%get3A_2702, %get3A_2703] : memref<1x64xf32, #tpu.memory_space<vmem>>, vector<1x64xf32>
    %dot_general3A_2705 = arith.constant dense<0.000000e+00> : vector<50x1xf32>
    %dot_general3A_2706 = tpu.matmul %logistic3A_2701, %get3A_2704, %dot_general3A_2705 {dimension_numbers = #tpu.dot_dimension_numbers<[1], [1], [0], [0], [0, 0, 1, 0], [], []>, transpose_lhs_hint = false} : vector<50x64xf32>, vector<1x64xf32>, vector<50x1xf32> -> vector<50x1xf32>
    %mul3A_2707 = vector.broadcast %dot_general3A_2706 : vector<50x1xf32> to vector<50x64xf32>
    %mul3A_2708 = arith.mulf %mul3A_2707, %dot_general3A_2663 : vector<50x64xf32>
    %mul3A_2709 = vector.broadcast %get3A_2485 : vector<50x1xf32> to vector<50x64xf32>
    %mul3A_2710 = arith.mulf %mul3A_2708, %mul3A_2709 : vector<50x64xf32>
    %reduce_sum3A_2711 = arith.constant dense<0.000000e+00> : vector<64xf32>
    %reduce_sum3A_2712 = vector.multi_reduction <add>, %mul3A_2710, %reduce_sum3A_2711 [0] : vector<50x64xf32> to vector<64xf32>
    %broadcast_in_dim3A_2713 = vector.shape_cast %reduce_sum3A_2712 : vector<64xf32> to vector<1x64xf32>
    %get3A_2714 = arith.constant 50 : index
    %get3A_2715 = arith.constant 0 : index
    %get3A_2716 = vector.load %arg19[%get3A_2714, %get3A_2715] : memref<51x64xf32, #tpu.memory_space<vmem>>, vector<1x64xf32>
    %mul3A_2717 = vector.broadcast %get3A_2485 : vector<50x1xf32> to vector<50x64xf32>
    %mul3A_2718 = arith.mulf %get3A_2666, %mul3A_2717 : vector<50x64xf32>
    %reduce_sum3A_2719 = arith.constant dense<0.000000e+00> : vector<64xf32>
    %reduce_sum3A_2720 = vector.multi_reduction <add>, %mul3A_2718, %reduce_sum3A_2719 [0] : vector<50x64xf32> to vector<64xf32>
    %broadcast_in_dim3A_2721 = vector.shape_cast %reduce_sum3A_2720 : vector<64xf32> to vector<1x64xf32>
    %div3A_2722 = vector.broadcast %reduce_sum3A_2490 : f32 to vector<1x64xf32>
    %div3A_2723 = arith.divf %broadcast_in_dim3A_2721, %div3A_2722 : vector<1x64xf32>
    %mul3A_2724 = arith.mulf %get3A_2716, %div3A_2723 : vector<1x64xf32>
    %add3A_2725 = arith.addf %broadcast_in_dim3A_2713, %mul3A_2724 : vector<1x64xf32>
    %swap3A_2726 = arith.constant 9 : index
    %swap3A_2727 = arith.constant 0 : index
    %swap3A_2728 = arith.constant 0 : index
    %swap3A_2729 = vector.load %arg20[%swap3A_2726, %swap3A_2727, %swap3A_2728] : memref<16x1x64xf32, #tpu.memory_space<vmem>>, vector<1x1x64xf32>
    %swap3A_2730 = vector.shape_cast %swap3A_2729 : vector<1x1x64xf32> to vector<1x64xf32>
    %swap3A_2731 = vector.shape_cast %add3A_2725 : vector<1x64xf32> to vector<1x1x64xf32>
    tpu.vector_store %arg20[%swap3A_2726, %swap3A_2727, %swap3A_2728], %swap3A_2731 {strides = array<i32>} : memref<16x1x64xf32, #tpu.memory_space<vmem>>, vector<1x1x64xf32>,
    %get3A_2732 = arith.constant 10 : index
    %get3A_2733 = arith.constant 0 : index
    %get3A_2734 = arith.constant 0 : index
    %get3A_2735 = vector.load %arg1[%get3A_2732, %get3A_2733, %get3A_2734] : memref<16x50x64xf32, #tpu.memory_space<vmem>>, vector<1x50x64xf32>
    %get3A_2736 = vector.shape_cast %get3A_2735 : vector<1x50x64xf32> to vector<50x64xf32>
    %mul3A_2737 = arith.mulf %get3A_2736, %get3A_2736 : vector<50x64xf32>
    %reduce_sum3A_2738 = arith.constant dense<0.000000e+00> : vector<50xf32>
    %reduce_sum3A_2739 = vector.multi_reduction <add>, %mul3A_2737, %reduce_sum3A_2738 [1] : vector<50x64xf32> to vector<50xf32>
    %broadcast_in_dim3A_2740 = vector.shape_cast %reduce_sum3A_2739 : vector<50xf32> to vector<50x1xf32>
    %sqrt3A_2741 = math.sqrt %broadcast_in_dim3A_2740 : vector<50x1xf32>
    %div3A_2742 = vector.broadcast %sqrt3A_2741 : vector<50x1xf32> to vector<50x64xf32>
    %div3A_2743 = arith.divf %get3A_2736, %div3A_2742 : vector<50x64xf32>
    %get3A_2744 = arith.constant 10 : index
    %get3A_2745 = arith.constant 0 : index
    %get3A_2746 = arith.constant 0 : index
    %get3A_2747 = vector.load %arg2[%get3A_2744, %get3A_2745, %get3A_2746] : memref<16x50x64xf32, #tpu.memory_space<vmem>>, vector<1x50x64xf32>
    %get3A_2748 = vector.shape_cast %get3A_2747 : vector<1x50x64xf32> to vector<50x64xf32>
    %mul3A_2749 = arith.mulf %get3A_2748, %get3A_2748 : vector<50x64xf32>
    %reduce_sum3A_2750 = arith.constant dense<0.000000e+00> : vector<50xf32>
    %reduce_sum3A_2751 = vector.multi_reduction <add>, %mul3A_2749, %reduce_sum3A_2750 [1] : vector<50x64xf32> to vector<50xf32>
    %broadcast_in_dim3A_2752 = vector.shape_cast %reduce_sum3A_2751 : vector<50xf32> to vector<50x1xf32>
    %sqrt3A_2753 = math.sqrt %broadcast_in_dim3A_2752 : vector<50x1xf32>
    %div3A_2754 = vector.broadcast %sqrt3A_2753 : vector<50x1xf32> to vector<50x64xf32>
    %div3A_2755 = arith.divf %get3A_2748, %div3A_2754 : vector<50x64xf32>
    %get3A_2756 = arith.constant 10 : index
    %get3A_2757 = arith.constant 0 : index
    %get3A_2758 = arith.constant 0 : index
    %get3A_2759 = vector.load %arg8[%get3A_2756, %get3A_2757, %get3A_2758] : memref<16x50x1xf32, #tpu.memory_space<vmem>>, vector<1x50x1xf32>
    %get3A_2760 = vector.shape_cast %get3A_2759 : vector<1x50x1xf32> to vector<50x1xf32>
    %reduce_sum3A_2761 = vector.shape_cast %get3A_2760 : vector<50x1xf32> to vector<1x50x1xf32>
    %reduce_sum3A_2762 = arith.constant dense<0.000000e+00> : vector<1xf32>
    %reduce_sum3A_2763 = vector.multi_reduction <add>, %reduce_sum3A_2761, %reduce_sum3A_2762 [1, 2] : vector<1x50x1xf32> to vector<1xf32>
    %reduce_sum3A_2764 = vector.shape_cast %reduce_sum3A_2763 : vector<1xf32> to vector<1x1x1xf32>
    %reduce_sum3A_2765 = vector.extract %reduce_sum3A_2764[0, 0, 0] : f32 from vector<1x1x1xf32>
    %mul3A_2766 = vector.broadcast %get3A_2760 : vector<50x1xf32> to vector<50x64xf32>
    %mul3A_2767 = arith.mulf %div3A_2755, %mul3A_2766 : vector<50x64xf32>
    %reduce_sum3A_2768 = arith.constant dense<0.000000e+00> : vector<64xf32>
    %reduce_sum3A_2769 = vector.multi_reduction <add>, %mul3A_2767, %reduce_sum3A_2768 [0] : vector<50x64xf32> to vector<64xf32>
    %broadcast_in_dim3A_2770 = vector.shape_cast %reduce_sum3A_2769 : vector<64xf32> to vector<1x64xf32>
    %div3A_2771 = vector.broadcast %reduce_sum3A_2765 : f32 to vector<1x64xf32>
    %div3A_2772 = arith.divf %broadcast_in_dim3A_2770, %div3A_2771 : vector<1x64xf32>
    %get3A_2773 = arith.constant 0 : index
    %get3A_2774 = arith.constant 0 : index
    %get3A_2775 = vector.load %arg9[%get3A_2773, %get3A_2774] : memref<1x64xf32, #tpu.memory_space<vmem>>, vector<1x64xf32>
    %get3A_2776 = arith.constant 10 : index
    %get3A_2777 = arith.constant 0 : index
    %get3A_2778 = arith.constant 0 : index
    %get3A_2779 = vector.load %arg3[%get3A_2776, %get3A_2777, %get3A_2778] : memref<16x50x64xf32, #tpu.memory_space<vmem>>, vector<1x50x64xf32>
    %get3A_2780 = vector.shape_cast %get3A_2779 : vector<1x50x64xf32> to vector<50x64xf32>
    %get3A_2781 = arith.constant 10 : index
    %get3A_2782 = arith.constant 0 : index
    %get3A_2783 = arith.constant 0 : index
    %get3A_2784 = vector.load %arg4[%get3A_2781, %get3A_2782, %get3A_2783] : memref<16x50x64xf32, #tpu.memory_space<vmem>>, vector<1x50x64xf32>
    %get3A_2785 = vector.shape_cast %get3A_2784 : vector<1x50x64xf32> to vector<50x64xf32>
    %get3A_2786 = arith.constant 10 : index
    %get3A_2787 = arith.constant 0 : index
    %get3A_2788 = arith.constant 0 : index
    %get3A_2789 = vector.load %arg5[%get3A_2786, %get3A_2787, %get3A_2788] : memref<16x50x64xf32, #tpu.memory_space<vmem>>, vector<1x50x64xf32>
    %get3A_2790 = vector.shape_cast %get3A_2789 : vector<1x50x64xf32> to vector<50x64xf32>
    %mul3A_2791 = arith.mulf %div3A_2743, %get3A_2780 : vector<50x64xf32>
    %mul3A_2792 = vector.broadcast %get3A_2775 : vector<1x64xf32> to vector<50x64xf32>
    %mul3A_2793 = arith.mulf %mul3A_2791, %mul3A_2792 : vector<50x64xf32>
    %reduce_sum3A_2794 = arith.constant dense<0.000000e+00> : vector<50xf32>
    %reduce_sum3A_2795 = vector.multi_reduction <add>, %mul3A_2793, %reduce_sum3A_2794 [1] : vector<50x64xf32> to vector<50xf32>
    %broadcast_in_dim3A_2796 = vector.shape_cast %reduce_sum3A_2795 : vector<50xf32> to vector<50x1xf32>
    %ge3A_2797 = arith.constant 0.000000e+00 : f32
    %ge3A_2798 = vector.broadcast %ge3A_2797 : f32 to vector<50x1xf32>
    %ge3A_2799 = arith.cmpf oge, %broadcast_in_dim3A_2796, %ge3A_2798 : vector<50x1xf32>
    %mul3A_2800 = arith.constant 2.000000e-01 : f32
    %mul3A_2801 = vector.broadcast %mul3A_2800 : f32 to vector<50x1xf32>
    %mul3A_2802 = arith.mulf %mul3A_2801, %broadcast_in_dim3A_2796 : vector<50x1xf32>
    %select_n3A_2803 = arith.select %ge3A_2799, %broadcast_in_dim3A_2796, %mul3A_2802 : vector<50x1xi1>, vector<50x1xf32>
    %mul3A_2804 = arith.mulf %div3A_2743, %get3A_2785 : vector<50x64xf32>
    %mul3A_2805 = vector.broadcast %get3A_2775 : vector<1x64xf32> to vector<50x64xf32>
    %mul3A_2806 = arith.mulf %mul3A_2804, %mul3A_2805 : vector<50x64xf32>
    %reduce_sum3A_2807 = arith.constant dense<0.000000e+00> : vector<50xf32>
    %reduce_sum3A_2808 = vector.multi_reduction <add>, %mul3A_2806, %reduce_sum3A_2807 [1] : vector<50x64xf32> to vector<50xf32>
    %broadcast_in_dim3A_2809 = vector.shape_cast %reduce_sum3A_2808 : vector<50xf32> to vector<50x1xf32>
    %ge3A_2810 = arith.constant 0.000000e+00 : f32
    %ge3A_2811 = vector.broadcast %ge3A_2810 : f32 to vector<50x1xf32>
    %ge3A_2812 = arith.cmpf oge, %broadcast_in_dim3A_2809, %ge3A_2811 : vector<50x1xf32>
    %mul3A_2813 = arith.constant 2.000000e-01 : f32
    %mul3A_2814 = vector.broadcast %mul3A_2813 : f32 to vector<50x1xf32>
    %mul3A_2815 = arith.mulf %mul3A_2814, %broadcast_in_dim3A_2809 : vector<50x1xf32>
    %select_n3A_2816 = arith.select %ge3A_2812, %broadcast_in_dim3A_2809, %mul3A_2815 : vector<50x1xi1>, vector<50x1xf32>
    %mul3A_2817 = arith.mulf %div3A_2743, %get3A_2790 : vector<50x64xf32>
    %mul3A_2818 = vector.broadcast %get3A_2775 : vector<1x64xf32> to vector<50x64xf32>
    %mul3A_2819 = arith.mulf %mul3A_2817, %mul3A_2818 : vector<50x64xf32>
    %reduce_sum3A_2820 = arith.constant dense<0.000000e+00> : vector<50xf32>
    %reduce_sum3A_2821 = vector.multi_reduction <add>, %mul3A_2819, %reduce_sum3A_2820 [1] : vector<50x64xf32> to vector<50xf32>
    %broadcast_in_dim3A_2822 = vector.shape_cast %reduce_sum3A_2821 : vector<50xf32> to vector<50x1xf32>
    %ge3A_2823 = arith.constant 0.000000e+00 : f32
    %ge3A_2824 = vector.broadcast %ge3A_2823 : f32 to vector<50x1xf32>
    %ge3A_2825 = arith.cmpf oge, %broadcast_in_dim3A_2822, %ge3A_2824 : vector<50x1xf32>
    %mul3A_2826 = arith.constant 2.000000e-01 : f32
    %mul3A_2827 = vector.broadcast %mul3A_2826 : f32 to vector<50x1xf32>
    %mul3A_2828 = arith.mulf %mul3A_2827, %broadcast_in_dim3A_2822 : vector<50x1xf32>
    %select_n3A_2829 = arith.select %ge3A_2825, %broadcast_in_dim3A_2822, %mul3A_2828 : vector<50x1xi1>, vector<50x1xf32>
    %max3A_2830 = arith.maximumf %select_n3A_2816, %select_n3A_2829 : vector<50x1xf32>
    %max3A_2831 = arith.maximumf %select_n3A_2803, %max3A_2830 : vector<50x1xf32>
    %sub3A_2832 = arith.subf %select_n3A_2803, %max3A_2831 : vector<50x1xf32>
    %exp3A_2833 = math.exp %sub3A_2832 : vector<50x1xf32>
    %sub3A_2834 = arith.subf %select_n3A_2816, %max3A_2831 : vector<50x1xf32>
    %exp3A_2835 = math.exp %sub3A_2834 : vector<50x1xf32>
    %sub3A_2836 = arith.subf %select_n3A_2829, %max3A_2831 : vector<50x1xf32>
    %exp3A_2837 = math.exp %sub3A_2836 : vector<50x1xf32>
    %add3A_2838 = arith.addf %exp3A_2833, %exp3A_2835 : vector<50x1xf32>
    %add3A_2839 = arith.addf %add3A_2838, %exp3A_2837 : vector<50x1xf32>
    %mul3A_2840 = vector.broadcast %exp3A_2833 : vector<50x1xf32> to vector<50x64xf32>
    %mul3A_2841 = arith.mulf %mul3A_2840, %get3A_2780 : vector<50x64xf32>
    %mul3A_2842 = vector.broadcast %exp3A_2835 : vector<50x1xf32> to vector<50x64xf32>
    %mul3A_2843 = arith.mulf %mul3A_2842, %get3A_2785 : vector<50x64xf32>
    %add3A_2844 = arith.addf %mul3A_2841, %mul3A_2843 : vector<50x64xf32>
    %mul3A_2845 = vector.broadcast %exp3A_2837 : vector<50x1xf32> to vector<50x64xf32>
    %mul3A_2846 = arith.mulf %mul3A_2845, %get3A_2790 : vector<50x64xf32>
    %add3A_2847 = arith.addf %add3A_2844, %mul3A_2846 : vector<50x64xf32>
    %div3A_2848 = vector.broadcast %add3A_2839 : vector<50x1xf32> to vector<50x64xf32>
    %div3A_2849 = arith.divf %add3A_2847, %div3A_2848 : vector<50x64xf32>
    %mul3A_2850 = arith.constant 5.000000e-01 : f32
    %mul3A_2851 = vector.broadcast %mul3A_2850 : f32 to vector<50x64xf32>
    %mul3A_2852 = arith.mulf %mul3A_2851, %div3A_2743 : vector<50x64xf32>
    %mul3A_2853 = arith.constant 5.000000e-01 : f32
    %mul3A_2854 = vector.broadcast %mul3A_2853 : f32 to vector<50x64xf32>
    %mul3A_2855 = arith.mulf %mul3A_2854, %div3A_2849 : vector<50x64xf32>
    %add3A_2856 = arith.addf %mul3A_2852, %mul3A_2855 : vector<50x64xf32>
    %get3A_2857 = arith.constant 10 : index
    %get3A_2858 = arith.constant 0 : index
    %get3A_2859 = arith.constant 0 : index
    %get3A_2860 = vector.load %arg6[%get3A_2857, %get3A_2858, %get3A_2859] : memref<16x50x50xf32, #tpu.memory_space<vmem>>, vector<1x50x50xf32>
    %get3A_2861 = vector.shape_cast %get3A_2860 : vector<1x50x50xf32> to vector<50x50xf32>
    %get3A_2862 = arith.constant 0 : index
    %get3A_2863 = arith.constant 0 : index
    %get3A_2864 = vector.load %arg12[%get3A_2862, %get3A_2863] : memref<1x64xf32, #tpu.memory_space<vmem>>, vector<1x64xf32>
    %mul3A_2865 = arith.mulf %div3A_2772, %get3A_2864 : vector<1x64xf32>
    %dot_general3A_2866 = arith.constant dense<0.000000e+00> : vector<1x50xf32>
    %dot_general3A_2867 = tpu.matmul %mul3A_2865, %div3A_2743, %dot_general3A_2866 {dimension_numbers = #tpu.dot_dimension_numbers<[1], [1], [0], [0], [0, 0, 1, 0], [], []>, transpose_lhs_hint = false} : vector<1x64xf32>, vector<50x64xf32>, vector<1x50xf32> -> vector<1x50xf32>
    %get3A_2868 = arith.constant 0 : index
    %get3A_2869 = arith.constant 0 : index
    %get3A_2870 = vector.load %arg13[%get3A_2868, %get3A_2869] : memref<1x64xf32, #tpu.memory_space<vmem>>, vector<1x64xf32>
    %mul3A_2871 = arith.mulf %div3A_2772, %get3A_2870 : vector<1x64xf32>
    %dot_general3A_2872 = arith.constant dense<0.000000e+00> : vector<1x50xf32>
    %dot_general3A_2873 = tpu.matmul %mul3A_2871, %div3A_2743, %dot_general3A_2872 {dimension_numbers = #tpu.dot_dimension_numbers<[1], [1], [0], [0], [0, 0, 1, 0], [], []>, transpose_lhs_hint = false} : vector<1x64xf32>, vector<50x64xf32>, vector<1x50xf32> -> vector<1x50xf32>
    %get3A_2874 = arith.constant 0 : index
    %get3A_2875 = arith.constant 0 : index
    %get3A_2876 = vector.load %arg10[%get3A_2874, %get3A_2875] : memref<1x64xf32, #tpu.memory_space<vmem>>, vector<1x64xf32>
    %mul3A_2877 = vector.broadcast %get3A_2876 : vector<1x64xf32> to vector<50x64xf32>
    %mul3A_2878 = arith.mulf %div3A_2743, %mul3A_2877 : vector<50x64xf32>
    %dot_general3A_2879 = arith.constant dense<0.000000e+00> : vector<50x50xf32>
    %dot_general3A_2880 = tpu.matmul %mul3A_2878, %div3A_2743, %dot_general3A_2879 {dimension_numbers = #tpu.dot_dimension_numbers<[1], [1], [0], [0], [0, 0, 1, 0], [], []>, transpose_lhs_hint = false} : vector<50x64xf32>, vector<50x64xf32>, vector<50x50xf32> -> vector<50x50xf32>
    %add3A_2881 = vector.broadcast %dot_general3A_2867 : vector<1x50xf32> to vector<50x50xf32>
    %add3A_2882 = arith.addf %dot_general3A_2880, %add3A_2881 : vector<50x50xf32>
    %ge3A_2883 = arith.constant 0.000000e+00 : f32
    %ge3A_2884 = vector.broadcast %ge3A_2883 : f32 to vector<50x50xf32>
    %ge3A_2885 = arith.cmpf oge, %add3A_2882, %ge3A_2884 : vector<50x50xf32>
    %mul3A_2886 = arith.constant 2.000000e-01 : f32
    %mul3A_2887 = vector.broadcast %mul3A_2886 : f32 to vector<50x50xf32>
    %mul3A_2888 = arith.mulf %mul3A_2887, %add3A_2882 : vector<50x50xf32>
    %select_n3A_2889 = arith.select %ge3A_2885, %add3A_2882, %mul3A_2888 : vector<50x50xi1>, vector<50x50xf32>
    %get3A_2890 = arith.constant 0 : index
    %get3A_2891 = arith.constant 0 : index
    %get3A_2892 = vector.load %arg11[%get3A_2890, %get3A_2891] : memref<1x64xf32, #tpu.memory_space<vmem>>, vector<1x64xf32>
    %mul3A_2893 = vector.broadcast %get3A_2892 : vector<1x64xf32> to vector<50x64xf32>
    %mul3A_2894 = arith.mulf %div3A_2743, %mul3A_2893 : vector<50x64xf32>
    %dot_general3A_2895 = arith.constant dense<0.000000e+00> : vector<50x50xf32>
    %dot_general3A_2896 = tpu.matmul %mul3A_2894, %div3A_2743, %dot_general3A_2895 {dimension_numbers = #tpu.dot_dimension_numbers<[1], [1], [0], [0], [0, 0, 1, 0], [], []>, transpose_lhs_hint = false} : vector<50x64xf32>, vector<50x64xf32>, vector<50x50xf32> -> vector<50x50xf32>
    %add3A_2897 = vector.broadcast %dot_general3A_2873 : vector<1x50xf32> to vector<50x50xf32>
    %add3A_2898 = arith.addf %dot_general3A_2896, %add3A_2897 : vector<50x50xf32>
    %ge3A_2899 = arith.constant 0.000000e+00 : f32
    %ge3A_2900 = vector.broadcast %ge3A_2899 : f32 to vector<50x50xf32>
    %ge3A_2901 = arith.cmpf oge, %add3A_2898, %ge3A_2900 : vector<50x50xf32>
    %mul3A_2902 = arith.constant 2.000000e-01 : f32
    %mul3A_2903 = vector.broadcast %mul3A_2902 : f32 to vector<50x50xf32>
    %mul3A_2904 = arith.mulf %mul3A_2903, %add3A_2898 : vector<50x50xf32>
    %select_n3A_2905 = arith.select %ge3A_2901, %add3A_2898, %mul3A_2904 : vector<50x50xi1>, vector<50x50xf32>
    %eq3A_2906 = arith.constant 1.000000e+00 : f32
    %eq3A_2907 = vector.broadcast %eq3A_2906 : f32 to vector<50x50xf32>
    %eq3A_2908 = arith.cmpf oeq, %get3A_2861, %eq3A_2907 : vector<50x50xf32>
    %eq3A_2909 = arith.constant 2.000000e+00 : f32
    %eq3A_2910 = vector.broadcast %eq3A_2909 : f32 to vector<50x50xf32>
    %eq3A_2911 = arith.cmpf oeq, %get3A_2861, %eq3A_2910 : vector<50x50xf32>
    %jit3A_2912 = arith.constant -9.000000e+15 : f32
    %broadcast_in_dim3A_2913 = vector.broadcast %jit3A_2912 : f32 to vector<50x50xf32>
    %select_n3A_2914 = arith.select %eq3A_2911, %select_n3A_2905, %broadcast_in_dim3A_2913 : vector<50x50xi1>, vector<50x50xf32>
    %select_n3A_2915 = arith.select %eq3A_2908, %select_n3A_2889, %select_n3A_2914 : vector<50x50xi1>, vector<50x50xf32>
    %reduce_max3A_2916 = arith.constant dense<0xFF800000> : vector<50xf32>
    %reduce_max3A_2917 = vector.multi_reduction <maximumf>, %select_n3A_2915, %reduce_max3A_2916 [1] : vector<50x50xf32> to vector<50xf32>
    %broadcast_in_dim3A_2918 = vector.shape_cast %reduce_max3A_2917 : vector<50xf32> to vector<50x1xf32>
    %sub3A_2919 = vector.broadcast %broadcast_in_dim3A_2918 : vector<50x1xf32> to vector<50x50xf32>
    %sub3A_2920 = arith.subf %select_n3A_2915, %sub3A_2919 : vector<50x50xf32>
    %exp3A_2921 = math.exp %sub3A_2920 : vector<50x50xf32>
    %reduce_sum3A_2922 = arith.constant dense<0.000000e+00> : vector<50xf32>
    %reduce_sum3A_2923 = vector.multi_reduction <add>, %exp3A_2921, %reduce_sum3A_2922 [1] : vector<50x50xf32> to vector<50xf32>
    %broadcast_in_dim3A_2924 = vector.shape_cast %reduce_sum3A_2923 : vector<50xf32> to vector<50x1xf32>
    %div3A_2925 = vector.broadcast %broadcast_in_dim3A_2924 : vector<50x1xf32> to vector<50x50xf32>
    %div3A_2926 = arith.divf %exp3A_2921, %div3A_2925 : vector<50x50xf32>
    %dot_general3A_2927 = arith.constant dense<0.000000e+00> : vector<50x64xf32>
    %dot_general3A_2928 = tpu.matmul %div3A_2926, %div3A_2743, %dot_general3A_2927 {dimension_numbers = #tpu.dot_dimension_numbers<[1], [0], [0], [1], [0, 0, 1, 1], [], []>, transpose_lhs_hint = false} : vector<50x50xf32>, vector<50x64xf32>, vector<50x64xf32> -> vector<50x64xf32>
    %add3A_2929 = arith.addf %dot_general3A_2928, %add3A_2856 : vector<50x64xf32>
    %mul3A_2930 = arith.mulf %dot_general3A_2928, %add3A_2856 : vector<50x64xf32>
    %add3A_2931 = arith.addf %add3A_2929, %mul3A_2930 : vector<50x64xf32>
    %get3A_2932 = arith.constant 10 : index
    %get3A_2933 = arith.constant 0 : index
    %get3A_2934 = arith.constant 0 : index
    %get3A_2935 = vector.load %arg7[%get3A_2932, %get3A_2933, %get3A_2934] : memref<16x50x50xf32, #tpu.memory_space<vmem>>, vector<1x50x50xf32>
    %get3A_2936 = vector.shape_cast %get3A_2935 : vector<1x50x50xf32> to vector<50x50xf32>
    %dot_general3A_2937 = arith.constant dense<0.000000e+00> : vector<50x64xf32>
    %dot_general3A_2938 = tpu.matmul %get3A_2936, %add3A_2931, %dot_general3A_2937 {dimension_numbers = #tpu.dot_dimension_numbers<[1], [0], [0], [1], [0, 0, 1, 1], [], []>, transpose_lhs_hint = false} : vector<50x50xf32>, vector<50x64xf32>, vector<50x64xf32> -> vector<50x64xf32>
    %get3A_2939 = arith.constant 0 : index
    %get3A_2940 = arith.constant 0 : index
    %get3A_2941 = vector.load %arg19[%get3A_2939, %get3A_2940] : memref<51x64xf32, #tpu.memory_space<vmem>>, vector<50x64xf32>
    %add3A_2942 = arith.addf %dot_general3A_2938, %get3A_2941 : vector<50x64xf32>
    %mul3A_2943 = vector.broadcast %get3A_2760 : vector<50x1xf32> to vector<50x64xf32>
    %mul3A_2944 = arith.mulf %add3A_2942, %mul3A_2943 : vector<50x64xf32>
    %reduce_sum3A_2945 = arith.constant dense<0.000000e+00> : vector<64xf32>
    %reduce_sum3A_2946 = vector.multi_reduction <add>, %mul3A_2944, %reduce_sum3A_2945 [0] : vector<50x64xf32> to vector<64xf32>
    %broadcast_in_dim3A_2947 = vector.shape_cast %reduce_sum3A_2946 : vector<64xf32> to vector<1x64xf32>
    %div3A_2948 = vector.broadcast %reduce_sum3A_2765 : f32 to vector<1x64xf32>
    %div3A_2949 = arith.divf %broadcast_in_dim3A_2947, %div3A_2948 : vector<1x64xf32>
    %get3A_2950 = arith.constant 0 : index
    %get3A_2951 = arith.constant 0 : index
    %get3A_2952 = vector.load %arg14[%get3A_2950, %get3A_2951] : memref<64x64xf32, #tpu.memory_space<vmem>>, vector<64x64xf32>
    %dot_general3A_2953 = arith.constant dense<0.000000e+00> : vector<50x64xf32>
    %dot_general3A_2954 = tpu.matmul %add3A_2942, %get3A_2952, %dot_general3A_2953 {dimension_numbers = #tpu.dot_dimension_numbers<[1], [1], [0], [0], [0, 0, 1, 0], [], []>, transpose_lhs_hint = false} : vector<50x64xf32>, vector<64x64xf32>, vector<50x64xf32> -> vector<50x64xf32>
    %get3A_2955 = arith.constant 0 : index
    %get3A_2956 = arith.constant 0 : index
    %get3A_2957 = vector.load %arg15[%get3A_2955, %get3A_2956] : memref<1x64xf32, #tpu.memory_space<vmem>>, vector<1x64xf32>
    %add3A_2958 = vector.broadcast %get3A_2957 : vector<1x64xf32> to vector<50x64xf32>
    %add3A_2959 = arith.addf %dot_general3A_2954, %add3A_2958 : vector<50x64xf32>
    %get3A_2960 = arith.constant 0 : index
    %get3A_2961 = arith.constant 0 : index
    %get3A_2962 = vector.load %arg16[%get3A_2960, %get3A_2961] : memref<64x64xf32, #tpu.memory_space<vmem>>, vector<64x64xf32>
    %dot_general3A_2963 = arith.constant dense<0.000000e+00> : vector<1x64xf32>
    %dot_general3A_2964 = tpu.matmul %div3A_2949, %get3A_2962, %dot_general3A_2963 {dimension_numbers = #tpu.dot_dimension_numbers<[1], [1], [0], [0], [0, 0, 1, 0], [], []>, transpose_lhs_hint = false} : vector<1x64xf32>, vector<64x64xf32>, vector<1x64xf32> -> vector<1x64xf32>
    %get3A_2965 = arith.constant 0 : index
    %get3A_2966 = arith.constant 0 : index
    %get3A_2967 = vector.load %arg17[%get3A_2965, %get3A_2966] : memref<1x64xf32, #tpu.memory_space<vmem>>, vector<1x64xf32>
    %add3A_2968 = arith.addf %dot_general3A_2964, %get3A_2967 : vector<1x64xf32>
    %add3A_2969 = vector.broadcast %add3A_2968 : vector<1x64xf32> to vector<50x64xf32>
    %add3A_2970 = arith.addf %add3A_2959, %add3A_2969 : vector<50x64xf32>
    %logistic3A_2971 = arith.negf %add3A_2970 : vector<50x64xf32>
    %logistic3A_2972 = math.exp %logistic3A_2971 : vector<50x64xf32>
    %logistic3A_2973 = arith.constant 1.000000e+00 : f32
    %logistic3A_2974 = vector.broadcast %logistic3A_2973 : f32 to vector<50x64xf32>
    %logistic3A_2975 = arith.addf %logistic3A_2974, %logistic3A_2972 : vector<50x64xf32>
    %logistic3A_2976 = arith.divf %logistic3A_2974, %logistic3A_2975 : vector<50x64xf32>
    %get3A_2977 = arith.constant 0 : index
    %get3A_2978 = arith.constant 0 : index
    %get3A_2979 = vector.load %arg18[%get3A_2977, %get3A_2978] : memref<1x64xf32, #tpu.memory_space<vmem>>, vector<1x64xf32>
    %dot_general3A_2980 = arith.constant dense<0.000000e+00> : vector<50x1xf32>
    %dot_general3A_2981 = tpu.matmul %logistic3A_2976, %get3A_2979, %dot_general3A_2980 {dimension_numbers = #tpu.dot_dimension_numbers<[1], [1], [0], [0], [0, 0, 1, 0], [], []>, transpose_lhs_hint = false} : vector<50x64xf32>, vector<1x64xf32>, vector<50x1xf32> -> vector<50x1xf32>
    %mul3A_2982 = vector.broadcast %dot_general3A_2981 : vector<50x1xf32> to vector<50x64xf32>
    %mul3A_2983 = arith.mulf %mul3A_2982, %dot_general3A_2938 : vector<50x64xf32>
    %mul3A_2984 = vector.broadcast %get3A_2760 : vector<50x1xf32> to vector<50x64xf32>
    %mul3A_2985 = arith.mulf %mul3A_2983, %mul3A_2984 : vector<50x64xf32>
    %reduce_sum3A_2986 = arith.constant dense<0.000000e+00> : vector<64xf32>
    %reduce_sum3A_2987 = vector.multi_reduction <add>, %mul3A_2985, %reduce_sum3A_2986 [0] : vector<50x64xf32> to vector<64xf32>
    %broadcast_in_dim3A_2988 = vector.shape_cast %reduce_sum3A_2987 : vector<64xf32> to vector<1x64xf32>
    %get3A_2989 = arith.constant 50 : index
    %get3A_2990 = arith.constant 0 : index
    %get3A_2991 = vector.load %arg19[%get3A_2989, %get3A_2990] : memref<51x64xf32, #tpu.memory_space<vmem>>, vector<1x64xf32>
    %mul3A_2992 = vector.broadcast %get3A_2760 : vector<50x1xf32> to vector<50x64xf32>
    %mul3A_2993 = arith.mulf %get3A_2941, %mul3A_2992 : vector<50x64xf32>
    %reduce_sum3A_2994 = arith.constant dense<0.000000e+00> : vector<64xf32>
    %reduce_sum3A_2995 = vector.multi_reduction <add>, %mul3A_2993, %reduce_sum3A_2994 [0] : vector<50x64xf32> to vector<64xf32>
    %broadcast_in_dim3A_2996 = vector.shape_cast %reduce_sum3A_2995 : vector<64xf32> to vector<1x64xf32>
    %div3A_2997 = vector.broadcast %reduce_sum3A_2765 : f32 to vector<1x64xf32>
    %div3A_2998 = arith.divf %broadcast_in_dim3A_2996, %div3A_2997 : vector<1x64xf32>
    %mul3A_2999 = arith.mulf %get3A_2991, %div3A_2998 : vector<1x64xf32>
    %add3A_3000 = arith.addf %broadcast_in_dim3A_2988, %mul3A_2999 : vector<1x64xf32>
    %swap3A_3001 = arith.constant 10 : index
    %swap3A_3002 = arith.constant 0 : index
    %swap3A_3003 = arith.constant 0 : index
    %swap3A_3004 = vector.load %arg20[%swap3A_3001, %swap3A_3002, %swap3A_3003] : memref<16x1x64xf32, #tpu.memory_space<vmem>>, vector<1x1x64xf32>
    %swap3A_3005 = vector.shape_cast %swap3A_3004 : vector<1x1x64xf32> to vector<1x64xf32>
    %swap3A_3006 = vector.shape_cast %add3A_3000 : vector<1x64xf32> to vector<1x1x64xf32>
    tpu.vector_store %arg20[%swap3A_3001, %swap3A_3002, %swap3A_3003], %swap3A_3006 {strides = array<i32>} : memref<16x1x64xf32, #tpu.memory_space<vmem>>, vector<1x1x64xf32>,
    %get3A_3007 = arith.constant 11 : index
    %get3A_3008 = arith.constant 0 : index
    %get3A_3009 = arith.constant 0 : index
    %get3A_3010 = vector.load %arg1[%get3A_3007, %get3A_3008, %get3A_3009] : memref<16x50x64xf32, #tpu.memory_space<vmem>>, vector<1x50x64xf32>
    %get3A_3011 = vector.shape_cast %get3A_3010 : vector<1x50x64xf32> to vector<50x64xf32>
    %mul3A_3012 = arith.mulf %get3A_3011, %get3A_3011 : vector<50x64xf32>
    %reduce_sum3A_3013 = arith.constant dense<0.000000e+00> : vector<50xf32>
    %reduce_sum3A_3014 = vector.multi_reduction <add>, %mul3A_3012, %reduce_sum3A_3013 [1] : vector<50x64xf32> to vector<50xf32>
    %broadcast_in_dim3A_3015 = vector.shape_cast %reduce_sum3A_3014 : vector<50xf32> to vector<50x1xf32>
    %sqrt3A_3016 = math.sqrt %broadcast_in_dim3A_3015 : vector<50x1xf32>
    %div3A_3017 = vector.broadcast %sqrt3A_3016 : vector<50x1xf32> to vector<50x64xf32>
    %div3A_3018 = arith.divf %get3A_3011, %div3A_3017 : vector<50x64xf32>
    %get3A_3019 = arith.constant 11 : index
    %get3A_3020 = arith.constant 0 : index
    %get3A_3021 = arith.constant 0 : index
    %get3A_3022 = vector.load %arg2[%get3A_3019, %get3A_3020, %get3A_3021] : memref<16x50x64xf32, #tpu.memory_space<vmem>>, vector<1x50x64xf32>
    %get3A_3023 = vector.shape_cast %get3A_3022 : vector<1x50x64xf32> to vector<50x64xf32>
    %mul3A_3024 = arith.mulf %get3A_3023, %get3A_3023 : vector<50x64xf32>
    %reduce_sum3A_3025 = arith.constant dense<0.000000e+00> : vector<50xf32>
    %reduce_sum3A_3026 = vector.multi_reduction <add>, %mul3A_3024, %reduce_sum3A_3025 [1] : vector<50x64xf32> to vector<50xf32>
    %broadcast_in_dim3A_3027 = vector.shape_cast %reduce_sum3A_3026 : vector<50xf32> to vector<50x1xf32>
    %sqrt3A_3028 = math.sqrt %broadcast_in_dim3A_3027 : vector<50x1xf32>
    %div3A_3029 = vector.broadcast %sqrt3A_3028 : vector<50x1xf32> to vector<50x64xf32>
    %div3A_3030 = arith.divf %get3A_3023, %div3A_3029 : vector<50x64xf32>
    %get3A_3031 = arith.constant 11 : index
    %get3A_3032 = arith.constant 0 : index
    %get3A_3033 = arith.constant 0 : index
    %get3A_3034 = vector.load %arg8[%get3A_3031, %get3A_3032, %get3A_3033] : memref<16x50x1xf32, #tpu.memory_space<vmem>>, vector<1x50x1xf32>
    %get3A_3035 = vector.shape_cast %get3A_3034 : vector<1x50x1xf32> to vector<50x1xf32>
    %reduce_sum3A_3036 = vector.shape_cast %get3A_3035 : vector<50x1xf32> to vector<1x50x1xf32>
    %reduce_sum3A_3037 = arith.constant dense<0.000000e+00> : vector<1xf32>
    %reduce_sum3A_3038 = vector.multi_reduction <add>, %reduce_sum3A_3036, %reduce_sum3A_3037 [1, 2] : vector<1x50x1xf32> to vector<1xf32>
    %reduce_sum3A_3039 = vector.shape_cast %reduce_sum3A_3038 : vector<1xf32> to vector<1x1x1xf32>
    %reduce_sum3A_3040 = vector.extract %reduce_sum3A_3039[0, 0, 0] : f32 from vector<1x1x1xf32>
    %mul3A_3041 = vector.broadcast %get3A_3035 : vector<50x1xf32> to vector<50x64xf32>
    %mul3A_3042 = arith.mulf %div3A_3030, %mul3A_3041 : vector<50x64xf32>
    %reduce_sum3A_3043 = arith.constant dense<0.000000e+00> : vector<64xf32>
    %reduce_sum3A_3044 = vector.multi_reduction <add>, %mul3A_3042, %reduce_sum3A_3043 [0] : vector<50x64xf32> to vector<64xf32>
    %broadcast_in_dim3A_3045 = vector.shape_cast %reduce_sum3A_3044 : vector<64xf32> to vector<1x64xf32>
    %div3A_3046 = vector.broadcast %reduce_sum3A_3040 : f32 to vector<1x64xf32>
    %div3A_3047 = arith.divf %broadcast_in_dim3A_3045, %div3A_3046 : vector<1x64xf32>
    %get3A_3048 = arith.constant 0 : index
    %get3A_3049 = arith.constant 0 : index
    %get3A_3050 = vector.load %arg9[%get3A_3048, %get3A_3049] : memref<1x64xf32, #tpu.memory_space<vmem>>, vector<1x64xf32>
    %get3A_3051 = arith.constant 11 : index
    %get3A_3052 = arith.constant 0 : index
    %get3A_3053 = arith.constant 0 : index
    %get3A_3054 = vector.load %arg3[%get3A_3051, %get3A_3052, %get3A_3053] : memref<16x50x64xf32, #tpu.memory_space<vmem>>, vector<1x50x64xf32>
    %get3A_3055 = vector.shape_cast %get3A_3054 : vector<1x50x64xf32> to vector<50x64xf32>
    %get3A_3056 = arith.constant 11 : index
    %get3A_3057 = arith.constant 0 : index
    %get3A_3058 = arith.constant 0 : index
    %get3A_3059 = vector.load %arg4[%get3A_3056, %get3A_3057, %get3A_3058] : memref<16x50x64xf32, #tpu.memory_space<vmem>>, vector<1x50x64xf32>
    %get3A_3060 = vector.shape_cast %get3A_3059 : vector<1x50x64xf32> to vector<50x64xf32>
    %get3A_3061 = arith.constant 11 : index
    %get3A_3062 = arith.constant 0 : index
    %get3A_3063 = arith.constant 0 : index
    %get3A_3064 = vector.load %arg5[%get3A_3061, %get3A_3062, %get3A_3063] : memref<16x50x64xf32, #tpu.memory_space<vmem>>, vector<1x50x64xf32>
    %get3A_3065 = vector.shape_cast %get3A_3064 : vector<1x50x64xf32> to vector<50x64xf32>
    %mul3A_3066 = arith.mulf %div3A_3018, %get3A_3055 : vector<50x64xf32>
    %mul3A_3067 = vector.broadcast %get3A_3050 : vector<1x64xf32> to vector<50x64xf32>
    %mul3A_3068 = arith.mulf %mul3A_3066, %mul3A_3067 : vector<50x64xf32>
    %reduce_sum3A_3069 = arith.constant dense<0.000000e+00> : vector<50xf32>
    %reduce_sum3A_3070 = vector.multi_reduction <add>, %mul3A_3068, %reduce_sum3A_3069 [1] : vector<50x64xf32> to vector<50xf32>
    %broadcast_in_dim3A_3071 = vector.shape_cast %reduce_sum3A_3070 : vector<50xf32> to vector<50x1xf32>
    %ge3A_3072 = arith.constant 0.000000e+00 : f32
    %ge3A_3073 = vector.broadcast %ge3A_3072 : f32 to vector<50x1xf32>
    %ge3A_3074 = arith.cmpf oge, %broadcast_in_dim3A_3071, %ge3A_3073 : vector<50x1xf32>
    %mul3A_3075 = arith.constant 2.000000e-01 : f32
    %mul3A_3076 = vector.broadcast %mul3A_3075 : f32 to vector<50x1xf32>
    %mul3A_3077 = arith.mulf %mul3A_3076, %broadcast_in_dim3A_3071 : vector<50x1xf32>
    %select_n3A_3078 = arith.select %ge3A_3074, %broadcast_in_dim3A_3071, %mul3A_3077 : vector<50x1xi1>, vector<50x1xf32>
    %mul3A_3079 = arith.mulf %div3A_3018, %get3A_3060 : vector<50x64xf32>
    %mul3A_3080 = vector.broadcast %get3A_3050 : vector<1x64xf32> to vector<50x64xf32>
    %mul3A_3081 = arith.mulf %mul3A_3079, %mul3A_3080 : vector<50x64xf32>
    %reduce_sum3A_3082 = arith.constant dense<0.000000e+00> : vector<50xf32>
    %reduce_sum3A_3083 = vector.multi_reduction <add>, %mul3A_3081, %reduce_sum3A_3082 [1] : vector<50x64xf32> to vector<50xf32>
    %broadcast_in_dim3A_3084 = vector.shape_cast %reduce_sum3A_3083 : vector<50xf32> to vector<50x1xf32>
    %ge3A_3085 = arith.constant 0.000000e+00 : f32
    %ge3A_3086 = vector.broadcast %ge3A_3085 : f32 to vector<50x1xf32>
    %ge3A_3087 = arith.cmpf oge, %broadcast_in_dim3A_3084, %ge3A_3086 : vector<50x1xf32>
    %mul3A_3088 = arith.constant 2.000000e-01 : f32
    %mul3A_3089 = vector.broadcast %mul3A_3088 : f32 to vector<50x1xf32>
    %mul3A_3090 = arith.mulf %mul3A_3089, %broadcast_in_dim3A_3084 : vector<50x1xf32>
    %select_n3A_3091 = arith.select %ge3A_3087, %broadcast_in_dim3A_3084, %mul3A_3090 : vector<50x1xi1>, vector<50x1xf32>
    %mul3A_3092 = arith.mulf %div3A_3018, %get3A_3065 : vector<50x64xf32>
    %mul3A_3093 = vector.broadcast %get3A_3050 : vector<1x64xf32> to vector<50x64xf32>
    %mul3A_3094 = arith.mulf %mul3A_3092, %mul3A_3093 : vector<50x64xf32>
    %reduce_sum3A_3095 = arith.constant dense<0.000000e+00> : vector<50xf32>
    %reduce_sum3A_3096 = vector.multi_reduction <add>, %mul3A_3094, %reduce_sum3A_3095 [1] : vector<50x64xf32> to vector<50xf32>
    %broadcast_in_dim3A_3097 = vector.shape_cast %reduce_sum3A_3096 : vector<50xf32> to vector<50x1xf32>
    %ge3A_3098 = arith.constant 0.000000e+00 : f32
    %ge3A_3099 = vector.broadcast %ge3A_3098 : f32 to vector<50x1xf32>
    %ge3A_3100 = arith.cmpf oge, %broadcast_in_dim3A_3097, %ge3A_3099 : vector<50x1xf32>
    %mul3A_3101 = arith.constant 2.000000e-01 : f32
    %mul3A_3102 = vector.broadcast %mul3A_3101 : f32 to vector<50x1xf32>
    %mul3A_3103 = arith.mulf %mul3A_3102, %broadcast_in_dim3A_3097 : vector<50x1xf32>
    %select_n3A_3104 = arith.select %ge3A_3100, %broadcast_in_dim3A_3097, %mul3A_3103 : vector<50x1xi1>, vector<50x1xf32>
    %max3A_3105 = arith.maximumf %select_n3A_3091, %select_n3A_3104 : vector<50x1xf32>
    %max3A_3106 = arith.maximumf %select_n3A_3078, %max3A_3105 : vector<50x1xf32>
    %sub3A_3107 = arith.subf %select_n3A_3078, %max3A_3106 : vector<50x1xf32>
    %exp3A_3108 = math.exp %sub3A_3107 : vector<50x1xf32>
    %sub3A_3109 = arith.subf %select_n3A_3091, %max3A_3106 : vector<50x1xf32>
    %exp3A_3110 = math.exp %sub3A_3109 : vector<50x1xf32>
    %sub3A_3111 = arith.subf %select_n3A_3104, %max3A_3106 : vector<50x1xf32>
    %exp3A_3112 = math.exp %sub3A_3111 : vector<50x1xf32>
    %add3A_3113 = arith.addf %exp3A_3108, %exp3A_3110 : vector<50x1xf32>
    %add3A_3114 = arith.addf %add3A_3113, %exp3A_3112 : vector<50x1xf32>
    %mul3A_3115 = vector.broadcast %exp3A_3108 : vector<50x1xf32> to vector<50x64xf32>
    %mul3A_3116 = arith.mulf %mul3A_3115, %get3A_3055 : vector<50x64xf32>
    %mul3A_3117 = vector.broadcast %exp3A_3110 : vector<50x1xf32> to vector<50x64xf32>
    %mul3A_3118 = arith.mulf %mul3A_3117, %get3A_3060 : vector<50x64xf32>
    %add3A_3119 = arith.addf %mul3A_3116, %mul3A_3118 : vector<50x64xf32>
    %mul3A_3120 = vector.broadcast %exp3A_3112 : vector<50x1xf32> to vector<50x64xf32>
    %mul3A_3121 = arith.mulf %mul3A_3120, %get3A_3065 : vector<50x64xf32>
    %add3A_3122 = arith.addf %add3A_3119, %mul3A_3121 : vector<50x64xf32>
    %div3A_3123 = vector.broadcast %add3A_3114 : vector<50x1xf32> to vector<50x64xf32>
    %div3A_3124 = arith.divf %add3A_3122, %div3A_3123 : vector<50x64xf32>
    %mul3A_3125 = arith.constant 5.000000e-01 : f32
    %mul3A_3126 = vector.broadcast %mul3A_3125 : f32 to vector<50x64xf32>
    %mul3A_3127 = arith.mulf %mul3A_3126, %div3A_3018 : vector<50x64xf32>
    %mul3A_3128 = arith.constant 5.000000e-01 : f32
    %mul3A_3129 = vector.broadcast %mul3A_3128 : f32 to vector<50x64xf32>
    %mul3A_3130 = arith.mulf %mul3A_3129, %div3A_3124 : vector<50x64xf32>
    %add3A_3131 = arith.addf %mul3A_3127, %mul3A_3130 : vector<50x64xf32>
    %get3A_3132 = arith.constant 11 : index
    %get3A_3133 = arith.constant 0 : index
    %get3A_3134 = arith.constant 0 : index
    %get3A_3135 = vector.load %arg6[%get3A_3132, %get3A_3133, %get3A_3134] : memref<16x50x50xf32, #tpu.memory_space<vmem>>, vector<1x50x50xf32>
    %get3A_3136 = vector.shape_cast %get3A_3135 : vector<1x50x50xf32> to vector<50x50xf32>
    %get3A_3137 = arith.constant 0 : index
    %get3A_3138 = arith.constant 0 : index
    %get3A_3139 = vector.load %arg12[%get3A_3137, %get3A_3138] : memref<1x64xf32, #tpu.memory_space<vmem>>, vector<1x64xf32>
    %mul3A_3140 = arith.mulf %div3A_3047, %get3A_3139 : vector<1x64xf32>
    %dot_general3A_3141 = arith.constant dense<0.000000e+00> : vector<1x50xf32>
    %dot_general3A_3142 = tpu.matmul %mul3A_3140, %div3A_3018, %dot_general3A_3141 {dimension_numbers = #tpu.dot_dimension_numbers<[1], [1], [0], [0], [0, 0, 1, 0], [], []>, transpose_lhs_hint = false} : vector<1x64xf32>, vector<50x64xf32>, vector<1x50xf32> -> vector<1x50xf32>
    %get3A_3143 = arith.constant 0 : index
    %get3A_3144 = arith.constant 0 : index
    %get3A_3145 = vector.load %arg13[%get3A_3143, %get3A_3144] : memref<1x64xf32, #tpu.memory_space<vmem>>, vector<1x64xf32>
    %mul3A_3146 = arith.mulf %div3A_3047, %get3A_3145 : vector<1x64xf32>
    %dot_general3A_3147 = arith.constant dense<0.000000e+00> : vector<1x50xf32>
    %dot_general3A_3148 = tpu.matmul %mul3A_3146, %div3A_3018, %dot_general3A_3147 {dimension_numbers = #tpu.dot_dimension_numbers<[1], [1], [0], [0], [0, 0, 1, 0], [], []>, transpose_lhs_hint = false} : vector<1x64xf32>, vector<50x64xf32>, vector<1x50xf32> -> vector<1x50xf32>
    %get3A_3149 = arith.constant 0 : index
    %get3A_3150 = arith.constant 0 : index
    %get3A_3151 = vector.load %arg10[%get3A_3149, %get3A_3150] : memref<1x64xf32, #tpu.memory_space<vmem>>, vector<1x64xf32>
    %mul3A_3152 = vector.broadcast %get3A_3151 : vector<1x64xf32> to vector<50x64xf32>
    %mul3A_3153 = arith.mulf %div3A_3018, %mul3A_3152 : vector<50x64xf32>
    %dot_general3A_3154 = arith.constant dense<0.000000e+00> : vector<50x50xf32>
    %dot_general3A_3155 = tpu.matmul %mul3A_3153, %div3A_3018, %dot_general3A_3154 {dimension_numbers = #tpu.dot_dimension_numbers<[1], [1], [0], [0], [0, 0, 1, 0], [], []>, transpose_lhs_hint = false} : vector<50x64xf32>, vector<50x64xf32>, vector<50x50xf32> -> vector<50x50xf32>
    %add3A_3156 = vector.broadcast %dot_general3A_3142 : vector<1x50xf32> to vector<50x50xf32>
    %add3A_3157 = arith.addf %dot_general3A_3155, %add3A_3156 : vector<50x50xf32>
    %ge3A_3158 = arith.constant 0.000000e+00 : f32
    %ge3A_3159 = vector.broadcast %ge3A_3158 : f32 to vector<50x50xf32>
    %ge3A_3160 = arith.cmpf oge, %add3A_3157, %ge3A_3159 : vector<50x50xf32>
    %mul3A_3161 = arith.constant 2.000000e-01 : f32
    %mul3A_3162 = vector.broadcast %mul3A_3161 : f32 to vector<50x50xf32>
    %mul3A_3163 = arith.mulf %mul3A_3162, %add3A_3157 : vector<50x50xf32>
    %select_n3A_3164 = arith.select %ge3A_3160, %add3A_3157, %mul3A_3163 : vector<50x50xi1>, vector<50x50xf32>
    %get3A_3165 = arith.constant 0 : index
    %get3A_3166 = arith.constant 0 : index
    %get3A_3167 = vector.load %arg11[%get3A_3165, %get3A_3166] : memref<1x64xf32, #tpu.memory_space<vmem>>, vector<1x64xf32>
    %mul3A_3168 = vector.broadcast %get3A_3167 : vector<1x64xf32> to vector<50x64xf32>
    %mul3A_3169 = arith.mulf %div3A_3018, %mul3A_3168 : vector<50x64xf32>
    %dot_general3A_3170 = arith.constant dense<0.000000e+00> : vector<50x50xf32>
    %dot_general3A_3171 = tpu.matmul %mul3A_3169, %div3A_3018, %dot_general3A_3170 {dimension_numbers = #tpu.dot_dimension_numbers<[1], [1], [0], [0], [0, 0, 1, 0], [], []>, transpose_lhs_hint = false} : vector<50x64xf32>, vector<50x64xf32>, vector<50x50xf32> -> vector<50x50xf32>
    %add3A_3172 = vector.broadcast %dot_general3A_3148 : vector<1x50xf32> to vector<50x50xf32>
    %add3A_3173 = arith.addf %dot_general3A_3171, %add3A_3172 : vector<50x50xf32>
    %ge3A_3174 = arith.constant 0.000000e+00 : f32
    %ge3A_3175 = vector.broadcast %ge3A_3174 : f32 to vector<50x50xf32>
    %ge3A_3176 = arith.cmpf oge, %add3A_3173, %ge3A_3175 : vector<50x50xf32>
    %mul3A_3177 = arith.constant 2.000000e-01 : f32
    %mul3A_3178 = vector.broadcast %mul3A_3177 : f32 to vector<50x50xf32>
    %mul3A_3179 = arith.mulf %mul3A_3178, %add3A_3173 : vector<50x50xf32>
    %select_n3A_3180 = arith.select %ge3A_3176, %add3A_3173, %mul3A_3179 : vector<50x50xi1>, vector<50x50xf32>
    %eq3A_3181 = arith.constant 1.000000e+00 : f32
    %eq3A_3182 = vector.broadcast %eq3A_3181 : f32 to vector<50x50xf32>
    %eq3A_3183 = arith.cmpf oeq, %get3A_3136, %eq3A_3182 : vector<50x50xf32>
    %eq3A_3184 = arith.constant 2.000000e+00 : f32
    %eq3A_3185 = vector.broadcast %eq3A_3184 : f32 to vector<50x50xf32>
    %eq3A_3186 = arith.cmpf oeq, %get3A_3136, %eq3A_3185 : vector<50x50xf32>
    %jit3A_3187 = arith.constant -9.000000e+15 : f32
    %broadcast_in_dim3A_3188 = vector.broadcast %jit3A_3187 : f32 to vector<50x50xf32>
    %select_n3A_3189 = arith.select %eq3A_3186, %select_n3A_3180, %broadcast_in_dim3A_3188 : vector<50x50xi1>, vector<50x50xf32>
    %select_n3A_3190 = arith.select %eq3A_3183, %select_n3A_3164, %select_n3A_3189 : vector<50x50xi1>, vector<50x50xf32>
    %reduce_max3A_3191 = arith.constant dense<0xFF800000> : vector<50xf32>
    %reduce_max3A_3192 = vector.multi_reduction <maximumf>, %select_n3A_3190, %reduce_max3A_3191 [1] : vector<50x50xf32> to vector<50xf32>
    %broadcast_in_dim3A_3193 = vector.shape_cast %reduce_max3A_3192 : vector<50xf32> to vector<50x1xf32>
    %sub3A_3194 = vector.broadcast %broadcast_in_dim3A_3193 : vector<50x1xf32> to vector<50x50xf32>
    %sub3A_3195 = arith.subf %select_n3A_3190, %sub3A_3194 : vector<50x50xf32>
    %exp3A_3196 = math.exp %sub3A_3195 : vector<50x50xf32>
    %reduce_sum3A_3197 = arith.constant dense<0.000000e+00> : vector<50xf32>
    %reduce_sum3A_3198 = vector.multi_reduction <add>, %exp3A_3196, %reduce_sum3A_3197 [1] : vector<50x50xf32> to vector<50xf32>
    %broadcast_in_dim3A_3199 = vector.shape_cast %reduce_sum3A_3198 : vector<50xf32> to vector<50x1xf32>
    %div3A_3200 = vector.broadcast %broadcast_in_dim3A_3199 : vector<50x1xf32> to vector<50x50xf32>
    %div3A_3201 = arith.divf %exp3A_3196, %div3A_3200 : vector<50x50xf32>
    %dot_general3A_3202 = arith.constant dense<0.000000e+00> : vector<50x64xf32>
    %dot_general3A_3203 = tpu.matmul %div3A_3201, %div3A_3018, %dot_general3A_3202 {dimension_numbers = #tpu.dot_dimension_numbers<[1], [0], [0], [1], [0, 0, 1, 1], [], []>, transpose_lhs_hint = false} : vector<50x50xf32>, vector<50x64xf32>, vector<50x64xf32> -> vector<50x64xf32>
    %add3A_3204 = arith.addf %dot_general3A_3203, %add3A_3131 : vector<50x64xf32>
    %mul3A_3205 = arith.mulf %dot_general3A_3203, %add3A_3131 : vector<50x64xf32>
    %add3A_3206 = arith.addf %add3A_3204, %mul3A_3205 : vector<50x64xf32>
    %get3A_3207 = arith.constant 11 : index
    %get3A_3208 = arith.constant 0 : index
    %get3A_3209 = arith.constant 0 : index
    %get3A_3210 = vector.load %arg7[%get3A_3207, %get3A_3208, %get3A_3209] : memref<16x50x50xf32, #tpu.memory_space<vmem>>, vector<1x50x50xf32>
    %get3A_3211 = vector.shape_cast %get3A_3210 : vector<1x50x50xf32> to vector<50x50xf32>
    %dot_general3A_3212 = arith.constant dense<0.000000e+00> : vector<50x64xf32>
    %dot_general3A_3213 = tpu.matmul %get3A_3211, %add3A_3206, %dot_general3A_3212 {dimension_numbers = #tpu.dot_dimension_numbers<[1], [0], [0], [1], [0, 0, 1, 1], [], []>, transpose_lhs_hint = false} : vector<50x50xf32>, vector<50x64xf32>, vector<50x64xf32> -> vector<50x64xf32>
    %get3A_3214 = arith.constant 0 : index
    %get3A_3215 = arith.constant 0 : index
    %get3A_3216 = vector.load %arg19[%get3A_3214, %get3A_3215] : memref<51x64xf32, #tpu.memory_space<vmem>>, vector<50x64xf32>
    %add3A_3217 = arith.addf %dot_general3A_3213, %get3A_3216 : vector<50x64xf32>
    %mul3A_3218 = vector.broadcast %get3A_3035 : vector<50x1xf32> to vector<50x64xf32>
    %mul3A_3219 = arith.mulf %add3A_3217, %mul3A_3218 : vector<50x64xf32>
    %reduce_sum3A_3220 = arith.constant dense<0.000000e+00> : vector<64xf32>
    %reduce_sum3A_3221 = vector.multi_reduction <add>, %mul3A_3219, %reduce_sum3A_3220 [0] : vector<50x64xf32> to vector<64xf32>
    %broadcast_in_dim3A_3222 = vector.shape_cast %reduce_sum3A_3221 : vector<64xf32> to vector<1x64xf32>
    %div3A_3223 = vector.broadcast %reduce_sum3A_3040 : f32 to vector<1x64xf32>
    %div3A_3224 = arith.divf %broadcast_in_dim3A_3222, %div3A_3223 : vector<1x64xf32>
    %get3A_3225 = arith.constant 0 : index
    %get3A_3226 = arith.constant 0 : index
    %get3A_3227 = vector.load %arg14[%get3A_3225, %get3A_3226] : memref<64x64xf32, #tpu.memory_space<vmem>>, vector<64x64xf32>
    %dot_general3A_3228 = arith.constant dense<0.000000e+00> : vector<50x64xf32>
    %dot_general3A_3229 = tpu.matmul %add3A_3217, %get3A_3227, %dot_general3A_3228 {dimension_numbers = #tpu.dot_dimension_numbers<[1], [1], [0], [0], [0, 0, 1, 0], [], []>, transpose_lhs_hint = false} : vector<50x64xf32>, vector<64x64xf32>, vector<50x64xf32> -> vector<50x64xf32>
    %get3A_3230 = arith.constant 0 : index
    %get3A_3231 = arith.constant 0 : index
    %get3A_3232 = vector.load %arg15[%get3A_3230, %get3A_3231] : memref<1x64xf32, #tpu.memory_space<vmem>>, vector<1x64xf32>
    %add3A_3233 = vector.broadcast %get3A_3232 : vector<1x64xf32> to vector<50x64xf32>
    %add3A_3234 = arith.addf %dot_general3A_3229, %add3A_3233 : vector<50x64xf32>
    %get3A_3235 = arith.constant 0 : index
    %get3A_3236 = arith.constant 0 : index
    %get3A_3237 = vector.load %arg16[%get3A_3235, %get3A_3236] : memref<64x64xf32, #tpu.memory_space<vmem>>, vector<64x64xf32>
    %dot_general3A_3238 = arith.constant dense<0.000000e+00> : vector<1x64xf32>
    %dot_general3A_3239 = tpu.matmul %div3A_3224, %get3A_3237, %dot_general3A_3238 {dimension_numbers = #tpu.dot_dimension_numbers<[1], [1], [0], [0], [0, 0, 1, 0], [], []>, transpose_lhs_hint = false} : vector<1x64xf32>, vector<64x64xf32>, vector<1x64xf32> -> vector<1x64xf32>
    %get3A_3240 = arith.constant 0 : index
    %get3A_3241 = arith.constant 0 : index
    %get3A_3242 = vector.load %arg17[%get3A_3240, %get3A_3241] : memref<1x64xf32, #tpu.memory_space<vmem>>, vector<1x64xf32>
    %add3A_3243 = arith.addf %dot_general3A_3239, %get3A_3242 : vector<1x64xf32>
    %add3A_3244 = vector.broadcast %add3A_3243 : vector<1x64xf32> to vector<50x64xf32>
    %add3A_3245 = arith.addf %add3A_3234, %add3A_3244 : vector<50x64xf32>
    %logistic3A_3246 = arith.negf %add3A_3245 : vector<50x64xf32>
    %logistic3A_3247 = math.exp %logistic3A_3246 : vector<50x64xf32>
    %logistic3A_3248 = arith.constant 1.000000e+00 : f32
    %logistic3A_3249 = vector.broadcast %logistic3A_3248 : f32 to vector<50x64xf32>
    %logistic3A_3250 = arith.addf %logistic3A_3249, %logistic3A_3247 : vector<50x64xf32>
    %logistic3A_3251 = arith.divf %logistic3A_3249, %logistic3A_3250 : vector<50x64xf32>
    %get3A_3252 = arith.constant 0 : index
    %get3A_3253 = arith.constant 0 : index
    %get3A_3254 = vector.load %arg18[%get3A_3252, %get3A_3253] : memref<1x64xf32, #tpu.memory_space<vmem>>, vector<1x64xf32>
    %dot_general3A_3255 = arith.constant dense<0.000000e+00> : vector<50x1xf32>
    %dot_general3A_3256 = tpu.matmul %logistic3A_3251, %get3A_3254, %dot_general3A_3255 {dimension_numbers = #tpu.dot_dimension_numbers<[1], [1], [0], [0], [0, 0, 1, 0], [], []>, transpose_lhs_hint = false} : vector<50x64xf32>, vector<1x64xf32>, vector<50x1xf32> -> vector<50x1xf32>
    %mul3A_3257 = vector.broadcast %dot_general3A_3256 : vector<50x1xf32> to vector<50x64xf32>
    %mul3A_3258 = arith.mulf %mul3A_3257, %dot_general3A_3213 : vector<50x64xf32>
    %mul3A_3259 = vector.broadcast %get3A_3035 : vector<50x1xf32> to vector<50x64xf32>
    %mul3A_3260 = arith.mulf %mul3A_3258, %mul3A_3259 : vector<50x64xf32>
    %reduce_sum3A_3261 = arith.constant dense<0.000000e+00> : vector<64xf32>
    %reduce_sum3A_3262 = vector.multi_reduction <add>, %mul3A_3260, %reduce_sum3A_3261 [0] : vector<50x64xf32> to vector<64xf32>
    %broadcast_in_dim3A_3263 = vector.shape_cast %reduce_sum3A_3262 : vector<64xf32> to vector<1x64xf32>
    %get3A_3264 = arith.constant 50 : index
    %get3A_3265 = arith.constant 0 : index
    %get3A_3266 = vector.load %arg19[%get3A_3264, %get3A_3265] : memref<51x64xf32, #tpu.memory_space<vmem>>, vector<1x64xf32>
    %mul3A_3267 = vector.broadcast %get3A_3035 : vector<50x1xf32> to vector<50x64xf32>
    %mul3A_3268 = arith.mulf %get3A_3216, %mul3A_3267 : vector<50x64xf32>
    %reduce_sum3A_3269 = arith.constant dense<0.000000e+00> : vector<64xf32>
    %reduce_sum3A_3270 = vector.multi_reduction <add>, %mul3A_3268, %reduce_sum3A_3269 [0] : vector<50x64xf32> to vector<64xf32>
    %broadcast_in_dim3A_3271 = vector.shape_cast %reduce_sum3A_3270 : vector<64xf32> to vector<1x64xf32>
    %div3A_3272 = vector.broadcast %reduce_sum3A_3040 : f32 to vector<1x64xf32>
    %div3A_3273 = arith.divf %broadcast_in_dim3A_3271, %div3A_3272 : vector<1x64xf32>
    %mul3A_3274 = arith.mulf %get3A_3266, %div3A_3273 : vector<1x64xf32>
    %add3A_3275 = arith.addf %broadcast_in_dim3A_3263, %mul3A_3274 : vector<1x64xf32>
    %swap3A_3276 = arith.constant 11 : index
    %swap3A_3277 = arith.constant 0 : index
    %swap3A_3278 = arith.constant 0 : index
    %swap3A_3279 = vector.load %arg20[%swap3A_3276, %swap3A_3277, %swap3A_3278] : memref<16x1x64xf32, #tpu.memory_space<vmem>>, vector<1x1x64xf32>
    %swap3A_3280 = vector.shape_cast %swap3A_3279 : vector<1x1x64xf32> to vector<1x64xf32>
    %swap3A_3281 = vector.shape_cast %add3A_3275 : vector<1x64xf32> to vector<1x1x64xf32>
    tpu.vector_store %arg20[%swap3A_3276, %swap3A_3277, %swap3A_3278], %swap3A_3281 {strides = array<i32>} : memref<16x1x64xf32, #tpu.memory_space<vmem>>, vector<1x1x64xf32>,
    %get3A_3282 = arith.constant 12 : index
    %get3A_3283 = arith.constant 0 : index
    %get3A_3284 = arith.constant 0 : index
    %get3A_3285 = vector.load %arg1[%get3A_3282, %get3A_3283, %get3A_3284] : memref<16x50x64xf32, #tpu.memory_space<vmem>>, vector<1x50x64xf32>
    %get3A_3286 = vector.shape_cast %get3A_3285 : vector<1x50x64xf32> to vector<50x64xf32>
    %mul3A_3287 = arith.mulf %get3A_3286, %get3A_3286 : vector<50x64xf32>
    %reduce_sum3A_3288 = arith.constant dense<0.000000e+00> : vector<50xf32>
    %reduce_sum3A_3289 = vector.multi_reduction <add>, %mul3A_3287, %reduce_sum3A_3288 [1] : vector<50x64xf32> to vector<50xf32>
    %broadcast_in_dim3A_3290 = vector.shape_cast %reduce_sum3A_3289 : vector<50xf32> to vector<50x1xf32>
    %sqrt3A_3291 = math.sqrt %broadcast_in_dim3A_3290 : vector<50x1xf32>
    %div3A_3292 = vector.broadcast %sqrt3A_3291 : vector<50x1xf32> to vector<50x64xf32>
    %div3A_3293 = arith.divf %get3A_3286, %div3A_3292 : vector<50x64xf32>
    %get3A_3294 = arith.constant 12 : index
    %get3A_3295 = arith.constant 0 : index
    %get3A_3296 = arith.constant 0 : index
    %get3A_3297 = vector.load %arg2[%get3A_3294, %get3A_3295, %get3A_3296] : memref<16x50x64xf32, #tpu.memory_space<vmem>>, vector<1x50x64xf32>
    %get3A_3298 = vector.shape_cast %get3A_3297 : vector<1x50x64xf32> to vector<50x64xf32>
    %mul3A_3299 = arith.mulf %get3A_3298, %get3A_3298 : vector<50x64xf32>
    %reduce_sum3A_3300 = arith.constant dense<0.000000e+00> : vector<50xf32>
    %reduce_sum3A_3301 = vector.multi_reduction <add>, %mul3A_3299, %reduce_sum3A_3300 [1] : vector<50x64xf32> to vector<50xf32>
    %broadcast_in_dim3A_3302 = vector.shape_cast %reduce_sum3A_3301 : vector<50xf32> to vector<50x1xf32>
    %sqrt3A_3303 = math.sqrt %broadcast_in_dim3A_3302 : vector<50x1xf32>
    %div3A_3304 = vector.broadcast %sqrt3A_3303 : vector<50x1xf32> to vector<50x64xf32>
    %div3A_3305 = arith.divf %get3A_3298, %div3A_3304 : vector<50x64xf32>
    %get3A_3306 = arith.constant 12 : index
    %get3A_3307 = arith.constant 0 : index
    %get3A_3308 = arith.constant 0 : index
    %get3A_3309 = vector.load %arg8[%get3A_3306, %get3A_3307, %get3A_3308] : memref<16x50x1xf32, #tpu.memory_space<vmem>>, vector<1x50x1xf32>
    %get3A_3310 = vector.shape_cast %get3A_3309 : vector<1x50x1xf32> to vector<50x1xf32>
    %reduce_sum3A_3311 = vector.shape_cast %get3A_3310 : vector<50x1xf32> to vector<1x50x1xf32>
    %reduce_sum3A_3312 = arith.constant dense<0.000000e+00> : vector<1xf32>
    %reduce_sum3A_3313 = vector.multi_reduction <add>, %reduce_sum3A_3311, %reduce_sum3A_3312 [1, 2] : vector<1x50x1xf32> to vector<1xf32>
    %reduce_sum3A_3314 = vector.shape_cast %reduce_sum3A_3313 : vector<1xf32> to vector<1x1x1xf32>
    %reduce_sum3A_3315 = vector.extract %reduce_sum3A_3314[0, 0, 0] : f32 from vector<1x1x1xf32>
    %mul3A_3316 = vector.broadcast %get3A_3310 : vector<50x1xf32> to vector<50x64xf32>
    %mul3A_3317 = arith.mulf %div3A_3305, %mul3A_3316 : vector<50x64xf32>
    %reduce_sum3A_3318 = arith.constant dense<0.000000e+00> : vector<64xf32>
    %reduce_sum3A_3319 = vector.multi_reduction <add>, %mul3A_3317, %reduce_sum3A_3318 [0] : vector<50x64xf32> to vector<64xf32>
    %broadcast_in_dim3A_3320 = vector.shape_cast %reduce_sum3A_3319 : vector<64xf32> to vector<1x64xf32>
    %div3A_3321 = vector.broadcast %reduce_sum3A_3315 : f32 to vector<1x64xf32>
    %div3A_3322 = arith.divf %broadcast_in_dim3A_3320, %div3A_3321 : vector<1x64xf32>
    %get3A_3323 = arith.constant 0 : index
    %get3A_3324 = arith.constant 0 : index
    %get3A_3325 = vector.load %arg9[%get3A_3323, %get3A_3324] : memref<1x64xf32, #tpu.memory_space<vmem>>, vector<1x64xf32>
    %get3A_3326 = arith.constant 12 : index
    %get3A_3327 = arith.constant 0 : index
    %get3A_3328 = arith.constant 0 : index
    %get3A_3329 = vector.load %arg3[%get3A_3326, %get3A_3327, %get3A_3328] : memref<16x50x64xf32, #tpu.memory_space<vmem>>, vector<1x50x64xf32>
    %get3A_3330 = vector.shape_cast %get3A_3329 : vector<1x50x64xf32> to vector<50x64xf32>
    %get3A_3331 = arith.constant 12 : index
    %get3A_3332 = arith.constant 0 : index
    %get3A_3333 = arith.constant 0 : index
    %get3A_3334 = vector.load %arg4[%get3A_3331, %get3A_3332, %get3A_3333] : memref<16x50x64xf32, #tpu.memory_space<vmem>>, vector<1x50x64xf32>
    %get3A_3335 = vector.shape_cast %get3A_3334 : vector<1x50x64xf32> to vector<50x64xf32>
    %get3A_3336 = arith.constant 12 : index
    %get3A_3337 = arith.constant 0 : index
    %get3A_3338 = arith.constant 0 : index
    %get3A_3339 = vector.load %arg5[%get3A_3336, %get3A_3337, %get3A_3338] : memref<16x50x64xf32, #tpu.memory_space<vmem>>, vector<1x50x64xf32>
    %get3A_3340 = vector.shape_cast %get3A_3339 : vector<1x50x64xf32> to vector<50x64xf32>
    %mul3A_3341 = arith.mulf %div3A_3293, %get3A_3330 : vector<50x64xf32>
    %mul3A_3342 = vector.broadcast %get3A_3325 : vector<1x64xf32> to vector<50x64xf32>
    %mul3A_3343 = arith.mulf %mul3A_3341, %mul3A_3342 : vector<50x64xf32>
    %reduce_sum3A_3344 = arith.constant dense<0.000000e+00> : vector<50xf32>
    %reduce_sum3A_3345 = vector.multi_reduction <add>, %mul3A_3343, %reduce_sum3A_3344 [1] : vector<50x64xf32> to vector<50xf32>
    %broadcast_in_dim3A_3346 = vector.shape_cast %reduce_sum3A_3345 : vector<50xf32> to vector<50x1xf32>
    %ge3A_3347 = arith.constant 0.000000e+00 : f32
    %ge3A_3348 = vector.broadcast %ge3A_3347 : f32 to vector<50x1xf32>
    %ge3A_3349 = arith.cmpf oge, %broadcast_in_dim3A_3346, %ge3A_3348 : vector<50x1xf32>
    %mul3A_3350 = arith.constant 2.000000e-01 : f32
    %mul3A_3351 = vector.broadcast %mul3A_3350 : f32 to vector<50x1xf32>
    %mul3A_3352 = arith.mulf %mul3A_3351, %broadcast_in_dim3A_3346 : vector<50x1xf32>
    %select_n3A_3353 = arith.select %ge3A_3349, %broadcast_in_dim3A_3346, %mul3A_3352 : vector<50x1xi1>, vector<50x1xf32>
    %mul3A_3354 = arith.mulf %div3A_3293, %get3A_3335 : vector<50x64xf32>
    %mul3A_3355 = vector.broadcast %get3A_3325 : vector<1x64xf32> to vector<50x64xf32>
    %mul3A_3356 = arith.mulf %mul3A_3354, %mul3A_3355 : vector<50x64xf32>
    %reduce_sum3A_3357 = arith.constant dense<0.000000e+00> : vector<50xf32>
    %reduce_sum3A_3358 = vector.multi_reduction <add>, %mul3A_3356, %reduce_sum3A_3357 [1] : vector<50x64xf32> to vector<50xf32>
    %broadcast_in_dim3A_3359 = vector.shape_cast %reduce_sum3A_3358 : vector<50xf32> to vector<50x1xf32>
    %ge3A_3360 = arith.constant 0.000000e+00 : f32
    %ge3A_3361 = vector.broadcast %ge3A_3360 : f32 to vector<50x1xf32>
    %ge3A_3362 = arith.cmpf oge, %broadcast_in_dim3A_3359, %ge3A_3361 : vector<50x1xf32>
    %mul3A_3363 = arith.constant 2.000000e-01 : f32
    %mul3A_3364 = vector.broadcast %mul3A_3363 : f32 to vector<50x1xf32>
    %mul3A_3365 = arith.mulf %mul3A_3364, %broadcast_in_dim3A_3359 : vector<50x1xf32>
    %select_n3A_3366 = arith.select %ge3A_3362, %broadcast_in_dim3A_3359, %mul3A_3365 : vector<50x1xi1>, vector<50x1xf32>
    %mul3A_3367 = arith.mulf %div3A_3293, %get3A_3340 : vector<50x64xf32>
    %mul3A_3368 = vector.broadcast %get3A_3325 : vector<1x64xf32> to vector<50x64xf32>
    %mul3A_3369 = arith.mulf %mul3A_3367, %mul3A_3368 : vector<50x64xf32>
    %reduce_sum3A_3370 = arith.constant dense<0.000000e+00> : vector<50xf32>
    %reduce_sum3A_3371 = vector.multi_reduction <add>, %mul3A_3369, %reduce_sum3A_3370 [1] : vector<50x64xf32> to vector<50xf32>
    %broadcast_in_dim3A_3372 = vector.shape_cast %reduce_sum3A_3371 : vector<50xf32> to vector<50x1xf32>
    %ge3A_3373 = arith.constant 0.000000e+00 : f32
    %ge3A_3374 = vector.broadcast %ge3A_3373 : f32 to vector<50x1xf32>
    %ge3A_3375 = arith.cmpf oge, %broadcast_in_dim3A_3372, %ge3A_3374 : vector<50x1xf32>
    %mul3A_3376 = arith.constant 2.000000e-01 : f32
    %mul3A_3377 = vector.broadcast %mul3A_3376 : f32 to vector<50x1xf32>
    %mul3A_3378 = arith.mulf %mul3A_3377, %broadcast_in_dim3A_3372 : vector<50x1xf32>
    %select_n3A_3379 = arith.select %ge3A_3375, %broadcast_in_dim3A_3372, %mul3A_3378 : vector<50x1xi1>, vector<50x1xf32>
    %max3A_3380 = arith.maximumf %select_n3A_3366, %select_n3A_3379 : vector<50x1xf32>
    %max3A_3381 = arith.maximumf %select_n3A_3353, %max3A_3380 : vector<50x1xf32>
    %sub3A_3382 = arith.subf %select_n3A_3353, %max3A_3381 : vector<50x1xf32>
    %exp3A_3383 = math.exp %sub3A_3382 : vector<50x1xf32>
    %sub3A_3384 = arith.subf %select_n3A_3366, %max3A_3381 : vector<50x1xf32>
    %exp3A_3385 = math.exp %sub3A_3384 : vector<50x1xf32>
    %sub3A_3386 = arith.subf %select_n3A_3379, %max3A_3381 : vector<50x1xf32>
    %exp3A_3387 = math.exp %sub3A_3386 : vector<50x1xf32>
    %add3A_3388 = arith.addf %exp3A_3383, %exp3A_3385 : vector<50x1xf32>
    %add3A_3389 = arith.addf %add3A_3388, %exp3A_3387 : vector<50x1xf32>
    %mul3A_3390 = vector.broadcast %exp3A_3383 : vector<50x1xf32> to vector<50x64xf32>
    %mul3A_3391 = arith.mulf %mul3A_3390, %get3A_3330 : vector<50x64xf32>
    %mul3A_3392 = vector.broadcast %exp3A_3385 : vector<50x1xf32> to vector<50x64xf32>
    %mul3A_3393 = arith.mulf %mul3A_3392, %get3A_3335 : vector<50x64xf32>
    %add3A_3394 = arith.addf %mul3A_3391, %mul3A_3393 : vector<50x64xf32>
    %mul3A_3395 = vector.broadcast %exp3A_3387 : vector<50x1xf32> to vector<50x64xf32>
    %mul3A_3396 = arith.mulf %mul3A_3395, %get3A_3340 : vector<50x64xf32>
    %add3A_3397 = arith.addf %add3A_3394, %mul3A_3396 : vector<50x64xf32>
    %div3A_3398 = vector.broadcast %add3A_3389 : vector<50x1xf32> to vector<50x64xf32>
    %div3A_3399 = arith.divf %add3A_3397, %div3A_3398 : vector<50x64xf32>
    %mul3A_3400 = arith.constant 5.000000e-01 : f32
    %mul3A_3401 = vector.broadcast %mul3A_3400 : f32 to vector<50x64xf32>
    %mul3A_3402 = arith.mulf %mul3A_3401, %div3A_3293 : vector<50x64xf32>
    %mul3A_3403 = arith.constant 5.000000e-01 : f32
    %mul3A_3404 = vector.broadcast %mul3A_3403 : f32 to vector<50x64xf32>
    %mul3A_3405 = arith.mulf %mul3A_3404, %div3A_3399 : vector<50x64xf32>
    %add3A_3406 = arith.addf %mul3A_3402, %mul3A_3405 : vector<50x64xf32>
    %get3A_3407 = arith.constant 12 : index
    %get3A_3408 = arith.constant 0 : index
    %get3A_3409 = arith.constant 0 : index
    %get3A_3410 = vector.load %arg6[%get3A_3407, %get3A_3408, %get3A_3409] : memref<16x50x50xf32, #tpu.memory_space<vmem>>, vector<1x50x50xf32>
    %get3A_3411 = vector.shape_cast %get3A_3410 : vector<1x50x50xf32> to vector<50x50xf32>
    %get3A_3412 = arith.constant 0 : index
    %get3A_3413 = arith.constant 0 : index
    %get3A_3414 = vector.load %arg12[%get3A_3412, %get3A_3413] : memref<1x64xf32, #tpu.memory_space<vmem>>, vector<1x64xf32>
    %mul3A_3415 = arith.mulf %div3A_3322, %get3A_3414 : vector<1x64xf32>
    %dot_general3A_3416 = arith.constant dense<0.000000e+00> : vector<1x50xf32>
    %dot_general3A_3417 = tpu.matmul %mul3A_3415, %div3A_3293, %dot_general3A_3416 {dimension_numbers = #tpu.dot_dimension_numbers<[1], [1], [0], [0], [0, 0, 1, 0], [], []>, transpose_lhs_hint = false} : vector<1x64xf32>, vector<50x64xf32>, vector<1x50xf32> -> vector<1x50xf32>
    %get3A_3418 = arith.constant 0 : index
    %get3A_3419 = arith.constant 0 : index
    %get3A_3420 = vector.load %arg13[%get3A_3418, %get3A_3419] : memref<1x64xf32, #tpu.memory_space<vmem>>, vector<1x64xf32>
    %mul3A_3421 = arith.mulf %div3A_3322, %get3A_3420 : vector<1x64xf32>
    %dot_general3A_3422 = arith.constant dense<0.000000e+00> : vector<1x50xf32>
    %dot_general3A_3423 = tpu.matmul %mul3A_3421, %div3A_3293, %dot_general3A_3422 {dimension_numbers = #tpu.dot_dimension_numbers<[1], [1], [0], [0], [0, 0, 1, 0], [], []>, transpose_lhs_hint = false} : vector<1x64xf32>, vector<50x64xf32>, vector<1x50xf32> -> vector<1x50xf32>
    %get3A_3424 = arith.constant 0 : index
    %get3A_3425 = arith.constant 0 : index
    %get3A_3426 = vector.load %arg10[%get3A_3424, %get3A_3425] : memref<1x64xf32, #tpu.memory_space<vmem>>, vector<1x64xf32>
    %mul3A_3427 = vector.broadcast %get3A_3426 : vector<1x64xf32> to vector<50x64xf32>
    %mul3A_3428 = arith.mulf %div3A_3293, %mul3A_3427 : vector<50x64xf32>
    %dot_general3A_3429 = arith.constant dense<0.000000e+00> : vector<50x50xf32>
    %dot_general3A_3430 = tpu.matmul %mul3A_3428, %div3A_3293, %dot_general3A_3429 {dimension_numbers = #tpu.dot_dimension_numbers<[1], [1], [0], [0], [0, 0, 1, 0], [], []>, transpose_lhs_hint = false} : vector<50x64xf32>, vector<50x64xf32>, vector<50x50xf32> -> vector<50x50xf32>
    %add3A_3431 = vector.broadcast %dot_general3A_3417 : vector<1x50xf32> to vector<50x50xf32>
    %add3A_3432 = arith.addf %dot_general3A_3430, %add3A_3431 : vector<50x50xf32>
    %ge3A_3433 = arith.constant 0.000000e+00 : f32
    %ge3A_3434 = vector.broadcast %ge3A_3433 : f32 to vector<50x50xf32>
    %ge3A_3435 = arith.cmpf oge, %add3A_3432, %ge3A_3434 : vector<50x50xf32>
    %mul3A_3436 = arith.constant 2.000000e-01 : f32
    %mul3A_3437 = vector.broadcast %mul3A_3436 : f32 to vector<50x50xf32>
    %mul3A_3438 = arith.mulf %mul3A_3437, %add3A_3432 : vector<50x50xf32>
    %select_n3A_3439 = arith.select %ge3A_3435, %add3A_3432, %mul3A_3438 : vector<50x50xi1>, vector<50x50xf32>
    %get3A_3440 = arith.constant 0 : index
    %get3A_3441 = arith.constant 0 : index
    %get3A_3442 = vector.load %arg11[%get3A_3440, %get3A_3441] : memref<1x64xf32, #tpu.memory_space<vmem>>, vector<1x64xf32>
    %mul3A_3443 = vector.broadcast %get3A_3442 : vector<1x64xf32> to vector<50x64xf32>
    %mul3A_3444 = arith.mulf %div3A_3293, %mul3A_3443 : vector<50x64xf32>
    %dot_general3A_3445 = arith.constant dense<0.000000e+00> : vector<50x50xf32>
    %dot_general3A_3446 = tpu.matmul %mul3A_3444, %div3A_3293, %dot_general3A_3445 {dimension_numbers = #tpu.dot_dimension_numbers<[1], [1], [0], [0], [0, 0, 1, 0], [], []>, transpose_lhs_hint = false} : vector<50x64xf32>, vector<50x64xf32>, vector<50x50xf32> -> vector<50x50xf32>
    %add3A_3447 = vector.broadcast %dot_general3A_3423 : vector<1x50xf32> to vector<50x50xf32>
    %add3A_3448 = arith.addf %dot_general3A_3446, %add3A_3447 : vector<50x50xf32>
    %ge3A_3449 = arith.constant 0.000000e+00 : f32
    %ge3A_3450 = vector.broadcast %ge3A_3449 : f32 to vector<50x50xf32>
    %ge3A_3451 = arith.cmpf oge, %add3A_3448, %ge3A_3450 : vector<50x50xf32>
    %mul3A_3452 = arith.constant 2.000000e-01 : f32
    %mul3A_3453 = vector.broadcast %mul3A_3452 : f32 to vector<50x50xf32>
    %mul3A_3454 = arith.mulf %mul3A_3453, %add3A_3448 : vector<50x50xf32>
    %select_n3A_3455 = arith.select %ge3A_3451, %add3A_3448, %mul3A_3454 : vector<50x50xi1>, vector<50x50xf32>
    %eq3A_3456 = arith.constant 1.000000e+00 : f32
    %eq3A_3457 = vector.broadcast %eq3A_3456 : f32 to vector<50x50xf32>
    %eq3A_3458 = arith.cmpf oeq, %get3A_3411, %eq3A_3457 : vector<50x50xf32>
    %eq3A_3459 = arith.constant 2.000000e+00 : f32
    %eq3A_3460 = vector.broadcast %eq3A_3459 : f32 to vector<50x50xf32>
    %eq3A_3461 = arith.cmpf oeq, %get3A_3411, %eq3A_3460 : vector<50x50xf32>
    %jit3A_3462 = arith.constant -9.000000e+15 : f32
    %broadcast_in_dim3A_3463 = vector.broadcast %jit3A_3462 : f32 to vector<50x50xf32>
    %select_n3A_3464 = arith.select %eq3A_3461, %select_n3A_3455, %broadcast_in_dim3A_3463 : vector<50x50xi1>, vector<50x50xf32>
    %select_n3A_3465 = arith.select %eq3A_3458, %select_n3A_3439, %select_n3A_3464 : vector<50x50xi1>, vector<50x50xf32>
    %reduce_max3A_3466 = arith.constant dense<0xFF800000> : vector<50xf32>
    %reduce_max3A_3467 = vector.multi_reduction <maximumf>, %select_n3A_3465, %reduce_max3A_3466 [1] : vector<50x50xf32> to vector<50xf32>
    %broadcast_in_dim3A_3468 = vector.shape_cast %reduce_max3A_3467 : vector<50xf32> to vector<50x1xf32>
    %sub3A_3469 = vector.broadcast %broadcast_in_dim3A_3468 : vector<50x1xf32> to vector<50x50xf32>
    %sub3A_3470 = arith.subf %select_n3A_3465, %sub3A_3469 : vector<50x50xf32>
    %exp3A_3471 = math.exp %sub3A_3470 : vector<50x50xf32>
    %reduce_sum3A_3472 = arith.constant dense<0.000000e+00> : vector<50xf32>
    %reduce_sum3A_3473 = vector.multi_reduction <add>, %exp3A_3471, %reduce_sum3A_3472 [1] : vector<50x50xf32> to vector<50xf32>
    %broadcast_in_dim3A_3474 = vector.shape_cast %reduce_sum3A_3473 : vector<50xf32> to vector<50x1xf32>
    %div3A_3475 = vector.broadcast %broadcast_in_dim3A_3474 : vector<50x1xf32> to vector<50x50xf32>
    %div3A_3476 = arith.divf %exp3A_3471, %div3A_3475 : vector<50x50xf32>
    %dot_general3A_3477 = arith.constant dense<0.000000e+00> : vector<50x64xf32>
    %dot_general3A_3478 = tpu.matmul %div3A_3476, %div3A_3293, %dot_general3A_3477 {dimension_numbers = #tpu.dot_dimension_numbers<[1], [0], [0], [1], [0, 0, 1, 1], [], []>, transpose_lhs_hint = false} : vector<50x50xf32>, vector<50x64xf32>, vector<50x64xf32> -> vector<50x64xf32>
    %add3A_3479 = arith.addf %dot_general3A_3478, %add3A_3406 : vector<50x64xf32>
    %mul3A_3480 = arith.mulf %dot_general3A_3478, %add3A_3406 : vector<50x64xf32>
    %add3A_3481 = arith.addf %add3A_3479, %mul3A_3480 : vector<50x64xf32>
    %get3A_3482 = arith.constant 12 : index
    %get3A_3483 = arith.constant 0 : index
    %get3A_3484 = arith.constant 0 : index
    %get3A_3485 = vector.load %arg7[%get3A_3482, %get3A_3483, %get3A_3484] : memref<16x50x50xf32, #tpu.memory_space<vmem>>, vector<1x50x50xf32>
    %get3A_3486 = vector.shape_cast %get3A_3485 : vector<1x50x50xf32> to vector<50x50xf32>
    %dot_general3A_3487 = arith.constant dense<0.000000e+00> : vector<50x64xf32>
    %dot_general3A_3488 = tpu.matmul %get3A_3486, %add3A_3481, %dot_general3A_3487 {dimension_numbers = #tpu.dot_dimension_numbers<[1], [0], [0], [1], [0, 0, 1, 1], [], []>, transpose_lhs_hint = false} : vector<50x50xf32>, vector<50x64xf32>, vector<50x64xf32> -> vector<50x64xf32>
    %get3A_3489 = arith.constant 0 : index
    %get3A_3490 = arith.constant 0 : index
    %get3A_3491 = vector.load %arg19[%get3A_3489, %get3A_3490] : memref<51x64xf32, #tpu.memory_space<vmem>>, vector<50x64xf32>
    %add3A_3492 = arith.addf %dot_general3A_3488, %get3A_3491 : vector<50x64xf32>
    %mul3A_3493 = vector.broadcast %get3A_3310 : vector<50x1xf32> to vector<50x64xf32>
    %mul3A_3494 = arith.mulf %add3A_3492, %mul3A_3493 : vector<50x64xf32>
    %reduce_sum3A_3495 = arith.constant dense<0.000000e+00> : vector<64xf32>
    %reduce_sum3A_3496 = vector.multi_reduction <add>, %mul3A_3494, %reduce_sum3A_3495 [0] : vector<50x64xf32> to vector<64xf32>
    %broadcast_in_dim3A_3497 = vector.shape_cast %reduce_sum3A_3496 : vector<64xf32> to vector<1x64xf32>
    %div3A_3498 = vector.broadcast %reduce_sum3A_3315 : f32 to vector<1x64xf32>
    %div3A_3499 = arith.divf %broadcast_in_dim3A_3497, %div3A_3498 : vector<1x64xf32>
    %get3A_3500 = arith.constant 0 : index
    %get3A_3501 = arith.constant 0 : index
    %get3A_3502 = vector.load %arg14[%get3A_3500, %get3A_3501] : memref<64x64xf32, #tpu.memory_space<vmem>>, vector<64x64xf32>
    %dot_general3A_3503 = arith.constant dense<0.000000e+00> : vector<50x64xf32>
    %dot_general3A_3504 = tpu.matmul %add3A_3492, %get3A_3502, %dot_general3A_3503 {dimension_numbers = #tpu.dot_dimension_numbers<[1], [1], [0], [0], [0, 0, 1, 0], [], []>, transpose_lhs_hint = false} : vector<50x64xf32>, vector<64x64xf32>, vector<50x64xf32> -> vector<50x64xf32>
    %get3A_3505 = arith.constant 0 : index
    %get3A_3506 = arith.constant 0 : index
    %get3A_3507 = vector.load %arg15[%get3A_3505, %get3A_3506] : memref<1x64xf32, #tpu.memory_space<vmem>>, vector<1x64xf32>
    %add3A_3508 = vector.broadcast %get3A_3507 : vector<1x64xf32> to vector<50x64xf32>
    %add3A_3509 = arith.addf %dot_general3A_3504, %add3A_3508 : vector<50x64xf32>
    %get3A_3510 = arith.constant 0 : index
    %get3A_3511 = arith.constant 0 : index
    %get3A_3512 = vector.load %arg16[%get3A_3510, %get3A_3511] : memref<64x64xf32, #tpu.memory_space<vmem>>, vector<64x64xf32>
    %dot_general3A_3513 = arith.constant dense<0.000000e+00> : vector<1x64xf32>
    %dot_general3A_3514 = tpu.matmul %div3A_3499, %get3A_3512, %dot_general3A_3513 {dimension_numbers = #tpu.dot_dimension_numbers<[1], [1], [0], [0], [0, 0, 1, 0], [], []>, transpose_lhs_hint = false} : vector<1x64xf32>, vector<64x64xf32>, vector<1x64xf32> -> vector<1x64xf32>
    %get3A_3515 = arith.constant 0 : index
    %get3A_3516 = arith.constant 0 : index
    %get3A_3517 = vector.load %arg17[%get3A_3515, %get3A_3516] : memref<1x64xf32, #tpu.memory_space<vmem>>, vector<1x64xf32>
    %add3A_3518 = arith.addf %dot_general3A_3514, %get3A_3517 : vector<1x64xf32>
    %add3A_3519 = vector.broadcast %add3A_3518 : vector<1x64xf32> to vector<50x64xf32>
    %add3A_3520 = arith.addf %add3A_3509, %add3A_3519 : vector<50x64xf32>
    %logistic3A_3521 = arith.negf %add3A_3520 : vector<50x64xf32>
    %logistic3A_3522 = math.exp %logistic3A_3521 : vector<50x64xf32>
    %logistic3A_3523 = arith.constant 1.000000e+00 : f32
    %logistic3A_3524 = vector.broadcast %logistic3A_3523 : f32 to vector<50x64xf32>
    %logistic3A_3525 = arith.addf %logistic3A_3524, %logistic3A_3522 : vector<50x64xf32>
    %logistic3A_3526 = arith.divf %logistic3A_3524, %logistic3A_3525 : vector<50x64xf32>
    %get3A_3527 = arith.constant 0 : index
    %get3A_3528 = arith.constant 0 : index
    %get3A_3529 = vector.load %arg18[%get3A_3527, %get3A_3528] : memref<1x64xf32, #tpu.memory_space<vmem>>, vector<1x64xf32>
    %dot_general3A_3530 = arith.constant dense<0.000000e+00> : vector<50x1xf32>
    %dot_general3A_3531 = tpu.matmul %logistic3A_3526, %get3A_3529, %dot_general3A_3530 {dimension_numbers = #tpu.dot_dimension_numbers<[1], [1], [0], [0], [0, 0, 1, 0], [], []>, transpose_lhs_hint = false} : vector<50x64xf32>, vector<1x64xf32>, vector<50x1xf32> -> vector<50x1xf32>
    %mul3A_3532 = vector.broadcast %dot_general3A_3531 : vector<50x1xf32> to vector<50x64xf32>
    %mul3A_3533 = arith.mulf %mul3A_3532, %dot_general3A_3488 : vector<50x64xf32>
    %mul3A_3534 = vector.broadcast %get3A_3310 : vector<50x1xf32> to vector<50x64xf32>
    %mul3A_3535 = arith.mulf %mul3A_3533, %mul3A_3534 : vector<50x64xf32>
    %reduce_sum3A_3536 = arith.constant dense<0.000000e+00> : vector<64xf32>
    %reduce_sum3A_3537 = vector.multi_reduction <add>, %mul3A_3535, %reduce_sum3A_3536 [0] : vector<50x64xf32> to vector<64xf32>
    %broadcast_in_dim3A_3538 = vector.shape_cast %reduce_sum3A_3537 : vector<64xf32> to vector<1x64xf32>
    %get3A_3539 = arith.constant 50 : index
    %get3A_3540 = arith.constant 0 : index
    %get3A_3541 = vector.load %arg19[%get3A_3539, %get3A_3540] : memref<51x64xf32, #tpu.memory_space<vmem>>, vector<1x64xf32>
    %mul3A_3542 = vector.broadcast %get3A_3310 : vector<50x1xf32> to vector<50x64xf32>
    %mul3A_3543 = arith.mulf %get3A_3491, %mul3A_3542 : vector<50x64xf32>
    %reduce_sum3A_3544 = arith.constant dense<0.000000e+00> : vector<64xf32>
    %reduce_sum3A_3545 = vector.multi_reduction <add>, %mul3A_3543, %reduce_sum3A_3544 [0] : vector<50x64xf32> to vector<64xf32>
    %broadcast_in_dim3A_3546 = vector.shape_cast %reduce_sum3A_3545 : vector<64xf32> to vector<1x64xf32>
    %div3A_3547 = vector.broadcast %reduce_sum3A_3315 : f32 to vector<1x64xf32>
    %div3A_3548 = arith.divf %broadcast_in_dim3A_3546, %div3A_3547 : vector<1x64xf32>
    %mul3A_3549 = arith.mulf %get3A_3541, %div3A_3548 : vector<1x64xf32>
    %add3A_3550 = arith.addf %broadcast_in_dim3A_3538, %mul3A_3549 : vector<1x64xf32>
    %swap3A_3551 = arith.constant 12 : index
    %swap3A_3552 = arith.constant 0 : index
    %swap3A_3553 = arith.constant 0 : index
    %swap3A_3554 = vector.load %arg20[%swap3A_3551, %swap3A_3552, %swap3A_3553] : memref<16x1x64xf32, #tpu.memory_space<vmem>>, vector<1x1x64xf32>
    %swap3A_3555 = vector.shape_cast %swap3A_3554 : vector<1x1x64xf32> to vector<1x64xf32>
    %swap3A_3556 = vector.shape_cast %add3A_3550 : vector<1x64xf32> to vector<1x1x64xf32>
    tpu.vector_store %arg20[%swap3A_3551, %swap3A_3552, %swap3A_3553], %swap3A_3556 {strides = array<i32>} : memref<16x1x64xf32, #tpu.memory_space<vmem>>, vector<1x1x64xf32>,
    %get3A_3557 = arith.constant 13 : index
    %get3A_3558 = arith.constant 0 : index
    %get3A_3559 = arith.constant 0 : index
    %get3A_3560 = vector.load %arg1[%get3A_3557, %get3A_3558, %get3A_3559] : memref<16x50x64xf32, #tpu.memory_space<vmem>>, vector<1x50x64xf32>
    %get3A_3561 = vector.shape_cast %get3A_3560 : vector<1x50x64xf32> to vector<50x64xf32>
    %mul3A_3562 = arith.mulf %get3A_3561, %get3A_3561 : vector<50x64xf32>
    %reduce_sum3A_3563 = arith.constant dense<0.000000e+00> : vector<50xf32>
    %reduce_sum3A_3564 = vector.multi_reduction <add>, %mul3A_3562, %reduce_sum3A_3563 [1] : vector<50x64xf32> to vector<50xf32>
    %broadcast_in_dim3A_3565 = vector.shape_cast %reduce_sum3A_3564 : vector<50xf32> to vector<50x1xf32>
    %sqrt3A_3566 = math.sqrt %broadcast_in_dim3A_3565 : vector<50x1xf32>
    %div3A_3567 = vector.broadcast %sqrt3A_3566 : vector<50x1xf32> to vector<50x64xf32>
    %div3A_3568 = arith.divf %get3A_3561, %div3A_3567 : vector<50x64xf32>
    %get3A_3569 = arith.constant 13 : index
    %get3A_3570 = arith.constant 0 : index
    %get3A_3571 = arith.constant 0 : index
    %get3A_3572 = vector.load %arg2[%get3A_3569, %get3A_3570, %get3A_3571] : memref<16x50x64xf32, #tpu.memory_space<vmem>>, vector<1x50x64xf32>
    %get3A_3573 = vector.shape_cast %get3A_3572 : vector<1x50x64xf32> to vector<50x64xf32>
    %mul3A_3574 = arith.mulf %get3A_3573, %get3A_3573 : vector<50x64xf32>
    %reduce_sum3A_3575 = arith.constant dense<0.000000e+00> : vector<50xf32>
    %reduce_sum3A_3576 = vector.multi_reduction <add>, %mul3A_3574, %reduce_sum3A_3575 [1] : vector<50x64xf32> to vector<50xf32>
    %broadcast_in_dim3A_3577 = vector.shape_cast %reduce_sum3A_3576 : vector<50xf32> to vector<50x1xf32>
    %sqrt3A_3578 = math.sqrt %broadcast_in_dim3A_3577 : vector<50x1xf32>
    %div3A_3579 = vector.broadcast %sqrt3A_3578 : vector<50x1xf32> to vector<50x64xf32>
    %div3A_3580 = arith.divf %get3A_3573, %div3A_3579 : vector<50x64xf32>
    %get3A_3581 = arith.constant 13 : index
    %get3A_3582 = arith.constant 0 : index
    %get3A_3583 = arith.constant 0 : index
    %get3A_3584 = vector.load %arg8[%get3A_3581, %get3A_3582, %get3A_3583] : memref<16x50x1xf32, #tpu.memory_space<vmem>>, vector<1x50x1xf32>
    %get3A_3585 = vector.shape_cast %get3A_3584 : vector<1x50x1xf32> to vector<50x1xf32>
    %reduce_sum3A_3586 = vector.shape_cast %get3A_3585 : vector<50x1xf32> to vector<1x50x1xf32>
    %reduce_sum3A_3587 = arith.constant dense<0.000000e+00> : vector<1xf32>
    %reduce_sum3A_3588 = vector.multi_reduction <add>, %reduce_sum3A_3586, %reduce_sum3A_3587 [1, 2] : vector<1x50x1xf32> to vector<1xf32>
    %reduce_sum3A_3589 = vector.shape_cast %reduce_sum3A_3588 : vector<1xf32> to vector<1x1x1xf32>
    %reduce_sum3A_3590 = vector.extract %reduce_sum3A_3589[0, 0, 0] : f32 from vector<1x1x1xf32>
    %mul3A_3591 = vector.broadcast %get3A_3585 : vector<50x1xf32> to vector<50x64xf32>
    %mul3A_3592 = arith.mulf %div3A_3580, %mul3A_3591 : vector<50x64xf32>
    %reduce_sum3A_3593 = arith.constant dense<0.000000e+00> : vector<64xf32>
    %reduce_sum3A_3594 = vector.multi_reduction <add>, %mul3A_3592, %reduce_sum3A_3593 [0] : vector<50x64xf32> to vector<64xf32>
    %broadcast_in_dim3A_3595 = vector.shape_cast %reduce_sum3A_3594 : vector<64xf32> to vector<1x64xf32>
    %div3A_3596 = vector.broadcast %reduce_sum3A_3590 : f32 to vector<1x64xf32>
    %div3A_3597 = arith.divf %broadcast_in_dim3A_3595, %div3A_3596 : vector<1x64xf32>
    %get3A_3598 = arith.constant 0 : index
    %get3A_3599 = arith.constant 0 : index
    %get3A_3600 = vector.load %arg9[%get3A_3598, %get3A_3599] : memref<1x64xf32, #tpu.memory_space<vmem>>, vector<1x64xf32>
    %get3A_3601 = arith.constant 13 : index
    %get3A_3602 = arith.constant 0 : index
    %get3A_3603 = arith.constant 0 : index
    %get3A_3604 = vector.load %arg3[%get3A_3601, %get3A_3602, %get3A_3603] : memref<16x50x64xf32, #tpu.memory_space<vmem>>, vector<1x50x64xf32>
    %get3A_3605 = vector.shape_cast %get3A_3604 : vector<1x50x64xf32> to vector<50x64xf32>
    %get3A_3606 = arith.constant 13 : index
    %get3A_3607 = arith.constant 0 : index
    %get3A_3608 = arith.constant 0 : index
    %get3A_3609 = vector.load %arg4[%get3A_3606, %get3A_3607, %get3A_3608] : memref<16x50x64xf32, #tpu.memory_space<vmem>>, vector<1x50x64xf32>
    %get3A_3610 = vector.shape_cast %get3A_3609 : vector<1x50x64xf32> to vector<50x64xf32>
    %get3A_3611 = arith.constant 13 : index
    %get3A_3612 = arith.constant 0 : index
    %get3A_3613 = arith.constant 0 : index
    %get3A_3614 = vector.load %arg5[%get3A_3611, %get3A_3612, %get3A_3613] : memref<16x50x64xf32, #tpu.memory_space<vmem>>, vector<1x50x64xf32>
    %get3A_3615 = vector.shape_cast %get3A_3614 : vector<1x50x64xf32> to vector<50x64xf32>
    %mul3A_3616 = arith.mulf %div3A_3568, %get3A_3605 : vector<50x64xf32>
    %mul3A_3617 = vector.broadcast %get3A_3600 : vector<1x64xf32> to vector<50x64xf32>
    %mul3A_3618 = arith.mulf %mul3A_3616, %mul3A_3617 : vector<50x64xf32>
    %reduce_sum3A_3619 = arith.constant dense<0.000000e+00> : vector<50xf32>
    %reduce_sum3A_3620 = vector.multi_reduction <add>, %mul3A_3618, %reduce_sum3A_3619 [1] : vector<50x64xf32> to vector<50xf32>
    %broadcast_in_dim3A_3621 = vector.shape_cast %reduce_sum3A_3620 : vector<50xf32> to vector<50x1xf32>
    %ge3A_3622 = arith.constant 0.000000e+00 : f32
    %ge3A_3623 = vector.broadcast %ge3A_3622 : f32 to vector<50x1xf32>
    %ge3A_3624 = arith.cmpf oge, %broadcast_in_dim3A_3621, %ge3A_3623 : vector<50x1xf32>
    %mul3A_3625 = arith.constant 2.000000e-01 : f32
    %mul3A_3626 = vector.broadcast %mul3A_3625 : f32 to vector<50x1xf32>
    %mul3A_3627 = arith.mulf %mul3A_3626, %broadcast_in_dim3A_3621 : vector<50x1xf32>
    %select_n3A_3628 = arith.select %ge3A_3624, %broadcast_in_dim3A_3621, %mul3A_3627 : vector<50x1xi1>, vector<50x1xf32>
    %mul3A_3629 = arith.mulf %div3A_3568, %get3A_3610 : vector<50x64xf32>
    %mul3A_3630 = vector.broadcast %get3A_3600 : vector<1x64xf32> to vector<50x64xf32>
    %mul3A_3631 = arith.mulf %mul3A_3629, %mul3A_3630 : vector<50x64xf32>
    %reduce_sum3A_3632 = arith.constant dense<0.000000e+00> : vector<50xf32>
    %reduce_sum3A_3633 = vector.multi_reduction <add>, %mul3A_3631, %reduce_sum3A_3632 [1] : vector<50x64xf32> to vector<50xf32>
    %broadcast_in_dim3A_3634 = vector.shape_cast %reduce_sum3A_3633 : vector<50xf32> to vector<50x1xf32>
    %ge3A_3635 = arith.constant 0.000000e+00 : f32
    %ge3A_3636 = vector.broadcast %ge3A_3635 : f32 to vector<50x1xf32>
    %ge3A_3637 = arith.cmpf oge, %broadcast_in_dim3A_3634, %ge3A_3636 : vector<50x1xf32>
    %mul3A_3638 = arith.constant 2.000000e-01 : f32
    %mul3A_3639 = vector.broadcast %mul3A_3638 : f32 to vector<50x1xf32>
    %mul3A_3640 = arith.mulf %mul3A_3639, %broadcast_in_dim3A_3634 : vector<50x1xf32>
    %select_n3A_3641 = arith.select %ge3A_3637, %broadcast_in_dim3A_3634, %mul3A_3640 : vector<50x1xi1>, vector<50x1xf32>
    %mul3A_3642 = arith.mulf %div3A_3568, %get3A_3615 : vector<50x64xf32>
    %mul3A_3643 = vector.broadcast %get3A_3600 : vector<1x64xf32> to vector<50x64xf32>
    %mul3A_3644 = arith.mulf %mul3A_3642, %mul3A_3643 : vector<50x64xf32>
    %reduce_sum3A_3645 = arith.constant dense<0.000000e+00> : vector<50xf32>
    %reduce_sum3A_3646 = vector.multi_reduction <add>, %mul3A_3644, %reduce_sum3A_3645 [1] : vector<50x64xf32> to vector<50xf32>
    %broadcast_in_dim3A_3647 = vector.shape_cast %reduce_sum3A_3646 : vector<50xf32> to vector<50x1xf32>
    %ge3A_3648 = arith.constant 0.000000e+00 : f32
    %ge3A_3649 = vector.broadcast %ge3A_3648 : f32 to vector<50x1xf32>
    %ge3A_3650 = arith.cmpf oge, %broadcast_in_dim3A_3647, %ge3A_3649 : vector<50x1xf32>
    %mul3A_3651 = arith.constant 2.000000e-01 : f32
    %mul3A_3652 = vector.broadcast %mul3A_3651 : f32 to vector<50x1xf32>
    %mul3A_3653 = arith.mulf %mul3A_3652, %broadcast_in_dim3A_3647 : vector<50x1xf32>
    %select_n3A_3654 = arith.select %ge3A_3650, %broadcast_in_dim3A_3647, %mul3A_3653 : vector<50x1xi1>, vector<50x1xf32>
    %max3A_3655 = arith.maximumf %select_n3A_3641, %select_n3A_3654 : vector<50x1xf32>
    %max3A_3656 = arith.maximumf %select_n3A_3628, %max3A_3655 : vector<50x1xf32>
    %sub3A_3657 = arith.subf %select_n3A_3628, %max3A_3656 : vector<50x1xf32>
    %exp3A_3658 = math.exp %sub3A_3657 : vector<50x1xf32>
    %sub3A_3659 = arith.subf %select_n3A_3641, %max3A_3656 : vector<50x1xf32>
    %exp3A_3660 = math.exp %sub3A_3659 : vector<50x1xf32>
    %sub3A_3661 = arith.subf %select_n3A_3654, %max3A_3656 : vector<50x1xf32>
    %exp3A_3662 = math.exp %sub3A_3661 : vector<50x1xf32>
    %add3A_3663 = arith.addf %exp3A_3658, %exp3A_3660 : vector<50x1xf32>
    %add3A_3664 = arith.addf %add3A_3663, %exp3A_3662 : vector<50x1xf32>
    %mul3A_3665 = vector.broadcast %exp3A_3658 : vector<50x1xf32> to vector<50x64xf32>
    %mul3A_3666 = arith.mulf %mul3A_3665, %get3A_3605 : vector<50x64xf32>
    %mul3A_3667 = vector.broadcast %exp3A_3660 : vector<50x1xf32> to vector<50x64xf32>
    %mul3A_3668 = arith.mulf %mul3A_3667, %get3A_3610 : vector<50x64xf32>
    %add3A_3669 = arith.addf %mul3A_3666, %mul3A_3668 : vector<50x64xf32>
    %mul3A_3670 = vector.broadcast %exp3A_3662 : vector<50x1xf32> to vector<50x64xf32>
    %mul3A_3671 = arith.mulf %mul3A_3670, %get3A_3615 : vector<50x64xf32>
    %add3A_3672 = arith.addf %add3A_3669, %mul3A_3671 : vector<50x64xf32>
    %div3A_3673 = vector.broadcast %add3A_3664 : vector<50x1xf32> to vector<50x64xf32>
    %div3A_3674 = arith.divf %add3A_3672, %div3A_3673 : vector<50x64xf32>
    %mul3A_3675 = arith.constant 5.000000e-01 : f32
    %mul3A_3676 = vector.broadcast %mul3A_3675 : f32 to vector<50x64xf32>
    %mul3A_3677 = arith.mulf %mul3A_3676, %div3A_3568 : vector<50x64xf32>
    %mul3A_3678 = arith.constant 5.000000e-01 : f32
    %mul3A_3679 = vector.broadcast %mul3A_3678 : f32 to vector<50x64xf32>
    %mul3A_3680 = arith.mulf %mul3A_3679, %div3A_3674 : vector<50x64xf32>
    %add3A_3681 = arith.addf %mul3A_3677, %mul3A_3680 : vector<50x64xf32>
    %get3A_3682 = arith.constant 13 : index
    %get3A_3683 = arith.constant 0 : index
    %get3A_3684 = arith.constant 0 : index
    %get3A_3685 = vector.load %arg6[%get3A_3682, %get3A_3683, %get3A_3684] : memref<16x50x50xf32, #tpu.memory_space<vmem>>, vector<1x50x50xf32>
    %get3A_3686 = vector.shape_cast %get3A_3685 : vector<1x50x50xf32> to vector<50x50xf32>
    %get3A_3687 = arith.constant 0 : index
    %get3A_3688 = arith.constant 0 : index
    %get3A_3689 = vector.load %arg12[%get3A_3687, %get3A_3688] : memref<1x64xf32, #tpu.memory_space<vmem>>, vector<1x64xf32>
    %mul3A_3690 = arith.mulf %div3A_3597, %get3A_3689 : vector<1x64xf32>
    %dot_general3A_3691 = arith.constant dense<0.000000e+00> : vector<1x50xf32>
    %dot_general3A_3692 = tpu.matmul %mul3A_3690, %div3A_3568, %dot_general3A_3691 {dimension_numbers = #tpu.dot_dimension_numbers<[1], [1], [0], [0], [0, 0, 1, 0], [], []>, transpose_lhs_hint = false} : vector<1x64xf32>, vector<50x64xf32>, vector<1x50xf32> -> vector<1x50xf32>
    %get3A_3693 = arith.constant 0 : index
    %get3A_3694 = arith.constant 0 : index
    %get3A_3695 = vector.load %arg13[%get3A_3693, %get3A_3694] : memref<1x64xf32, #tpu.memory_space<vmem>>, vector<1x64xf32>
    %mul3A_3696 = arith.mulf %div3A_3597, %get3A_3695 : vector<1x64xf32>
    %dot_general3A_3697 = arith.constant dense<0.000000e+00> : vector<1x50xf32>
    %dot_general3A_3698 = tpu.matmul %mul3A_3696, %div3A_3568, %dot_general3A_3697 {dimension_numbers = #tpu.dot_dimension_numbers<[1], [1], [0], [0], [0, 0, 1, 0], [], []>, transpose_lhs_hint = false} : vector<1x64xf32>, vector<50x64xf32>, vector<1x50xf32> -> vector<1x50xf32>
    %get3A_3699 = arith.constant 0 : index
    %get3A_3700 = arith.constant 0 : index
    %get3A_3701 = vector.load %arg10[%get3A_3699, %get3A_3700] : memref<1x64xf32, #tpu.memory_space<vmem>>, vector<1x64xf32>
    %mul3A_3702 = vector.broadcast %get3A_3701 : vector<1x64xf32> to vector<50x64xf32>
    %mul3A_3703 = arith.mulf %div3A_3568, %mul3A_3702 : vector<50x64xf32>
    %dot_general3A_3704 = arith.constant dense<0.000000e+00> : vector<50x50xf32>
    %dot_general3A_3705 = tpu.matmul %mul3A_3703, %div3A_3568, %dot_general3A_3704 {dimension_numbers = #tpu.dot_dimension_numbers<[1], [1], [0], [0], [0, 0, 1, 0], [], []>, transpose_lhs_hint = false} : vector<50x64xf32>, vector<50x64xf32>, vector<50x50xf32> -> vector<50x50xf32>
    %add3A_3706 = vector.broadcast %dot_general3A_3692 : vector<1x50xf32> to vector<50x50xf32>
    %add3A_3707 = arith.addf %dot_general3A_3705, %add3A_3706 : vector<50x50xf32>
    %ge3A_3708 = arith.constant 0.000000e+00 : f32
    %ge3A_3709 = vector.broadcast %ge3A_3708 : f32 to vector<50x50xf32>
    %ge3A_3710 = arith.cmpf oge, %add3A_3707, %ge3A_3709 : vector<50x50xf32>
    %mul3A_3711 = arith.constant 2.000000e-01 : f32
    %mul3A_3712 = vector.broadcast %mul3A_3711 : f32 to vector<50x50xf32>
    %mul3A_3713 = arith.mulf %mul3A_3712, %add3A_3707 : vector<50x50xf32>
    %select_n3A_3714 = arith.select %ge3A_3710, %add3A_3707, %mul3A_3713 : vector<50x50xi1>, vector<50x50xf32>
    %get3A_3715 = arith.constant 0 : index
    %get3A_3716 = arith.constant 0 : index
    %get3A_3717 = vector.load %arg11[%get3A_3715, %get3A_3716] : memref<1x64xf32, #tpu.memory_space<vmem>>, vector<1x64xf32>
    %mul3A_3718 = vector.broadcast %get3A_3717 : vector<1x64xf32> to vector<50x64xf32>
    %mul3A_3719 = arith.mulf %div3A_3568, %mul3A_3718 : vector<50x64xf32>
    %dot_general3A_3720 = arith.constant dense<0.000000e+00> : vector<50x50xf32>
    %dot_general3A_3721 = tpu.matmul %mul3A_3719, %div3A_3568, %dot_general3A_3720 {dimension_numbers = #tpu.dot_dimension_numbers<[1], [1], [0], [0], [0, 0, 1, 0], [], []>, transpose_lhs_hint = false} : vector<50x64xf32>, vector<50x64xf32>, vector<50x50xf32> -> vector<50x50xf32>
    %add3A_3722 = vector.broadcast %dot_general3A_3698 : vector<1x50xf32> to vector<50x50xf32>
    %add3A_3723 = arith.addf %dot_general3A_3721, %add3A_3722 : vector<50x50xf32>
    %ge3A_3724 = arith.constant 0.000000e+00 : f32
    %ge3A_3725 = vector.broadcast %ge3A_3724 : f32 to vector<50x50xf32>
    %ge3A_3726 = arith.cmpf oge, %add3A_3723, %ge3A_3725 : vector<50x50xf32>
    %mul3A_3727 = arith.constant 2.000000e-01 : f32
    %mul3A_3728 = vector.broadcast %mul3A_3727 : f32 to vector<50x50xf32>
    %mul3A_3729 = arith.mulf %mul3A_3728, %add3A_3723 : vector<50x50xf32>
    %select_n3A_3730 = arith.select %ge3A_3726, %add3A_3723, %mul3A_3729 : vector<50x50xi1>, vector<50x50xf32>
    %eq3A_3731 = arith.constant 1.000000e+00 : f32
    %eq3A_3732 = vector.broadcast %eq3A_3731 : f32 to vector<50x50xf32>
    %eq3A_3733 = arith.cmpf oeq, %get3A_3686, %eq3A_3732 : vector<50x50xf32>
    %eq3A_3734 = arith.constant 2.000000e+00 : f32
    %eq3A_3735 = vector.broadcast %eq3A_3734 : f32 to vector<50x50xf32>
    %eq3A_3736 = arith.cmpf oeq, %get3A_3686, %eq3A_3735 : vector<50x50xf32>
    %jit3A_3737 = arith.constant -9.000000e+15 : f32
    %broadcast_in_dim3A_3738 = vector.broadcast %jit3A_3737 : f32 to vector<50x50xf32>
    %select_n3A_3739 = arith.select %eq3A_3736, %select_n3A_3730, %broadcast_in_dim3A_3738 : vector<50x50xi1>, vector<50x50xf32>
    %select_n3A_3740 = arith.select %eq3A_3733, %select_n3A_3714, %select_n3A_3739 : vector<50x50xi1>, vector<50x50xf32>
    %reduce_max3A_3741 = arith.constant dense<0xFF800000> : vector<50xf32>
    %reduce_max3A_3742 = vector.multi_reduction <maximumf>, %select_n3A_3740, %reduce_max3A_3741 [1] : vector<50x50xf32> to vector<50xf32>
    %broadcast_in_dim3A_3743 = vector.shape_cast %reduce_max3A_3742 : vector<50xf32> to vector<50x1xf32>
    %sub3A_3744 = vector.broadcast %broadcast_in_dim3A_3743 : vector<50x1xf32> to vector<50x50xf32>
    %sub3A_3745 = arith.subf %select_n3A_3740, %sub3A_3744 : vector<50x50xf32>
    %exp3A_3746 = math.exp %sub3A_3745 : vector<50x50xf32>
    %reduce_sum3A_3747 = arith.constant dense<0.000000e+00> : vector<50xf32>
    %reduce_sum3A_3748 = vector.multi_reduction <add>, %exp3A_3746, %reduce_sum3A_3747 [1] : vector<50x50xf32> to vector<50xf32>
    %broadcast_in_dim3A_3749 = vector.shape_cast %reduce_sum3A_3748 : vector<50xf32> to vector<50x1xf32>
    %div3A_3750 = vector.broadcast %broadcast_in_dim3A_3749 : vector<50x1xf32> to vector<50x50xf32>
    %div3A_3751 = arith.divf %exp3A_3746, %div3A_3750 : vector<50x50xf32>
    %dot_general3A_3752 = arith.constant dense<0.000000e+00> : vector<50x64xf32>
    %dot_general3A_3753 = tpu.matmul %div3A_3751, %div3A_3568, %dot_general3A_3752 {dimension_numbers = #tpu.dot_dimension_numbers<[1], [0], [0], [1], [0, 0, 1, 1], [], []>, transpose_lhs_hint = false} : vector<50x50xf32>, vector<50x64xf32>, vector<50x64xf32> -> vector<50x64xf32>
    %add3A_3754 = arith.addf %dot_general3A_3753, %add3A_3681 : vector<50x64xf32>
    %mul3A_3755 = arith.mulf %dot_general3A_3753, %add3A_3681 : vector<50x64xf32>
    %add3A_3756 = arith.addf %add3A_3754, %mul3A_3755 : vector<50x64xf32>
    %get3A_3757 = arith.constant 13 : index
    %get3A_3758 = arith.constant 0 : index
    %get3A_3759 = arith.constant 0 : index
    %get3A_3760 = vector.load %arg7[%get3A_3757, %get3A_3758, %get3A_3759] : memref<16x50x50xf32, #tpu.memory_space<vmem>>, vector<1x50x50xf32>
    %get3A_3761 = vector.shape_cast %get3A_3760 : vector<1x50x50xf32> to vector<50x50xf32>
    %dot_general3A_3762 = arith.constant dense<0.000000e+00> : vector<50x64xf32>
    %dot_general3A_3763 = tpu.matmul %get3A_3761, %add3A_3756, %dot_general3A_3762 {dimension_numbers = #tpu.dot_dimension_numbers<[1], [0], [0], [1], [0, 0, 1, 1], [], []>, transpose_lhs_hint = false} : vector<50x50xf32>, vector<50x64xf32>, vector<50x64xf32> -> vector<50x64xf32>
    %get3A_3764 = arith.constant 0 : index
    %get3A_3765 = arith.constant 0 : index
    %get3A_3766 = vector.load %arg19[%get3A_3764, %get3A_3765] : memref<51x64xf32, #tpu.memory_space<vmem>>, vector<50x64xf32>
    %add3A_3767 = arith.addf %dot_general3A_3763, %get3A_3766 : vector<50x64xf32>
    %mul3A_3768 = vector.broadcast %get3A_3585 : vector<50x1xf32> to vector<50x64xf32>
    %mul3A_3769 = arith.mulf %add3A_3767, %mul3A_3768 : vector<50x64xf32>
    %reduce_sum3A_3770 = arith.constant dense<0.000000e+00> : vector<64xf32>
    %reduce_sum3A_3771 = vector.multi_reduction <add>, %mul3A_3769, %reduce_sum3A_3770 [0] : vector<50x64xf32> to vector<64xf32>
    %broadcast_in_dim3A_3772 = vector.shape_cast %reduce_sum3A_3771 : vector<64xf32> to vector<1x64xf32>
    %div3A_3773 = vector.broadcast %reduce_sum3A_3590 : f32 to vector<1x64xf32>
    %div3A_3774 = arith.divf %broadcast_in_dim3A_3772, %div3A_3773 : vector<1x64xf32>
    %get3A_3775 = arith.constant 0 : index
    %get3A_3776 = arith.constant 0 : index
    %get3A_3777 = vector.load %arg14[%get3A_3775, %get3A_3776] : memref<64x64xf32, #tpu.memory_space<vmem>>, vector<64x64xf32>
    %dot_general3A_3778 = arith.constant dense<0.000000e+00> : vector<50x64xf32>
    %dot_general3A_3779 = tpu.matmul %add3A_3767, %get3A_3777, %dot_general3A_3778 {dimension_numbers = #tpu.dot_dimension_numbers<[1], [1], [0], [0], [0, 0, 1, 0], [], []>, transpose_lhs_hint = false} : vector<50x64xf32>, vector<64x64xf32>, vector<50x64xf32> -> vector<50x64xf32>
    %get3A_3780 = arith.constant 0 : index
    %get3A_3781 = arith.constant 0 : index
    %get3A_3782 = vector.load %arg15[%get3A_3780, %get3A_3781] : memref<1x64xf32, #tpu.memory_space<vmem>>, vector<1x64xf32>
    %add3A_3783 = vector.broadcast %get3A_3782 : vector<1x64xf32> to vector<50x64xf32>
    %add3A_3784 = arith.addf %dot_general3A_3779, %add3A_3783 : vector<50x64xf32>
    %get3A_3785 = arith.constant 0 : index
    %get3A_3786 = arith.constant 0 : index
    %get3A_3787 = vector.load %arg16[%get3A_3785, %get3A_3786] : memref<64x64xf32, #tpu.memory_space<vmem>>, vector<64x64xf32>
    %dot_general3A_3788 = arith.constant dense<0.000000e+00> : vector<1x64xf32>
    %dot_general3A_3789 = tpu.matmul %div3A_3774, %get3A_3787, %dot_general3A_3788 {dimension_numbers = #tpu.dot_dimension_numbers<[1], [1], [0], [0], [0, 0, 1, 0], [], []>, transpose_lhs_hint = false} : vector<1x64xf32>, vector<64x64xf32>, vector<1x64xf32> -> vector<1x64xf32>
    %get3A_3790 = arith.constant 0 : index
    %get3A_3791 = arith.constant 0 : index
    %get3A_3792 = vector.load %arg17[%get3A_3790, %get3A_3791] : memref<1x64xf32, #tpu.memory_space<vmem>>, vector<1x64xf32>
    %add3A_3793 = arith.addf %dot_general3A_3789, %get3A_3792 : vector<1x64xf32>
    %add3A_3794 = vector.broadcast %add3A_3793 : vector<1x64xf32> to vector<50x64xf32>
    %add3A_3795 = arith.addf %add3A_3784, %add3A_3794 : vector<50x64xf32>
    %logistic3A_3796 = arith.negf %add3A_3795 : vector<50x64xf32>
    %logistic3A_3797 = math.exp %logistic3A_3796 : vector<50x64xf32>
    %logistic3A_3798 = arith.constant 1.000000e+00 : f32
    %logistic3A_3799 = vector.broadcast %logistic3A_3798 : f32 to vector<50x64xf32>
    %logistic3A_3800 = arith.addf %logistic3A_3799, %logistic3A_3797 : vector<50x64xf32>
    %logistic3A_3801 = arith.divf %logistic3A_3799, %logistic3A_3800 : vector<50x64xf32>
    %get3A_3802 = arith.constant 0 : index
    %get3A_3803 = arith.constant 0 : index
    %get3A_3804 = vector.load %arg18[%get3A_3802, %get3A_3803] : memref<1x64xf32, #tpu.memory_space<vmem>>, vector<1x64xf32>
    %dot_general3A_3805 = arith.constant dense<0.000000e+00> : vector<50x1xf32>
    %dot_general3A_3806 = tpu.matmul %logistic3A_3801, %get3A_3804, %dot_general3A_3805 {dimension_numbers = #tpu.dot_dimension_numbers<[1], [1], [0], [0], [0, 0, 1, 0], [], []>, transpose_lhs_hint = false} : vector<50x64xf32>, vector<1x64xf32>, vector<50x1xf32> -> vector<50x1xf32>
    %mul3A_3807 = vector.broadcast %dot_general3A_3806 : vector<50x1xf32> to vector<50x64xf32>
    %mul3A_3808 = arith.mulf %mul3A_3807, %dot_general3A_3763 : vector<50x64xf32>
    %mul3A_3809 = vector.broadcast %get3A_3585 : vector<50x1xf32> to vector<50x64xf32>
    %mul3A_3810 = arith.mulf %mul3A_3808, %mul3A_3809 : vector<50x64xf32>
    %reduce_sum3A_3811 = arith.constant dense<0.000000e+00> : vector<64xf32>
    %reduce_sum3A_3812 = vector.multi_reduction <add>, %mul3A_3810, %reduce_sum3A_3811 [0] : vector<50x64xf32> to vector<64xf32>
    %broadcast_in_dim3A_3813 = vector.shape_cast %reduce_sum3A_3812 : vector<64xf32> to vector<1x64xf32>
    %get3A_3814 = arith.constant 50 : index
    %get3A_3815 = arith.constant 0 : index
    %get3A_3816 = vector.load %arg19[%get3A_3814, %get3A_3815] : memref<51x64xf32, #tpu.memory_space<vmem>>, vector<1x64xf32>
    %mul3A_3817 = vector.broadcast %get3A_3585 : vector<50x1xf32> to vector<50x64xf32>
    %mul3A_3818 = arith.mulf %get3A_3766, %mul3A_3817 : vector<50x64xf32>
    %reduce_sum3A_3819 = arith.constant dense<0.000000e+00> : vector<64xf32>
    %reduce_sum3A_3820 = vector.multi_reduction <add>, %mul3A_3818, %reduce_sum3A_3819 [0] : vector<50x64xf32> to vector<64xf32>
    %broadcast_in_dim3A_3821 = vector.shape_cast %reduce_sum3A_3820 : vector<64xf32> to vector<1x64xf32>
    %div3A_3822 = vector.broadcast %reduce_sum3A_3590 : f32 to vector<1x64xf32>
    %div3A_3823 = arith.divf %broadcast_in_dim3A_3821, %div3A_3822 : vector<1x64xf32>
    %mul3A_3824 = arith.mulf %get3A_3816, %div3A_3823 : vector<1x64xf32>
    %add3A_3825 = arith.addf %broadcast_in_dim3A_3813, %mul3A_3824 : vector<1x64xf32>
    %swap3A_3826 = arith.constant 13 : index
    %swap3A_3827 = arith.constant 0 : index
    %swap3A_3828 = arith.constant 0 : index
    %swap3A_3829 = vector.load %arg20[%swap3A_3826, %swap3A_3827, %swap3A_3828] : memref<16x1x64xf32, #tpu.memory_space<vmem>>, vector<1x1x64xf32>
    %swap3A_3830 = vector.shape_cast %swap3A_3829 : vector<1x1x64xf32> to vector<1x64xf32>
    %swap3A_3831 = vector.shape_cast %add3A_3825 : vector<1x64xf32> to vector<1x1x64xf32>
    tpu.vector_store %arg20[%swap3A_3826, %swap3A_3827, %swap3A_3828], %swap3A_3831 {strides = array<i32>} : memref<16x1x64xf32, #tpu.memory_space<vmem>>, vector<1x1x64xf32>,
    %get3A_3832 = arith.constant 14 : index
    %get3A_3833 = arith.constant 0 : index
    %get3A_3834 = arith.constant 0 : index
    %get3A_3835 = vector.load %arg1[%get3A_3832, %get3A_3833, %get3A_3834] : memref<16x50x64xf32, #tpu.memory_space<vmem>>, vector<1x50x64xf32>
    %get3A_3836 = vector.shape_cast %get3A_3835 : vector<1x50x64xf32> to vector<50x64xf32>
    %mul3A_3837 = arith.mulf %get3A_3836, %get3A_3836 : vector<50x64xf32>
    %reduce_sum3A_3838 = arith.constant dense<0.000000e+00> : vector<50xf32>
    %reduce_sum3A_3839 = vector.multi_reduction <add>, %mul3A_3837, %reduce_sum3A_3838 [1] : vector<50x64xf32> to vector<50xf32>
    %broadcast_in_dim3A_3840 = vector.shape_cast %reduce_sum3A_3839 : vector<50xf32> to vector<50x1xf32>
    %sqrt3A_3841 = math.sqrt %broadcast_in_dim3A_3840 : vector<50x1xf32>
    %div3A_3842 = vector.broadcast %sqrt3A_3841 : vector<50x1xf32> to vector<50x64xf32>
    %div3A_3843 = arith.divf %get3A_3836, %div3A_3842 : vector<50x64xf32>
    %get3A_3844 = arith.constant 14 : index
    %get3A_3845 = arith.constant 0 : index
    %get3A_3846 = arith.constant 0 : index
    %get3A_3847 = vector.load %arg2[%get3A_3844, %get3A_3845, %get3A_3846] : memref<16x50x64xf32, #tpu.memory_space<vmem>>, vector<1x50x64xf32>
    %get3A_3848 = vector.shape_cast %get3A_3847 : vector<1x50x64xf32> to vector<50x64xf32>
    %mul3A_3849 = arith.mulf %get3A_3848, %get3A_3848 : vector<50x64xf32>
    %reduce_sum3A_3850 = arith.constant dense<0.000000e+00> : vector<50xf32>
    %reduce_sum3A_3851 = vector.multi_reduction <add>, %mul3A_3849, %reduce_sum3A_3850 [1] : vector<50x64xf32> to vector<50xf32>
    %broadcast_in_dim3A_3852 = vector.shape_cast %reduce_sum3A_3851 : vector<50xf32> to vector<50x1xf32>
    %sqrt3A_3853 = math.sqrt %broadcast_in_dim3A_3852 : vector<50x1xf32>
    %div3A_3854 = vector.broadcast %sqrt3A_3853 : vector<50x1xf32> to vector<50x64xf32>
    %div3A_3855 = arith.divf %get3A_3848, %div3A_3854 : vector<50x64xf32>
    %get3A_3856 = arith.constant 14 : index
    %get3A_3857 = arith.constant 0 : index
    %get3A_3858 = arith.constant 0 : index
    %get3A_3859 = vector.load %arg8[%get3A_3856, %get3A_3857, %get3A_3858] : memref<16x50x1xf32, #tpu.memory_space<vmem>>, vector<1x50x1xf32>
    %get3A_3860 = vector.shape_cast %get3A_3859 : vector<1x50x1xf32> to vector<50x1xf32>
    %reduce_sum3A_3861 = vector.shape_cast %get3A_3860 : vector<50x1xf32> to vector<1x50x1xf32>
    %reduce_sum3A_3862 = arith.constant dense<0.000000e+00> : vector<1xf32>
    %reduce_sum3A_3863 = vector.multi_reduction <add>, %reduce_sum3A_3861, %reduce_sum3A_3862 [1, 2] : vector<1x50x1xf32> to vector<1xf32>
    %reduce_sum3A_3864 = vector.shape_cast %reduce_sum3A_3863 : vector<1xf32> to vector<1x1x1xf32>
    %reduce_sum3A_3865 = vector.extract %reduce_sum3A_3864[0, 0, 0] : f32 from vector<1x1x1xf32>
    %mul3A_3866 = vector.broadcast %get3A_3860 : vector<50x1xf32> to vector<50x64xf32>
    %mul3A_3867 = arith.mulf %div3A_3855, %mul3A_3866 : vector<50x64xf32>
    %reduce_sum3A_3868 = arith.constant dense<0.000000e+00> : vector<64xf32>
    %reduce_sum3A_3869 = vector.multi_reduction <add>, %mul3A_3867, %reduce_sum3A_3868 [0] : vector<50x64xf32> to vector<64xf32>
    %broadcast_in_dim3A_3870 = vector.shape_cast %reduce_sum3A_3869 : vector<64xf32> to vector<1x64xf32>
    %div3A_3871 = vector.broadcast %reduce_sum3A_3865 : f32 to vector<1x64xf32>
    %div3A_3872 = arith.divf %broadcast_in_dim3A_3870, %div3A_3871 : vector<1x64xf32>
    %get3A_3873 = arith.constant 0 : index
    %get3A_3874 = arith.constant 0 : index
    %get3A_3875 = vector.load %arg9[%get3A_3873, %get3A_3874] : memref<1x64xf32, #tpu.memory_space<vmem>>, vector<1x64xf32>
    %get3A_3876 = arith.constant 14 : index
    %get3A_3877 = arith.constant 0 : index
    %get3A_3878 = arith.constant 0 : index
    %get3A_3879 = vector.load %arg3[%get3A_3876, %get3A_3877, %get3A_3878] : memref<16x50x64xf32, #tpu.memory_space<vmem>>, vector<1x50x64xf32>
    %get3A_3880 = vector.shape_cast %get3A_3879 : vector<1x50x64xf32> to vector<50x64xf32>
    %get3A_3881 = arith.constant 14 : index
    %get3A_3882 = arith.constant 0 : index
    %get3A_3883 = arith.constant 0 : index
    %get3A_3884 = vector.load %arg4[%get3A_3881, %get3A_3882, %get3A_3883] : memref<16x50x64xf32, #tpu.memory_space<vmem>>, vector<1x50x64xf32>
    %get3A_3885 = vector.shape_cast %get3A_3884 : vector<1x50x64xf32> to vector<50x64xf32>
    %get3A_3886 = arith.constant 14 : index
    %get3A_3887 = arith.constant 0 : index
    %get3A_3888 = arith.constant 0 : index
    %get3A_3889 = vector.load %arg5[%get3A_3886, %get3A_3887, %get3A_3888] : memref<16x50x64xf32, #tpu.memory_space<vmem>>, vector<1x50x64xf32>
    %get3A_3890 = vector.shape_cast %get3A_3889 : vector<1x50x64xf32> to vector<50x64xf32>
    %mul3A_3891 = arith.mulf %div3A_3843, %get3A_3880 : vector<50x64xf32>
    %mul3A_3892 = vector.broadcast %get3A_3875 : vector<1x64xf32> to vector<50x64xf32>
    %mul3A_3893 = arith.mulf %mul3A_3891, %mul3A_3892 : vector<50x64xf32>
    %reduce_sum3A_3894 = arith.constant dense<0.000000e+00> : vector<50xf32>
    %reduce_sum3A_3895 = vector.multi_reduction <add>, %mul3A_3893, %reduce_sum3A_3894 [1] : vector<50x64xf32> to vector<50xf32>
    %broadcast_in_dim3A_3896 = vector.shape_cast %reduce_sum3A_3895 : vector<50xf32> to vector<50x1xf32>
    %ge3A_3897 = arith.constant 0.000000e+00 : f32
    %ge3A_3898 = vector.broadcast %ge3A_3897 : f32 to vector<50x1xf32>
    %ge3A_3899 = arith.cmpf oge, %broadcast_in_dim3A_3896, %ge3A_3898 : vector<50x1xf32>
    %mul3A_3900 = arith.constant 2.000000e-01 : f32
    %mul3A_3901 = vector.broadcast %mul3A_3900 : f32 to vector<50x1xf32>
    %mul3A_3902 = arith.mulf %mul3A_3901, %broadcast_in_dim3A_3896 : vector<50x1xf32>
    %select_n3A_3903 = arith.select %ge3A_3899, %broadcast_in_dim3A_3896, %mul3A_3902 : vector<50x1xi1>, vector<50x1xf32>
    %mul3A_3904 = arith.mulf %div3A_3843, %get3A_3885 : vector<50x64xf32>
    %mul3A_3905 = vector.broadcast %get3A_3875 : vector<1x64xf32> to vector<50x64xf32>
    %mul3A_3906 = arith.mulf %mul3A_3904, %mul3A_3905 : vector<50x64xf32>
    %reduce_sum3A_3907 = arith.constant dense<0.000000e+00> : vector<50xf32>
    %reduce_sum3A_3908 = vector.multi_reduction <add>, %mul3A_3906, %reduce_sum3A_3907 [1] : vector<50x64xf32> to vector<50xf32>
    %broadcast_in_dim3A_3909 = vector.shape_cast %reduce_sum3A_3908 : vector<50xf32> to vector<50x1xf32>
    %ge3A_3910 = arith.constant 0.000000e+00 : f32
    %ge3A_3911 = vector.broadcast %ge3A_3910 : f32 to vector<50x1xf32>
    %ge3A_3912 = arith.cmpf oge, %broadcast_in_dim3A_3909, %ge3A_3911 : vector<50x1xf32>
    %mul3A_3913 = arith.constant 2.000000e-01 : f32
    %mul3A_3914 = vector.broadcast %mul3A_3913 : f32 to vector<50x1xf32>
    %mul3A_3915 = arith.mulf %mul3A_3914, %broadcast_in_dim3A_3909 : vector<50x1xf32>
    %select_n3A_3916 = arith.select %ge3A_3912, %broadcast_in_dim3A_3909, %mul3A_3915 : vector<50x1xi1>, vector<50x1xf32>
    %mul3A_3917 = arith.mulf %div3A_3843, %get3A_3890 : vector<50x64xf32>
    %mul3A_3918 = vector.broadcast %get3A_3875 : vector<1x64xf32> to vector<50x64xf32>
    %mul3A_3919 = arith.mulf %mul3A_3917, %mul3A_3918 : vector<50x64xf32>
    %reduce_sum3A_3920 = arith.constant dense<0.000000e+00> : vector<50xf32>
    %reduce_sum3A_3921 = vector.multi_reduction <add>, %mul3A_3919, %reduce_sum3A_3920 [1] : vector<50x64xf32> to vector<50xf32>
    %broadcast_in_dim3A_3922 = vector.shape_cast %reduce_sum3A_3921 : vector<50xf32> to vector<50x1xf32>
    %ge3A_3923 = arith.constant 0.000000e+00 : f32
    %ge3A_3924 = vector.broadcast %ge3A_3923 : f32 to vector<50x1xf32>
    %ge3A_3925 = arith.cmpf oge, %broadcast_in_dim3A_3922, %ge3A_3924 : vector<50x1xf32>
    %mul3A_3926 = arith.constant 2.000000e-01 : f32
    %mul3A_3927 = vector.broadcast %mul3A_3926 : f32 to vector<50x1xf32>
    %mul3A_3928 = arith.mulf %mul3A_3927, %broadcast_in_dim3A_3922 : vector<50x1xf32>
    %select_n3A_3929 = arith.select %ge3A_3925, %broadcast_in_dim3A_3922, %mul3A_3928 : vector<50x1xi1>, vector<50x1xf32>
    %max3A_3930 = arith.maximumf %select_n3A_3916, %select_n3A_3929 : vector<50x1xf32>
    %max3A_3931 = arith.maximumf %select_n3A_3903, %max3A_3930 : vector<50x1xf32>
    %sub3A_3932 = arith.subf %select_n3A_3903, %max3A_3931 : vector<50x1xf32>
    %exp3A_3933 = math.exp %sub3A_3932 : vector<50x1xf32>
    %sub3A_3934 = arith.subf %select_n3A_3916, %max3A_3931 : vector<50x1xf32>
    %exp3A_3935 = math.exp %sub3A_3934 : vector<50x1xf32>
    %sub3A_3936 = arith.subf %select_n3A_3929, %max3A_3931 : vector<50x1xf32>
    %exp3A_3937 = math.exp %sub3A_3936 : vector<50x1xf32>
    %add3A_3938 = arith.addf %exp3A_3933, %exp3A_3935 : vector<50x1xf32>
    %add3A_3939 = arith.addf %add3A_3938, %exp3A_3937 : vector<50x1xf32>
    %mul3A_3940 = vector.broadcast %exp3A_3933 : vector<50x1xf32> to vector<50x64xf32>
    %mul3A_3941 = arith.mulf %mul3A_3940, %get3A_3880 : vector<50x64xf32>
    %mul3A_3942 = vector.broadcast %exp3A_3935 : vector<50x1xf32> to vector<50x64xf32>
    %mul3A_3943 = arith.mulf %mul3A_3942, %get3A_3885 : vector<50x64xf32>
    %add3A_3944 = arith.addf %mul3A_3941, %mul3A_3943 : vector<50x64xf32>
    %mul3A_3945 = vector.broadcast %exp3A_3937 : vector<50x1xf32> to vector<50x64xf32>
    %mul3A_3946 = arith.mulf %mul3A_3945, %get3A_3890 : vector<50x64xf32>
    %add3A_3947 = arith.addf %add3A_3944, %mul3A_3946 : vector<50x64xf32>
    %div3A_3948 = vector.broadcast %add3A_3939 : vector<50x1xf32> to vector<50x64xf32>
    %div3A_3949 = arith.divf %add3A_3947, %div3A_3948 : vector<50x64xf32>
    %mul3A_3950 = arith.constant 5.000000e-01 : f32
    %mul3A_3951 = vector.broadcast %mul3A_3950 : f32 to vector<50x64xf32>
    %mul3A_3952 = arith.mulf %mul3A_3951, %div3A_3843 : vector<50x64xf32>
    %mul3A_3953 = arith.constant 5.000000e-01 : f32
    %mul3A_3954 = vector.broadcast %mul3A_3953 : f32 to vector<50x64xf32>
    %mul3A_3955 = arith.mulf %mul3A_3954, %div3A_3949 : vector<50x64xf32>
    %add3A_3956 = arith.addf %mul3A_3952, %mul3A_3955 : vector<50x64xf32>
    %get3A_3957 = arith.constant 14 : index
    %get3A_3958 = arith.constant 0 : index
    %get3A_3959 = arith.constant 0 : index
    %get3A_3960 = vector.load %arg6[%get3A_3957, %get3A_3958, %get3A_3959] : memref<16x50x50xf32, #tpu.memory_space<vmem>>, vector<1x50x50xf32>
    %get3A_3961 = vector.shape_cast %get3A_3960 : vector<1x50x50xf32> to vector<50x50xf32>
    %get3A_3962 = arith.constant 0 : index
    %get3A_3963 = arith.constant 0 : index
    %get3A_3964 = vector.load %arg12[%get3A_3962, %get3A_3963] : memref<1x64xf32, #tpu.memory_space<vmem>>, vector<1x64xf32>
    %mul3A_3965 = arith.mulf %div3A_3872, %get3A_3964 : vector<1x64xf32>
    %dot_general3A_3966 = arith.constant dense<0.000000e+00> : vector<1x50xf32>
    %dot_general3A_3967 = tpu.matmul %mul3A_3965, %div3A_3843, %dot_general3A_3966 {dimension_numbers = #tpu.dot_dimension_numbers<[1], [1], [0], [0], [0, 0, 1, 0], [], []>, transpose_lhs_hint = false} : vector<1x64xf32>, vector<50x64xf32>, vector<1x50xf32> -> vector<1x50xf32>
    %get3A_3968 = arith.constant 0 : index
    %get3A_3969 = arith.constant 0 : index
    %get3A_3970 = vector.load %arg13[%get3A_3968, %get3A_3969] : memref<1x64xf32, #tpu.memory_space<vmem>>, vector<1x64xf32>
    %mul3A_3971 = arith.mulf %div3A_3872, %get3A_3970 : vector<1x64xf32>
    %dot_general3A_3972 = arith.constant dense<0.000000e+00> : vector<1x50xf32>
    %dot_general3A_3973 = tpu.matmul %mul3A_3971, %div3A_3843, %dot_general3A_3972 {dimension_numbers = #tpu.dot_dimension_numbers<[1], [1], [0], [0], [0, 0, 1, 0], [], []>, transpose_lhs_hint = false} : vector<1x64xf32>, vector<50x64xf32>, vector<1x50xf32> -> vector<1x50xf32>
    %get3A_3974 = arith.constant 0 : index
    %get3A_3975 = arith.constant 0 : index
    %get3A_3976 = vector.load %arg10[%get3A_3974, %get3A_3975] : memref<1x64xf32, #tpu.memory_space<vmem>>, vector<1x64xf32>
    %mul3A_3977 = vector.broadcast %get3A_3976 : vector<1x64xf32> to vector<50x64xf32>
    %mul3A_3978 = arith.mulf %div3A_3843, %mul3A_3977 : vector<50x64xf32>
    %dot_general3A_3979 = arith.constant dense<0.000000e+00> : vector<50x50xf32>
    %dot_general3A_3980 = tpu.matmul %mul3A_3978, %div3A_3843, %dot_general3A_3979 {dimension_numbers = #tpu.dot_dimension_numbers<[1], [1], [0], [0], [0, 0, 1, 0], [], []>, transpose_lhs_hint = false} : vector<50x64xf32>, vector<50x64xf32>, vector<50x50xf32> -> vector<50x50xf32>
    %add3A_3981 = vector.broadcast %dot_general3A_3967 : vector<1x50xf32> to vector<50x50xf32>
    %add3A_3982 = arith.addf %dot_general3A_3980, %add3A_3981 : vector<50x50xf32>
    %ge3A_3983 = arith.constant 0.000000e+00 : f32
    %ge3A_3984 = vector.broadcast %ge3A_3983 : f32 to vector<50x50xf32>
    %ge3A_3985 = arith.cmpf oge, %add3A_3982, %ge3A_3984 : vector<50x50xf32>
    %mul3A_3986 = arith.constant 2.000000e-01 : f32
    %mul3A_3987 = vector.broadcast %mul3A_3986 : f32 to vector<50x50xf32>
    %mul3A_3988 = arith.mulf %mul3A_3987, %add3A_3982 : vector<50x50xf32>
    %select_n3A_3989 = arith.select %ge3A_3985, %add3A_3982, %mul3A_3988 : vector<50x50xi1>, vector<50x50xf32>
    %get3A_3990 = arith.constant 0 : index
    %get3A_3991 = arith.constant 0 : index
    %get3A_3992 = vector.load %arg11[%get3A_3990, %get3A_3991] : memref<1x64xf32, #tpu.memory_space<vmem>>, vector<1x64xf32>
    %mul3A_3993 = vector.broadcast %get3A_3992 : vector<1x64xf32> to vector<50x64xf32>
    %mul3A_3994 = arith.mulf %div3A_3843, %mul3A_3993 : vector<50x64xf32>
    %dot_general3A_3995 = arith.constant dense<0.000000e+00> : vector<50x50xf32>
    %dot_general3A_3996 = tpu.matmul %mul3A_3994, %div3A_3843, %dot_general3A_3995 {dimension_numbers = #tpu.dot_dimension_numbers<[1], [1], [0], [0], [0, 0, 1, 0], [], []>, transpose_lhs_hint = false} : vector<50x64xf32>, vector<50x64xf32>, vector<50x50xf32> -> vector<50x50xf32>
    %add3A_3997 = vector.broadcast %dot_general3A_3973 : vector<1x50xf32> to vector<50x50xf32>
    %add3A_3998 = arith.addf %dot_general3A_3996, %add3A_3997 : vector<50x50xf32>
    %ge3A_3999 = arith.constant 0.000000e+00 : f32
    %ge3A_4000 = vector.broadcast %ge3A_3999 : f32 to vector<50x50xf32>
    %ge3A_4001 = arith.cmpf oge, %add3A_3998, %ge3A_4000 : vector<50x50xf32>
    %mul3A_4002 = arith.constant 2.000000e-01 : f32
    %mul3A_4003 = vector.broadcast %mul3A_4002 : f32 to vector<50x50xf32>
    %mul3A_4004 = arith.mulf %mul3A_4003, %add3A_3998 : vector<50x50xf32>
    %select_n3A_4005 = arith.select %ge3A_4001, %add3A_3998, %mul3A_4004 : vector<50x50xi1>, vector<50x50xf32>
    %eq3A_4006 = arith.constant 1.000000e+00 : f32
    %eq3A_4007 = vector.broadcast %eq3A_4006 : f32 to vector<50x50xf32>
    %eq3A_4008 = arith.cmpf oeq, %get3A_3961, %eq3A_4007 : vector<50x50xf32>
    %eq3A_4009 = arith.constant 2.000000e+00 : f32
    %eq3A_4010 = vector.broadcast %eq3A_4009 : f32 to vector<50x50xf32>
    %eq3A_4011 = arith.cmpf oeq, %get3A_3961, %eq3A_4010 : vector<50x50xf32>
    %jit3A_4012 = arith.constant -9.000000e+15 : f32
    %broadcast_in_dim3A_4013 = vector.broadcast %jit3A_4012 : f32 to vector<50x50xf32>
    %select_n3A_4014 = arith.select %eq3A_4011, %select_n3A_4005, %broadcast_in_dim3A_4013 : vector<50x50xi1>, vector<50x50xf32>
    %select_n3A_4015 = arith.select %eq3A_4008, %select_n3A_3989, %select_n3A_4014 : vector<50x50xi1>, vector<50x50xf32>
    %reduce_max3A_4016 = arith.constant dense<0xFF800000> : vector<50xf32>
    %reduce_max3A_4017 = vector.multi_reduction <maximumf>, %select_n3A_4015, %reduce_max3A_4016 [1] : vector<50x50xf32> to vector<50xf32>
    %broadcast_in_dim3A_4018 = vector.shape_cast %reduce_max3A_4017 : vector<50xf32> to vector<50x1xf32>
    %sub3A_4019 = vector.broadcast %broadcast_in_dim3A_4018 : vector<50x1xf32> to vector<50x50xf32>
    %sub3A_4020 = arith.subf %select_n3A_4015, %sub3A_4019 : vector<50x50xf32>
    %exp3A_4021 = math.exp %sub3A_4020 : vector<50x50xf32>
    %reduce_sum3A_4022 = arith.constant dense<0.000000e+00> : vector<50xf32>
    %reduce_sum3A_4023 = vector.multi_reduction <add>, %exp3A_4021, %reduce_sum3A_4022 [1] : vector<50x50xf32> to vector<50xf32>
    %broadcast_in_dim3A_4024 = vector.shape_cast %reduce_sum3A_4023 : vector<50xf32> to vector<50x1xf32>
    %div3A_4025 = vector.broadcast %broadcast_in_dim3A_4024 : vector<50x1xf32> to vector<50x50xf32>
    %div3A_4026 = arith.divf %exp3A_4021, %div3A_4025 : vector<50x50xf32>
    %dot_general3A_4027 = arith.constant dense<0.000000e+00> : vector<50x64xf32>
    %dot_general3A_4028 = tpu.matmul %div3A_4026, %div3A_3843, %dot_general3A_4027 {dimension_numbers = #tpu.dot_dimension_numbers<[1], [0], [0], [1], [0, 0, 1, 1], [], []>, transpose_lhs_hint = false} : vector<50x50xf32>, vector<50x64xf32>, vector<50x64xf32> -> vector<50x64xf32>
    %add3A_4029 = arith.addf %dot_general3A_4028, %add3A_3956 : vector<50x64xf32>
    %mul3A_4030 = arith.mulf %dot_general3A_4028, %add3A_3956 : vector<50x64xf32>
    %add3A_4031 = arith.addf %add3A_4029, %mul3A_4030 : vector<50x64xf32>
    %get3A_4032 = arith.constant 14 : index
    %get3A_4033 = arith.constant 0 : index
    %get3A_4034 = arith.constant 0 : index
    %get3A_4035 = vector.load %arg7[%get3A_4032, %get3A_4033, %get3A_4034] : memref<16x50x50xf32, #tpu.memory_space<vmem>>, vector<1x50x50xf32>
    %get3A_4036 = vector.shape_cast %get3A_4035 : vector<1x50x50xf32> to vector<50x50xf32>
    %dot_general3A_4037 = arith.constant dense<0.000000e+00> : vector<50x64xf32>
    %dot_general3A_4038 = tpu.matmul %get3A_4036, %add3A_4031, %dot_general3A_4037 {dimension_numbers = #tpu.dot_dimension_numbers<[1], [0], [0], [1], [0, 0, 1, 1], [], []>, transpose_lhs_hint = false} : vector<50x50xf32>, vector<50x64xf32>, vector<50x64xf32> -> vector<50x64xf32>
    %get3A_4039 = arith.constant 0 : index
    %get3A_4040 = arith.constant 0 : index
    %get3A_4041 = vector.load %arg19[%get3A_4039, %get3A_4040] : memref<51x64xf32, #tpu.memory_space<vmem>>, vector<50x64xf32>
    %add3A_4042 = arith.addf %dot_general3A_4038, %get3A_4041 : vector<50x64xf32>
    %mul3A_4043 = vector.broadcast %get3A_3860 : vector<50x1xf32> to vector<50x64xf32>
    %mul3A_4044 = arith.mulf %add3A_4042, %mul3A_4043 : vector<50x64xf32>
    %reduce_sum3A_4045 = arith.constant dense<0.000000e+00> : vector<64xf32>
    %reduce_sum3A_4046 = vector.multi_reduction <add>, %mul3A_4044, %reduce_sum3A_4045 [0] : vector<50x64xf32> to vector<64xf32>
    %broadcast_in_dim3A_4047 = vector.shape_cast %reduce_sum3A_4046 : vector<64xf32> to vector<1x64xf32>
    %div3A_4048 = vector.broadcast %reduce_sum3A_3865 : f32 to vector<1x64xf32>
    %div3A_4049 = arith.divf %broadcast_in_dim3A_4047, %div3A_4048 : vector<1x64xf32>
    %get3A_4050 = arith.constant 0 : index
    %get3A_4051 = arith.constant 0 : index
    %get3A_4052 = vector.load %arg14[%get3A_4050, %get3A_4051] : memref<64x64xf32, #tpu.memory_space<vmem>>, vector<64x64xf32>
    %dot_general3A_4053 = arith.constant dense<0.000000e+00> : vector<50x64xf32>
    %dot_general3A_4054 = tpu.matmul %add3A_4042, %get3A_4052, %dot_general3A_4053 {dimension_numbers = #tpu.dot_dimension_numbers<[1], [1], [0], [0], [0, 0, 1, 0], [], []>, transpose_lhs_hint = false} : vector<50x64xf32>, vector<64x64xf32>, vector<50x64xf32> -> vector<50x64xf32>
    %get3A_4055 = arith.constant 0 : index
    %get3A_4056 = arith.constant 0 : index
    %get3A_4057 = vector.load %arg15[%get3A_4055, %get3A_4056] : memref<1x64xf32, #tpu.memory_space<vmem>>, vector<1x64xf32>
    %add3A_4058 = vector.broadcast %get3A_4057 : vector<1x64xf32> to vector<50x64xf32>
    %add3A_4059 = arith.addf %dot_general3A_4054, %add3A_4058 : vector<50x64xf32>
    %get3A_4060 = arith.constant 0 : index
    %get3A_4061 = arith.constant 0 : index
    %get3A_4062 = vector.load %arg16[%get3A_4060, %get3A_4061] : memref<64x64xf32, #tpu.memory_space<vmem>>, vector<64x64xf32>
    %dot_general3A_4063 = arith.constant dense<0.000000e+00> : vector<1x64xf32>
    %dot_general3A_4064 = tpu.matmul %div3A_4049, %get3A_4062, %dot_general3A_4063 {dimension_numbers = #tpu.dot_dimension_numbers<[1], [1], [0], [0], [0, 0, 1, 0], [], []>, transpose_lhs_hint = false} : vector<1x64xf32>, vector<64x64xf32>, vector<1x64xf32> -> vector<1x64xf32>
    %get3A_4065 = arith.constant 0 : index
    %get3A_4066 = arith.constant 0 : index
    %get3A_4067 = vector.load %arg17[%get3A_4065, %get3A_4066] : memref<1x64xf32, #tpu.memory_space<vmem>>, vector<1x64xf32>
    %add3A_4068 = arith.addf %dot_general3A_4064, %get3A_4067 : vector<1x64xf32>
    %add3A_4069 = vector.broadcast %add3A_4068 : vector<1x64xf32> to vector<50x64xf32>
    %add3A_4070 = arith.addf %add3A_4059, %add3A_4069 : vector<50x64xf32>
    %logistic3A_4071 = arith.negf %add3A_4070 : vector<50x64xf32>
    %logistic3A_4072 = math.exp %logistic3A_4071 : vector<50x64xf32>
    %logistic3A_4073 = arith.constant 1.000000e+00 : f32
    %logistic3A_4074 = vector.broadcast %logistic3A_4073 : f32 to vector<50x64xf32>
    %logistic3A_4075 = arith.addf %logistic3A_4074, %logistic3A_4072 : vector<50x64xf32>
    %logistic3A_4076 = arith.divf %logistic3A_4074, %logistic3A_4075 : vector<50x64xf32>
    %get3A_4077 = arith.constant 0 : index
    %get3A_4078 = arith.constant 0 : index
    %get3A_4079 = vector.load %arg18[%get3A_4077, %get3A_4078] : memref<1x64xf32, #tpu.memory_space<vmem>>, vector<1x64xf32>
    %dot_general3A_4080 = arith.constant dense<0.000000e+00> : vector<50x1xf32>
    %dot_general3A_4081 = tpu.matmul %logistic3A_4076, %get3A_4079, %dot_general3A_4080 {dimension_numbers = #tpu.dot_dimension_numbers<[1], [1], [0], [0], [0, 0, 1, 0], [], []>, transpose_lhs_hint = false} : vector<50x64xf32>, vector<1x64xf32>, vector<50x1xf32> -> vector<50x1xf32>
    %mul3A_4082 = vector.broadcast %dot_general3A_4081 : vector<50x1xf32> to vector<50x64xf32>
    %mul3A_4083 = arith.mulf %mul3A_4082, %dot_general3A_4038 : vector<50x64xf32>
    %mul3A_4084 = vector.broadcast %get3A_3860 : vector<50x1xf32> to vector<50x64xf32>
    %mul3A_4085 = arith.mulf %mul3A_4083, %mul3A_4084 : vector<50x64xf32>
    %reduce_sum3A_4086 = arith.constant dense<0.000000e+00> : vector<64xf32>
    %reduce_sum3A_4087 = vector.multi_reduction <add>, %mul3A_4085, %reduce_sum3A_4086 [0] : vector<50x64xf32> to vector<64xf32>
    %broadcast_in_dim3A_4088 = vector.shape_cast %reduce_sum3A_4087 : vector<64xf32> to vector<1x64xf32>
    %get3A_4089 = arith.constant 50 : index
    %get3A_4090 = arith.constant 0 : index
    %get3A_4091 = vector.load %arg19[%get3A_4089, %get3A_4090] : memref<51x64xf32, #tpu.memory_space<vmem>>, vector<1x64xf32>
    %mul3A_4092 = vector.broadcast %get3A_3860 : vector<50x1xf32> to vector<50x64xf32>
    %mul3A_4093 = arith.mulf %get3A_4041, %mul3A_4092 : vector<50x64xf32>
    %reduce_sum3A_4094 = arith.constant dense<0.000000e+00> : vector<64xf32>
    %reduce_sum3A_4095 = vector.multi_reduction <add>, %mul3A_4093, %reduce_sum3A_4094 [0] : vector<50x64xf32> to vector<64xf32>
    %broadcast_in_dim3A_4096 = vector.shape_cast %reduce_sum3A_4095 : vector<64xf32> to vector<1x64xf32>
    %div3A_4097 = vector.broadcast %reduce_sum3A_3865 : f32 to vector<1x64xf32>
    %div3A_4098 = arith.divf %broadcast_in_dim3A_4096, %div3A_4097 : vector<1x64xf32>
    %mul3A_4099 = arith.mulf %get3A_4091, %div3A_4098 : vector<1x64xf32>
    %add3A_4100 = arith.addf %broadcast_in_dim3A_4088, %mul3A_4099 : vector<1x64xf32>
    %swap3A_4101 = arith.constant 14 : index
    %swap3A_4102 = arith.constant 0 : index
    %swap3A_4103 = arith.constant 0 : index
    %swap3A_4104 = vector.load %arg20[%swap3A_4101, %swap3A_4102, %swap3A_4103] : memref<16x1x64xf32, #tpu.memory_space<vmem>>, vector<1x1x64xf32>
    %swap3A_4105 = vector.shape_cast %swap3A_4104 : vector<1x1x64xf32> to vector<1x64xf32>
    %swap3A_4106 = vector.shape_cast %add3A_4100 : vector<1x64xf32> to vector<1x1x64xf32>
    tpu.vector_store %arg20[%swap3A_4101, %swap3A_4102, %swap3A_4103], %swap3A_4106 {strides = array<i32>} : memref<16x1x64xf32, #tpu.memory_space<vmem>>, vector<1x1x64xf32>,
    %get3A_4107 = arith.constant 15 : index
    %get3A_4108 = arith.constant 0 : index
    %get3A_4109 = arith.constant 0 : index
    %get3A_4110 = vector.load %arg1[%get3A_4107, %get3A_4108, %get3A_4109] : memref<16x50x64xf32, #tpu.memory_space<vmem>>, vector<1x50x64xf32>
    %get3A_4111 = vector.shape_cast %get3A_4110 : vector<1x50x64xf32> to vector<50x64xf32>
    %mul3A_4112 = arith.mulf %get3A_4111, %get3A_4111 : vector<50x64xf32>
    %reduce_sum3A_4113 = arith.constant dense<0.000000e+00> : vector<50xf32>
    %reduce_sum3A_4114 = vector.multi_reduction <add>, %mul3A_4112, %reduce_sum3A_4113 [1] : vector<50x64xf32> to vector<50xf32>
    %broadcast_in_dim3A_4115 = vector.shape_cast %reduce_sum3A_4114 : vector<50xf32> to vector<50x1xf32>
    %sqrt3A_4116 = math.sqrt %broadcast_in_dim3A_4115 : vector<50x1xf32>
    %div3A_4117 = vector.broadcast %sqrt3A_4116 : vector<50x1xf32> to vector<50x64xf32>
    %div3A_4118 = arith.divf %get3A_4111, %div3A_4117 : vector<50x64xf32>
    %get3A_4119 = arith.constant 15 : index
    %get3A_4120 = arith.constant 0 : index
    %get3A_4121 = arith.constant 0 : index
    %get3A_4122 = vector.load %arg2[%get3A_4119, %get3A_4120, %get3A_4121] : memref<16x50x64xf32, #tpu.memory_space<vmem>>, vector<1x50x64xf32>
    %get3A_4123 = vector.shape_cast %get3A_4122 : vector<1x50x64xf32> to vector<50x64xf32>
    %mul3A_4124 = arith.mulf %get3A_4123, %get3A_4123 : vector<50x64xf32>
    %reduce_sum3A_4125 = arith.constant dense<0.000000e+00> : vector<50xf32>
    %reduce_sum3A_4126 = vector.multi_reduction <add>, %mul3A_4124, %reduce_sum3A_4125 [1] : vector<50x64xf32> to vector<50xf32>
    %broadcast_in_dim3A_4127 = vector.shape_cast %reduce_sum3A_4126 : vector<50xf32> to vector<50x1xf32>
    %sqrt3A_4128 = math.sqrt %broadcast_in_dim3A_4127 : vector<50x1xf32>
    %div3A_4129 = vector.broadcast %sqrt3A_4128 : vector<50x1xf32> to vector<50x64xf32>
    %div3A_4130 = arith.divf %get3A_4123, %div3A_4129 : vector<50x64xf32>
    %get3A_4131 = arith.constant 15 : index
    %get3A_4132 = arith.constant 0 : index
    %get3A_4133 = arith.constant 0 : index
    %get3A_4134 = vector.load %arg8[%get3A_4131, %get3A_4132, %get3A_4133] : memref<16x50x1xf32, #tpu.memory_space<vmem>>, vector<1x50x1xf32>
    %get3A_4135 = vector.shape_cast %get3A_4134 : vector<1x50x1xf32> to vector<50x1xf32>
    %reduce_sum3A_4136 = vector.shape_cast %get3A_4135 : vector<50x1xf32> to vector<1x50x1xf32>
    %reduce_sum3A_4137 = arith.constant dense<0.000000e+00> : vector<1xf32>
    %reduce_sum3A_4138 = vector.multi_reduction <add>, %reduce_sum3A_4136, %reduce_sum3A_4137 [1, 2] : vector<1x50x1xf32> to vector<1xf32>
    %reduce_sum3A_4139 = vector.shape_cast %reduce_sum3A_4138 : vector<1xf32> to vector<1x1x1xf32>
    %reduce_sum3A_4140 = vector.extract %reduce_sum3A_4139[0, 0, 0] : f32 from vector<1x1x1xf32>
    %mul3A_4141 = vector.broadcast %get3A_4135 : vector<50x1xf32> to vector<50x64xf32>
    %mul3A_4142 = arith.mulf %div3A_4130, %mul3A_4141 : vector<50x64xf32>
    %reduce_sum3A_4143 = arith.constant dense<0.000000e+00> : vector<64xf32>
    %reduce_sum3A_4144 = vector.multi_reduction <add>, %mul3A_4142, %reduce_sum3A_4143 [0] : vector<50x64xf32> to vector<64xf32>
    %broadcast_in_dim3A_4145 = vector.shape_cast %reduce_sum3A_4144 : vector<64xf32> to vector<1x64xf32>
    %div3A_4146 = vector.broadcast %reduce_sum3A_4140 : f32 to vector<1x64xf32>
    %div3A_4147 = arith.divf %broadcast_in_dim3A_4145, %div3A_4146 : vector<1x64xf32>
    %get3A_4148 = arith.constant 0 : index
    %get3A_4149 = arith.constant 0 : index
    %get3A_4150 = vector.load %arg9[%get3A_4148, %get3A_4149] : memref<1x64xf32, #tpu.memory_space<vmem>>, vector<1x64xf32>
    %get3A_4151 = arith.constant 15 : index
    %get3A_4152 = arith.constant 0 : index
    %get3A_4153 = arith.constant 0 : index
    %get3A_4154 = vector.load %arg3[%get3A_4151, %get3A_4152, %get3A_4153] : memref<16x50x64xf32, #tpu.memory_space<vmem>>, vector<1x50x64xf32>
    %get3A_4155 = vector.shape_cast %get3A_4154 : vector<1x50x64xf32> to vector<50x64xf32>
    %get3A_4156 = arith.constant 15 : index
    %get3A_4157 = arith.constant 0 : index
    %get3A_4158 = arith.constant 0 : index
    %get3A_4159 = vector.load %arg4[%get3A_4156, %get3A_4157, %get3A_4158] : memref<16x50x64xf32, #tpu.memory_space<vmem>>, vector<1x50x64xf32>
    %get3A_4160 = vector.shape_cast %get3A_4159 : vector<1x50x64xf32> to vector<50x64xf32>
    %get3A_4161 = arith.constant 15 : index
    %get3A_4162 = arith.constant 0 : index
    %get3A_4163 = arith.constant 0 : index
    %get3A_4164 = vector.load %arg5[%get3A_4161, %get3A_4162, %get3A_4163] : memref<16x50x64xf32, #tpu.memory_space<vmem>>, vector<1x50x64xf32>
    %get3A_4165 = vector.shape_cast %get3A_4164 : vector<1x50x64xf32> to vector<50x64xf32>
    %mul3A_4166 = arith.mulf %div3A_4118, %get3A_4155 : vector<50x64xf32>
    %mul3A_4167 = vector.broadcast %get3A_4150 : vector<1x64xf32> to vector<50x64xf32>
    %mul3A_4168 = arith.mulf %mul3A_4166, %mul3A_4167 : vector<50x64xf32>
    %reduce_sum3A_4169 = arith.constant dense<0.000000e+00> : vector<50xf32>
    %reduce_sum3A_4170 = vector.multi_reduction <add>, %mul3A_4168, %reduce_sum3A_4169 [1] : vector<50x64xf32> to vector<50xf32>
    %broadcast_in_dim3A_4171 = vector.shape_cast %reduce_sum3A_4170 : vector<50xf32> to vector<50x1xf32>
    %ge3A_4172 = arith.constant 0.000000e+00 : f32
    %ge3A_4173 = vector.broadcast %ge3A_4172 : f32 to vector<50x1xf32>
    %ge3A_4174 = arith.cmpf oge, %broadcast_in_dim3A_4171, %ge3A_4173 : vector<50x1xf32>
    %mul3A_4175 = arith.constant 2.000000e-01 : f32
    %mul3A_4176 = vector.broadcast %mul3A_4175 : f32 to vector<50x1xf32>
    %mul3A_4177 = arith.mulf %mul3A_4176, %broadcast_in_dim3A_4171 : vector<50x1xf32>
    %select_n3A_4178 = arith.select %ge3A_4174, %broadcast_in_dim3A_4171, %mul3A_4177 : vector<50x1xi1>, vector<50x1xf32>
    %mul3A_4179 = arith.mulf %div3A_4118, %get3A_4160 : vector<50x64xf32>
    %mul3A_4180 = vector.broadcast %get3A_4150 : vector<1x64xf32> to vector<50x64xf32>
    %mul3A_4181 = arith.mulf %mul3A_4179, %mul3A_4180 : vector<50x64xf32>
    %reduce_sum3A_4182 = arith.constant dense<0.000000e+00> : vector<50xf32>
    %reduce_sum3A_4183 = vector.multi_reduction <add>, %mul3A_4181, %reduce_sum3A_4182 [1] : vector<50x64xf32> to vector<50xf32>
    %broadcast_in_dim3A_4184 = vector.shape_cast %reduce_sum3A_4183 : vector<50xf32> to vector<50x1xf32>
    %ge3A_4185 = arith.constant 0.000000e+00 : f32
    %ge3A_4186 = vector.broadcast %ge3A_4185 : f32 to vector<50x1xf32>
    %ge3A_4187 = arith.cmpf oge, %broadcast_in_dim3A_4184, %ge3A_4186 : vector<50x1xf32>
    %mul3A_4188 = arith.constant 2.000000e-01 : f32
    %mul3A_4189 = vector.broadcast %mul3A_4188 : f32 to vector<50x1xf32>
    %mul3A_4190 = arith.mulf %mul3A_4189, %broadcast_in_dim3A_4184 : vector<50x1xf32>
    %select_n3A_4191 = arith.select %ge3A_4187, %broadcast_in_dim3A_4184, %mul3A_4190 : vector<50x1xi1>, vector<50x1xf32>
    %mul3A_4192 = arith.mulf %div3A_4118, %get3A_4165 : vector<50x64xf32>
    %mul3A_4193 = vector.broadcast %get3A_4150 : vector<1x64xf32> to vector<50x64xf32>
    %mul3A_4194 = arith.mulf %mul3A_4192, %mul3A_4193 : vector<50x64xf32>
    %reduce_sum3A_4195 = arith.constant dense<0.000000e+00> : vector<50xf32>
    %reduce_sum3A_4196 = vector.multi_reduction <add>, %mul3A_4194, %reduce_sum3A_4195 [1] : vector<50x64xf32> to vector<50xf32>
    %broadcast_in_dim3A_4197 = vector.shape_cast %reduce_sum3A_4196 : vector<50xf32> to vector<50x1xf32>
    %ge3A_4198 = arith.constant 0.000000e+00 : f32
    %ge3A_4199 = vector.broadcast %ge3A_4198 : f32 to vector<50x1xf32>
    %ge3A_4200 = arith.cmpf oge, %broadcast_in_dim3A_4197, %ge3A_4199 : vector<50x1xf32>
    %mul3A_4201 = arith.constant 2.000000e-01 : f32
    %mul3A_4202 = vector.broadcast %mul3A_4201 : f32 to vector<50x1xf32>
    %mul3A_4203 = arith.mulf %mul3A_4202, %broadcast_in_dim3A_4197 : vector<50x1xf32>
    %select_n3A_4204 = arith.select %ge3A_4200, %broadcast_in_dim3A_4197, %mul3A_4203 : vector<50x1xi1>, vector<50x1xf32>
    %max3A_4205 = arith.maximumf %select_n3A_4191, %select_n3A_4204 : vector<50x1xf32>
    %max3A_4206 = arith.maximumf %select_n3A_4178, %max3A_4205 : vector<50x1xf32>
    %sub3A_4207 = arith.subf %select_n3A_4178, %max3A_4206 : vector<50x1xf32>
    %exp3A_4208 = math.exp %sub3A_4207 : vector<50x1xf32>
    %sub3A_4209 = arith.subf %select_n3A_4191, %max3A_4206 : vector<50x1xf32>
    %exp3A_4210 = math.exp %sub3A_4209 : vector<50x1xf32>
    %sub3A_4211 = arith.subf %select_n3A_4204, %max3A_4206 : vector<50x1xf32>
    %exp3A_4212 = math.exp %sub3A_4211 : vector<50x1xf32>
    %add3A_4213 = arith.addf %exp3A_4208, %exp3A_4210 : vector<50x1xf32>
    %add3A_4214 = arith.addf %add3A_4213, %exp3A_4212 : vector<50x1xf32>
    %mul3A_4215 = vector.broadcast %exp3A_4208 : vector<50x1xf32> to vector<50x64xf32>
    %mul3A_4216 = arith.mulf %mul3A_4215, %get3A_4155 : vector<50x64xf32>
    %mul3A_4217 = vector.broadcast %exp3A_4210 : vector<50x1xf32> to vector<50x64xf32>
    %mul3A_4218 = arith.mulf %mul3A_4217, %get3A_4160 : vector<50x64xf32>
    %add3A_4219 = arith.addf %mul3A_4216, %mul3A_4218 : vector<50x64xf32>
    %mul3A_4220 = vector.broadcast %exp3A_4212 : vector<50x1xf32> to vector<50x64xf32>
    %mul3A_4221 = arith.mulf %mul3A_4220, %get3A_4165 : vector<50x64xf32>
    %add3A_4222 = arith.addf %add3A_4219, %mul3A_4221 : vector<50x64xf32>
    %div3A_4223 = vector.broadcast %add3A_4214 : vector<50x1xf32> to vector<50x64xf32>
    %div3A_4224 = arith.divf %add3A_4222, %div3A_4223 : vector<50x64xf32>
    %mul3A_4225 = arith.constant 5.000000e-01 : f32
    %mul3A_4226 = vector.broadcast %mul3A_4225 : f32 to vector<50x64xf32>
    %mul3A_4227 = arith.mulf %mul3A_4226, %div3A_4118 : vector<50x64xf32>
    %mul3A_4228 = arith.constant 5.000000e-01 : f32
    %mul3A_4229 = vector.broadcast %mul3A_4228 : f32 to vector<50x64xf32>
    %mul3A_4230 = arith.mulf %mul3A_4229, %div3A_4224 : vector<50x64xf32>
    %add3A_4231 = arith.addf %mul3A_4227, %mul3A_4230 : vector<50x64xf32>
    %get3A_4232 = arith.constant 15 : index
    %get3A_4233 = arith.constant 0 : index
    %get3A_4234 = arith.constant 0 : index
    %get3A_4235 = vector.load %arg6[%get3A_4232, %get3A_4233, %get3A_4234] : memref<16x50x50xf32, #tpu.memory_space<vmem>>, vector<1x50x50xf32>
    %get3A_4236 = vector.shape_cast %get3A_4235 : vector<1x50x50xf32> to vector<50x50xf32>
    %get3A_4237 = arith.constant 0 : index
    %get3A_4238 = arith.constant 0 : index
    %get3A_4239 = vector.load %arg12[%get3A_4237, %get3A_4238] : memref<1x64xf32, #tpu.memory_space<vmem>>, vector<1x64xf32>
    %mul3A_4240 = arith.mulf %div3A_4147, %get3A_4239 : vector<1x64xf32>
    %dot_general3A_4241 = arith.constant dense<0.000000e+00> : vector<1x50xf32>
    %dot_general3A_4242 = tpu.matmul %mul3A_4240, %div3A_4118, %dot_general3A_4241 {dimension_numbers = #tpu.dot_dimension_numbers<[1], [1], [0], [0], [0, 0, 1, 0], [], []>, transpose_lhs_hint = false} : vector<1x64xf32>, vector<50x64xf32>, vector<1x50xf32> -> vector<1x50xf32>
    %get3A_4243 = arith.constant 0 : index
    %get3A_4244 = arith.constant 0 : index
    %get3A_4245 = vector.load %arg13[%get3A_4243, %get3A_4244] : memref<1x64xf32, #tpu.memory_space<vmem>>, vector<1x64xf32>
    %mul3A_4246 = arith.mulf %div3A_4147, %get3A_4245 : vector<1x64xf32>
    %dot_general3A_4247 = arith.constant dense<0.000000e+00> : vector<1x50xf32>
    %dot_general3A_4248 = tpu.matmul %mul3A_4246, %div3A_4118, %dot_general3A_4247 {dimension_numbers = #tpu.dot_dimension_numbers<[1], [1], [0], [0], [0, 0, 1, 0], [], []>, transpose_lhs_hint = false} : vector<1x64xf32>, vector<50x64xf32>, vector<1x50xf32> -> vector<1x50xf32>
    %get3A_4249 = arith.constant 0 : index
    %get3A_4250 = arith.constant 0 : index
    %get3A_4251 = vector.load %arg10[%get3A_4249, %get3A_4250] : memref<1x64xf32, #tpu.memory_space<vmem>>, vector<1x64xf32>
    %mul3A_4252 = vector.broadcast %get3A_4251 : vector<1x64xf32> to vector<50x64xf32>
    %mul3A_4253 = arith.mulf %div3A_4118, %mul3A_4252 : vector<50x64xf32>
    %dot_general3A_4254 = arith.constant dense<0.000000e+00> : vector<50x50xf32>
    %dot_general3A_4255 = tpu.matmul %mul3A_4253, %div3A_4118, %dot_general3A_4254 {dimension_numbers = #tpu.dot_dimension_numbers<[1], [1], [0], [0], [0, 0, 1, 0], [], []>, transpose_lhs_hint = false} : vector<50x64xf32>, vector<50x64xf32>, vector<50x50xf32> -> vector<50x50xf32>
    %add3A_4256 = vector.broadcast %dot_general3A_4242 : vector<1x50xf32> to vector<50x50xf32>
    %add3A_4257 = arith.addf %dot_general3A_4255, %add3A_4256 : vector<50x50xf32>
    %ge3A_4258 = arith.constant 0.000000e+00 : f32
    %ge3A_4259 = vector.broadcast %ge3A_4258 : f32 to vector<50x50xf32>
    %ge3A_4260 = arith.cmpf oge, %add3A_4257, %ge3A_4259 : vector<50x50xf32>
    %mul3A_4261 = arith.constant 2.000000e-01 : f32
    %mul3A_4262 = vector.broadcast %mul3A_4261 : f32 to vector<50x50xf32>
    %mul3A_4263 = arith.mulf %mul3A_4262, %add3A_4257 : vector<50x50xf32>
    %select_n3A_4264 = arith.select %ge3A_4260, %add3A_4257, %mul3A_4263 : vector<50x50xi1>, vector<50x50xf32>
    %get3A_4265 = arith.constant 0 : index
    %get3A_4266 = arith.constant 0 : index
    %get3A_4267 = vector.load %arg11[%get3A_4265, %get3A_4266] : memref<1x64xf32, #tpu.memory_space<vmem>>, vector<1x64xf32>
    %mul3A_4268 = vector.broadcast %get3A_4267 : vector<1x64xf32> to vector<50x64xf32>
    %mul3A_4269 = arith.mulf %div3A_4118, %mul3A_4268 : vector<50x64xf32>
    %dot_general3A_4270 = arith.constant dense<0.000000e+00> : vector<50x50xf32>
    %dot_general3A_4271 = tpu.matmul %mul3A_4269, %div3A_4118, %dot_general3A_4270 {dimension_numbers = #tpu.dot_dimension_numbers<[1], [1], [0], [0], [0, 0, 1, 0], [], []>, transpose_lhs_hint = false} : vector<50x64xf32>, vector<50x64xf32>, vector<50x50xf32> -> vector<50x50xf32>
    %add3A_4272 = vector.broadcast %dot_general3A_4248 : vector<1x50xf32> to vector<50x50xf32>
    %add3A_4273 = arith.addf %dot_general3A_4271, %add3A_4272 : vector<50x50xf32>
    %ge3A_4274 = arith.constant 0.000000e+00 : f32
    %ge3A_4275 = vector.broadcast %ge3A_4274 : f32 to vector<50x50xf32>
    %ge3A_4276 = arith.cmpf oge, %add3A_4273, %ge3A_4275 : vector<50x50xf32>
    %mul3A_4277 = arith.constant 2.000000e-01 : f32
    %mul3A_4278 = vector.broadcast %mul3A_4277 : f32 to vector<50x50xf32>
    %mul3A_4279 = arith.mulf %mul3A_4278, %add3A_4273 : vector<50x50xf32>
    %select_n3A_4280 = arith.select %ge3A_4276, %add3A_4273, %mul3A_4279 : vector<50x50xi1>, vector<50x50xf32>
    %eq3A_4281 = arith.constant 1.000000e+00 : f32
    %eq3A_4282 = vector.broadcast %eq3A_4281 : f32 to vector<50x50xf32>
    %eq3A_4283 = arith.cmpf oeq, %get3A_4236, %eq3A_4282 : vector<50x50xf32>
    %eq3A_4284 = arith.constant 2.000000e+00 : f32
    %eq3A_4285 = vector.broadcast %eq3A_4284 : f32 to vector<50x50xf32>
    %eq3A_4286 = arith.cmpf oeq, %get3A_4236, %eq3A_4285 : vector<50x50xf32>
    %jit3A_4287 = arith.constant -9.000000e+15 : f32
    %broadcast_in_dim3A_4288 = vector.broadcast %jit3A_4287 : f32 to vector<50x50xf32>
    %select_n3A_4289 = arith.select %eq3A_4286, %select_n3A_4280, %broadcast_in_dim3A_4288 : vector<50x50xi1>, vector<50x50xf32>
    %select_n3A_4290 = arith.select %eq3A_4283, %select_n3A_4264, %select_n3A_4289 : vector<50x50xi1>, vector<50x50xf32>
    %reduce_max3A_4291 = arith.constant dense<0xFF800000> : vector<50xf32>
    %reduce_max3A_4292 = vector.multi_reduction <maximumf>, %select_n3A_4290, %reduce_max3A_4291 [1] : vector<50x50xf32> to vector<50xf32>
    %broadcast_in_dim3A_4293 = vector.shape_cast %reduce_max3A_4292 : vector<50xf32> to vector<50x1xf32>
    %sub3A_4294 = vector.broadcast %broadcast_in_dim3A_4293 : vector<50x1xf32> to vector<50x50xf32>
    %sub3A_4295 = arith.subf %select_n3A_4290, %sub3A_4294 : vector<50x50xf32>
    %exp3A_4296 = math.exp %sub3A_4295 : vector<50x50xf32>
    %reduce_sum3A_4297 = arith.constant dense<0.000000e+00> : vector<50xf32>
    %reduce_sum3A_4298 = vector.multi_reduction <add>, %exp3A_4296, %reduce_sum3A_4297 [1] : vector<50x50xf32> to vector<50xf32>
    %broadcast_in_dim3A_4299 = vector.shape_cast %reduce_sum3A_4298 : vector<50xf32> to vector<50x1xf32>
    %div3A_4300 = vector.broadcast %broadcast_in_dim3A_4299 : vector<50x1xf32> to vector<50x50xf32>
    %div3A_4301 = arith.divf %exp3A_4296, %div3A_4300 : vector<50x50xf32>
    %dot_general3A_4302 = arith.constant dense<0.000000e+00> : vector<50x64xf32>
    %dot_general3A_4303 = tpu.matmul %div3A_4301, %div3A_4118, %dot_general3A_4302 {dimension_numbers = #tpu.dot_dimension_numbers<[1], [0], [0], [1], [0, 0, 1, 1], [], []>, transpose_lhs_hint = false} : vector<50x50xf32>, vector<50x64xf32>, vector<50x64xf32> -> vector<50x64xf32>
    %add3A_4304 = arith.addf %dot_general3A_4303, %add3A_4231 : vector<50x64xf32>
    %mul3A_4305 = arith.mulf %dot_general3A_4303, %add3A_4231 : vector<50x64xf32>
    %add3A_4306 = arith.addf %add3A_4304, %mul3A_4305 : vector<50x64xf32>
    %get3A_4307 = arith.constant 15 : index
    %get3A_4308 = arith.constant 0 : index
    %get3A_4309 = arith.constant 0 : index
    %get3A_4310 = vector.load %arg7[%get3A_4307, %get3A_4308, %get3A_4309] : memref<16x50x50xf32, #tpu.memory_space<vmem>>, vector<1x50x50xf32>
    %get3A_4311 = vector.shape_cast %get3A_4310 : vector<1x50x50xf32> to vector<50x50xf32>
    %dot_general3A_4312 = arith.constant dense<0.000000e+00> : vector<50x64xf32>
    %dot_general3A_4313 = tpu.matmul %get3A_4311, %add3A_4306, %dot_general3A_4312 {dimension_numbers = #tpu.dot_dimension_numbers<[1], [0], [0], [1], [0, 0, 1, 1], [], []>, transpose_lhs_hint = false} : vector<50x50xf32>, vector<50x64xf32>, vector<50x64xf32> -> vector<50x64xf32>
    %get3A_4314 = arith.constant 0 : index
    %get3A_4315 = arith.constant 0 : index
    %get3A_4316 = vector.load %arg19[%get3A_4314, %get3A_4315] : memref<51x64xf32, #tpu.memory_space<vmem>>, vector<50x64xf32>
    %add3A_4317 = arith.addf %dot_general3A_4313, %get3A_4316 : vector<50x64xf32>
    %mul3A_4318 = vector.broadcast %get3A_4135 : vector<50x1xf32> to vector<50x64xf32>
    %mul3A_4319 = arith.mulf %add3A_4317, %mul3A_4318 : vector<50x64xf32>
    %reduce_sum3A_4320 = arith.constant dense<0.000000e+00> : vector<64xf32>
    %reduce_sum3A_4321 = vector.multi_reduction <add>, %mul3A_4319, %reduce_sum3A_4320 [0] : vector<50x64xf32> to vector<64xf32>
    %broadcast_in_dim3A_4322 = vector.shape_cast %reduce_sum3A_4321 : vector<64xf32> to vector<1x64xf32>
    %div3A_4323 = vector.broadcast %reduce_sum3A_4140 : f32 to vector<1x64xf32>
    %div3A_4324 = arith.divf %broadcast_in_dim3A_4322, %div3A_4323 : vector<1x64xf32>
    %get3A_4325 = arith.constant 0 : index
    %get3A_4326 = arith.constant 0 : index
    %get3A_4327 = vector.load %arg14[%get3A_4325, %get3A_4326] : memref<64x64xf32, #tpu.memory_space<vmem>>, vector<64x64xf32>
    %dot_general3A_4328 = arith.constant dense<0.000000e+00> : vector<50x64xf32>
    %dot_general3A_4329 = tpu.matmul %add3A_4317, %get3A_4327, %dot_general3A_4328 {dimension_numbers = #tpu.dot_dimension_numbers<[1], [1], [0], [0], [0, 0, 1, 0], [], []>, transpose_lhs_hint = false} : vector<50x64xf32>, vector<64x64xf32>, vector<50x64xf32> -> vector<50x64xf32>
    %get3A_4330 = arith.constant 0 : index
    %get3A_4331 = arith.constant 0 : index
    %get3A_4332 = vector.load %arg15[%get3A_4330, %get3A_4331] : memref<1x64xf32, #tpu.memory_space<vmem>>, vector<1x64xf32>
    %add3A_4333 = vector.broadcast %get3A_4332 : vector<1x64xf32> to vector<50x64xf32>
    %add3A_4334 = arith.addf %dot_general3A_4329, %add3A_4333 : vector<50x64xf32>
    %get3A_4335 = arith.constant 0 : index
    %get3A_4336 = arith.constant 0 : index
    %get3A_4337 = vector.load %arg16[%get3A_4335, %get3A_4336] : memref<64x64xf32, #tpu.memory_space<vmem>>, vector<64x64xf32>
    %dot_general3A_4338 = arith.constant dense<0.000000e+00> : vector<1x64xf32>
    %dot_general3A_4339 = tpu.matmul %div3A_4324, %get3A_4337, %dot_general3A_4338 {dimension_numbers = #tpu.dot_dimension_numbers<[1], [1], [0], [0], [0, 0, 1, 0], [], []>, transpose_lhs_hint = false} : vector<1x64xf32>, vector<64x64xf32>, vector<1x64xf32> -> vector<1x64xf32>
    %get3A_4340 = arith.constant 0 : index
    %get3A_4341 = arith.constant 0 : index
    %get3A_4342 = vector.load %arg17[%get3A_4340, %get3A_4341] : memref<1x64xf32, #tpu.memory_space<vmem>>, vector<1x64xf32>
    %add3A_4343 = arith.addf %dot_general3A_4339, %get3A_4342 : vector<1x64xf32>
    %add3A_4344 = vector.broadcast %add3A_4343 : vector<1x64xf32> to vector<50x64xf32>
    %add3A_4345 = arith.addf %add3A_4334, %add3A_4344 : vector<50x64xf32>
    %logistic3A_4346 = arith.negf %add3A_4345 : vector<50x64xf32>
    %logistic3A_4347 = math.exp %logistic3A_4346 : vector<50x64xf32>
    %logistic3A_4348 = arith.constant 1.000000e+00 : f32
    %logistic3A_4349 = vector.broadcast %logistic3A_4348 : f32 to vector<50x64xf32>
    %logistic3A_4350 = arith.addf %logistic3A_4349, %logistic3A_4347 : vector<50x64xf32>
    %logistic3A_4351 = arith.divf %logistic3A_4349, %logistic3A_4350 : vector<50x64xf32>
    %get3A_4352 = arith.constant 0 : index
    %get3A_4353 = arith.constant 0 : index
    %get3A_4354 = vector.load %arg18[%get3A_4352, %get3A_4353] : memref<1x64xf32, #tpu.memory_space<vmem>>, vector<1x64xf32>
    %dot_general3A_4355 = arith.constant dense<0.000000e+00> : vector<50x1xf32>
    %dot_general3A_4356 = tpu.matmul %logistic3A_4351, %get3A_4354, %dot_general3A_4355 {dimension_numbers = #tpu.dot_dimension_numbers<[1], [1], [0], [0], [0, 0, 1, 0], [], []>, transpose_lhs_hint = false} : vector<50x64xf32>, vector<1x64xf32>, vector<50x1xf32> -> vector<50x1xf32>
    %mul3A_4357 = vector.broadcast %dot_general3A_4356 : vector<50x1xf32> to vector<50x64xf32>
    %mul3A_4358 = arith.mulf %mul3A_4357, %dot_general3A_4313 : vector<50x64xf32>
    %mul3A_4359 = vector.broadcast %get3A_4135 : vector<50x1xf32> to vector<50x64xf32>
    %mul3A_4360 = arith.mulf %mul3A_4358, %mul3A_4359 : vector<50x64xf32>
    %reduce_sum3A_4361 = arith.constant dense<0.000000e+00> : vector<64xf32>
    %reduce_sum3A_4362 = vector.multi_reduction <add>, %mul3A_4360, %reduce_sum3A_4361 [0] : vector<50x64xf32> to vector<64xf32>
    %broadcast_in_dim3A_4363 = vector.shape_cast %reduce_sum3A_4362 : vector<64xf32> to vector<1x64xf32>
    %get3A_4364 = arith.constant 50 : index
    %get3A_4365 = arith.constant 0 : index
    %get3A_4366 = vector.load %arg19[%get3A_4364, %get3A_4365] : memref<51x64xf32, #tpu.memory_space<vmem>>, vector<1x64xf32>
    %mul3A_4367 = vector.broadcast %get3A_4135 : vector<50x1xf32> to vector<50x64xf32>
    %mul3A_4368 = arith.mulf %get3A_4316, %mul3A_4367 : vector<50x64xf32>
    %reduce_sum3A_4369 = arith.constant dense<0.000000e+00> : vector<64xf32>
    %reduce_sum3A_4370 = vector.multi_reduction <add>, %mul3A_4368, %reduce_sum3A_4369 [0] : vector<50x64xf32> to vector<64xf32>
    %broadcast_in_dim3A_4371 = vector.shape_cast %reduce_sum3A_4370 : vector<64xf32> to vector<1x64xf32>
    %div3A_4372 = vector.broadcast %reduce_sum3A_4140 : f32 to vector<1x64xf32>
    %div3A_4373 = arith.divf %broadcast_in_dim3A_4371, %div3A_4372 : vector<1x64xf32>
    %mul3A_4374 = arith.mulf %get3A_4366, %div3A_4373 : vector<1x64xf32>
    %add3A_4375 = arith.addf %broadcast_in_dim3A_4363, %mul3A_4374 : vector<1x64xf32>
    %swap3A_4376 = arith.constant 15 : index
    %swap3A_4377 = arith.constant 0 : index
    %swap3A_4378 = arith.constant 0 : index
    %swap3A_4379 = vector.load %arg20[%swap3A_4376, %swap3A_4377, %swap3A_4378] : memref<16x1x64xf32, #tpu.memory_space<vmem>>, vector<1x1x64xf32>
    %swap3A_4380 = vector.shape_cast %swap3A_4379 : vector<1x1x64xf32> to vector<1x64xf32>
    %swap3A_4381 = vector.shape_cast %add3A_4375 : vector<1x64xf32> to vector<1x1x64xf32>
    tpu.vector_store %arg20[%swap3A_4376, %swap3A_4377, %swap3A_4378], %swap3A_4381 {strides = array<i32>} : memref<16x1x64xf32, #tpu.memory_space<vmem>>, vector<1x1x64xf32>,
    return
  }
  func.func @transform_0(%arg0: i32) -> (i32, i32, i32) {
    %c0_i32 = arith.constant 0 : i32
    %c0_i32_0 = arith.constant 0 : i32
    %c0_i32_1 = arith.constant 0 : i32
    return %arg0, %c0_i32, %c0_i32_0 : i32, i32, i32
  }
  func.func @transform_1(%arg0: i32) -> (i32, i32, i32) {
    %c0_i32 = arith.constant 0 : i32
    %c0_i32_0 = arith.constant 0 : i32
    %c0_i32_1 = arith.constant 0 : i32
    return %arg0, %c0_i32, %c0_i32_0 : i32, i32, i32
  }
  func.func @transform_2(%arg0: i32) -> (i32, i32, i32) {
    %c0_i32 = arith.constant 0 : i32
    %c0_i32_0 = arith.constant 0 : i32
    %c0_i32_1 = arith.constant 0 : i32
    return %arg0, %c0_i32, %c0_i32_0 : i32, i32, i32
  }
  func.func @transform_3(%arg0: i32) -> (i32, i32, i32) {
    %c0_i32 = arith.constant 0 : i32
    %c0_i32_0 = arith.constant 0 : i32
    %c0_i32_1 = arith.constant 0 : i32
    return %arg0, %c0_i32, %c0_i32_0 : i32, i32, i32
  }
  func.func @transform_4(%arg0: i32) -> (i32, i32, i32) {
    %c0_i32 = arith.constant 0 : i32
    %c0_i32_0 = arith.constant 0 : i32
    %c0_i32_1 = arith.constant 0 : i32
    return %arg0, %c0_i32, %c0_i32_0 : i32, i32, i32
  }
  func.func @transform_5(%arg0: i32) -> (i32, i32, i32) {
    %c0_i32 = arith.constant 0 : i32
    %c0_i32_0 = arith.constant 0 : i32
    %c0_i32_1 = arith.constant 0 : i32
    return %arg0, %c0_i32, %c0_i32_0 : i32, i32, i32
  }
  func.func @transform_6(%arg0: i32) -> (i32, i32, i32) {
    %c0_i32 = arith.constant 0 : i32
    %c0_i32_0 = arith.constant 0 : i32
    %c0_i32_1 = arith.constant 0 : i32
    return %arg0, %c0_i32, %c0_i32_0 : i32, i32, i32
  }
  func.func @transform_7(%arg0: i32) -> (i32, i32, i32) {
    %c0_i32 = arith.constant 0 : i32
    %c0_i32_0 = arith.constant 0 : i32
    %c0_i32_1 = arith.constant 0 : i32
    return %arg0, %c0_i32, %c0_i32_0 : i32, i32, i32
  }
  func.func @transform_8(%arg0: i32) -> (i32, i32) {
    %c0_i32 = arith.constant 0 : i32
    %c0_i32_0 = arith.constant 0 : i32
    %c0_i32_1 = arith.constant 0 : i32
    return %c0_i32, %c0_i32_0 : i32, i32
  }
  func.func @transform_9(%arg0: i32) -> (i32, i32) {
    %c0_i32 = arith.constant 0 : i32
    %c0_i32_0 = arith.constant 0 : i32
    %c0_i32_1 = arith.constant 0 : i32
    return %c0_i32, %c0_i32_0 : i32, i32
  }
  func.func @transform_10(%arg0: i32) -> (i32, i32) {
    %c0_i32 = arith.constant 0 : i32
    %c0_i32_0 = arith.constant 0 : i32
    %c0_i32_1 = arith.constant 0 : i32
    return %c0_i32, %c0_i32_0 : i32, i32
  }
  func.func @transform_11(%arg0: i32) -> (i32, i32) {
    %c0_i32 = arith.constant 0 : i32
    %c0_i32_0 = arith.constant 0 : i32
    %c0_i32_1 = arith.constant 0 : i32
    return %c0_i32, %c0_i32_0 : i32, i32
  }
  func.func @transform_12(%arg0: i32) -> (i32, i32) {
    %c0_i32 = arith.constant 0 : i32
    %c0_i32_0 = arith.constant 0 : i32
    %c0_i32_1 = arith.constant 0 : i32
    return %c0_i32, %c0_i32_0 : i32, i32
  }
  func.func @transform_13(%arg0: i32) -> (i32, i32) {
    %c0_i32 = arith.constant 0 : i32
    %c0_i32_0 = arith.constant 0 : i32
    %c0_i32_1 = arith.constant 0 : i32
    return %c0_i32, %c0_i32_0 : i32, i32
  }
  func.func @transform_14(%arg0: i32) -> (i32, i32) {
    %c0_i32 = arith.constant 0 : i32
    %c0_i32_0 = arith.constant 0 : i32
    %c0_i32_1 = arith.constant 0 : i32
    return %c0_i32, %c0_i32_0 : i32, i32
  }
  func.func @transform_15(%arg0: i32) -> (i32, i32) {
    %c0_i32 = arith.constant 0 : i32
    %c0_i32_0 = arith.constant 0 : i32
    %c0_i32_1 = arith.constant 0 : i32
    return %c0_i32, %c0_i32_0 : i32, i32
  }
  func.func @transform_16(%arg0: i32) -> (i32, i32) {
    %c0_i32 = arith.constant 0 : i32
    %c0_i32_0 = arith.constant 0 : i32
    %c0_i32_1 = arith.constant 0 : i32
    return %c0_i32, %c0_i32_0 : i32, i32
  }
  func.func @transform_17(%arg0: i32) -> (i32, i32) {
    %c0_i32 = arith.constant 0 : i32
    %c0_i32_0 = arith.constant 0 : i32
    %c0_i32_1 = arith.constant 0 : i32
    return %c0_i32, %c0_i32_0 : i32, i32
  }
  func.func @transform_18(%arg0: i32) -> (i32, i32) {
    %c0_i32 = arith.constant 0 : i32
    %c0_i32_0 = arith.constant 0 : i32
    %c0_i32_1 = arith.constant 0 : i32
    return %c0_i32, %c0_i32_0 : i32, i32
  }
  func.func @transform_19(%arg0: i32) -> (i32, i32, i32) {
    %c0_i32 = arith.constant 0 : i32
    %c0_i32_0 = arith.constant 0 : i32
    %c0_i32_1 = arith.constant 0 : i32
    return %arg0, %c0_i32, %c0_i32_0 : i32, i32, i32
  }
}

module attributes {stable_mosaic.version = 14 : i64} {
  func.func @_scores_kernel(%arg0: i32, %arg1: memref<16384x64xf32, #tpu.memory_space<vmem>>, %arg2: memref<64x64xf32, #tpu.memory_space<vmem>>, %arg3: memref<64x16384xf32, #tpu.memory_space<vmem>>) attributes {dimension_semantics = [#tpu.dimension_semantics<arbitrary>], iteration_bounds = array<i64: 7>, scalar_prefetch = 0 : i64, scratch_operands = 0 : i64, tpu.core_type = #tpu.core_type<tc>, window_params = [{transform_indices = @transform_0, window_bounds = array<i64: 16384, 64>}, {pipeline_mode = #tpu.pipeline_mode<synchronous>, transform_indices = @transform_1, window_bounds = array<i64: 64, 64>}, {transform_indices = @transform_2, window_bounds = array<i64: 64, 16384>}]} {
    %get3A = arith.constant 0 : index
    %get3A_0 = arith.constant 0 : index
    %get3A_1 = vector.load %arg1[%get3A, %get3A_0] : memref<16384x64xf32, #tpu.memory_space<vmem>>, vector<16384x64xf32>
    %get3A_2 = arith.constant 0 : index
    %get3A_3 = arith.constant 0 : index
    %get3A_4 = vector.load %arg2[%get3A_2, %get3A_3] : memref<64x64xf32, #tpu.memory_space<vmem>>, vector<64x64xf32>
    %dot_general3A = arith.constant dense<0.000000e+00> : vector<64x16384xf32>
    %dot_general3A_5 = tpu.matmul %get3A_4, %get3A_1, %dot_general3A {dimension_numbers = #tpu.dot_dimension_numbers<[1], [1], [0], [0], [0, 0, 1, 0], [], []>, transpose_lhs_hint = false} : vector<64x64xf32>, vector<16384x64xf32>, vector<64x16384xf32> -> vector<64x16384xf32>
    %broadcast_in_dim3A = arith.constant 1.000000e+00 : f32
    %broadcast_in_dim3A_6 = vector.broadcast %broadcast_in_dim3A : f32 to vector<1x64xf32>
    %mul3A = arith.mulf %get3A_1, %get3A_1 : vector<16384x64xf32>
    %dot_general3A_7 = arith.constant dense<0.000000e+00> : vector<1x16384xf32>
    %dot_general3A_8 = tpu.matmul %broadcast_in_dim3A_6, %mul3A, %dot_general3A_7 {dimension_numbers = #tpu.dot_dimension_numbers<[1], [1], [0], [0], [0, 0, 1, 0], [], []>, transpose_lhs_hint = false} : vector<1x64xf32>, vector<16384x64xf32>, vector<1x16384xf32> -> vector<1x16384xf32>
    %sqrt3A = math.sqrt %dot_general3A_8 : vector<1x16384xf32>
    %div3A = vector.broadcast %sqrt3A : vector<1x16384xf32> to vector<64x16384xf32>
    %div3A_9 = arith.divf %dot_general3A_5, %div3A : vector<64x16384xf32>
    %swap3A = arith.constant 0 : index
    %swap3A_10 = arith.constant 0 : index
    %swap3A_11 = vector.load %arg3[%swap3A, %swap3A_10] : memref<64x16384xf32, #tpu.memory_space<vmem>>, vector<64x16384xf32>
    tpu.vector_store %arg3[%swap3A, %swap3A_10], %div3A_9 {strides = array<i32>} : memref<64x16384xf32, #tpu.memory_space<vmem>>, vector<64x16384xf32>,
    return
  }
  func.func @transform_0(%arg0: i32) -> (i32, i32) {
    %c0_i32 = arith.constant 0 : i32
    %c0_i32_0 = arith.constant 0 : i32
    return %arg0, %c0_i32 : i32, i32
  }
  func.func @transform_1(%arg0: i32) -> (i32, i32) {
    %c0_i32 = arith.constant 0 : i32
    %c0_i32_0 = arith.constant 0 : i32
    %c0_i32_1 = arith.constant 0 : i32
    return %c0_i32, %c0_i32_0 : i32, i32
  }
  func.func @transform_2(%arg0: i32) -> (i32, i32) {
    %c0_i32 = arith.constant 0 : i32
    %c0_i32_0 = arith.constant 0 : i32
    return %c0_i32, %arg0 : i32, i32
  }
}

</mosaic_0001>

<sc_bundles>
// kernel: gather_offload_async_start.1
scs
__scs_entry_jumppad:
0x0: {  	(pc) =	sbr.rel $0x88, $3  }
0x1: {  	(tag) =	ssettag $0x0;
	lr =	simm.s32 $0x1  }
0x2: {  	[smem:$0x3F8C] =	sst lr;
	_ =	strace $0xD0000000  }
0x3: {  	_ = 	snop  }
0x4: {  	_ = 	snop  }
0x5: {  	_ = 	snop  }
0x6: {  	_ = 	snop  }
0x7: {  	_ = 	snop  }
__scs_overlays_trampoline_lowered:
0x8: {  	[smem:$0x3F9B] =	sst s0  }
0x9: {  	[smem:$0x3F9C] =	sst s1  }
0xa: {  	[smem:$0x3F9D] =	sst s2  }
0xb: {  	[smem:$0x3F9E] =	sst s3  }
0xc: {  	[smem:$0x3F9F] =	sst s4  }
0xd: {  	[smem:$0x3FA0] =	sst s5  }
0xe: {  	[smem:$0x3FA1] =	sst s6  }
0xf: {  	[smem:$0x3FA2] =	sst s7  }
0x10: {  	[smem:$0x3FA3] =	sst s8  }
0x11: {  	[smem:$0x3FA4] =	sst s9;
	s0 =	simm.s32 @!p0 $0x0  }
0x12: {  	s1 =	sld [smem:$0x3F8A];
	s0 =	simm.s32 @p0 $0x1  }
0x13: {  	[smem:$0x3FA5] =	sst s0;
	s0 =	simm.s32 @!p1 $0x0  }
0x14: {  	s2 =	sld [smem:$0x3F89];
	s0 =	simm.s32 @p1 $0x1  }
0x15: {  	[smem:$0x3FA6] =	sst s0;
	s0 =	simm.s32 @!p2 $0x0  }
0x16: {  	s3 =	sld [smem:$0x3FDB];
	s0 =	simm.s32 @p2 $0x1  }
0x17: {  	s4 =	simm.s32 $0x1BF5;
	[smem:$0x3FA8] =	sst s0  }
0x18: {  	s0 =	sld [smem:$0x3F8B];
	_ =	swait.ge [sflag:s4], $0x0  }
0x19: {  	s7 =	sld [smem:$0x3F8C]  }
0x1a: {  	s8 =	sadd.s32 $0xFFFFE003, lr  }
0x1b: {  	s9 =	sadd.s32 $0xFFFFFEF7, lr;
	s5 =	simm.s32 $0xFFFFFFFF;
	p2 =	slt.u32 s8, $0xFFFFF086  }
0x1c: {  	p1 =	slt.u32 s9, $0xF7A;
	s5 =	simm.s32 @!p2 $0x0  }
0x1d: {  	s5 =	simm.s32 @p1 $0x1;
	p0 =	seq.s32 s7, s2  }
0x1e: {  	s7 =	smul.u32 @!p0 $0xF7A, s2;
	p2 =	seq.s32 @!p0 s5, $0x0  }
0x1f: {  	s9 =	smul.u32 $0xF7A, s1;
	s8 =	simm.s32 @!p0 $0x1BF5;
	p2 =	por !p2, p0  }
0x20: {  	[sflag:s8] =	ssyncset.s32 @!p0 $0xFFFFF086;
	s6 =	sadd.s32 @!p0 s3, s7;
	s7 =	simm.s32 @!p0 $0x108  }
0x21: {  	s3 =	sadd.s32 s3, s9;
	s6 =	sadd.s32 @!p0 $0x88, s6;
	s7 =	simm.s32 @p2 $0x1082  }
0x22: {  	[simem:s7], [sflag:s8] =	dma.local @!p0 [hbm:s6], $0xF7A  }
0x23: {  	s9 =	sor.u32 $0xD0000000, s2;
	s6 =	simm.s32 $0x108;
	_ =	swait.ge @!p0 [sflag:s8], $0x0  }
0x24: {  	s3 =	sadd.s32 $0x88, s3;
	s6 =	simm.s32 @!p1 $0x1082;
	[sflag:s4] =	ssyncset.s32 $0xFFFFF086  }
0x25: {  	[simem:s6], [sflag:s4] =	dma.local [hbm:s3], $0xF7A  }
0x26: {  	[smem:$0x3F8C] =	sst s1;
	(tag) =	ssettag s2;
	_ =	strace s9  }
0x27: {  	s1 =	sld [smem:$0x3F9C]  }
0x28: {  	s2 =	sld [smem:$0x3F9D]  }
0x29: {  	s4 =	sld [smem:$0x3F9F]  }
0x2a: {  	p0 =	seq.s32 s5, $0x0;
	s5 =	sld [smem:$0x3FA0]  }
0x2b: {  	s6 =	sld [smem:$0x3FA1]  }
0x2c: {  	s7 =	sld [smem:$0x3FA2]  }
0x2d: {  	s3 =	simm.s32 $0x108;
	s8 =	sld [smem:$0x3FA3]  }
0x2e: {  	s3 =	simm.s32 @!p0 $0x1082;
	s9 =	sld [smem:$0x3FA4]  }
0x2f: {  	lr =	sadd.s32 s0, s3;
	s0 =	sld [smem:$0x3F9B]  }
0x30: {  	s3 =	sld [smem:$0x3F9E]  }
0x31: {  	[smem:$0x3FA7] =	sst s10  }
0x32: {  	s10 =	sld [smem:$0x3FA5];
	_ =	sdelay $0x3  }
0x33: {  	p0 =	seq.s32 s10, $0x1;
	s10 =	sld [smem:$0x3FA7];
	_ =	sdelay $0x3  }
0x34: {  	[smem:$0x3FA7] =	sst s10  }
0x35: {  	s10 =	sld [smem:$0x3FA6];
	_ =	sdelay $0x3  }
0x36: {  	p1 =	seq.s32 s10, $0x1;
	s10 =	sld [smem:$0x3FA7];
	_ =	sdelay $0x3  }
0x37: {  	[smem:$0x3FA7] =	sst s10  }
0x38: {  	s10 =	sld [smem:$0x3FA8]  }
0x39: {  	_ = 	snop;
	(pc) =	sbr.ind lr, $3  }
0x3a: {  	_ = 	snop  }
0x3b: {  	_ = 	snop  }
0x3c: {  	p2 =	seq.s32 s10, $0x1;
	s10 =	sld [smem:$0x3FA7]  }
0x3d: {  	_ =	shalt  }
0x3e: {  	_ =	shalt  }
0x3f: {  	_ =	shalt  }
0x40: {  	_ =	shalt  }
0x41: {  	_ =	shalt  }
0x42: {  	_ =	shalt  }
0x43: {  	_ =	shalt  }
0x44: {  	_ =	shalt  }
0x45: {  	_ =	shalt  }
0x46: {  	_ =	shalt  }
0x47: {  	_ =	shalt  }
0x48: {  	_ =	shalt  }
0x49: {  	_ =	shalt  }
0x4a: {  	_ =	shalt  }
0x4b: {  	_ =	shalt  }
0x4c: {  	_ =	shalt  }
0x4d: {  	_ =	shalt  }
0x4e: {  	_ =	shalt  }
0x4f: {  	_ =	shalt  }
0x50: {  	_ =	shalt  }
0x51: {  	_ =	shalt  }
0x52: {  	_ =	shalt  }
0x53: {  	_ =	shalt  }
0x54: {  	_ =	shalt  }
0x55: {  	_ =	shalt  }
0x56: {  	_ =	shalt  }
0x57: {  	_ =	shalt  }
0x58: {  	_ =	shalt  }
0x59: {  	_ =	shalt  }
0x5a: {  	_ =	shalt  }
0x5b: {  	_ =	shalt  }
0x5c: {  	_ =	shalt  }
0x5d: {  	_ =	shalt  }
0x5e: {  	_ =	shalt  }
0x5f: {  	_ =	shalt  }
0x60: {  	_ =	shalt  }
0x61: {  	_ =	shalt  }
0x62: {  	_ =	shalt  }
0x63: {  	_ =	shalt  }
0x64: {  	_ =	shalt  }
0x65: {  	_ =	shalt  }
0x66: {  	_ =	shalt  }
0x67: {  	_ =	shalt  }
0x68: {  	_ =	shalt  }
0x69: {  	_ =	shalt  }
0x6a: {  	_ =	shalt  }
0x6b: {  	_ =	shalt  }
0x6c: {  	_ =	shalt  }
0x6d: {  	_ =	shalt  }
0x6e: {  	_ =	shalt  }
0x6f: {  	_ =	shalt  }
0x70: {  	_ =	shalt  }
0x71: {  	_ =	shalt  }
0x72: {  	_ =	shalt  }
0x73: {  	_ =	shalt  }
0x74: {  	_ =	shalt  }
0x75: {  	_ =	shalt  }
0x76: {  	_ =	shalt  }
0x77: {  	_ =	shalt  }
0x78: {  	_ =	shalt  }
0x79: {  	_ =	shalt  }
0x7a: {  	_ =	shalt  }
0x7b: {  	_ =	shalt  }
0x7c: {  	_ =	shalt  }
0x7d: {  	_ =	shalt  }
0x7e: {  	_ =	shalt  }
0x7f: {  	_ =	shalt  }
0x80: {  	_ =	shalt  }
0x81: {  	_ =	shalt  }
0x82: {  	_ =	shalt  }
0x83: {  	_ =	shalt  }
0x84: {  	_ =	shalt  }
0x85: {  	_ =	shalt  }
0x86: {  	_ =	shalt  }
0x87: {  	_ =	shalt  }
.Lfunc_end0:
.L_simem_size_0:
called_computation.1_lowered:
.L_overlay_start_0:
0x88: {  	s2 =	sld [smem:$0x3FD9]  }
0x89: {  	s3 =	sld [smem:$0x3FFE];
	_ =	sdelay $0x1  }
0x8a: {  	s1 =	srdreg.scid  }
0x8b: {  	s0 =	sand.u32 $0x1, s1  }
0x8c: {  	s17 =	sshll.u32 s0, $0xA;
	s2 =	sadd.s32 s3, s2  }
0x8d: {  	s2 =	sadd.s32 s2, s17  }
0x8e: {  	[smem:$0x3FB3] =	sst s2  }
0x8f: {  	_ = 	snop  }
0x90: {  	s2 =	sld [smem:$0x3FD0];
	(tm) =	ssettm $0x1  }
0x91: {  	s18 =	sld [smem:$0x3FFB];
	_ =	sdelay $0x3  }
0x92: {  	_ =	strace s18  }
0x93: {  	s3 =	sld [smem:$0x3FFC];
	_ =	sdelay $0x3  }
0x94: {  	_ =	strace s3  }
0x95: {  	s3 =	sld [smem:$0x3FFD];
	_ =	sdelay $0x3  }
0x96: {  	_ =	strace s3  }
0x97: {  	_ =	strace $0x8FFFFFFF  }
0x98: {  	s19 =	sld [smem:$0x3FDB];
	_ =	sdelay $0x1  }
0x99: {  	s4 =	simm.s32 $_scs_section_size  }
0x9a: {  	s5 =	simm.s32 $_size__tile_overlayer_lowered;
	s6 =	simm.s32 $_tile_overlayer_lowered  }
0x9b: {  	s22 =	simm.s32 $0x1BFF;
	s21 =	sshll.u32 s6, $0x1;
	s3 =	sadd.s32 s4, s19  }
0x9c: {  	s7 =	simm.s32 $0x0;
	s20 =	sshll.u32 s5, $0x1;
	s5 =	sadd.s32 s21, s3  }
0x9d: {  	[timem:s7], [sflag:s22] =	dma.local [hbm:s5], s20  }
0x9e: {  	_ =	swait.ge [sflag:s22], s20  }
0x9f: {  	s4 =	ssub.s32 $0x0, s20;
	[sflag:s22] =	ssyncset.done $0x0  }
0xa0: {  	[sflag:s22] =	ssyncadd.s32 s4;
	_ =	sdelay $0x1  }
0xa1: {  	s23 =	simm.s32 $0x1B8B  }
0xa2: {  	_ =	swait.ge [sflag:s23], $0x1  }
0xa3: {  	[sflag:s23] =	ssyncset.done $0x0  }
0xa4: {  	s25 =	simm.s32 $0x1B8E;
	s24 =	sld [smem:$0x3FFE];
	[sflag:s23] =	ssyncadd.s32 $0xFFFFFFFF  }
0xa5: {  	s26 =	simm.s32 $execute0_lowered;
	[smem:$0x3FD2] =	sst s25  }
0xa6: {  	s5 =	sshll.u32 s26, $0x1;
	_ =	strace $0x80000046;
	[dreg:$0x1] =	wrdreg $0xFFFFFFFF  }
0xa7: {  	s28 =	simm.s32 $_size_execute0_lowered;
	s3 =	sadd.s32 s3, s5;
	[dreg:$0x0] =	wrdreg $0x0  }
0xa8: {  	s5 =	sshll.u32 s28, $0x1;
	[dreg:$0x2] =	wrdreg s3  }
0xa9: {  	[dreg:$0x3] =	wrdreg s5  }
0xaa: {  	[dreg:$0x4] =	wrdreg $0xC0  }
0xab: {  	_ =	task [dreg:s7], $0x5FFFF  }
0xac: {  	[dreg:$0x1] =	wrdreg $0xFFFFFFFF  }
0xad: {  	[dreg:$0x0] =	wrdreg $0x60  }
0xae: {  	[dreg:$0x2] =	wrdreg s24  }
0xaf: {  	[dreg:$0x3] =	wrdreg s2  }
0xb0: {  	[dreg:$0x4] =	wrdreg $0x9  }
0xb1: {  	_ =	task.clear_ibuf [dreg:s7], $0x5FFFF;
	_ =	strace $0x90000046  }
0xb2: {  	s29 =	simm.s32 $0x9;
	_ =	strace $0x80000048  }
0xb3: {  	_ =	swait.ge [sflag:s29], $0x1  }
0xb4: {  	[sflag:s29] =	ssyncadd.s32 $0xFFFFFFFF  }
0xb5: {  	_ =	strace $0x90000048  }
0xb6: {  	_ =	sfence  }
0xb7: {  	s30 =	sld [smem:$0x0];
	_ =	sdelay $0x2  }
0xb8: {  	s31 =	sshll.u32 s1, $0xD;
	s1 =	sshrl.u32 s1, $0x2  }
0xb9: {  	s3 =	sand.u32 $0x4000, s31;
	s1 =	sadd.s32 s1, s30  }
0xba: {  	s0 =	sor.u32 s3, s0;
	s1 =	sshll.u32 s1, $0x11  }
0xbb: {  	s0 =	sor.u32 s1, s0  }
0xbc: {  	s0 =	sadd.s32 $0x8F2B, s0  }
0xbd: {  	[sflag:s0] =	ssyncadd.remote.s32 $0x1  }
0xbe: {  	_ =	sfence.sel $0xFFFF  }
0xbf: {  	[dreg:$0x0] =	wrdreg $0xFFFFFFFF;
	(pc) =	sbr.abs _section_cstart, $3  }
0xc0: {  	[dreg:$0x1] =	wrdreg $0xFFFFFFFF  }
0xc1: {  	_ =	task.clear_ibuf [dreg:s7], $0x2FFFF;
	_ =	strace $0x9FFFFFFF  }
0xc2: {  	(tm) =	ssettm $0x7FFFFFFF  }
0xc3: {  	_ =	shalt  }
tec
execute0_lowered:
.L_overlay_start_1:
0x0: {  	(tag) =	ssettag $0x1  }
0x1: {  	s0 =	srdreg.scid  }
0x2: {  	s1 =	sshll.u32 s0, $0x4  }
0x3: {  	s0 =	stileid.u32;
	s1 =	sand.u32 $0x10, s1  }
0x4: {  	s9 =	rddreg [dreg:$0x0];
	s1 =	sor.u32 s0, s1  }
0x5: {  	s3 =	rddreg [dreg:$0x1];
	s2 =	smin.u32 s1, $0x12  }
0x6: {  	p0 =	slt.u32 s1, $0x12;
	s2 =	sadd.s32 s1, s2;
	s1 =	simm.s32 $0x80  }
0x7: {  	s6 =	simm.s32 $0x1;
	s2 =	sshll.u32 s2, $0x6;
	s1 =	simm.s32 @!p0 $0x40  }
0x8: {  	s7 =	simm.s32 $0x2;
	s10 =	simm.s32 $0x3;
	s4 =	sadd.s32 s1, s2  }
0x9: {  	s13 =	simm.s32 $0x0;
	s12 =	simm.s32 $0x0;
	s4 =	smin.u32 s4, $0xC80  }
.Ltmp0:
0xa: {  	s5 =	sadd.s32 $0x187A00, s9;
	s8 =	ssub.s32 s4, s2;
	(pc) =	sbr.rel .LBB2_1-.Ltmp0, $4  }
0xb: {  	s1 =	rddreg [dreg:$0x2];
	_ =	strace $0x80000047;
	p0 =	sgt.s32 s8, $0x0  }
0xc: {  	s9 =	sadd.s32 $0x187800, s9;
	[sflag:s6] =	ssyncpa.u1 $0x0;
	s8 =	simm.s32 @!p0 $0x0  }
0xd: {  	s11 =	smov.u32 s2;
	[sflag:s7] =	ssyncpa.u1 $0x0;
	s8 =	sshrl.u32 s8, $0x6  }
0xe: {  	vm0 =	vmmov $0xff;
	vm1 =	vcmask $0x3F20;
	[sflag:s10] =	ssyncpa.u1 $0x0;
	p0 =	por $0x0, $0x0;
	s10 =	sadd.s32 $0x1, s8  }
.LBB2_6:
0xf: {  	[hbm:s17] =	stream.linear.scatter [tilespmem:s14], [sflag:$0x3], $0x400, $0x38;
	[tilespmem:$0x4080] =	vst v63  }
.LBB2_7:
0x10: {  	s13 =	sadd.s32 $0x40, s11  }
0x11: {  	s15 =	smov.u32 s2;
	p2 =	slt.s32 s13, s4  }
0x12: {  	s15 =	smov.u32 @p2 s13;
	p2 =	sne.s32 s12, s10  }
.Ltmp1:
0x13: {  	p1 =	slt.u32 s12, $0x2;
	(pc) =	sbr.rel @!p2 .LBB2_8-.Ltmp1, $4  }
0x14: {  	s14 =	simm.s32 @!p1 $0x3  }
0x15: {  	s16 =	sadd.s32 $0x1, s12;
	_ =	swait.ge @!p1 [sflag:s14], $0x2000  }
0x16: {  	p0 =	por !p0, !p0;
	s13 =	smov.u32 s11;
	[sflag:s14] =	ssyncset.done @!p1 $0x0  }
0x17: {  	s12 =	smov.u32 s16;
	s11 =	smov.u32 s15;
	[sflag:s14] =	ssyncadd.s32 @!p1 $0xFFFFE000  }
.LBB2_1:
0x18: {  	p1 =	sge.u32 s12, s8  }
0x19: {  	s14 =	sxor.u32 @!p1 $0xFFFFFFFF, s12  }
0x1a: {  	s31 =	sadd.s32 $0xFFFFFFFF, s12;
	s15 =	sshrl.u32 @!p1 s11, $0x3;
	s14 =	sshll.u32 @!p1 s14, $0x6  }
0x1b: {  	s16 =	sand.u32 @!p1 $0x7, s11;
	s15 =	sadd.s32 @!p1 s9, s15;
	s14 =	sand.u32 @!p1 $0x40, s14  }
0x1c: {  	[tilespmem:s14], [sflag:$0x2] =	stream.linear.gather @!p1 [hbm4b:s15+s16], $0x40, $0x38;
	[tilespmem:$0x4080] =	vst v63  }
0x1d: {  	p1 =	sge.u32 s31, s8  }
.Ltmp2:
0x1e: {  	_ = 	snop;
	(pc) =	sbr.rel @p1 .LBB2_7-.Ltmp2, $1  }
0x1f: {  	_ =	sdelay $0x3  }
0x20: {  	s14 =	simm.s32 $0x1  }
0x21: {  	_ =	swait.ge [sflag:s7], $0x40;
	s14 =	simm.s32 @!p0 $0x0  }
0x22: {  	[sflag:s7] =	ssyncset.done $0x0;
	s16 =	sshll.u32 s14, $0x6  }
0x23: {  	[sflag:s7] =	ssyncadd.s32 $0xFFFFFFC0;
	s15 =	sadd.s32 $0x0, s16  }
0x24: {  	v0 =	vld.msk [tilespmem:s15+$0x0 ss:$0x1], $0xffff;
	_ =	sdelay $0x4  }
0x25: {  	vm2 =	vgt.s32 v0, $0x0  }
0x26: {  	v0 =	vnsel vm2, $0x0, v0  }
0x27: {  	v0 =	vmin.u32 v0, $0x1869F  }
0x28: {  	v0 =	vshll.u32 v0, $0x4;
	_ =	sdelay $0x2  }
0x29: {  	s14 =	sshll.u32 s14, $0xD  }
0x2a: {  	s14 =	sor.u32 $0x80, s14  }
0x2b: {  	[tilespmem:s14], [sflag:$0x1] =	stream.indirect_vreg.gather [hbm:s5], $0x80, v0, vm0, $0x38;
	[tilespmem:$0x4080] =	vst v63  }
0x2c: {  	s17 =	sadd.s32 $0x10, s16;
	s15 =	sadd.s32 $0x400, s14  }
0x2d: {  	[tilespmem:s15], [sflag:$0x1] =	stream.indirect_vreg.gather [hbm:s5], $0x80, v0, vm1, $0x38;
	[tilespmem:$0x4080] =	vst v63  }
0x2e: {  	s18 =	simm.s32 $0x80;
	v0 =	vld.msk [tilespmem:s17+$0x0 ss:$0x1], $0xffff;
	s17 =	smov.u32 s14  }
.LBB2_3:
0x2f: {  	p1 =	sne.s32 s18, $0xC0;
	_ =	sdelay $0x4  }
0x30: {  	vm2 =	vgt.s32 v0, $0x0  }
0x31: {  	v0 =	vnsel vm2, $0x0, v0  }
0x32: {  	v0 =	vmin.u32 v0, $0x1869F  }
0x33: {  	v0 =	vshll.u32 v0, $0x4;
	_ =	sdelay $0x3  }
.Ltmp3:
0x34: {  	s19 =	sshra.s32 s18, $0x2;
	s17 =	sadd.s32 $0x800, s17;
	(pc) =	sbr.rel @p1 .LBB2_3-.Ltmp3, $4  }
0x35: {  	[tilespmem:s17], [sflag:$0x1] =	stream.indirect_vreg.gather [hbm:s5], $0x80, v0, vm0, $0x38;
	[tilespmem:$0x4080] =	vst v63  }
0x36: {  	s19 =	sadd.s32 s19, s16;
	s20 =	sadd.s32 $0x400, s17  }
0x37: {  	[tilespmem:s20], [sflag:$0x1] =	stream.indirect_vreg.gather [hbm:s5], $0x80, v0, vm1, $0x38;
	[tilespmem:$0x4080] =	vst v63  }
0x38: {  	s18 =	sadd.s32 $0x40, s18;
	v0 =	vld.msk [tilespmem:s19+$0x0 ss:$0x1], $0xffff  }
0x39: {  	_ =	sdelay $0x3  }
0x3a: {  	vm2 =	vgt.s32 v0, $0x0  }
0x3b: {  	v0 =	vnsel vm2, $0x0, v0  }
0x3c: {  	v0 =	vmin.u32 v0, $0x1869F  }
0x3d: {  	v0 =	vshll.u32 v0, $0x4;
	_ =	sdelay $0x3  }
0x3e: {  	s16 =	sadd.s32 $0x800, s17  }
0x3f: {  	[tilespmem:s16], [sflag:$0x1] =	stream.indirect_vreg.gather [hbm:s5], $0x80, v0, vm0, $0x38;
	[tilespmem:$0x4080] =	vst v63  }
0x40: {  	s16 =	sadd.s32 $0x400, s16  }
0x41: {  	[tilespmem:s16], [sflag:$0x1] =	stream.indirect_vreg.gather [hbm:s5], $0x80, v0, vm1, $0x38;
	[tilespmem:$0x4080] =	vst v63  }
0x42: {  	s13 =	sshll.u32 s13, $0x4;
	_ =	swait.ge [sflag:s6], $0x2000  }
0x43: {  	s13 =	sadd.s32 s13, s3;
	[sflag:s6] =	ssyncset.done $0x0  }
0x44: {  	s17 =	sadd.s32 $0x0, s13;
	s16 =	simm.s32 $0x80;
	[sflag:s6] =	ssyncadd.s32 $0xFFFFE000  }
.LBB2_5:
0x45: {  	[hbm:s17] =	stream.linear.scatter [tilespmem:s14], [sflag:$0x3], $0x400, $0x38;
	[tilespmem:$0x4080] =	vst v63  }
0x46: {  	s17 =	smov.u32 s16;
	s14 =	smov.u32 s15;
	p1 =	sne.s32 s16, $0x380  }
.Ltmp4:
0x47: {  	s16 =	sadd.s32 $0x80, s16;
	(pc) =	sbr.rel @p1 .LBB2_5-.Ltmp4, $2  }
0x48: {  	_ =	sdelay $0x2  }
0x49: {  	s15 =	sadd.s32 $0x400, s15;
	s17 =	sadd.s32 s17, s13  }
.Ltmp5:
0x4a: {  	_ = 	snop;
	(pc) =	sbr.rel .LBB2_6-.Ltmp5, $1  }
0x4b: {  	_ =	sdelay $0x3  }
.LBB2_8:
0x4c: {  	_ =	sfence.sel $0x180000  }
0x4d: {  	s2 =	simm.s32 $0x2;
	[bflag:$0x0] =	sbarrier.arrive $0xFFFF  }
0x4e: {  	s30 =	simm.s32 $0x3;
	[sflag:s2] =	ssyncpa.u1 $0x1  }
0x4f: {  	s31 =	simm.s32 $0x1;
	[sflag:s30] =	ssyncpa.u1 $0x1  }
0x50: {  	[sflag:s31] =	ssyncpa.u1 $0x1  }
0x51: {  	p0 =	sne.s32 s0, $0x0;
	_ =	strace $0x90000047  }
0x52: {  	s0 =	sadd.s32 @!p0 $0x100000, s1;
	[bflag:$0x2] =	sbarrier.arrive $0xFFFF  }
0x53: {  	[sflag:s0] =	ssyncadd.tile.s32 @!p0 $0x1;
	_ =	shalt  }
.Lfunc_end2:
_tile_overlayer_lowered:
.L_overlay_start_2:
0x54: {  	(tag) =	ssettag $0x2  }
0x55: {  	s0 =	rddreg [dreg:$0x0];
	s2 =	stileid.u32  }
0x56: {  	s1 =	rddreg [dreg:$0x1];
	p0 =	sne.s32 s2, $0x0  }
0x57: {  	s3 =	rddreg [dreg:$0x2];
	[bflag:$0x3] =	sbarrier.arrive $0xFFFF;
	s2 =	simm.s32 @!p0 $0x1C01  }
0x58: {  	[timem:s3], [sflag:s2] =	dma.local @!p0 [hbm:s0], s1  }
0x59: {  	s0 =	simm.s32 @!p0 $0x1  }
0x5a: {  	_ =	swait.ge @!p0 [sflag:s0], s1  }
0x5b: {  	s1 =	ssub.s32 @!p0 $0x0, s1;
	[sflag:s0] =	ssyncset.done @!p0 $0x0  }
0x5c: {  	[sflag:s0] =	ssyncadd.s32 @!p0 s1  }
0x5d: {  	[bflag:$0x3] =	sbarrier.arrive $0xFFFF  }
0x5e: {  	_ =	shalt  }

// kernel: gather_offload_async_start
scs
__scs_entry_jumppad:
0x0: {  	(pc) =	sbr.rel $0x88, $3  }
0x1: {  	(tag) =	ssettag $0x0;
	lr =	simm.s32 $0x1  }
0x2: {  	[smem:$0x3F8C] =	sst lr;
	_ =	strace $0xD0000000  }
0x3: {  	_ = 	snop  }
0x4: {  	_ = 	snop  }
0x5: {  	_ = 	snop  }
0x6: {  	_ = 	snop  }
0x7: {  	_ = 	snop  }
__scs_overlays_trampoline_lowered:
0x8: {  	[smem:$0x3F9B] =	sst s0  }
0x9: {  	[smem:$0x3F9C] =	sst s1  }
0xa: {  	[smem:$0x3F9D] =	sst s2  }
0xb: {  	[smem:$0x3F9E] =	sst s3  }
0xc: {  	[smem:$0x3F9F] =	sst s4  }
0xd: {  	[smem:$0x3FA0] =	sst s5  }
0xe: {  	[smem:$0x3FA1] =	sst s6  }
0xf: {  	[smem:$0x3FA2] =	sst s7  }
0x10: {  	[smem:$0x3FA3] =	sst s8  }
0x11: {  	[smem:$0x3FA4] =	sst s9;
	s0 =	simm.s32 @!p0 $0x0  }
0x12: {  	s1 =	sld [smem:$0x3F8A];
	s0 =	simm.s32 @p0 $0x1  }
0x13: {  	[smem:$0x3FA5] =	sst s0;
	s0 =	simm.s32 @!p1 $0x0  }
0x14: {  	s2 =	sld [smem:$0x3F89];
	s0 =	simm.s32 @p1 $0x1  }
0x15: {  	[smem:$0x3FA6] =	sst s0;
	s0 =	simm.s32 @!p2 $0x0  }
0x16: {  	s3 =	sld [smem:$0x3FDB];
	s0 =	simm.s32 @p2 $0x1  }
0x17: {  	s4 =	simm.s32 $0x1BF5;
	[smem:$0x3FA8] =	sst s0  }
0x18: {  	s0 =	sld [smem:$0x3F8B];
	_ =	swait.ge [sflag:s4], $0x0  }
0x19: {  	s7 =	sld [smem:$0x3F8C]  }
0x1a: {  	s8 =	sadd.s32 $0xFFFFE003, lr  }
0x1b: {  	s9 =	sadd.s32 $0xFFFFFEF7, lr;
	s5 =	simm.s32 $0xFFFFFFFF;
	p2 =	slt.u32 s8, $0xFFFFF086  }
0x1c: {  	p1 =	slt.u32 s9, $0xF7A;
	s5 =	simm.s32 @!p2 $0x0  }
0x1d: {  	s5 =	simm.s32 @p1 $0x1;
	p0 =	seq.s32 s7, s2  }
0x1e: {  	s7 =	smul.u32 @!p0 $0xF7A, s2;
	p2 =	seq.s32 @!p0 s5, $0x0  }
0x1f: {  	s9 =	smul.u32 $0xF7A, s1;
	s8 =	simm.s32 @!p0 $0x1BF5;
	p2 =	por !p2, p0  }
0x20: {  	[sflag:s8] =	ssyncset.s32 @!p0 $0xFFFFF086;
	s6 =	sadd.s32 @!p0 s3, s7;
	s7 =	simm.s32 @!p0 $0x108  }
0x21: {  	s3 =	sadd.s32 s3, s9;
	s6 =	sadd.s32 @!p0 $0x88, s6;
	s7 =	simm.s32 @p2 $0x1082  }
0x22: {  	[simem:s7], [sflag:s8] =	dma.local @!p0 [hbm:s6], $0xF7A  }
0x23: {  	s9 =	sor.u32 $0xD0000000, s2;
	s6 =	simm.s32 $0x108;
	_ =	swait.ge @!p0 [sflag:s8], $0x0  }
0x24: {  	s3 =	sadd.s32 $0x88, s3;
	s6 =	simm.s32 @!p1 $0x1082;
	[sflag:s4] =	ssyncset.s32 $0xFFFFF086  }
0x25: {  	[simem:s6], [sflag:s4] =	dma.local [hbm:s3], $0xF7A  }
0x26: {  	[smem:$0x3F8C] =	sst s1;
	(tag) =	ssettag s2;
	_ =	strace s9  }
0x27: {  	s1 =	sld [smem:$0x3F9C]  }
0x28: {  	s2 =	sld [smem:$0x3F9D]  }
0x29: {  	s4 =	sld [smem:$0x3F9F]  }
0x2a: {  	p0 =	seq.s32 s5, $0x0;
	s5 =	sld [smem:$0x3FA0]  }
0x2b: {  	s6 =	sld [smem:$0x3FA1]  }
0x2c: {  	s7 =	sld [smem:$0x3FA2]  }
0x2d: {  	s3 =	simm.s32 $0x108;
	s8 =	sld [smem:$0x3FA3]  }
0x2e: {  	s3 =	simm.s32 @!p0 $0x1082;
	s9 =	sld [smem:$0x3FA4]  }
0x2f: {  	lr =	sadd.s32 s0, s3;
	s0 =	sld [smem:$0x3F9B]  }
0x30: {  	s3 =	sld [smem:$0x3F9E]  }
0x31: {  	[smem:$0x3FA7] =	sst s10  }
0x32: {  	s10 =	sld [smem:$0x3FA5];
	_ =	sdelay $0x3  }
0x33: {  	p0 =	seq.s32 s10, $0x1;
	s10 =	sld [smem:$0x3FA7];
	_ =	sdelay $0x3  }
0x34: {  	[smem:$0x3FA7] =	sst s10  }
0x35: {  	s10 =	sld [smem:$0x3FA6];
	_ =	sdelay $0x3  }
0x36: {  	p1 =	seq.s32 s10, $0x1;
	s10 =	sld [smem:$0x3FA7];
	_ =	sdelay $0x3  }
0x37: {  	[smem:$0x3FA7] =	sst s10  }
0x38: {  	s10 =	sld [smem:$0x3FA8]  }
0x39: {  	_ = 	snop;
	(pc) =	sbr.ind lr, $3  }
0x3a: {  	_ = 	snop  }
0x3b: {  	_ = 	snop  }
0x3c: {  	p2 =	seq.s32 s10, $0x1;
	s10 =	sld [smem:$0x3FA7]  }
0x3d: {  	_ =	shalt  }
0x3e: {  	_ =	shalt  }
0x3f: {  	_ =	shalt  }
0x40: {  	_ =	shalt  }
0x41: {  	_ =	shalt  }
0x42: {  	_ =	shalt  }
0x43: {  	_ =	shalt  }
0x44: {  	_ =	shalt  }
0x45: {  	_ =	shalt  }
0x46: {  	_ =	shalt  }
0x47: {  	_ =	shalt  }
0x48: {  	_ =	shalt  }
0x49: {  	_ =	shalt  }
0x4a: {  	_ =	shalt  }
0x4b: {  	_ =	shalt  }
0x4c: {  	_ =	shalt  }
0x4d: {  	_ =	shalt  }
0x4e: {  	_ =	shalt  }
0x4f: {  	_ =	shalt  }
0x50: {  	_ =	shalt  }
0x51: {  	_ =	shalt  }
0x52: {  	_ =	shalt  }
0x53: {  	_ =	shalt  }
0x54: {  	_ =	shalt  }
0x55: {  	_ =	shalt  }
0x56: {  	_ =	shalt  }
0x57: {  	_ =	shalt  }
0x58: {  	_ =	shalt  }
0x59: {  	_ =	shalt  }
0x5a: {  	_ =	shalt  }
0x5b: {  	_ =	shalt  }
0x5c: {  	_ =	shalt  }
0x5d: {  	_ =	shalt  }
0x5e: {  	_ =	shalt  }
0x5f: {  	_ =	shalt  }
0x60: {  	_ =	shalt  }
0x61: {  	_ =	shalt  }
0x62: {  	_ =	shalt  }
0x63: {  	_ =	shalt  }
0x64: {  	_ =	shalt  }
0x65: {  	_ =	shalt  }
0x66: {  	_ =	shalt  }
0x67: {  	_ =	shalt  }
0x68: {  	_ =	shalt  }
0x69: {  	_ =	shalt  }
0x6a: {  	_ =	shalt  }
0x6b: {  	_ =	shalt  }
0x6c: {  	_ =	shalt  }
0x6d: {  	_ =	shalt  }
0x6e: {  	_ =	shalt  }
0x6f: {  	_ =	shalt  }
0x70: {  	_ =	shalt  }
0x71: {  	_ =	shalt  }
0x72: {  	_ =	shalt  }
0x73: {  	_ =	shalt  }
0x74: {  	_ =	shalt  }
0x75: {  	_ =	shalt  }
0x76: {  	_ =	shalt  }
0x77: {  	_ =	shalt  }
0x78: {  	_ =	shalt  }
0x79: {  	_ =	shalt  }
0x7a: {  	_ =	shalt  }
0x7b: {  	_ =	shalt  }
0x7c: {  	_ =	shalt  }
0x7d: {  	_ =	shalt  }
0x7e: {  	_ =	shalt  }
0x7f: {  	_ =	shalt  }
0x80: {  	_ =	shalt  }
0x81: {  	_ =	shalt  }
0x82: {  	_ =	shalt  }
0x83: {  	_ =	shalt  }
0x84: {  	_ =	shalt  }
0x85: {  	_ =	shalt  }
0x86: {  	_ =	shalt  }
0x87: {  	_ =	shalt  }
.Lfunc_end0:
.L_simem_size_0:
called_computation_lowered:
.L_overlay_start_0:
0x88: {  	s2 =	sld [smem:$0x3FD9]  }
0x89: {  	s3 =	sld [smem:$0x3FFE];
	_ =	sdelay $0x1  }
0x8a: {  	s1 =	srdreg.scid  }
0x8b: {  	s0 =	sand.u32 $0x1, s1  }
0x8c: {  	s17 =	sshll.u32 s0, $0xA;
	s2 =	sadd.s32 s3, s2  }
0x8d: {  	s2 =	sadd.s32 s2, s17  }
0x8e: {  	[smem:$0x3FB3] =	sst s2  }
0x8f: {  	_ = 	snop  }
0x90: {  	s2 =	sld [smem:$0x3FD0];
	(tm) =	ssettm $0x1  }
0x91: {  	s18 =	sld [smem:$0x3FFB];
	_ =	sdelay $0x3  }
0x92: {  	_ =	strace s18  }
0x93: {  	s3 =	sld [smem:$0x3FFC];
	_ =	sdelay $0x3  }
0x94: {  	_ =	strace s3  }
0x95: {  	s3 =	sld [smem:$0x3FFD];
	_ =	sdelay $0x3  }
0x96: {  	_ =	strace s3  }
0x97: {  	_ =	strace $0x8FFFFFFF  }
0x98: {  	s19 =	sld [smem:$0x3FDB];
	_ =	sdelay $0x1  }
0x99: {  	s4 =	simm.s32 $_scs_section_size  }
0x9a: {  	s5 =	simm.s32 $_size__tile_overlayer_lowered;
	s6 =	simm.s32 $_tile_overlayer_lowered  }
0x9b: {  	s22 =	simm.s32 $0x1BFF;
	s21 =	sshll.u32 s6, $0x1;
	s3 =	sadd.s32 s4, s19  }
0x9c: {  	s7 =	simm.s32 $0x0;
	s20 =	sshll.u32 s5, $0x1;
	s5 =	sadd.s32 s21, s3  }
0x9d: {  	[timem:s7], [sflag:s22] =	dma.local [hbm:s5], s20  }
0x9e: {  	_ =	swait.ge [sflag:s22], s20  }
0x9f: {  	s4 =	ssub.s32 $0x0, s20;
	[sflag:s22] =	ssyncset.done $0x0  }
0xa0: {  	[sflag:s22] =	ssyncadd.s32 s4;
	_ =	sdelay $0x1  }
0xa1: {  	s23 =	simm.s32 $0x1B8B  }
0xa2: {  	_ =	swait.ge [sflag:s23], $0x1  }
0xa3: {  	[sflag:s23] =	ssyncset.done $0x0  }
0xa4: {  	s25 =	simm.s32 $0x1B8E;
	s24 =	sld [smem:$0x3FFE];
	[sflag:s23] =	ssyncadd.s32 $0xFFFFFFFF  }
0xa5: {  	s26 =	simm.s32 $execute0_lowered;
	[smem:$0x3FD2] =	sst s25  }
0xa6: {  	s5 =	sshll.u32 s26, $0x1;
	_ =	strace $0x80000049;
	[dreg:$0x1] =	wrdreg $0xFFFFFFFF  }
0xa7: {  	s28 =	simm.s32 $_size_execute0_lowered;
	s3 =	sadd.s32 s3, s5;
	[dreg:$0x0] =	wrdreg $0x0  }
0xa8: {  	s5 =	sshll.u32 s28, $0x1;
	[dreg:$0x2] =	wrdreg s3  }
0xa9: {  	[dreg:$0x3] =	wrdreg s5  }
0xaa: {  	[dreg:$0x4] =	wrdreg $0xC0  }
0xab: {  	_ =	task [dreg:s7], $0x5FFFF  }
0xac: {  	[dreg:$0x1] =	wrdreg $0xFFFFFFFF  }
0xad: {  	[dreg:$0x0] =	wrdreg $0x60  }
0xae: {  	[dreg:$0x2] =	wrdreg s24  }
0xaf: {  	[dreg:$0x3] =	wrdreg s2  }
0xb0: {  	[dreg:$0x4] =	wrdreg $0x9  }
0xb1: {  	_ =	task.clear_ibuf [dreg:s7], $0x5FFFF;
	_ =	strace $0x90000049  }
0xb2: {  	s29 =	simm.s32 $0x9;
	_ =	strace $0x8000004B  }
0xb3: {  	_ =	swait.ge [sflag:s29], $0x1  }
0xb4: {  	[sflag:s29] =	ssyncadd.s32 $0xFFFFFFFF  }
0xb5: {  	_ =	strace $0x9000004B  }
0xb6: {  	_ =	sfence  }
0xb7: {  	s30 =	sld [smem:$0x0];
	_ =	sdelay $0x2  }
0xb8: {  	s31 =	sshll.u32 s1, $0xD;
	s1 =	sshrl.u32 s1, $0x2  }
0xb9: {  	s3 =	sand.u32 $0x4000, s31;
	s1 =	sadd.s32 s1, s30  }
0xba: {  	s0 =	sor.u32 s3, s0;
	s1 =	sshll.u32 s1, $0x11  }
0xbb: {  	s0 =	sor.u32 s1, s0  }
0xbc: {  	s0 =	sadd.s32 $0x8F2B, s0  }
0xbd: {  	[sflag:s0] =	ssyncadd.remote.s32 $0x1  }
0xbe: {  	_ =	sfence.sel $0xFFFF  }
0xbf: {  	[dreg:$0x0] =	wrdreg $0xFFFFFFFF;
	(pc) =	sbr.abs _section_cstart, $3  }
0xc0: {  	[dreg:$0x1] =	wrdreg $0xFFFFFFFF  }
0xc1: {  	_ =	task.clear_ibuf [dreg:s7], $0x2FFFF;
	_ =	strace $0x9FFFFFFF  }
0xc2: {  	(tm) =	ssettm $0x7FFFFFFF  }
0xc3: {  	_ =	shalt  }
tec
execute0_lowered:
.L_overlay_start_1:
0x0: {  	(tag) =	ssettag $0x1  }
0x1: {  	s0 =	srdreg.scid  }
0x2: {  	s1 =	sshll.u32 s0, $0x4  }
0x3: {  	s0 =	stileid.u32;
	s1 =	sand.u32 $0x10, s1  }
0x4: {  	s2 =	sor.u32 s0, s1  }
0x5: {  	s1 =	smin.u32 s2, $0x8  }
0x6: {  	s1 =	sadd.s32 s2, s1  }
0x7: {  	p0 =	slt.u32 s2, $0x8;
	s2 =	simm.s32 $0x140;
	s1 =	smul.u32 $0xA0, s1  }
0x8: {  	s2 =	simm.s32 @!p0 $0xA0  }
0x9: {  	s2 =	sadd.s32 s2, s1  }
0xa: {  	s3 =	smin.u32 s2, $0x1900  }
0xb: {  	s7 =	ssub.s32 s3, s1  }
0xc: {  	p0 =	sgt.s32 s7, $0x0  }
0xd: {  	s7 =	simm.s32 @!p0 $0x0  }
0xe: {  	s9 =	rddreg [dreg:$0x0];
	s31 =	smul.u32 $0xCCCD, s7  }
0xf: {  	s4 =	rddreg [dreg:$0x1];
	s6 =	simm.s32 $0x1  }
0x10: {  	s11 =	simm.s32 $0x3;
	s13 =	simm.s32 $0x0;
	s8 =	sshrl.u32 s31, $0x17  }
0x11: {  	s12 =	simm.s32 $0x0;
	s5 =	sadd.s32 $0xE00, s9;
	s10 =	smul.u32 $0xA0, s8  }
.Ltmp0:
0x12: {  	s9 =	sadd.s32 $0x30E400, s9;
	s2 =	rddreg [dreg:$0x2];
	(pc) =	sbr.rel .LBB2_1-.Ltmp0, $4  }
0x13: {  	_ =	strace $0x8000004A;
	p0 =	sne.s32 s7, s10;
	s10 =	simm.s32 $0x1  }
0x14: {  	[sflag:s6] =	ssyncpa.u1 $0x0;
	s7 =	simm.s32 $0x2;
	s10 =	simm.s32 @!p0 $0x0  }
0x15: {  	[sflag:s7] =	ssyncpa.u1 $0x0;
	p0 =	por $0x0, $0x0;
	s8 =	sadd.s32 s8, s10  }
0x16: {  	vm0 =	vmmov $0xff;
	vm1 =	vcmask $0x3F20;
	[sflag:s11] =	ssyncpa.u1 $0x0;
	s11 =	smov.u32 s1;
	s10 =	sadd.s32 $0x1, s8  }
.LBB2_6:
0x17: {  	[hbm:s17] =	stream.linear.scatter [tilespmem:s14], [sflag:$0x3], $0x400, $0x38;
	[tilespmem:$0xA140] =	vst v63  }
.LBB2_7:
0x18: {  	s13 =	sadd.s32 $0xA0, s11  }
0x19: {  	s15 =	smov.u32 s1;
	p2 =	slt.s32 s13, s3  }
0x1a: {  	s15 =	smov.u32 @p2 s13;
	p2 =	sne.s32 s12, s10  }
.Ltmp1:
0x1b: {  	p1 =	slt.u32 s12, $0x2;
	(pc) =	sbr.rel @!p2 .LBB2_8-.Ltmp1, $4  }
0x1c: {  	s14 =	simm.s32 @!p1 $0x3  }
0x1d: {  	s16 =	sadd.s32 $0x1, s12;
	_ =	swait.ge @!p1 [sflag:s14], $0x5000  }
0x1e: {  	p0 =	por !p0, !p0;
	s13 =	smov.u32 s11;
	[sflag:s14] =	ssyncset.done @!p1 $0x0  }
0x1f: {  	s12 =	smov.u32 s16;
	s11 =	smov.u32 s15;
	[sflag:s14] =	ssyncadd.s32 @!p1 $0xFFFFB000  }
.LBB2_1:
0x20: {  	p1 =	sge.u32 s12, s8  }
0x21: {  	s14 =	sxor.u32 @!p1 $0xFFFFFFFF, s12  }
0x22: {  	s14 =	sand.u32 @!p1 $0x1, s14  }
0x23: {  	s14 =	smul.u32 @!p1 $0x280, s14  }
0x24: {  	s31 =	sadd.s32 $0xFFFFFFFF, s12;
	s15 =	sshrl.u32 @!p1 s11, $0x3  }
0x25: {  	s16 =	sand.u32 @!p1 $0x7, s11;
	s15 =	sadd.s32 @!p1 s9, s15;
	s14 =	sshrl.u32 @!p1 s14, $0x2  }
0x26: {  	[tilespmem:s14], [sflag:$0x2] =	stream.linear.gather @!p1 [hbm4b:s15+s16], $0xA0, $0x38;
	[tilespmem:$0xA140] =	vst v63  }
0x27: {  	p1 =	sge.u32 s31, s8  }
.Ltmp2:
0x28: {  	_ = 	snop;
	(pc) =	sbr.rel @p1 .LBB2_7-.Ltmp2, $1  }
0x29: {  	_ =	sdelay $0x3  }
0x2a: {  	s14 =	simm.s32 $0x1  }
0x2b: {  	s14 =	simm.s32 @!p0 $0x0  }
0x2c: {  	s15 =	smul.u32 $0x280, s14  }
0x2d: {  	_ =	swait.ge [sflag:s7], $0xA0  }
0x2e: {  	[sflag:s7] =	ssyncset.done $0x0;
	s16 =	sshrl.u32 s15, $0x2  }
0x2f: {  	[sflag:s7] =	ssyncadd.s32 $0xFFFFFF60;
	s15 =	sadd.s32 $0x0, s16  }
0x30: {  	v0 =	vld.msk [tilespmem:s15+$0x0 ss:$0x1], $0xffff;
	_ =	sdelay $0x4  }
0x31: {  	vm2 =	vgt.s32 v0, $0x0  }
0x32: {  	v0 =	vnsel vm2, $0x0, v0  }
0x33: {  	v0 =	vmin.u32 v0, $0x1869F  }
0x34: {  	v0 =	vshll.u32 v0, $0x4  }
0x35: {  	s14 =	smul.u32 $0x14000, s14;
	_ =	sdelay $0x1  }
0x36: {  	s14 =	sshrl.u32 s14, $0x2  }
0x37: {  	s14 =	sor.u32 $0x140, s14  }
0x38: {  	[tilespmem:s14], [sflag:$0x1] =	stream.indirect_vreg.gather [hbm:s5], $0x80, v0, vm0, $0x38;
	[tilespmem:$0xA140] =	vst v63  }
0x39: {  	s17 =	sadd.s32 $0x10, s16;
	s15 =	sadd.s32 $0x400, s14  }
0x3a: {  	[tilespmem:s15], [sflag:$0x1] =	stream.indirect_vreg.gather [hbm:s5], $0x80, v0, vm1, $0x38;
	[tilespmem:$0xA140] =	vst v63  }
0x3b: {  	s18 =	simm.s32 $0x80;
	v0 =	vld.msk [tilespmem:s17+$0x0 ss:$0x1], $0xffff;
	s17 =	smov.u32 s14  }
.LBB2_3:
0x3c: {  	p1 =	sne.s32 s18, $0x240;
	_ =	sdelay $0x4  }
0x3d: {  	vm2 =	vgt.s32 v0, $0x0  }
0x3e: {  	v0 =	vnsel vm2, $0x0, v0  }
0x3f: {  	v0 =	vmin.u32 v0, $0x1869F  }
0x40: {  	v0 =	vshll.u32 v0, $0x4;
	_ =	sdelay $0x3  }
.Ltmp3:
0x41: {  	s19 =	sshra.s32 s18, $0x2;
	s17 =	sadd.s32 $0x800, s17;
	(pc) =	sbr.rel @p1 .LBB2_3-.Ltmp3, $4  }
0x42: {  	[tilespmem:s17], [sflag:$0x1] =	stream.indirect_vreg.gather [hbm:s5], $0x80, v0, vm0, $0x38;
	[tilespmem:$0xA140] =	vst v63  }
0x43: {  	s19 =	sadd.s32 s19, s16;
	s20 =	sadd.s32 $0x400, s17  }
0x44: {  	[tilespmem:s20], [sflag:$0x1] =	stream.indirect_vreg.gather [hbm:s5], $0x80, v0, vm1, $0x38;
	[tilespmem:$0xA140] =	vst v63  }
0x45: {  	s18 =	sadd.s32 $0x40, s18;
	v0 =	vld.msk [tilespmem:s19+$0x0 ss:$0x1], $0xffff  }
0x46: {  	_ =	sdelay $0x3  }
0x47: {  	vm2 =	vgt.s32 v0, $0x0  }
0x48: {  	v0 =	vnsel vm2, $0x0, v0  }
0x49: {  	v0 =	vmin.u32 v0, $0x1869F  }
0x4a: {  	v0 =	vshll.u32 v0, $0x4;
	_ =	sdelay $0x3  }
0x4b: {  	s16 =	sadd.s32 $0x800, s17  }
0x4c: {  	[tilespmem:s16], [sflag:$0x1] =	stream.indirect_vreg.gather [hbm:s5], $0x80, v0, vm0, $0x38;
	[tilespmem:$0xA140] =	vst v63  }
0x4d: {  	s16 =	sadd.s32 $0x400, s16  }
0x4e: {  	[tilespmem:s16], [sflag:$0x1] =	stream.indirect_vreg.gather [hbm:s5], $0x80, v0, vm1, $0x38;
	[tilespmem:$0xA140] =	vst v63  }
0x4f: {  	s13 =	sshll.u32 s13, $0x4;
	_ =	swait.ge [sflag:s6], $0x5000  }
0x50: {  	s13 =	sadd.s32 s13, s4;
	[sflag:s6] =	ssyncset.done $0x0  }
0x51: {  	s17 =	sadd.s32 $0x0, s13;
	s16 =	simm.s32 $0x80;
	[sflag:s6] =	ssyncadd.s32 $0xFFFFB000  }
.LBB2_5:
0x52: {  	[hbm:s17] =	stream.linear.scatter [tilespmem:s14], [sflag:$0x3], $0x400, $0x38;
	[tilespmem:$0xA140] =	vst v63  }
0x53: {  	s17 =	smov.u32 s16;
	s14 =	smov.u32 s15;
	p1 =	sne.s32 s16, $0x980  }
.Ltmp4:
0x54: {  	s16 =	sadd.s32 $0x80, s16;
	(pc) =	sbr.rel @p1 .LBB2_5-.Ltmp4, $2  }
0x55: {  	_ =	sdelay $0x2  }
0x56: {  	s15 =	sadd.s32 $0x400, s15;
	s17 =	sadd.s32 s17, s13  }
.Ltmp5:
0x57: {  	_ = 	snop;
	(pc) =	sbr.rel .LBB2_6-.Ltmp5, $1  }
0x58: {  	_ =	sdelay $0x3  }
.LBB2_8:
0x59: {  	_ =	sfence.sel $0x180000  }
0x5a: {  	s1 =	simm.s32 $0x2;
	[bflag:$0x0] =	sbarrier.arrive $0xFFFF  }
0x5b: {  	s30 =	simm.s32 $0x3;
	[sflag:s1] =	ssyncpa.u1 $0x1  }
0x5c: {  	s31 =	simm.s32 $0x1;
	[sflag:s30] =	ssyncpa.u1 $0x1  }
0x5d: {  	[sflag:s31] =	ssyncpa.u1 $0x1  }
0x5e: {  	p0 =	sne.s32 s0, $0x0;
	_ =	strace $0x9000004A  }
0x5f: {  	s0 =	sadd.s32 @!p0 $0x100000, s2;
	[bflag:$0x2] =	sbarrier.arrive $0xFFFF  }
0x60: {  	[sflag:s0] =	ssyncadd.tile.s32 @!p0 $0x1;
	_ =	shalt  }
.Lfunc_end2:
_tile_overlayer_lowered:
.L_overlay_start_2:
0x61: {  	(tag) =	ssettag $0x2  }
0x62: {  	s0 =	rddreg [dreg:$0x0];
	s2 =	stileid.u32  }
0x63: {  	s1 =	rddreg [dreg:$0x1];
	p0 =	sne.s32 s2, $0x0  }
0x64: {  	s3 =	rddreg [dreg:$0x2];
	[bflag:$0x3] =	sbarrier.arrive $0xFFFF;
	s2 =	simm.s32 @!p0 $0x1C01  }
0x65: {  	[timem:s3], [sflag:s2] =	dma.local @!p0 [hbm:s0], s1  }
0x66: {  	s0 =	simm.s32 @!p0 $0x1  }
0x67: {  	_ =	swait.ge @!p0 [sflag:s0], s1  }
0x68: {  	s1 =	ssub.s32 @!p0 $0x0, s1;
	[sflag:s0] =	ssyncset.done @!p0 $0x0  }
0x69: {  	[sflag:s0] =	ssyncadd.s32 @!p0 s1  }
0x6a: {  	[bflag:$0x3] =	sbarrier.arrive $0xFFFF  }
0x6b: {  	_ =	shalt  }

</sc_bundles>
